<compile_context>
chip_gen: v7x
topology: tpu7x:2x2x1
jax: 0.10.2.dev20260603
libtpu: 0.0.44.dev20260713+nightly
codegen_flags: <defaults>
</compile_context>

<pallas_src>
import functools

import jax
import jax.numpy as jnp
from jax import lax
from jax.experimental import pallas as pl
from jax.experimental.pallas import tpu as pltpu
from jax.experimental.pallas import tpu_sc as plsc

K = 8
EPS = 1e-8
S = 12500
Q = 50000
D = 256

S_PAD = 12512
NW = 32
PER_TILE = 1568
QP = PER_TILE * NW
PAIRS = PER_TILE // 2
HALF = PAIRS // 2
OB_ROWS = 32


def _tile_body(sfeats_hbm, idx_hbm, qpt_hbm, spt_hbm, out_hbm,
               sp_v, q_v, idx_v, rows0, rows1, ob,
               sem_g0, sem_g1, sem_o):
    nc = 2
    wid = lax.axis_index("s") * nc + lax.axis_index("c")
    qbase = wid * PER_TILE

    pltpu.sync_copy(spt_hbm, sp_v)
    pltpu.sync_copy(qpt_hbm.at[pl.ds(qbase, PER_TILE), :], q_v)
    pltpu.sync_copy(idx_hbm.at[pl.ds(qbase * K, PER_TILE * K)], idx_v)

    iota = lax.iota(jnp.int32, 16)
    row0 = jnp.zeros((16,), jnp.int32)
    row1 = jnp.full((16,), 1, jnp.int32)
    row2 = jnp.full((16,), 2, jnp.int32)

    def idx_vec(g):
        return idx_v[pl.ds(g * 16, 16)]

    def gather_desc(g, rows_ref, sem):
        return pltpu.make_async_copy(sfeats_hbm.at[idx_vec(g)], rows_ref, sem)

    def out_desc(blk):
        return pltpu.make_async_copy(
            ob, out_hbm.at[pl.ds(qbase + blk * OB_ROWS, OB_ROWS), :], sem_o)

    def compute_pair(g, rows, rb):
        lq = g * 2
        idxv = idx_vec(g)
        px = plsc.load_gather(sp_v, [row0, idxv])
        py = plsc.load_gather(sp_v, [row1, idxv])
        pz = plsc.load_gather(sp_v, [row2, idxv])
        qsel = jnp.where(iota >= 8, lq + 1, lq).astype(jnp.int32)
        qx = plsc.load_gather(q_v, [qsel, row0])
        qy = plsc.load_gather(q_v, [qsel, row1])
        qz = plsc.load_gather(q_v, [qsel, row2])
        dx = qx - px
        dy = qy - py
        dz = qz - pz
        d2 = dx * dx + dy * dy + dz * dz
        m = jnp.where(idxv != S, 1.0, 0.0).astype(jnp.float32)
        w = m / (d2 + EPS)
        sa = jnp.sum(jnp.where(iota < 8, w, 0.0))
        st = jnp.sum(w)
        tot = jnp.where(iota < 8, sa, st - sa)
        wn = w / (tot + EPS)
        wb = [jnp.sum(jnp.where(iota == k, wn, 0.0)) for k in range(16)]
        for ch in range(D // 16):
            sl = pl.ds(ch * 16, 16)
            a0 = rows[0, sl] * wb[0]
            a1 = rows[8, sl] * wb[8]
            for k in range(1, 8):
                a0 = a0 + rows[k, sl] * wb[k]
                a1 = a1 + rows[8 + k, sl] * wb[8 + k]
            ob[rb, sl] = a0
            ob[rb + 1, sl] = a1

    gather_desc(0, rows0, sem_g0).start()
    gather_desc(1, rows1, sem_g1).start()

    def body(j, carry):
        g0 = j * 2
        g1 = g0 + 1
        g0n = jnp.minimum(g0 + 2, PAIRS - 1)
        g1n = jnp.minimum(g1 + 2, PAIRS - 1)
        rb = (j % 8) * 4

        @pl.when(jnp.logical_and(j % 8 == 0, j >= 8))
        def _():
            out_desc(j // 8 - 1).wait()

        gather_desc(g0, rows0, sem_g0).wait()
        compute_pair(g0, rows0, rb)
        gather_desc(g0n, rows0, sem_g0).start()

        gather_desc(g1, rows1, sem_g1).wait()
        compute_pair(g1, rows1, rb + 2)
        gather_desc(g1n, rows1, sem_g1).start()

        @pl.when(j % 8 == 7)
        def _():
            out_desc(j // 8).start()

        return carry

    lax.fori_loop(0, HALF, body, 0)

    gather_desc(PAIRS - 1, rows0, sem_g0).wait()
    gather_desc(PAIRS - 1, rows1, sem_g1).wait()
    out_desc(HALF // 8 - 1).wait()


def kernel(s_feats, q_points, s_points, neighbor_indices):
    s_feats = s_feats.astype(jnp.float32)
    q_points = q_points.astype(jnp.float32)
    s_points = s_points.astype(jnp.float32)
    idx = neighbor_indices.astype(jnp.int32)

    sfeats_p = jnp.zeros((S_PAD, D), jnp.float32).at[:S].set(s_feats)
    spt = jnp.zeros((3, S_PAD), jnp.float32).at[:, :S].set(s_points.T)
    qpt = jnp.zeros((QP, 3), jnp.float32).at[:Q].set(q_points)
    idx_p = jnp.full((QP, K), S, jnp.int32).at[:Q].set(idx[:, :K])
    idx_flat = idx_p.reshape(QP * K)

    mesh = plsc.VectorSubcoreMesh(core_axis_name="c", subcore_axis_name="s")
    run = pl.kernel(
        _tile_body,
        mesh=mesh,
        compiler_params=pltpu.CompilerParams(
            use_tc_tiling_on_sc=False, needs_layout_passes=False),
        out_type=jax.ShapeDtypeStruct((QP, D), jnp.float32),
        scratch_types=[
            pltpu.VMEM((3, S_PAD), jnp.float32),
            pltpu.VMEM((PER_TILE, 3), jnp.float32),
            pltpu.VMEM((PER_TILE * K,), jnp.int32),
            pltpu.VMEM((16, D), jnp.float32),
            pltpu.VMEM((16, D), jnp.float32),
            pltpu.VMEM((OB_ROWS, D), jnp.float32),
            pltpu.SemaphoreType.DMA,
            pltpu.SemaphoreType.DMA,
            pltpu.SemaphoreType.DMA,
        ],
    )
    out = run(sfeats_p, idx_flat, qpt, spt)
    return out[:Q]

# --- scband reference (transcript-rebuilt; emitter-appended) ---
"""Pipeline reference for scband-knninterpolate-68126771249155 (READ-ONLY COPY).

The authoritative reference and input builder live on the scoring server;
editing this copy changes nothing except your own understanding.
"""

import jax, jax.numpy as jnp
import numpy as np

K = 8
EPS = 1e-08
S = 12500
Q = 50000
D = 256

def setup_inputs(seed: int = 0) -> dict:
    key = jax.random.key(seed)
    k1, k2, k3, k4 = jax.random.split(key, 4)
    s_feats = jax.random.normal(k1, (S, D), dtype=jnp.float32)
    q_points = jax.random.normal(k2, (Q, 3), dtype=jnp.float32)
    s_points = jax.random.normal(k3, (S, 3), dtype=jnp.float32)
    neighbor_indices = jax.random.randint(k4, (Q, K), 0, S + 1, dtype=jnp.int64)
    return {"s_feats": s_feats, "q_points": q_points, "s_points": s_points, "neighbor_indices": neighbor_indices}

def reference(s_feats, q_points, s_points, neighbor_indices):
    # pad with sentinel row of zeros (index S)
    s_points_p = jnp.concatenate((s_points, jnp.zeros_like(s_points[:1, :])), axis=0)
    s_feats_p = jnp.concatenate((s_feats, jnp.zeros_like(s_feats[:1, :])), axis=0)
    knn_indices = neighbor_indices[:, :K]                      # [Q, K]
    knn_points = jnp.take(s_points_p, knn_indices, axis=0)     # [Q, K, 3]
    knn_feats = jnp.take(s_feats_p, knn_indices, axis=0)       # [Q, K, D]
    knn_sq_distances = jnp.sum((q_points[:, None, :] - knn_points) ** 2, axis=-1)  # [Q, K]
    knn_masks = (knn_indices != (s_points_p.shape[0] - 1)).astype(jnp.float32)
    knn_weights = knn_masks / (knn_sq_distances + EPS)
    knn_weights = knn_weights / (jnp.sum(knn_weights, axis=1, keepdims=True) + EPS)
    q_feats = jnp.sum(knn_feats * knn_weights[:, :, None], axis=1)  # [Q, D]
    return q_feats

if __name__ == "__main__":
    import jax
    _d = setup_inputs()
    print(jax.jit(kernel)(*tuple(_d.values())))

</pallas_src>

<mosaic_0001>
#map = affine_map<(d0, d1) -> (0, 0)>
#map1 = affine_map<(d0, d1) -> (0)>
module attributes {stable_mosaic.version = 14 : i64} {
  func.func @_tile_body(%arg0: i32, %arg1: i32, %arg2: memref<12512x256xf32, #tpu.memory_space<hbm>>, %arg3: memref<401408xi32, #tpu.memory_space<hbm>>, %arg4: memref<50176x3xf32, #tpu.memory_space<hbm>>, %arg5: memref<3x12512xf32, #tpu.memory_space<hbm>>, %arg6: memref<50176x256xf32, #tpu.memory_space<hbm>>, %arg7: memref<3x12512xf32, #tpu.memory_space<vmem>>, %arg8: memref<1568x3xf32, #tpu.memory_space<vmem>>, %arg9: memref<12544xi32, #tpu.memory_space<vmem>>, %arg10: memref<16x256xf32, #tpu.memory_space<vmem>>, %arg11: memref<16x256xf32, #tpu.memory_space<vmem>>, %arg12: memref<32x256xf32, #tpu.memory_space<vmem>>, %arg13: memref<!tpu.dma_semaphore, #tpu.memory_space<semaphore_mem>>, %arg14: memref<!tpu.dma_semaphore, #tpu.memory_space<semaphore_mem>>, %arg15: memref<!tpu.dma_semaphore, #tpu.memory_space<semaphore_mem>>) attributes {dimension_semantics = [#tpu.dimension_semantics<core_parallel>, #tpu.dimension_semantics<subcore_parallel>], iteration_bounds = array<i64: 2, 16>, scalar_prefetch = 0 : i64, scratch_operands = 9 : i64, tpu.core_type = #tpu.core_type<sc_vector_subcore>, window_params = [{transform_indices = #map}, {transform_indices = #map1}, {transform_indices = #map}, {transform_indices = #map}, {transform_indices = #map}]} {
    %mul3A = arith.constant 2 : i32
    %mul3A_0 = arith.muli %arg1, %mul3A : i32
    %add3A = arith.addi %mul3A_0, %arg0 : i32
    %mul3A_1 = arith.constant 1568 : i32
    %mul3A_2 = arith.muli %add3A, %mul3A_1 : i32
    "tpu.region"() ({
      %run_scoped3A = tpu.sem_alloc : memref<!tpu.dma_semaphore, #tpu.memory_space<semaphore_mem>>
      tpu.enqueue_dma source(%arg5 : memref<3x12512xf32, #tpu.memory_space<hbm>>) target(%arg7 : memref<3x12512xf32, #tpu.memory_space<vmem>>) target_semaphore(%run_scoped3A : memref<!tpu.dma_semaphore, #tpu.memory_space<semaphore_mem>>)
      tpu.wait_dma2 semaphore(%run_scoped3A : memref<!tpu.dma_semaphore, #tpu.memory_space<semaphore_mem>>) src(%arg5 : memref<3x12512xf32, #tpu.memory_space<hbm>>) dst(%arg7 : memref<3x12512xf32, #tpu.memory_space<vmem>>)
      tpu.yield
    }) : () -> ()
    "tpu.region"() ({
      %run_scoped3A = tpu.sem_alloc : memref<!tpu.dma_semaphore, #tpu.memory_space<semaphore_mem>>
      %dma_start3A_38 = arith.constant 0 : i32
      %dma_start3A_39 = tpu.memref_slice %arg4[%mul3A_2, %dma_start3A_38] : memref<50176x3xf32, #tpu.memory_space<hbm>> -> memref<1568x3xf32, #tpu.memory_space<hbm>>
      %dma_start3A_40 = arith.constant 0 : i32
      %dma_start3A_41 = tpu.memref_slice %arg4[%mul3A_2, %dma_start3A_40] : memref<50176x3xf32, #tpu.memory_space<hbm>> -> memref<1568x3xf32, #tpu.memory_space<hbm>>
      tpu.enqueue_dma source(%dma_start3A_41 : memref<1568x3xf32, #tpu.memory_space<hbm>>) target(%arg8 : memref<1568x3xf32, #tpu.memory_space<vmem>>) target_semaphore(%run_scoped3A : memref<!tpu.dma_semaphore, #tpu.memory_space<semaphore_mem>>)
      %dma_wait3A_42 = arith.constant 0 : i32
      %dma_wait3A_43 = tpu.memref_slice %arg4[%mul3A_2, %dma_wait3A_42] : memref<50176x3xf32, #tpu.memory_space<hbm>> -> memref<1568x3xf32, #tpu.memory_space<hbm>>
      %dma_wait3A_44 = arith.constant 0 : i32
      %dma_wait3A_45 = tpu.memref_slice %arg4[%mul3A_2, %dma_wait3A_44] : memref<50176x3xf32, #tpu.memory_space<hbm>> -> memref<1568x3xf32, #tpu.memory_space<hbm>>
      tpu.wait_dma2 semaphore(%run_scoped3A : memref<!tpu.dma_semaphore, #tpu.memory_space<semaphore_mem>>) src(%dma_wait3A_45 : memref<1568x3xf32, #tpu.memory_space<hbm>>) dst(%arg8 : memref<1568x3xf32, #tpu.memory_space<vmem>>)
      tpu.yield
    }) : () -> ()
    %mul3A_3 = arith.constant 8 : i32
    %mul3A_4 = arith.muli %mul3A_2, %mul3A_3 : i32
    "tpu.region"() ({
      %run_scoped3A = tpu.sem_alloc : memref<!tpu.dma_semaphore, #tpu.memory_space<semaphore_mem>>
      %dma_start3A_38 = tpu.memref_slice %arg3[%mul3A_4] : memref<401408xi32, #tpu.memory_space<hbm>> -> memref<12544xi32, #tpu.memory_space<hbm>>
      %dma_start3A_39 = tpu.memref_slice %arg3[%mul3A_4] : memref<401408xi32, #tpu.memory_space<hbm>> -> memref<12544xi32, #tpu.memory_space<hbm>>
      tpu.enqueue_dma source(%dma_start3A_39 : memref<12544xi32, #tpu.memory_space<hbm>>) target(%arg9 : memref<12544xi32, #tpu.memory_space<vmem>>) target_semaphore(%run_scoped3A : memref<!tpu.dma_semaphore, #tpu.memory_space<semaphore_mem>>)
      %dma_wait3A_40 = tpu.memref_slice %arg3[%mul3A_4] : memref<401408xi32, #tpu.memory_space<hbm>> -> memref<12544xi32, #tpu.memory_space<hbm>>
      %dma_wait3A_41 = tpu.memref_slice %arg3[%mul3A_4] : memref<401408xi32, #tpu.memory_space<hbm>> -> memref<12544xi32, #tpu.memory_space<hbm>>
      tpu.wait_dma2 semaphore(%run_scoped3A : memref<!tpu.dma_semaphore, #tpu.memory_space<semaphore_mem>>) src(%dma_wait3A_41 : memref<12544xi32, #tpu.memory_space<hbm>>) dst(%arg9 : memref<12544xi32, #tpu.memory_space<vmem>>)
      tpu.yield
    }) : () -> ()
    %iota3A = tpu.iota {dimensions = array<i32: 0>} : vector<16xi32>
    %broadcast_in_dim3A = arith.constant 0 : i32
    %broadcast_in_dim3A_5 = vector.broadcast %broadcast_in_dim3A : i32 to vector<16xi32>
    %broadcast_in_dim3A_6 = arith.constant 1 : i32
    %broadcast_in_dim3A_7 = vector.broadcast %broadcast_in_dim3A_6 : i32 to vector<16xi32>
    %broadcast_in_dim3A_8 = arith.constant 2 : i32
    %broadcast_in_dim3A_9 = vector.broadcast %broadcast_in_dim3A_8 : i32 to vector<16xi32>
    %get3A = arith.constant 0 : index
    %get3A_10 = tpu.vector_load %arg9[%get3A] {strides = array<i32>} : memref<12544xi32, #tpu.memory_space<vmem>>, vector<16xi32>,
    %dma_start3A = arith.constant 0 : i32
    %dma_start3A_11 = arith.constant 0 : i32
    %dma_start3A_12 = tpu.memref_slice %arg2[%dma_start3A, %dma_start3A_11] : memref<12512x256xf32, #tpu.memory_space<hbm>> -> memref<12512x256xf32, #tpu.memory_space<hbm>>
    tpu.enqueue_indirect_dma source(%dma_start3A_12 : memref<12512x256xf32, #tpu.memory_space<hbm>>) target(%arg10 : memref<16x256xf32, #tpu.memory_space<vmem>>) offsets(%get3A_10 : vector<16xi32>) semaphore(%arg13 : memref<!tpu.dma_semaphore, #tpu.memory_space<semaphore_mem>>)
    %get3A_13 = arith.constant 16 : index
    %get3A_14 = tpu.vector_load %arg9[%get3A_13] {strides = array<i32>} : memref<12544xi32, #tpu.memory_space<vmem>>, vector<16xi32>,
    %dma_start3A_15 = arith.constant 0 : i32
    %dma_start3A_16 = arith.constant 0 : i32
    %dma_start3A_17 = tpu.memref_slice %arg2[%dma_start3A_15, %dma_start3A_16] : memref<12512x256xf32, #tpu.memory_space<hbm>> -> memref<12512x256xf32, #tpu.memory_space<hbm>>
    tpu.enqueue_indirect_dma source(%dma_start3A_17 : memref<12512x256xf32, #tpu.memory_space<hbm>>) target(%arg11 : memref<16x256xf32, #tpu.memory_space<vmem>>) offsets(%get3A_14 : vector<16xi32>) semaphore(%arg14 : memref<!tpu.dma_semaphore, #tpu.memory_space<semaphore_mem>>)
    %scan3A = arith.constant 0 : i32
    %scan3A_18 = arith.constant 0 : i32
    %scan3A_19 = arith.constant 392 : i32
    %scan3A_20 = arith.addi %scan3A_18, %scan3A_19 : i32
    %scan3A_21 = arith.constant 1 : i32
    scf.for %scan3A_38 = %scan3A_18 to %scan3A_20 step %scan3A_21  : i32 {
      %mul3A_39 = arith.constant 2 : i32
      %mul3A_40 = arith.muli %scan3A_38, %mul3A_39 : i32
      %add3A_41 = arith.constant 1 : i32
      %add3A_42 = arith.addi %mul3A_40, %add3A_41 : i32
      %add3A_43 = arith.constant 2 : i32
      %add3A_44 = arith.addi %mul3A_40, %add3A_43 : i32
      %min3A = arith.constant 783 : i32
      %min3A_45 = arith.minsi %add3A_44, %min3A : i32
      %add3A_46 = arith.constant 2 : i32
      %add3A_47 = arith.addi %add3A_42, %add3A_46 : i32
      %min3A_48 = arith.constant 783 : i32
      %min3A_49 = arith.minsi %add3A_47, %min3A_48 : i32
      %jit3A = arith.constant 8 : i32
      %eq3A = arith.constant 0 : i32
      %eq3A_50 = arith.cmpi eq, %jit3A, %eq3A : i32
      %jit3A_51 = arith.constant 1 : i32
      %select_n3A = arith.select %eq3A_50, %jit3A_51, %jit3A : i32
      %rem3A = arith.remsi %scan3A_38, %select_n3A : i32
      %ne3A = arith.constant 0 : i32
      %ne3A_52 = arith.cmpi ne, %rem3A, %ne3A : i32
      %lt3A = arith.constant 0 : i32
      %lt3A_53 = arith.cmpi slt, %rem3A, %lt3A : i32
      %lt3A_54 = arith.constant 0 : i32
      %lt3A_55 = arith.cmpi slt, %select_n3A, %lt3A_54 : i32
      %ne3A_56 = arith.xori %lt3A_53, %lt3A_55 : i1
      %and3A = arith.andi %ne3A_56, %ne3A_52 : i1
      %add3A_57 = arith.addi %rem3A, %select_n3A : i32
      %select_n3A_58 = arith.select %and3A, %add3A_57, %rem3A : i32
      %mul3A_59 = arith.constant 4 : i32
      %mul3A_60 = arith.muli %select_n3A_58, %mul3A_59 : i32
      %jit3A_61 = arith.constant 8 : i32
      %eq3A_62 = arith.constant 0 : i32
      %eq3A_63 = arith.cmpi eq, %jit3A_61, %eq3A_62 : i32
      %jit3A_64 = arith.constant 1 : i32
      %select_n3A_65 = arith.select %eq3A_63, %jit3A_64, %jit3A_61 : i32
      %rem3A_66 = arith.remsi %scan3A_38, %select_n3A_65 : i32
      %ne3A_67 = arith.constant 0 : i32
      %ne3A_68 = arith.cmpi ne, %rem3A_66, %ne3A_67 : i32
      %lt3A_69 = arith.constant 0 : i32
      %lt3A_70 = arith.cmpi slt, %rem3A_66, %lt3A_69 : i32
      %lt3A_71 = arith.constant 0 : i32
      %lt3A_72 = arith.cmpi slt, %select_n3A_65, %lt3A_71 : i32
      %ne3A_73 = arith.xori %lt3A_70, %lt3A_72 : i1
      %and3A_74 = arith.andi %ne3A_73, %ne3A_68 : i1
      %add3A_75 = arith.addi %rem3A_66, %select_n3A_65 : i32
      %select_n3A_76 = arith.select %and3A_74, %add3A_75, %rem3A_66 : i32
      %eq3A_77 = arith.constant 0 : i32
      %eq3A_78 = arith.cmpi eq, %select_n3A_76, %eq3A_77 : i32
      %ge3A = arith.constant 8 : i32
      %ge3A_79 = arith.cmpi sge, %scan3A_38, %ge3A : i32
      %and3A_80 = arith.andi %eq3A_78, %ge3A_79 : i1
      %convert_element_type3A = arith.extui %and3A_80 : i1 to i32
      %cond3A = arith.constant 0 : i32
      %cond3A_81 = arith.cmpi ne, %convert_element_type3A, %cond3A : i32
      scf.if %cond3A_81 {
        %jit3A_4354 = arith.constant 8 : i32
        %div3A_4355 = arith.divsi %scan3A_38, %jit3A_4354 : i32
        %sign3A = arith.constant 0 : i32
        %sign3A_4356 = arith.cmpi sgt, %scan3A_38, %sign3A : i32
        %sign3A_4357 = arith.extui %sign3A_4356 : i1 to i32
        %sign3A_4358 = arith.constant 0 : i32
        %sign3A_4359 = arith.cmpi slt, %scan3A_38, %sign3A_4358 : i32
        %sign3A_4360 = arith.extui %sign3A_4359 : i1 to i32
        %sign3A_4361 = arith.subi %sign3A_4357, %sign3A_4360 : i32
        %sign3A_4362 = arith.constant 0 : i32
        %sign3A_4363 = arith.cmpi sgt, %jit3A_4354, %sign3A_4362 : i32
        %sign3A_4364 = arith.extui %sign3A_4363 : i1 to i32
        %sign3A_4365 = arith.constant 0 : i32
        %sign3A_4366 = arith.cmpi slt, %jit3A_4354, %sign3A_4365 : i32
        %sign3A_4367 = arith.extui %sign3A_4366 : i1 to i32
        %sign3A_4368 = arith.subi %sign3A_4364, %sign3A_4367 : i32
        %ne3A_4369 = arith.cmpi ne, %sign3A_4361, %sign3A_4368 : i32
        %rem3A_4370 = arith.remsi %scan3A_38, %jit3A_4354 : i32
        %ne3A_4371 = arith.constant 0 : i32
        %ne3A_4372 = arith.cmpi ne, %rem3A_4370, %ne3A_4371 : i32
        %and3A_4373 = arith.andi %ne3A_4369, %ne3A_4372 : i1
        %sub3A_4374 = arith.constant 1 : i32
        %sub3A_4375 = arith.subi %div3A_4355, %sub3A_4374 : i32
        %select_n3A_4376 = arith.select %and3A_4373, %sub3A_4375, %div3A_4355 : i32
        %sub3A_4377 = arith.constant 1 : i32
        %sub3A_4378 = arith.subi %select_n3A_4376, %sub3A_4377 : i32
        %mul3A_4379 = arith.constant 32 : i32
        %mul3A_4380 = arith.muli %sub3A_4378, %mul3A_4379 : i32
        %add3A_4381 = arith.addi %mul3A_2, %mul3A_4380 : i32
        %dma_wait3A_4382 = arith.constant 0 : i32
        %dma_wait3A_4383 = tpu.memref_slice %arg6[%add3A_4381, %dma_wait3A_4382] : memref<50176x256xf32, #tpu.memory_space<hbm>> -> memref<32x256xf32, #tpu.memory_space<hbm>>
        %dma_wait3A_4384 = arith.constant 0 : i32
        %dma_wait3A_4385 = tpu.memref_slice %arg6[%add3A_4381, %dma_wait3A_4384] : memref<50176x256xf32, #tpu.memory_space<hbm>> -> memref<32x256xf32, #tpu.memory_space<hbm>>
        tpu.wait_dma2 semaphore(%arg15 : memref<!tpu.dma_semaphore, #tpu.memory_space<semaphore_mem>>) src(%arg12 : memref<32x256xf32, #tpu.memory_space<vmem>>) dst(%dma_wait3A_4385 : memref<32x256xf32, #tpu.memory_space<hbm>>)
      } else {
      }
      %mul3A_82 = arith.constant 16 : i32
      %mul3A_83 = arith.muli %mul3A_40, %mul3A_82 : i32
      %get3A_84 = arith.index_cast %mul3A_83 : i32 to index
      %get3A_85 = tpu.vector_load %arg9[%get3A_84] {strides = array<i32>} : memref<12544xi32, #tpu.memory_space<vmem>>, vector<16xi32>,
      %dma_wait3A_86 = arith.constant 0 : i32
      %dma_wait3A_87 = arith.constant 0 : i32
      %dma_wait3A_88 = tpu.memref_slice %arg2[%dma_wait3A_86, %dma_wait3A_87] : memref<12512x256xf32, #tpu.memory_space<hbm>> -> memref<12512x256xf32, #tpu.memory_space<hbm>>
      tpu.wait_indirect_dma semaphore(%arg13 : memref<!tpu.dma_semaphore, #tpu.memory_space<semaphore_mem>>) src(%dma_wait3A_88 : memref<12512x256xf32, #tpu.memory_space<hbm>>) dst(%arg10 : memref<16x256xf32, #tpu.memory_space<vmem>>)
      %mul3A_89 = arith.constant 2 : i32
      %mul3A_90 = arith.muli %mul3A_40, %mul3A_89 : i32
      %mul3A_91 = arith.constant 16 : i32
      %mul3A_92 = arith.muli %mul3A_40, %mul3A_91 : i32
      %get3A_93 = arith.index_cast %mul3A_92 : i32 to index
      %get3A_94 = tpu.vector_load %arg9[%get3A_93] {strides = array<i32>} : memref<12544xi32, #tpu.memory_space<vmem>>, vector<16xi32>,
      %gather3A = tpu.vector_load_idx %arg7[%broadcast_in_dim3A_5, %get3A_94] : memref<3x12512xf32, #tpu.memory_space<vmem>>[vector<16xi32>, vector<16xi32>], vector<16xf32>,
      %gather3A_95 = tpu.vector_load_idx %arg7[%broadcast_in_dim3A_7, %get3A_94] : memref<3x12512xf32, #tpu.memory_space<vmem>>[vector<16xi32>, vector<16xi32>], vector<16xf32>,
      %gather3A_96 = tpu.vector_load_idx %arg7[%broadcast_in_dim3A_9, %get3A_94] : memref<3x12512xf32, #tpu.memory_space<vmem>>[vector<16xi32>, vector<16xi32>], vector<16xf32>,
      %ge3A_97 = arith.constant 8 : i32
      %ge3A_98 = vector.broadcast %ge3A_97 : i32 to vector<16xi32>
      %ge3A_99 = arith.cmpi sge, %iota3A, %ge3A_98 : vector<16xi32>
      %add3A_100 = arith.constant 1 : i32
      %add3A_101 = arith.addi %mul3A_90, %add3A_100 : i32
      %broadcast_in_dim3A_102 = vector.broadcast %add3A_101 : i32 to vector<16xi32>
      %broadcast_in_dim3A_103 = vector.broadcast %mul3A_90 : i32 to vector<16xi32>
      %select_n3A_104 = arith.select %ge3A_99, %broadcast_in_dim3A_102, %broadcast_in_dim3A_103 : vector<16xi1>, vector<16xi32>
      %gather3A_105 = tpu.vector_load_idx %arg8[%select_n3A_104, %broadcast_in_dim3A_5] : memref<1568x3xf32, #tpu.memory_space<vmem>>[vector<16xi32>, vector<16xi32>], vector<16xf32>,
      %gather3A_106 = tpu.vector_load_idx %arg8[%select_n3A_104, %broadcast_in_dim3A_7] : memref<1568x3xf32, #tpu.memory_space<vmem>>[vector<16xi32>, vector<16xi32>], vector<16xf32>,
      %gather3A_107 = tpu.vector_load_idx %arg8[%select_n3A_104, %broadcast_in_dim3A_9] : memref<1568x3xf32, #tpu.memory_space<vmem>>[vector<16xi32>, vector<16xi32>], vector<16xf32>,
      %sub3A = arith.subf %gather3A_105, %gather3A : vector<16xf32>
      %sub3A_108 = arith.subf %gather3A_106, %gather3A_95 : vector<16xf32>
      %sub3A_109 = arith.subf %gather3A_107, %gather3A_96 : vector<16xf32>
      %mul3A_110 = arith.mulf %sub3A, %sub3A : vector<16xf32>
      %mul3A_111 = arith.mulf %sub3A_108, %sub3A_108 : vector<16xf32>
      %add3A_112 = arith.addf %mul3A_110, %mul3A_111 : vector<16xf32>
      %mul3A_113 = arith.mulf %sub3A_109, %sub3A_109 : vector<16xf32>
      %add3A_114 = arith.addf %add3A_112, %mul3A_113 : vector<16xf32>
      %ne3A_115 = arith.constant 12500 : i32
      %ne3A_116 = vector.broadcast %ne3A_115 : i32 to vector<16xi32>
      %ne3A_117 = arith.cmpi ne, %get3A_94, %ne3A_116 : vector<16xi32>
      %jit3A_118 = arith.constant 1.000000e+00 : f32
      %jit3A_119 = arith.constant 0.000000e+00 : f32
      %broadcast_in_dim3A_120 = vector.broadcast %jit3A_118 : f32 to vector<16xf32>
      %broadcast_in_dim3A_121 = vector.broadcast %jit3A_119 : f32 to vector<16xf32>
      %select_n3A_122 = arith.select %ne3A_117, %broadcast_in_dim3A_120, %broadcast_in_dim3A_121 : vector<16xi1>, vector<16xf32>
      %add3A_123 = arith.constant 9.99999993E-9 : f32
      %add3A_124 = vector.broadcast %add3A_123 : f32 to vector<16xf32>
      %add3A_125 = arith.addf %add3A_114, %add3A_124 : vector<16xf32>
      %div3A = arith.divf %select_n3A_122, %add3A_125 : vector<16xf32>
      %lt3A_126 = arith.constant 8 : i32
      %lt3A_127 = vector.broadcast %lt3A_126 : i32 to vector<16xi32>
      %lt3A_128 = arith.cmpi slt, %iota3A, %lt3A_127 : vector<16xi32>
      %jit3A_129 = arith.constant 0.000000e+00 : f32
      %broadcast_in_dim3A_130 = vector.broadcast %jit3A_129 : f32 to vector<16xf32>
      %select_n3A_131 = arith.select %lt3A_128, %div3A, %broadcast_in_dim3A_130 : vector<16xi1>, vector<16xf32>
      %reduce_sum3A = arith.constant true
      %reduce_sum3A_132 = vector.broadcast %reduce_sum3A : i1 to vector<16xi1>
      %reduce_sum3A_133 = tpu.scan <sum>, %select_n3A_131 masked %reduce_sum3A_132 : vector<16xf32>, vector<16xi1> -> vector<16xf32>
      %reduce_sum3A_134 = vector.extract %reduce_sum3A_133[15] : f32 from vector<16xf32>
      %reduce_sum3A_135 = arith.constant true
      %reduce_sum3A_136 = vector.broadcast %reduce_sum3A_135 : i1 to vector<16xi1>
      %reduce_sum3A_137 = tpu.scan <sum>, %div3A masked %reduce_sum3A_136 : vector<16xf32>, vector<16xi1> -> vector<16xf32>
      %reduce_sum3A_138 = vector.extract %reduce_sum3A_137[15] : f32 from vector<16xf32>
      %lt3A_139 = arith.constant 8 : i32
      %lt3A_140 = vector.broadcast %lt3A_139 : i32 to vector<16xi32>
      %lt3A_141 = arith.cmpi slt, %iota3A, %lt3A_140 : vector<16xi32>
      %sub3A_142 = arith.subf %reduce_sum3A_138, %reduce_sum3A_134 : f32
      %broadcast_in_dim3A_143 = vector.broadcast %reduce_sum3A_134 : f32 to vector<16xf32>
      %broadcast_in_dim3A_144 = vector.broadcast %sub3A_142 : f32 to vector<16xf32>
      %select_n3A_145 = arith.select %lt3A_141, %broadcast_in_dim3A_143, %broadcast_in_dim3A_144 : vector<16xi1>, vector<16xf32>
      %add3A_146 = arith.constant 9.99999993E-9 : f32
      %add3A_147 = vector.broadcast %add3A_146 : f32 to vector<16xf32>
      %add3A_148 = arith.addf %select_n3A_145, %add3A_147 : vector<16xf32>
      %div3A_149 = arith.divf %div3A, %add3A_148 : vector<16xf32>
      %eq3A_150 = arith.constant 0 : i32
      %eq3A_151 = vector.broadcast %eq3A_150 : i32 to vector<16xi32>
      %eq3A_152 = arith.cmpi eq, %iota3A, %eq3A_151 : vector<16xi32>
      %jit3A_153 = arith.constant 0.000000e+00 : f32
      %broadcast_in_dim3A_154 = vector.broadcast %jit3A_153 : f32 to vector<16xf32>
      %select_n3A_155 = arith.select %eq3A_152, %div3A_149, %broadcast_in_dim3A_154 : vector<16xi1>, vector<16xf32>
      %reduce_sum3A_156 = arith.constant true
      %reduce_sum3A_157 = vector.broadcast %reduce_sum3A_156 : i1 to vector<16xi1>
      %reduce_sum3A_158 = tpu.scan <sum>, %select_n3A_155 masked %reduce_sum3A_157 : vector<16xf32>, vector<16xi1> -> vector<16xf32>
      %reduce_sum3A_159 = vector.extract %reduce_sum3A_158[15] : f32 from vector<16xf32>
      %eq3A_160 = arith.constant 1 : i32
      %eq3A_161 = vector.broadcast %eq3A_160 : i32 to vector<16xi32>
      %eq3A_162 = arith.cmpi eq, %iota3A, %eq3A_161 : vector<16xi32>
      %jit3A_163 = arith.constant 0.000000e+00 : f32
      %broadcast_in_dim3A_164 = vector.broadcast %jit3A_163 : f32 to vector<16xf32>
      %select_n3A_165 = arith.select %eq3A_162, %div3A_149, %broadcast_in_dim3A_164 : vector<16xi1>, vector<16xf32>
      %reduce_sum3A_166 = arith.constant true
      %reduce_sum3A_167 = vector.broadcast %reduce_sum3A_166 : i1 to vector<16xi1>
      %reduce_sum3A_168 = tpu.scan <sum>, %select_n3A_165 masked %reduce_sum3A_167 : vector<16xf32>, vector<16xi1> -> vector<16xf32>
      %reduce_sum3A_169 = vector.extract %reduce_sum3A_168[15] : f32 from vector<16xf32>
      %eq3A_170 = arith.constant 2 : i32
      %eq3A_171 = vector.broadcast %eq3A_170 : i32 to vector<16xi32>
      %eq3A_172 = arith.cmpi eq, %iota3A, %eq3A_171 : vector<16xi32>
      %jit3A_173 = arith.constant 0.000000e+00 : f32
      %broadcast_in_dim3A_174 = vector.broadcast %jit3A_173 : f32 to vector<16xf32>
      %select_n3A_175 = arith.select %eq3A_172, %div3A_149, %broadcast_in_dim3A_174 : vector<16xi1>, vector<16xf32>
      %reduce_sum3A_176 = arith.constant true
      %reduce_sum3A_177 = vector.broadcast %reduce_sum3A_176 : i1 to vector<16xi1>
      %reduce_sum3A_178 = tpu.scan <sum>, %select_n3A_175 masked %reduce_sum3A_177 : vector<16xf32>, vector<16xi1> -> vector<16xf32>
      %reduce_sum3A_179 = vector.extract %reduce_sum3A_178[15] : f32 from vector<16xf32>
      %eq3A_180 = arith.constant 3 : i32
      %eq3A_181 = vector.broadcast %eq3A_180 : i32 to vector<16xi32>
      %eq3A_182 = arith.cmpi eq, %iota3A, %eq3A_181 : vector<16xi32>
      %jit3A_183 = arith.constant 0.000000e+00 : f32
      %broadcast_in_dim3A_184 = vector.broadcast %jit3A_183 : f32 to vector<16xf32>
      %select_n3A_185 = arith.select %eq3A_182, %div3A_149, %broadcast_in_dim3A_184 : vector<16xi1>, vector<16xf32>
      %reduce_sum3A_186 = arith.constant true
      %reduce_sum3A_187 = vector.broadcast %reduce_sum3A_186 : i1 to vector<16xi1>
      %reduce_sum3A_188 = tpu.scan <sum>, %select_n3A_185 masked %reduce_sum3A_187 : vector<16xf32>, vector<16xi1> -> vector<16xf32>
      %reduce_sum3A_189 = vector.extract %reduce_sum3A_188[15] : f32 from vector<16xf32>
      %eq3A_190 = arith.constant 4 : i32
      %eq3A_191 = vector.broadcast %eq3A_190 : i32 to vector<16xi32>
      %eq3A_192 = arith.cmpi eq, %iota3A, %eq3A_191 : vector<16xi32>
      %jit3A_193 = arith.constant 0.000000e+00 : f32
      %broadcast_in_dim3A_194 = vector.broadcast %jit3A_193 : f32 to vector<16xf32>
      %select_n3A_195 = arith.select %eq3A_192, %div3A_149, %broadcast_in_dim3A_194 : vector<16xi1>, vector<16xf32>
      %reduce_sum3A_196 = arith.constant true
      %reduce_sum3A_197 = vector.broadcast %reduce_sum3A_196 : i1 to vector<16xi1>
      %reduce_sum3A_198 = tpu.scan <sum>, %select_n3A_195 masked %reduce_sum3A_197 : vector<16xf32>, vector<16xi1> -> vector<16xf32>
      %reduce_sum3A_199 = vector.extract %reduce_sum3A_198[15] : f32 from vector<16xf32>
      %eq3A_200 = arith.constant 5 : i32
      %eq3A_201 = vector.broadcast %eq3A_200 : i32 to vector<16xi32>
      %eq3A_202 = arith.cmpi eq, %iota3A, %eq3A_201 : vector<16xi32>
      %jit3A_203 = arith.constant 0.000000e+00 : f32
      %broadcast_in_dim3A_204 = vector.broadcast %jit3A_203 : f32 to vector<16xf32>
      %select_n3A_205 = arith.select %eq3A_202, %div3A_149, %broadcast_in_dim3A_204 : vector<16xi1>, vector<16xf32>
      %reduce_sum3A_206 = arith.constant true
      %reduce_sum3A_207 = vector.broadcast %reduce_sum3A_206 : i1 to vector<16xi1>
      %reduce_sum3A_208 = tpu.scan <sum>, %select_n3A_205 masked %reduce_sum3A_207 : vector<16xf32>, vector<16xi1> -> vector<16xf32>
      %reduce_sum3A_209 = vector.extract %reduce_sum3A_208[15] : f32 from vector<16xf32>
      %eq3A_210 = arith.constant 6 : i32
      %eq3A_211 = vector.broadcast %eq3A_210 : i32 to vector<16xi32>
      %eq3A_212 = arith.cmpi eq, %iota3A, %eq3A_211 : vector<16xi32>
      %jit3A_213 = arith.constant 0.000000e+00 : f32
      %broadcast_in_dim3A_214 = vector.broadcast %jit3A_213 : f32 to vector<16xf32>
      %select_n3A_215 = arith.select %eq3A_212, %div3A_149, %broadcast_in_dim3A_214 : vector<16xi1>, vector<16xf32>
      %reduce_sum3A_216 = arith.constant true
      %reduce_sum3A_217 = vector.broadcast %reduce_sum3A_216 : i1 to vector<16xi1>
      %reduce_sum3A_218 = tpu.scan <sum>, %select_n3A_215 masked %reduce_sum3A_217 : vector<16xf32>, vector<16xi1> -> vector<16xf32>
      %reduce_sum3A_219 = vector.extract %reduce_sum3A_218[15] : f32 from vector<16xf32>
      %eq3A_220 = arith.constant 7 : i32
      %eq3A_221 = vector.broadcast %eq3A_220 : i32 to vector<16xi32>
      %eq3A_222 = arith.cmpi eq, %iota3A, %eq3A_221 : vector<16xi32>
      %jit3A_223 = arith.constant 0.000000e+00 : f32
      %broadcast_in_dim3A_224 = vector.broadcast %jit3A_223 : f32 to vector<16xf32>
      %select_n3A_225 = arith.select %eq3A_222, %div3A_149, %broadcast_in_dim3A_224 : vector<16xi1>, vector<16xf32>
      %reduce_sum3A_226 = arith.constant true
      %reduce_sum3A_227 = vector.broadcast %reduce_sum3A_226 : i1 to vector<16xi1>
      %reduce_sum3A_228 = tpu.scan <sum>, %select_n3A_225 masked %reduce_sum3A_227 : vector<16xf32>, vector<16xi1> -> vector<16xf32>
      %reduce_sum3A_229 = vector.extract %reduce_sum3A_228[15] : f32 from vector<16xf32>
      %eq3A_230 = arith.constant 8 : i32
      %eq3A_231 = vector.broadcast %eq3A_230 : i32 to vector<16xi32>
      %eq3A_232 = arith.cmpi eq, %iota3A, %eq3A_231 : vector<16xi32>
      %jit3A_233 = arith.constant 0.000000e+00 : f32
      %broadcast_in_dim3A_234 = vector.broadcast %jit3A_233 : f32 to vector<16xf32>
      %select_n3A_235 = arith.select %eq3A_232, %div3A_149, %broadcast_in_dim3A_234 : vector<16xi1>, vector<16xf32>
      %reduce_sum3A_236 = arith.constant true
      %reduce_sum3A_237 = vector.broadcast %reduce_sum3A_236 : i1 to vector<16xi1>
      %reduce_sum3A_238 = tpu.scan <sum>, %select_n3A_235 masked %reduce_sum3A_237 : vector<16xf32>, vector<16xi1> -> vector<16xf32>
      %reduce_sum3A_239 = vector.extract %reduce_sum3A_238[15] : f32 from vector<16xf32>
      %eq3A_240 = arith.constant 9 : i32
      %eq3A_241 = vector.broadcast %eq3A_240 : i32 to vector<16xi32>
      %eq3A_242 = arith.cmpi eq, %iota3A, %eq3A_241 : vector<16xi32>
      %jit3A_243 = arith.constant 0.000000e+00 : f32
      %broadcast_in_dim3A_244 = vector.broadcast %jit3A_243 : f32 to vector<16xf32>
      %select_n3A_245 = arith.select %eq3A_242, %div3A_149, %broadcast_in_dim3A_244 : vector<16xi1>, vector<16xf32>
      %reduce_sum3A_246 = arith.constant true
      %reduce_sum3A_247 = vector.broadcast %reduce_sum3A_246 : i1 to vector<16xi1>
      %reduce_sum3A_248 = tpu.scan <sum>, %select_n3A_245 masked %reduce_sum3A_247 : vector<16xf32>, vector<16xi1> -> vector<16xf32>
      %reduce_sum3A_249 = vector.extract %reduce_sum3A_248[15] : f32 from vector<16xf32>
      %eq3A_250 = arith.constant 10 : i32
      %eq3A_251 = vector.broadcast %eq3A_250 : i32 to vector<16xi32>
      %eq3A_252 = arith.cmpi eq, %iota3A, %eq3A_251 : vector<16xi32>
      %jit3A_253 = arith.constant 0.000000e+00 : f32
      %broadcast_in_dim3A_254 = vector.broadcast %jit3A_253 : f32 to vector<16xf32>
      %select_n3A_255 = arith.select %eq3A_252, %div3A_149, %broadcast_in_dim3A_254 : vector<16xi1>, vector<16xf32>
      %reduce_sum3A_256 = arith.constant true
      %reduce_sum3A_257 = vector.broadcast %reduce_sum3A_256 : i1 to vector<16xi1>
      %reduce_sum3A_258 = tpu.scan <sum>, %select_n3A_255 masked %reduce_sum3A_257 : vector<16xf32>, vector<16xi1> -> vector<16xf32>
      %reduce_sum3A_259 = vector.extract %reduce_sum3A_258[15] : f32 from vector<16xf32>
      %eq3A_260 = arith.constant 11 : i32
      %eq3A_261 = vector.broadcast %eq3A_260 : i32 to vector<16xi32>
      %eq3A_262 = arith.cmpi eq, %iota3A, %eq3A_261 : vector<16xi32>
      %jit3A_263 = arith.constant 0.000000e+00 : f32
      %broadcast_in_dim3A_264 = vector.broadcast %jit3A_263 : f32 to vector<16xf32>
      %select_n3A_265 = arith.select %eq3A_262, %div3A_149, %broadcast_in_dim3A_264 : vector<16xi1>, vector<16xf32>
      %reduce_sum3A_266 = arith.constant true
      %reduce_sum3A_267 = vector.broadcast %reduce_sum3A_266 : i1 to vector<16xi1>
      %reduce_sum3A_268 = tpu.scan <sum>, %select_n3A_265 masked %reduce_sum3A_267 : vector<16xf32>, vector<16xi1> -> vector<16xf32>
      %reduce_sum3A_269 = vector.extract %reduce_sum3A_268[15] : f32 from vector<16xf32>
      %eq3A_270 = arith.constant 12 : i32
      %eq3A_271 = vector.broadcast %eq3A_270 : i32 to vector<16xi32>
      %eq3A_272 = arith.cmpi eq, %iota3A, %eq3A_271 : vector<16xi32>
      %jit3A_273 = arith.constant 0.000000e+00 : f32
      %broadcast_in_dim3A_274 = vector.broadcast %jit3A_273 : f32 to vector<16xf32>
      %select_n3A_275 = arith.select %eq3A_272, %div3A_149, %broadcast_in_dim3A_274 : vector<16xi1>, vector<16xf32>
      %reduce_sum3A_276 = arith.constant true
      %reduce_sum3A_277 = vector.broadcast %reduce_sum3A_276 : i1 to vector<16xi1>
      %reduce_sum3A_278 = tpu.scan <sum>, %select_n3A_275 masked %reduce_sum3A_277 : vector<16xf32>, vector<16xi1> -> vector<16xf32>
      %reduce_sum3A_279 = vector.extract %reduce_sum3A_278[15] : f32 from vector<16xf32>
      %eq3A_280 = arith.constant 13 : i32
      %eq3A_281 = vector.broadcast %eq3A_280 : i32 to vector<16xi32>
      %eq3A_282 = arith.cmpi eq, %iota3A, %eq3A_281 : vector<16xi32>
      %jit3A_283 = arith.constant 0.000000e+00 : f32
      %broadcast_in_dim3A_284 = vector.broadcast %jit3A_283 : f32 to vector<16xf32>
      %select_n3A_285 = arith.select %eq3A_282, %div3A_149, %broadcast_in_dim3A_284 : vector<16xi1>, vector<16xf32>
      %reduce_sum3A_286 = arith.constant true
      %reduce_sum3A_287 = vector.broadcast %reduce_sum3A_286 : i1 to vector<16xi1>
      %reduce_sum3A_288 = tpu.scan <sum>, %select_n3A_285 masked %reduce_sum3A_287 : vector<16xf32>, vector<16xi1> -> vector<16xf32>
      %reduce_sum3A_289 = vector.extract %reduce_sum3A_288[15] : f32 from vector<16xf32>
      %eq3A_290 = arith.constant 14 : i32
      %eq3A_291 = vector.broadcast %eq3A_290 : i32 to vector<16xi32>
      %eq3A_292 = arith.cmpi eq, %iota3A, %eq3A_291 : vector<16xi32>
      %jit3A_293 = arith.constant 0.000000e+00 : f32
      %broadcast_in_dim3A_294 = vector.broadcast %jit3A_293 : f32 to vector<16xf32>
      %select_n3A_295 = arith.select %eq3A_292, %div3A_149, %broadcast_in_dim3A_294 : vector<16xi1>, vector<16xf32>
      %reduce_sum3A_296 = arith.constant true
      %reduce_sum3A_297 = vector.broadcast %reduce_sum3A_296 : i1 to vector<16xi1>
      %reduce_sum3A_298 = tpu.scan <sum>, %select_n3A_295 masked %reduce_sum3A_297 : vector<16xf32>, vector<16xi1> -> vector<16xf32>
      %reduce_sum3A_299 = vector.extract %reduce_sum3A_298[15] : f32 from vector<16xf32>
      %eq3A_300 = arith.constant 15 : i32
      %eq3A_301 = vector.broadcast %eq3A_300 : i32 to vector<16xi32>
      %eq3A_302 = arith.cmpi eq, %iota3A, %eq3A_301 : vector<16xi32>
      %jit3A_303 = arith.constant 0.000000e+00 : f32
      %broadcast_in_dim3A_304 = vector.broadcast %jit3A_303 : f32 to vector<16xf32>
      %select_n3A_305 = arith.select %eq3A_302, %div3A_149, %broadcast_in_dim3A_304 : vector<16xi1>, vector<16xf32>
      %reduce_sum3A_306 = arith.constant true
      %reduce_sum3A_307 = vector.broadcast %reduce_sum3A_306 : i1 to vector<16xi1>
      %reduce_sum3A_308 = tpu.scan <sum>, %select_n3A_305 masked %reduce_sum3A_307 : vector<16xf32>, vector<16xi1> -> vector<16xf32>
      %reduce_sum3A_309 = vector.extract %reduce_sum3A_308[15] : f32 from vector<16xf32>
      %get3A_310 = arith.constant 0 : i32
      %get3A_311 = arith.index_cast %get3A_310 : i32 to index
      %get3A_312 = arith.constant 0 : index
      %get3A_313 = tpu.vector_load %arg10[%get3A_311, %get3A_312] {strides = array<i32>} : memref<16x256xf32, #tpu.memory_space<vmem>>, vector<16xf32>,
      %mul3A_314 = vector.broadcast %reduce_sum3A_159 : f32 to vector<16xf32>
      %mul3A_315 = arith.mulf %get3A_313, %mul3A_314 : vector<16xf32>
      %get3A_316 = arith.constant 8 : i32
      %get3A_317 = arith.index_cast %get3A_316 : i32 to index
      %get3A_318 = arith.constant 0 : index
      %get3A_319 = tpu.vector_load %arg10[%get3A_317, %get3A_318] {strides = array<i32>} : memref<16x256xf32, #tpu.memory_space<vmem>>, vector<16xf32>,
      %mul3A_320 = vector.broadcast %reduce_sum3A_239 : f32 to vector<16xf32>
      %mul3A_321 = arith.mulf %get3A_319, %mul3A_320 : vector<16xf32>
      %get3A_322 = arith.constant 1 : i32
      %get3A_323 = arith.index_cast %get3A_322 : i32 to index
      %get3A_324 = arith.constant 0 : index
      %get3A_325 = tpu.vector_load %arg10[%get3A_323, %get3A_324] {strides = array<i32>} : memref<16x256xf32, #tpu.memory_space<vmem>>, vector<16xf32>,
      %mul3A_326 = vector.broadcast %reduce_sum3A_169 : f32 to vector<16xf32>
      %mul3A_327 = arith.mulf %get3A_325, %mul3A_326 : vector<16xf32>
      %add3A_328 = arith.addf %mul3A_315, %mul3A_327 : vector<16xf32>
      %get3A_329 = arith.constant 9 : i32
      %get3A_330 = arith.index_cast %get3A_329 : i32 to index
      %get3A_331 = arith.constant 0 : index
      %get3A_332 = tpu.vector_load %arg10[%get3A_330, %get3A_331] {strides = array<i32>} : memref<16x256xf32, #tpu.memory_space<vmem>>, vector<16xf32>,
      %mul3A_333 = vector.broadcast %reduce_sum3A_249 : f32 to vector<16xf32>
      %mul3A_334 = arith.mulf %get3A_332, %mul3A_333 : vector<16xf32>
      %add3A_335 = arith.addf %mul3A_321, %mul3A_334 : vector<16xf32>
      %get3A_336 = arith.constant 2 : i32
      %get3A_337 = arith.index_cast %get3A_336 : i32 to index
      %get3A_338 = arith.constant 0 : index
      %get3A_339 = tpu.vector_load %arg10[%get3A_337, %get3A_338] {strides = array<i32>} : memref<16x256xf32, #tpu.memory_space<vmem>>, vector<16xf32>,
      %mul3A_340 = vector.broadcast %reduce_sum3A_179 : f32 to vector<16xf32>
      %mul3A_341 = arith.mulf %get3A_339, %mul3A_340 : vector<16xf32>
      %add3A_342 = arith.addf %add3A_328, %mul3A_341 : vector<16xf32>
      %get3A_343 = arith.constant 10 : i32
      %get3A_344 = arith.index_cast %get3A_343 : i32 to index
      %get3A_345 = arith.constant 0 : index
      %get3A_346 = tpu.vector_load %arg10[%get3A_344, %get3A_345] {strides = array<i32>} : memref<16x256xf32, #tpu.memory_space<vmem>>, vector<16xf32>,
      %mul3A_347 = vector.broadcast %reduce_sum3A_259 : f32 to vector<16xf32>
      %mul3A_348 = arith.mulf %get3A_346, %mul3A_347 : vector<16xf32>
      %add3A_349 = arith.addf %add3A_335, %mul3A_348 : vector<16xf32>
      %get3A_350 = arith.constant 3 : i32
      %get3A_351 = arith.index_cast %get3A_350 : i32 to index
      %get3A_352 = arith.constant 0 : index
      %get3A_353 = tpu.vector_load %arg10[%get3A_351, %get3A_352] {strides = array<i32>} : memref<16x256xf32, #tpu.memory_space<vmem>>, vector<16xf32>,
      %mul3A_354 = vector.broadcast %reduce_sum3A_189 : f32 to vector<16xf32>
      %mul3A_355 = arith.mulf %get3A_353, %mul3A_354 : vector<16xf32>
      %add3A_356 = arith.addf %add3A_342, %mul3A_355 : vector<16xf32>
      %get3A_357 = arith.constant 11 : i32
      %get3A_358 = arith.index_cast %get3A_357 : i32 to index
      %get3A_359 = arith.constant 0 : index
      %get3A_360 = tpu.vector_load %arg10[%get3A_358, %get3A_359] {strides = array<i32>} : memref<16x256xf32, #tpu.memory_space<vmem>>, vector<16xf32>,
      %mul3A_361 = vector.broadcast %reduce_sum3A_269 : f32 to vector<16xf32>
      %mul3A_362 = arith.mulf %get3A_360, %mul3A_361 : vector<16xf32>
      %add3A_363 = arith.addf %add3A_349, %mul3A_362 : vector<16xf32>
      %get3A_364 = arith.constant 4 : i32
      %get3A_365 = arith.index_cast %get3A_364 : i32 to index
      %get3A_366 = arith.constant 0 : index
      %get3A_367 = tpu.vector_load %arg10[%get3A_365, %get3A_366] {strides = array<i32>} : memref<16x256xf32, #tpu.memory_space<vmem>>, vector<16xf32>,
      %mul3A_368 = vector.broadcast %reduce_sum3A_199 : f32 to vector<16xf32>
      %mul3A_369 = arith.mulf %get3A_367, %mul3A_368 : vector<16xf32>
      %add3A_370 = arith.addf %add3A_356, %mul3A_369 : vector<16xf32>
      %get3A_371 = arith.constant 12 : i32
      %get3A_372 = arith.index_cast %get3A_371 : i32 to index
      %get3A_373 = arith.constant 0 : index
      %get3A_374 = tpu.vector_load %arg10[%get3A_372, %get3A_373] {strides = array<i32>} : memref<16x256xf32, #tpu.memory_space<vmem>>, vector<16xf32>,
      %mul3A_375 = vector.broadcast %reduce_sum3A_279 : f32 to vector<16xf32>
      %mul3A_376 = arith.mulf %get3A_374, %mul3A_375 : vector<16xf32>
      %add3A_377 = arith.addf %add3A_363, %mul3A_376 : vector<16xf32>
      %get3A_378 = arith.constant 5 : i32
      %get3A_379 = arith.index_cast %get3A_378 : i32 to index
      %get3A_380 = arith.constant 0 : index
      %get3A_381 = tpu.vector_load %arg10[%get3A_379, %get3A_380] {strides = array<i32>} : memref<16x256xf32, #tpu.memory_space<vmem>>, vector<16xf32>,
      %mul3A_382 = vector.broadcast %reduce_sum3A_209 : f32 to vector<16xf32>
      %mul3A_383 = arith.mulf %get3A_381, %mul3A_382 : vector<16xf32>
      %add3A_384 = arith.addf %add3A_370, %mul3A_383 : vector<16xf32>
      %get3A_385 = arith.constant 13 : i32
      %get3A_386 = arith.index_cast %get3A_385 : i32 to index
      %get3A_387 = arith.constant 0 : index
      %get3A_388 = tpu.vector_load %arg10[%get3A_386, %get3A_387] {strides = array<i32>} : memref<16x256xf32, #tpu.memory_space<vmem>>, vector<16xf32>,
      %mul3A_389 = vector.broadcast %reduce_sum3A_289 : f32 to vector<16xf32>
      %mul3A_390 = arith.mulf %get3A_388, %mul3A_389 : vector<16xf32>
      %add3A_391 = arith.addf %add3A_377, %mul3A_390 : vector<16xf32>
      %get3A_392 = arith.constant 6 : i32
      %get3A_393 = arith.index_cast %get3A_392 : i32 to index
      %get3A_394 = arith.constant 0 : index
      %get3A_395 = tpu.vector_load %arg10[%get3A_393, %get3A_394] {strides = array<i32>} : memref<16x256xf32, #tpu.memory_space<vmem>>, vector<16xf32>,
      %mul3A_396 = vector.broadcast %reduce_sum3A_219 : f32 to vector<16xf32>
      %mul3A_397 = arith.mulf %get3A_395, %mul3A_396 : vector<16xf32>
      %add3A_398 = arith.addf %add3A_384, %mul3A_397 : vector<16xf32>
      %get3A_399 = arith.constant 14 : i32
      %get3A_400 = arith.index_cast %get3A_399 : i32 to index
      %get3A_401 = arith.constant 0 : index
      %get3A_402 = tpu.vector_load %arg10[%get3A_400, %get3A_401] {strides = array<i32>} : memref<16x256xf32, #tpu.memory_space<vmem>>, vector<16xf32>,
      %mul3A_403 = vector.broadcast %reduce_sum3A_299 : f32 to vector<16xf32>
      %mul3A_404 = arith.mulf %get3A_402, %mul3A_403 : vector<16xf32>
      %add3A_405 = arith.addf %add3A_391, %mul3A_404 : vector<16xf32>
      %get3A_406 = arith.constant 7 : i32
      %get3A_407 = arith.index_cast %get3A_406 : i32 to index
      %get3A_408 = arith.constant 0 : index
      %get3A_409 = tpu.vector_load %arg10[%get3A_407, %get3A_408] {strides = array<i32>} : memref<16x256xf32, #tpu.memory_space<vmem>>, vector<16xf32>,
      %mul3A_410 = vector.broadcast %reduce_sum3A_229 : f32 to vector<16xf32>
      %mul3A_411 = arith.mulf %get3A_409, %mul3A_410 : vector<16xf32>
      %add3A_412 = arith.addf %add3A_398, %mul3A_411 : vector<16xf32>
      %get3A_413 = arith.constant 15 : i32
      %get3A_414 = arith.index_cast %get3A_413 : i32 to index
      %get3A_415 = arith.constant 0 : index
      %get3A_416 = tpu.vector_load %arg10[%get3A_414, %get3A_415] {strides = array<i32>} : memref<16x256xf32, #tpu.memory_space<vmem>>, vector<16xf32>,
      %mul3A_417 = vector.broadcast %reduce_sum3A_309 : f32 to vector<16xf32>
      %mul3A_418 = arith.mulf %get3A_416, %mul3A_417 : vector<16xf32>
      %add3A_419 = arith.addf %add3A_405, %mul3A_418 : vector<16xf32>
      %swap3A = arith.index_cast %mul3A_60 : i32 to index
      %swap3A_420 = arith.constant 0 : index
      %swap3A_421 = tpu.vector_load %arg12[%swap3A, %swap3A_420] {strides = array<i32>} : memref<32x256xf32, #tpu.memory_space<vmem>>, vector<16xf32>,
      tpu.vector_store %arg12[%swap3A, %swap3A_420], %add3A_412 {strides = array<i32>} : memref<32x256xf32, #tpu.memory_space<vmem>>, vector<16xf32>,
      %add3A_422 = arith.constant 1 : i32
      %add3A_423 = arith.addi %mul3A_60, %add3A_422 : i32
      %swap3A_424 = arith.index_cast %add3A_423 : i32 to index
      %swap3A_425 = arith.constant 0 : index
      %swap3A_426 = tpu.vector_load %arg12[%swap3A_424, %swap3A_425] {strides = array<i32>} : memref<32x256xf32, #tpu.memory_space<vmem>>, vector<16xf32>,
      tpu.vector_store %arg12[%swap3A_424, %swap3A_425], %add3A_419 {strides = array<i32>} : memref<32x256xf32, #tpu.memory_space<vmem>>, vector<16xf32>,
      %get3A_427 = arith.constant 0 : i32
      %get3A_428 = arith.index_cast %get3A_427 : i32 to index
      %get3A_429 = arith.constant 16 : index
      %get3A_430 = tpu.vector_load %arg10[%get3A_428, %get3A_429] {strides = array<i32>} : memref<16x256xf32, #tpu.memory_space<vmem>>, vector<16xf32>,
      %mul3A_431 = vector.broadcast %reduce_sum3A_159 : f32 to vector<16xf32>
      %mul3A_432 = arith.mulf %get3A_430, %mul3A_431 : vector<16xf32>
      %get3A_433 = arith.constant 8 : i32
      %get3A_434 = arith.index_cast %get3A_433 : i32 to index
      %get3A_435 = arith.constant 16 : index
      %get3A_436 = tpu.vector_load %arg10[%get3A_434, %get3A_435] {strides = array<i32>} : memref<16x256xf32, #tpu.memory_space<vmem>>, vector<16xf32>,
      %mul3A_437 = vector.broadcast %reduce_sum3A_239 : f32 to vector<16xf32>
      %mul3A_438 = arith.mulf %get3A_436, %mul3A_437 : vector<16xf32>
      %get3A_439 = arith.constant 1 : i32
      %get3A_440 = arith.index_cast %get3A_439 : i32 to index
      %get3A_441 = arith.constant 16 : index
      %get3A_442 = tpu.vector_load %arg10[%get3A_440, %get3A_441] {strides = array<i32>} : memref<16x256xf32, #tpu.memory_space<vmem>>, vector<16xf32>,
      %mul3A_443 = vector.broadcast %reduce_sum3A_169 : f32 to vector<16xf32>
      %mul3A_444 = arith.mulf %get3A_442, %mul3A_443 : vector<16xf32>
      %add3A_445 = arith.addf %mul3A_432, %mul3A_444 : vector<16xf32>
      %get3A_446 = arith.constant 9 : i32
      %get3A_447 = arith.index_cast %get3A_446 : i32 to index
      %get3A_448 = arith.constant 16 : index
      %get3A_449 = tpu.vector_load %arg10[%get3A_447, %get3A_448] {strides = array<i32>} : memref<16x256xf32, #tpu.memory_space<vmem>>, vector<16xf32>,
      %mul3A_450 = vector.broadcast %reduce_sum3A_249 : f32 to vector<16xf32>
      %mul3A_451 = arith.mulf %get3A_449, %mul3A_450 : vector<16xf32>
      %add3A_452 = arith.addf %mul3A_438, %mul3A_451 : vector<16xf32>
      %get3A_453 = arith.constant 2 : i32
      %get3A_454 = arith.index_cast %get3A_453 : i32 to index
      %get3A_455 = arith.constant 16 : index
      %get3A_456 = tpu.vector_load %arg10[%get3A_454, %get3A_455] {strides = array<i32>} : memref<16x256xf32, #tpu.memory_space<vmem>>, vector<16xf32>,
      %mul3A_457 = vector.broadcast %reduce_sum3A_179 : f32 to vector<16xf32>
      %mul3A_458 = arith.mulf %get3A_456, %mul3A_457 : vector<16xf32>
      %add3A_459 = arith.addf %add3A_445, %mul3A_458 : vector<16xf32>
      %get3A_460 = arith.constant 10 : i32
      %get3A_461 = arith.index_cast %get3A_460 : i32 to index
      %get3A_462 = arith.constant 16 : index
      %get3A_463 = tpu.vector_load %arg10[%get3A_461, %get3A_462] {strides = array<i32>} : memref<16x256xf32, #tpu.memory_space<vmem>>, vector<16xf32>,
      %mul3A_464 = vector.broadcast %reduce_sum3A_259 : f32 to vector<16xf32>
      %mul3A_465 = arith.mulf %get3A_463, %mul3A_464 : vector<16xf32>
      %add3A_466 = arith.addf %add3A_452, %mul3A_465 : vector<16xf32>
      %get3A_467 = arith.constant 3 : i32
      %get3A_468 = arith.index_cast %get3A_467 : i32 to index
      %get3A_469 = arith.constant 16 : index
      %get3A_470 = tpu.vector_load %arg10[%get3A_468, %get3A_469] {strides = array<i32>} : memref<16x256xf32, #tpu.memory_space<vmem>>, vector<16xf32>,
      %mul3A_471 = vector.broadcast %reduce_sum3A_189 : f32 to vector<16xf32>
      %mul3A_472 = arith.mulf %get3A_470, %mul3A_471 : vector<16xf32>
      %add3A_473 = arith.addf %add3A_459, %mul3A_472 : vector<16xf32>
      %get3A_474 = arith.constant 11 : i32
      %get3A_475 = arith.index_cast %get3A_474 : i32 to index
      %get3A_476 = arith.constant 16 : index
      %get3A_477 = tpu.vector_load %arg10[%get3A_475, %get3A_476] {strides = array<i32>} : memref<16x256xf32, #tpu.memory_space<vmem>>, vector<16xf32>,
      %mul3A_478 = vector.broadcast %reduce_sum3A_269 : f32 to vector<16xf32>
      %mul3A_479 = arith.mulf %get3A_477, %mul3A_478 : vector<16xf32>
      %add3A_480 = arith.addf %add3A_466, %mul3A_479 : vector<16xf32>
      %get3A_481 = arith.constant 4 : i32
      %get3A_482 = arith.index_cast %get3A_481 : i32 to index
      %get3A_483 = arith.constant 16 : index
      %get3A_484 = tpu.vector_load %arg10[%get3A_482, %get3A_483] {strides = array<i32>} : memref<16x256xf32, #tpu.memory_space<vmem>>, vector<16xf32>,
      %mul3A_485 = vector.broadcast %reduce_sum3A_199 : f32 to vector<16xf32>
      %mul3A_486 = arith.mulf %get3A_484, %mul3A_485 : vector<16xf32>
      %add3A_487 = arith.addf %add3A_473, %mul3A_486 : vector<16xf32>
      %get3A_488 = arith.constant 12 : i32
      %get3A_489 = arith.index_cast %get3A_488 : i32 to index
      %get3A_490 = arith.constant 16 : index
      %get3A_491 = tpu.vector_load %arg10[%get3A_489, %get3A_490] {strides = array<i32>} : memref<16x256xf32, #tpu.memory_space<vmem>>, vector<16xf32>,
      %mul3A_492 = vector.broadcast %reduce_sum3A_279 : f32 to vector<16xf32>
      %mul3A_493 = arith.mulf %get3A_491, %mul3A_492 : vector<16xf32>
      %add3A_494 = arith.addf %add3A_480, %mul3A_493 : vector<16xf32>
      %get3A_495 = arith.constant 5 : i32
      %get3A_496 = arith.index_cast %get3A_495 : i32 to index
      %get3A_497 = arith.constant 16 : index
      %get3A_498 = tpu.vector_load %arg10[%get3A_496, %get3A_497] {strides = array<i32>} : memref<16x256xf32, #tpu.memory_space<vmem>>, vector<16xf32>,
      %mul3A_499 = vector.broadcast %reduce_sum3A_209 : f32 to vector<16xf32>
      %mul3A_500 = arith.mulf %get3A_498, %mul3A_499 : vector<16xf32>
      %add3A_501 = arith.addf %add3A_487, %mul3A_500 : vector<16xf32>
      %get3A_502 = arith.constant 13 : i32
      %get3A_503 = arith.index_cast %get3A_502 : i32 to index
      %get3A_504 = arith.constant 16 : index
      %get3A_505 = tpu.vector_load %arg10[%get3A_503, %get3A_504] {strides = array<i32>} : memref<16x256xf32, #tpu.memory_space<vmem>>, vector<16xf32>,
      %mul3A_506 = vector.broadcast %reduce_sum3A_289 : f32 to vector<16xf32>
      %mul3A_507 = arith.mulf %get3A_505, %mul3A_506 : vector<16xf32>
      %add3A_508 = arith.addf %add3A_494, %mul3A_507 : vector<16xf32>
      %get3A_509 = arith.constant 6 : i32
      %get3A_510 = arith.index_cast %get3A_509 : i32 to index
      %get3A_511 = arith.constant 16 : index
      %get3A_512 = tpu.vector_load %arg10[%get3A_510, %get3A_511] {strides = array<i32>} : memref<16x256xf32, #tpu.memory_space<vmem>>, vector<16xf32>,
      %mul3A_513 = vector.broadcast %reduce_sum3A_219 : f32 to vector<16xf32>
      %mul3A_514 = arith.mulf %get3A_512, %mul3A_513 : vector<16xf32>
      %add3A_515 = arith.addf %add3A_501, %mul3A_514 : vector<16xf32>
      %get3A_516 = arith.constant 14 : i32
      %get3A_517 = arith.index_cast %get3A_516 : i32 to index
      %get3A_518 = arith.constant 16 : index
      %get3A_519 = tpu.vector_load %arg10[%get3A_517, %get3A_518] {strides = array<i32>} : memref<16x256xf32, #tpu.memory_space<vmem>>, vector<16xf32>,
      %mul3A_520 = vector.broadcast %reduce_sum3A_299 : f32 to vector<16xf32>
      %mul3A_521 = arith.mulf %get3A_519, %mul3A_520 : vector<16xf32>
      %add3A_522 = arith.addf %add3A_508, %mul3A_521 : vector<16xf32>
      %get3A_523 = arith.constant 7 : i32
      %get3A_524 = arith.index_cast %get3A_523 : i32 to index
      %get3A_525 = arith.constant 16 : index
      %get3A_526 = tpu.vector_load %arg10[%get3A_524, %get3A_525] {strides = array<i32>} : memref<16x256xf32, #tpu.memory_space<vmem>>, vector<16xf32>,
      %mul3A_527 = vector.broadcast %reduce_sum3A_229 : f32 to vector<16xf32>
      %mul3A_528 = arith.mulf %get3A_526, %mul3A_527 : vector<16xf32>
      %add3A_529 = arith.addf %add3A_515, %mul3A_528 : vector<16xf32>
      %get3A_530 = arith.constant 15 : i32
      %get3A_531 = arith.index_cast %get3A_530 : i32 to index
      %get3A_532 = arith.constant 16 : index
      %get3A_533 = tpu.vector_load %arg10[%get3A_531, %get3A_532] {strides = array<i32>} : memref<16x256xf32, #tpu.memory_space<vmem>>, vector<16xf32>,
      %mul3A_534 = vector.broadcast %reduce_sum3A_309 : f32 to vector<16xf32>
      %mul3A_535 = arith.mulf %get3A_533, %mul3A_534 : vector<16xf32>
      %add3A_536 = arith.addf %add3A_522, %mul3A_535 : vector<16xf32>
      %swap3A_537 = arith.index_cast %mul3A_60 : i32 to index
      %swap3A_538 = arith.constant 16 : index
      %swap3A_539 = tpu.vector_load %arg12[%swap3A_537, %swap3A_538] {strides = array<i32>} : memref<32x256xf32, #tpu.memory_space<vmem>>, vector<16xf32>,
      tpu.vector_store %arg12[%swap3A_537, %swap3A_538], %add3A_529 {strides = array<i32>} : memref<32x256xf32, #tpu.memory_space<vmem>>, vector<16xf32>,
      %add3A_540 = arith.constant 1 : i32
      %add3A_541 = arith.addi %mul3A_60, %add3A_540 : i32
      %swap3A_542 = arith.index_cast %add3A_541 : i32 to index
      %swap3A_543 = arith.constant 16 : index
      %swap3A_544 = tpu.vector_load %arg12[%swap3A_542, %swap3A_543] {strides = array<i32>} : memref<32x256xf32, #tpu.memory_space<vmem>>, vector<16xf32>,
      tpu.vector_store %arg12[%swap3A_542, %swap3A_543], %add3A_536 {strides = array<i32>} : memref<32x256xf32, #tpu.memory_space<vmem>>, vector<16xf32>,
      %get3A_545 = arith.constant 0 : i32
      %get3A_546 = arith.index_cast %get3A_545 : i32 to index
      %get3A_547 = arith.constant 32 : index
      %get3A_548 = tpu.vector_load %arg10[%get3A_546, %get3A_547] {strides = array<i32>} : memref<16x256xf32, #tpu.memory_space<vmem>>, vector<16xf32>,
      %mul3A_549 = vector.broadcast %reduce_sum3A_159 : f32 to vector<16xf32>
      %mul3A_550 = arith.mulf %get3A_548, %mul3A_549 : vector<16xf32>
      %get3A_551 = arith.constant 8 : i32
      %get3A_552 = arith.index_cast %get3A_551 : i32 to index
      %get3A_553 = arith.constant 32 : index
      %get3A_554 = tpu.vector_load %arg10[%get3A_552, %get3A_553] {strides = array<i32>} : memref<16x256xf32, #tpu.memory_space<vmem>>, vector<16xf32>,
      %mul3A_555 = vector.broadcast %reduce_sum3A_239 : f32 to vector<16xf32>
      %mul3A_556 = arith.mulf %get3A_554, %mul3A_555 : vector<16xf32>
      %get3A_557 = arith.constant 1 : i32
      %get3A_558 = arith.index_cast %get3A_557 : i32 to index
      %get3A_559 = arith.constant 32 : index
      %get3A_560 = tpu.vector_load %arg10[%get3A_558, %get3A_559] {strides = array<i32>} : memref<16x256xf32, #tpu.memory_space<vmem>>, vector<16xf32>,
      %mul3A_561 = vector.broadcast %reduce_sum3A_169 : f32 to vector<16xf32>
      %mul3A_562 = arith.mulf %get3A_560, %mul3A_561 : vector<16xf32>
      %add3A_563 = arith.addf %mul3A_550, %mul3A_562 : vector<16xf32>
      %get3A_564 = arith.constant 9 : i32
      %get3A_565 = arith.index_cast %get3A_564 : i32 to index
      %get3A_566 = arith.constant 32 : index
      %get3A_567 = tpu.vector_load %arg10[%get3A_565, %get3A_566] {strides = array<i32>} : memref<16x256xf32, #tpu.memory_space<vmem>>, vector<16xf32>,
      %mul3A_568 = vector.broadcast %reduce_sum3A_249 : f32 to vector<16xf32>
      %mul3A_569 = arith.mulf %get3A_567, %mul3A_568 : vector<16xf32>
      %add3A_570 = arith.addf %mul3A_556, %mul3A_569 : vector<16xf32>
      %get3A_571 = arith.constant 2 : i32
      %get3A_572 = arith.index_cast %get3A_571 : i32 to index
      %get3A_573 = arith.constant 32 : index
      %get3A_574 = tpu.vector_load %arg10[%get3A_572, %get3A_573] {strides = array<i32>} : memref<16x256xf32, #tpu.memory_space<vmem>>, vector<16xf32>,
      %mul3A_575 = vector.broadcast %reduce_sum3A_179 : f32 to vector<16xf32>
      %mul3A_576 = arith.mulf %get3A_574, %mul3A_575 : vector<16xf32>
      %add3A_577 = arith.addf %add3A_563, %mul3A_576 : vector<16xf32>
      %get3A_578 = arith.constant 10 : i32
      %get3A_579 = arith.index_cast %get3A_578 : i32 to index
      %get3A_580 = arith.constant 32 : index
      %get3A_581 = tpu.vector_load %arg10[%get3A_579, %get3A_580] {strides = array<i32>} : memref<16x256xf32, #tpu.memory_space<vmem>>, vector<16xf32>,
      %mul3A_582 = vector.broadcast %reduce_sum3A_259 : f32 to vector<16xf32>
      %mul3A_583 = arith.mulf %get3A_581, %mul3A_582 : vector<16xf32>
      %add3A_584 = arith.addf %add3A_570, %mul3A_583 : vector<16xf32>
      %get3A_585 = arith.constant 3 : i32
      %get3A_586 = arith.index_cast %get3A_585 : i32 to index
      %get3A_587 = arith.constant 32 : index
      %get3A_588 = tpu.vector_load %arg10[%get3A_586, %get3A_587] {strides = array<i32>} : memref<16x256xf32, #tpu.memory_space<vmem>>, vector<16xf32>,
      %mul3A_589 = vector.broadcast %reduce_sum3A_189 : f32 to vector<16xf32>
      %mul3A_590 = arith.mulf %get3A_588, %mul3A_589 : vector<16xf32>
      %add3A_591 = arith.addf %add3A_577, %mul3A_590 : vector<16xf32>
      %get3A_592 = arith.constant 11 : i32
      %get3A_593 = arith.index_cast %get3A_592 : i32 to index
      %get3A_594 = arith.constant 32 : index
      %get3A_595 = tpu.vector_load %arg10[%get3A_593, %get3A_594] {strides = array<i32>} : memref<16x256xf32, #tpu.memory_space<vmem>>, vector<16xf32>,
      %mul3A_596 = vector.broadcast %reduce_sum3A_269 : f32 to vector<16xf32>
      %mul3A_597 = arith.mulf %get3A_595, %mul3A_596 : vector<16xf32>
      %add3A_598 = arith.addf %add3A_584, %mul3A_597 : vector<16xf32>
      %get3A_599 = arith.constant 4 : i32
      %get3A_600 = arith.index_cast %get3A_599 : i32 to index
      %get3A_601 = arith.constant 32 : index
      %get3A_602 = tpu.vector_load %arg10[%get3A_600, %get3A_601] {strides = array<i32>} : memref<16x256xf32, #tpu.memory_space<vmem>>, vector<16xf32>,
      %mul3A_603 = vector.broadcast %reduce_sum3A_199 : f32 to vector<16xf32>
      %mul3A_604 = arith.mulf %get3A_602, %mul3A_603 : vector<16xf32>
      %add3A_605 = arith.addf %add3A_591, %mul3A_604 : vector<16xf32>
      %get3A_606 = arith.constant 12 : i32
      %get3A_607 = arith.index_cast %get3A_606 : i32 to index
      %get3A_608 = arith.constant 32 : index
      %get3A_609 = tpu.vector_load %arg10[%get3A_607, %get3A_608] {strides = array<i32>} : memref<16x256xf32, #tpu.memory_space<vmem>>, vector<16xf32>,
      %mul3A_610 = vector.broadcast %reduce_sum3A_279 : f32 to vector<16xf32>
      %mul3A_611 = arith.mulf %get3A_609, %mul3A_610 : vector<16xf32>
      %add3A_612 = arith.addf %add3A_598, %mul3A_611 : vector<16xf32>
      %get3A_613 = arith.constant 5 : i32
      %get3A_614 = arith.index_cast %get3A_613 : i32 to index
      %get3A_615 = arith.constant 32 : index
      %get3A_616 = tpu.vector_load %arg10[%get3A_614, %get3A_615] {strides = array<i32>} : memref<16x256xf32, #tpu.memory_space<vmem>>, vector<16xf32>,
      %mul3A_617 = vector.broadcast %reduce_sum3A_209 : f32 to vector<16xf32>
      %mul3A_618 = arith.mulf %get3A_616, %mul3A_617 : vector<16xf32>
      %add3A_619 = arith.addf %add3A_605, %mul3A_618 : vector<16xf32>
      %get3A_620 = arith.constant 13 : i32
      %get3A_621 = arith.index_cast %get3A_620 : i32 to index
      %get3A_622 = arith.constant 32 : index
      %get3A_623 = tpu.vector_load %arg10[%get3A_621, %get3A_622] {strides = array<i32>} : memref<16x256xf32, #tpu.memory_space<vmem>>, vector<16xf32>,
      %mul3A_624 = vector.broadcast %reduce_sum3A_289 : f32 to vector<16xf32>
      %mul3A_625 = arith.mulf %get3A_623, %mul3A_624 : vector<16xf32>
      %add3A_626 = arith.addf %add3A_612, %mul3A_625 : vector<16xf32>
      %get3A_627 = arith.constant 6 : i32
      %get3A_628 = arith.index_cast %get3A_627 : i32 to index
      %get3A_629 = arith.constant 32 : index
      %get3A_630 = tpu.vector_load %arg10[%get3A_628, %get3A_629] {strides = array<i32>} : memref<16x256xf32, #tpu.memory_space<vmem>>, vector<16xf32>,
      %mul3A_631 = vector.broadcast %reduce_sum3A_219 : f32 to vector<16xf32>
      %mul3A_632 = arith.mulf %get3A_630, %mul3A_631 : vector<16xf32>
      %add3A_633 = arith.addf %add3A_619, %mul3A_632 : vector<16xf32>
      %get3A_634 = arith.constant 14 : i32
      %get3A_635 = arith.index_cast %get3A_634 : i32 to index
      %get3A_636 = arith.constant 32 : index
      %get3A_637 = tpu.vector_load %arg10[%get3A_635, %get3A_636] {strides = array<i32>} : memref<16x256xf32, #tpu.memory_space<vmem>>, vector<16xf32>,
      %mul3A_638 = vector.broadcast %reduce_sum3A_299 : f32 to vector<16xf32>
      %mul3A_639 = arith.mulf %get3A_637, %mul3A_638 : vector<16xf32>
      %add3A_640 = arith.addf %add3A_626, %mul3A_639 : vector<16xf32>
      %get3A_641 = arith.constant 7 : i32
      %get3A_642 = arith.index_cast %get3A_641 : i32 to index
      %get3A_643 = arith.constant 32 : index
      %get3A_644 = tpu.vector_load %arg10[%get3A_642, %get3A_643] {strides = array<i32>} : memref<16x256xf32, #tpu.memory_space<vmem>>, vector<16xf32>,
      %mul3A_645 = vector.broadcast %reduce_sum3A_229 : f32 to vector<16xf32>
      %mul3A_646 = arith.mulf %get3A_644, %mul3A_645 : vector<16xf32>
      %add3A_647 = arith.addf %add3A_633, %mul3A_646 : vector<16xf32>
      %get3A_648 = arith.constant 15 : i32
      %get3A_649 = arith.index_cast %get3A_648 : i32 to index
      %get3A_650 = arith.constant 32 : index
      %get3A_651 = tpu.vector_load %arg10[%get3A_649, %get3A_650] {strides = array<i32>} : memref<16x256xf32, #tpu.memory_space<vmem>>, vector<16xf32>,
      %mul3A_652 = vector.broadcast %reduce_sum3A_309 : f32 to vector<16xf32>
      %mul3A_653 = arith.mulf %get3A_651, %mul3A_652 : vector<16xf32>
      %add3A_654 = arith.addf %add3A_640, %mul3A_653 : vector<16xf32>
      %swap3A_655 = arith.index_cast %mul3A_60 : i32 to index
      %swap3A_656 = arith.constant 32 : index
      %swap3A_657 = tpu.vector_load %arg12[%swap3A_655, %swap3A_656] {strides = array<i32>} : memref<32x256xf32, #tpu.memory_space<vmem>>, vector<16xf32>,
      tpu.vector_store %arg12[%swap3A_655, %swap3A_656], %add3A_647 {strides = array<i32>} : memref<32x256xf32, #tpu.memory_space<vmem>>, vector<16xf32>,
      %add3A_658 = arith.constant 1 : i32
      %add3A_659 = arith.addi %mul3A_60, %add3A_658 : i32
      %swap3A_660 = arith.index_cast %add3A_659 : i32 to index
      %swap3A_661 = arith.constant 32 : index
      %swap3A_662 = tpu.vector_load %arg12[%swap3A_660, %swap3A_661] {strides = array<i32>} : memref<32x256xf32, #tpu.memory_space<vmem>>, vector<16xf32>,
      tpu.vector_store %arg12[%swap3A_660, %swap3A_661], %add3A_654 {strides = array<i32>} : memref<32x256xf32, #tpu.memory_space<vmem>>, vector<16xf32>,
      %get3A_663 = arith.constant 0 : i32
      %get3A_664 = arith.index_cast %get3A_663 : i32 to index
      %get3A_665 = arith.constant 48 : index
      %get3A_666 = tpu.vector_load %arg10[%get3A_664, %get3A_665] {strides = array<i32>} : memref<16x256xf32, #tpu.memory_space<vmem>>, vector<16xf32>,
      %mul3A_667 = vector.broadcast %reduce_sum3A_159 : f32 to vector<16xf32>
      %mul3A_668 = arith.mulf %get3A_666, %mul3A_667 : vector<16xf32>
      %get3A_669 = arith.constant 8 : i32
      %get3A_670 = arith.index_cast %get3A_669 : i32 to index
      %get3A_671 = arith.constant 48 : index
      %get3A_672 = tpu.vector_load %arg10[%get3A_670, %get3A_671] {strides = array<i32>} : memref<16x256xf32, #tpu.memory_space<vmem>>, vector<16xf32>,
      %mul3A_673 = vector.broadcast %reduce_sum3A_239 : f32 to vector<16xf32>
      %mul3A_674 = arith.mulf %get3A_672, %mul3A_673 : vector<16xf32>
      %get3A_675 = arith.constant 1 : i32
      %get3A_676 = arith.index_cast %get3A_675 : i32 to index
      %get3A_677 = arith.constant 48 : index
      %get3A_678 = tpu.vector_load %arg10[%get3A_676, %get3A_677] {strides = array<i32>} : memref<16x256xf32, #tpu.memory_space<vmem>>, vector<16xf32>,
      %mul3A_679 = vector.broadcast %reduce_sum3A_169 : f32 to vector<16xf32>
      %mul3A_680 = arith.mulf %get3A_678, %mul3A_679 : vector<16xf32>
      %add3A_681 = arith.addf %mul3A_668, %mul3A_680 : vector<16xf32>
      %get3A_682 = arith.constant 9 : i32
      %get3A_683 = arith.index_cast %get3A_682 : i32 to index
      %get3A_684 = arith.constant 48 : index
      %get3A_685 = tpu.vector_load %arg10[%get3A_683, %get3A_684] {strides = array<i32>} : memref<16x256xf32, #tpu.memory_space<vmem>>, vector<16xf32>,
      %mul3A_686 = vector.broadcast %reduce_sum3A_249 : f32 to vector<16xf32>
      %mul3A_687 = arith.mulf %get3A_685, %mul3A_686 : vector<16xf32>
      %add3A_688 = arith.addf %mul3A_674, %mul3A_687 : vector<16xf32>
      %get3A_689 = arith.constant 2 : i32
      %get3A_690 = arith.index_cast %get3A_689 : i32 to index
      %get3A_691 = arith.constant 48 : index
      %get3A_692 = tpu.vector_load %arg10[%get3A_690, %get3A_691] {strides = array<i32>} : memref<16x256xf32, #tpu.memory_space<vmem>>, vector<16xf32>,
      %mul3A_693 = vector.broadcast %reduce_sum3A_179 : f32 to vector<16xf32>
      %mul3A_694 = arith.mulf %get3A_692, %mul3A_693 : vector<16xf32>
      %add3A_695 = arith.addf %add3A_681, %mul3A_694 : vector<16xf32>
      %get3A_696 = arith.constant 10 : i32
      %get3A_697 = arith.index_cast %get3A_696 : i32 to index
      %get3A_698 = arith.constant 48 : index
      %get3A_699 = tpu.vector_load %arg10[%get3A_697, %get3A_698] {strides = array<i32>} : memref<16x256xf32, #tpu.memory_space<vmem>>, vector<16xf32>,
      %mul3A_700 = vector.broadcast %reduce_sum3A_259 : f32 to vector<16xf32>
      %mul3A_701 = arith.mulf %get3A_699, %mul3A_700 : vector<16xf32>
      %add3A_702 = arith.addf %add3A_688, %mul3A_701 : vector<16xf32>
      %get3A_703 = arith.constant 3 : i32
      %get3A_704 = arith.index_cast %get3A_703 : i32 to index
      %get3A_705 = arith.constant 48 : index
      %get3A_706 = tpu.vector_load %arg10[%get3A_704, %get3A_705] {strides = array<i32>} : memref<16x256xf32, #tpu.memory_space<vmem>>, vector<16xf32>,
      %mul3A_707 = vector.broadcast %reduce_sum3A_189 : f32 to vector<16xf32>
      %mul3A_708 = arith.mulf %get3A_706, %mul3A_707 : vector<16xf32>
      %add3A_709 = arith.addf %add3A_695, %mul3A_708 : vector<16xf32>
      %get3A_710 = arith.constant 11 : i32
      %get3A_711 = arith.index_cast %get3A_710 : i32 to index
      %get3A_712 = arith.constant 48 : index
      %get3A_713 = tpu.vector_load %arg10[%get3A_711, %get3A_712] {strides = array<i32>} : memref<16x256xf32, #tpu.memory_space<vmem>>, vector<16xf32>,
      %mul3A_714 = vector.broadcast %reduce_sum3A_269 : f32 to vector<16xf32>
      %mul3A_715 = arith.mulf %get3A_713, %mul3A_714 : vector<16xf32>
      %add3A_716 = arith.addf %add3A_702, %mul3A_715 : vector<16xf32>
      %get3A_717 = arith.constant 4 : i32
      %get3A_718 = arith.index_cast %get3A_717 : i32 to index
      %get3A_719 = arith.constant 48 : index
      %get3A_720 = tpu.vector_load %arg10[%get3A_718, %get3A_719] {strides = array<i32>} : memref<16x256xf32, #tpu.memory_space<vmem>>, vector<16xf32>,
      %mul3A_721 = vector.broadcast %reduce_sum3A_199 : f32 to vector<16xf32>
      %mul3A_722 = arith.mulf %get3A_720, %mul3A_721 : vector<16xf32>
      %add3A_723 = arith.addf %add3A_709, %mul3A_722 : vector<16xf32>
      %get3A_724 = arith.constant 12 : i32
      %get3A_725 = arith.index_cast %get3A_724 : i32 to index
      %get3A_726 = arith.constant 48 : index
      %get3A_727 = tpu.vector_load %arg10[%get3A_725, %get3A_726] {strides = array<i32>} : memref<16x256xf32, #tpu.memory_space<vmem>>, vector<16xf32>,
      %mul3A_728 = vector.broadcast %reduce_sum3A_279 : f32 to vector<16xf32>
      %mul3A_729 = arith.mulf %get3A_727, %mul3A_728 : vector<16xf32>
      %add3A_730 = arith.addf %add3A_716, %mul3A_729 : vector<16xf32>
      %get3A_731 = arith.constant 5 : i32
      %get3A_732 = arith.index_cast %get3A_731 : i32 to index
      %get3A_733 = arith.constant 48 : index
      %get3A_734 = tpu.vector_load %arg10[%get3A_732, %get3A_733] {strides = array<i32>} : memref<16x256xf32, #tpu.memory_space<vmem>>, vector<16xf32>,
      %mul3A_735 = vector.broadcast %reduce_sum3A_209 : f32 to vector<16xf32>
      %mul3A_736 = arith.mulf %get3A_734, %mul3A_735 : vector<16xf32>
      %add3A_737 = arith.addf %add3A_723, %mul3A_736 : vector<16xf32>
      %get3A_738 = arith.constant 13 : i32
      %get3A_739 = arith.index_cast %get3A_738 : i32 to index
      %get3A_740 = arith.constant 48 : index
      %get3A_741 = tpu.vector_load %arg10[%get3A_739, %get3A_740] {strides = array<i32>} : memref<16x256xf32, #tpu.memory_space<vmem>>, vector<16xf32>,
      %mul3A_742 = vector.broadcast %reduce_sum3A_289 : f32 to vector<16xf32>
      %mul3A_743 = arith.mulf %get3A_741, %mul3A_742 : vector<16xf32>
      %add3A_744 = arith.addf %add3A_730, %mul3A_743 : vector<16xf32>
      %get3A_745 = arith.constant 6 : i32
      %get3A_746 = arith.index_cast %get3A_745 : i32 to index
      %get3A_747 = arith.constant 48 : index
      %get3A_748 = tpu.vector_load %arg10[%get3A_746, %get3A_747] {strides = array<i32>} : memref<16x256xf32, #tpu.memory_space<vmem>>, vector<16xf32>,
      %mul3A_749 = vector.broadcast %reduce_sum3A_219 : f32 to vector<16xf32>
      %mul3A_750 = arith.mulf %get3A_748, %mul3A_749 : vector<16xf32>
      %add3A_751 = arith.addf %add3A_737, %mul3A_750 : vector<16xf32>
      %get3A_752 = arith.constant 14 : i32
      %get3A_753 = arith.index_cast %get3A_752 : i32 to index
      %get3A_754 = arith.constant 48 : index
      %get3A_755 = tpu.vector_load %arg10[%get3A_753, %get3A_754] {strides = array<i32>} : memref<16x256xf32, #tpu.memory_space<vmem>>, vector<16xf32>,
      %mul3A_756 = vector.broadcast %reduce_sum3A_299 : f32 to vector<16xf32>
      %mul3A_757 = arith.mulf %get3A_755, %mul3A_756 : vector<16xf32>
      %add3A_758 = arith.addf %add3A_744, %mul3A_757 : vector<16xf32>
      %get3A_759 = arith.constant 7 : i32
      %get3A_760 = arith.index_cast %get3A_759 : i32 to index
      %get3A_761 = arith.constant 48 : index
      %get3A_762 = tpu.vector_load %arg10[%get3A_760, %get3A_761] {strides = array<i32>} : memref<16x256xf32, #tpu.memory_space<vmem>>, vector<16xf32>,
      %mul3A_763 = vector.broadcast %reduce_sum3A_229 : f32 to vector<16xf32>
      %mul3A_764 = arith.mulf %get3A_762, %mul3A_763 : vector<16xf32>
      %add3A_765 = arith.addf %add3A_751, %mul3A_764 : vector<16xf32>
      %get3A_766 = arith.constant 15 : i32
      %get3A_767 = arith.index_cast %get3A_766 : i32 to index
      %get3A_768 = arith.constant 48 : index
      %get3A_769 = tpu.vector_load %arg10[%get3A_767, %get3A_768] {strides = array<i32>} : memref<16x256xf32, #tpu.memory_space<vmem>>, vector<16xf32>,
      %mul3A_770 = vector.broadcast %reduce_sum3A_309 : f32 to vector<16xf32>
      %mul3A_771 = arith.mulf %get3A_769, %mul3A_770 : vector<16xf32>
      %add3A_772 = arith.addf %add3A_758, %mul3A_771 : vector<16xf32>
      %swap3A_773 = arith.index_cast %mul3A_60 : i32 to index
      %swap3A_774 = arith.constant 48 : index
      %swap3A_775 = tpu.vector_load %arg12[%swap3A_773, %swap3A_774] {strides = array<i32>} : memref<32x256xf32, #tpu.memory_space<vmem>>, vector<16xf32>,
      tpu.vector_store %arg12[%swap3A_773, %swap3A_774], %add3A_765 {strides = array<i32>} : memref<32x256xf32, #tpu.memory_space<vmem>>, vector<16xf32>,
      %add3A_776 = arith.constant 1 : i32
      %add3A_777 = arith.addi %mul3A_60, %add3A_776 : i32
      %swap3A_778 = arith.index_cast %add3A_777 : i32 to index
      %swap3A_779 = arith.constant 48 : index
      %swap3A_780 = tpu.vector_load %arg12[%swap3A_778, %swap3A_779] {strides = array<i32>} : memref<32x256xf32, #tpu.memory_space<vmem>>, vector<16xf32>,
      tpu.vector_store %arg12[%swap3A_778, %swap3A_779], %add3A_772 {strides = array<i32>} : memref<32x256xf32, #tpu.memory_space<vmem>>, vector<16xf32>,
      %get3A_781 = arith.constant 0 : i32
      %get3A_782 = arith.index_cast %get3A_781 : i32 to index
      %get3A_783 = arith.constant 64 : index
      %get3A_784 = tpu.vector_load %arg10[%get3A_782, %get3A_783] {strides = array<i32>} : memref<16x256xf32, #tpu.memory_space<vmem>>, vector<16xf32>,
      %mul3A_785 = vector.broadcast %reduce_sum3A_159 : f32 to vector<16xf32>
      %mul3A_786 = arith.mulf %get3A_784, %mul3A_785 : vector<16xf32>
      %get3A_787 = arith.constant 8 : i32
      %get3A_788 = arith.index_cast %get3A_787 : i32 to index
      %get3A_789 = arith.constant 64 : index
      %get3A_790 = tpu.vector_load %arg10[%get3A_788, %get3A_789] {strides = array<i32>} : memref<16x256xf32, #tpu.memory_space<vmem>>, vector<16xf32>,
      %mul3A_791 = vector.broadcast %reduce_sum3A_239 : f32 to vector<16xf32>
      %mul3A_792 = arith.mulf %get3A_790, %mul3A_791 : vector<16xf32>
      %get3A_793 = arith.constant 1 : i32
      %get3A_794 = arith.index_cast %get3A_793 : i32 to index
      %get3A_795 = arith.constant 64 : index
      %get3A_796 = tpu.vector_load %arg10[%get3A_794, %get3A_795] {strides = array<i32>} : memref<16x256xf32, #tpu.memory_space<vmem>>, vector<16xf32>,
      %mul3A_797 = vector.broadcast %reduce_sum3A_169 : f32 to vector<16xf32>
      %mul3A_798 = arith.mulf %get3A_796, %mul3A_797 : vector<16xf32>
      %add3A_799 = arith.addf %mul3A_786, %mul3A_798 : vector<16xf32>
      %get3A_800 = arith.constant 9 : i32
      %get3A_801 = arith.index_cast %get3A_800 : i32 to index
      %get3A_802 = arith.constant 64 : index
      %get3A_803 = tpu.vector_load %arg10[%get3A_801, %get3A_802] {strides = array<i32>} : memref<16x256xf32, #tpu.memory_space<vmem>>, vector<16xf32>,
      %mul3A_804 = vector.broadcast %reduce_sum3A_249 : f32 to vector<16xf32>
      %mul3A_805 = arith.mulf %get3A_803, %mul3A_804 : vector<16xf32>
      %add3A_806 = arith.addf %mul3A_792, %mul3A_805 : vector<16xf32>
      %get3A_807 = arith.constant 2 : i32
      %get3A_808 = arith.index_cast %get3A_807 : i32 to index
      %get3A_809 = arith.constant 64 : index
      %get3A_810 = tpu.vector_load %arg10[%get3A_808, %get3A_809] {strides = array<i32>} : memref<16x256xf32, #tpu.memory_space<vmem>>, vector<16xf32>,
      %mul3A_811 = vector.broadcast %reduce_sum3A_179 : f32 to vector<16xf32>
      %mul3A_812 = arith.mulf %get3A_810, %mul3A_811 : vector<16xf32>
      %add3A_813 = arith.addf %add3A_799, %mul3A_812 : vector<16xf32>
      %get3A_814 = arith.constant 10 : i32
      %get3A_815 = arith.index_cast %get3A_814 : i32 to index
      %get3A_816 = arith.constant 64 : index
      %get3A_817 = tpu.vector_load %arg10[%get3A_815, %get3A_816] {strides = array<i32>} : memref<16x256xf32, #tpu.memory_space<vmem>>, vector<16xf32>,
      %mul3A_818 = vector.broadcast %reduce_sum3A_259 : f32 to vector<16xf32>
      %mul3A_819 = arith.mulf %get3A_817, %mul3A_818 : vector<16xf32>
      %add3A_820 = arith.addf %add3A_806, %mul3A_819 : vector<16xf32>
      %get3A_821 = arith.constant 3 : i32
      %get3A_822 = arith.index_cast %get3A_821 : i32 to index
      %get3A_823 = arith.constant 64 : index
      %get3A_824 = tpu.vector_load %arg10[%get3A_822, %get3A_823] {strides = array<i32>} : memref<16x256xf32, #tpu.memory_space<vmem>>, vector<16xf32>,
      %mul3A_825 = vector.broadcast %reduce_sum3A_189 : f32 to vector<16xf32>
      %mul3A_826 = arith.mulf %get3A_824, %mul3A_825 : vector<16xf32>
      %add3A_827 = arith.addf %add3A_813, %mul3A_826 : vector<16xf32>
      %get3A_828 = arith.constant 11 : i32
      %get3A_829 = arith.index_cast %get3A_828 : i32 to index
      %get3A_830 = arith.constant 64 : index
      %get3A_831 = tpu.vector_load %arg10[%get3A_829, %get3A_830] {strides = array<i32>} : memref<16x256xf32, #tpu.memory_space<vmem>>, vector<16xf32>,
      %mul3A_832 = vector.broadcast %reduce_sum3A_269 : f32 to vector<16xf32>
      %mul3A_833 = arith.mulf %get3A_831, %mul3A_832 : vector<16xf32>
      %add3A_834 = arith.addf %add3A_820, %mul3A_833 : vector<16xf32>
      %get3A_835 = arith.constant 4 : i32
      %get3A_836 = arith.index_cast %get3A_835 : i32 to index
      %get3A_837 = arith.constant 64 : index
      %get3A_838 = tpu.vector_load %arg10[%get3A_836, %get3A_837] {strides = array<i32>} : memref<16x256xf32, #tpu.memory_space<vmem>>, vector<16xf32>,
      %mul3A_839 = vector.broadcast %reduce_sum3A_199 : f32 to vector<16xf32>
      %mul3A_840 = arith.mulf %get3A_838, %mul3A_839 : vector<16xf32>
      %add3A_841 = arith.addf %add3A_827, %mul3A_840 : vector<16xf32>
      %get3A_842 = arith.constant 12 : i32
      %get3A_843 = arith.index_cast %get3A_842 : i32 to index
      %get3A_844 = arith.constant 64 : index
      %get3A_845 = tpu.vector_load %arg10[%get3A_843, %get3A_844] {strides = array<i32>} : memref<16x256xf32, #tpu.memory_space<vmem>>, vector<16xf32>,
      %mul3A_846 = vector.broadcast %reduce_sum3A_279 : f32 to vector<16xf32>
      %mul3A_847 = arith.mulf %get3A_845, %mul3A_846 : vector<16xf32>
      %add3A_848 = arith.addf %add3A_834, %mul3A_847 : vector<16xf32>
      %get3A_849 = arith.constant 5 : i32
      %get3A_850 = arith.index_cast %get3A_849 : i32 to index
      %get3A_851 = arith.constant 64 : index
      %get3A_852 = tpu.vector_load %arg10[%get3A_850, %get3A_851] {strides = array<i32>} : memref<16x256xf32, #tpu.memory_space<vmem>>, vector<16xf32>,
      %mul3A_853 = vector.broadcast %reduce_sum3A_209 : f32 to vector<16xf32>
      %mul3A_854 = arith.mulf %get3A_852, %mul3A_853 : vector<16xf32>
      %add3A_855 = arith.addf %add3A_841, %mul3A_854 : vector<16xf32>
      %get3A_856 = arith.constant 13 : i32
      %get3A_857 = arith.index_cast %get3A_856 : i32 to index
      %get3A_858 = arith.constant 64 : index
      %get3A_859 = tpu.vector_load %arg10[%get3A_857, %get3A_858] {strides = array<i32>} : memref<16x256xf32, #tpu.memory_space<vmem>>, vector<16xf32>,
      %mul3A_860 = vector.broadcast %reduce_sum3A_289 : f32 to vector<16xf32>
      %mul3A_861 = arith.mulf %get3A_859, %mul3A_860 : vector<16xf32>
      %add3A_862 = arith.addf %add3A_848, %mul3A_861 : vector<16xf32>
      %get3A_863 = arith.constant 6 : i32
      %get3A_864 = arith.index_cast %get3A_863 : i32 to index
      %get3A_865 = arith.constant 64 : index
      %get3A_866 = tpu.vector_load %arg10[%get3A_864, %get3A_865] {strides = array<i32>} : memref<16x256xf32, #tpu.memory_space<vmem>>, vector<16xf32>,
      %mul3A_867 = vector.broadcast %reduce_sum3A_219 : f32 to vector<16xf32>
      %mul3A_868 = arith.mulf %get3A_866, %mul3A_867 : vector<16xf32>
      %add3A_869 = arith.addf %add3A_855, %mul3A_868 : vector<16xf32>
      %get3A_870 = arith.constant 14 : i32
      %get3A_871 = arith.index_cast %get3A_870 : i32 to index
      %get3A_872 = arith.constant 64 : index
      %get3A_873 = tpu.vector_load %arg10[%get3A_871, %get3A_872] {strides = array<i32>} : memref<16x256xf32, #tpu.memory_space<vmem>>, vector<16xf32>,
      %mul3A_874 = vector.broadcast %reduce_sum3A_299 : f32 to vector<16xf32>
      %mul3A_875 = arith.mulf %get3A_873, %mul3A_874 : vector<16xf32>
      %add3A_876 = arith.addf %add3A_862, %mul3A_875 : vector<16xf32>
      %get3A_877 = arith.constant 7 : i32
      %get3A_878 = arith.index_cast %get3A_877 : i32 to index
      %get3A_879 = arith.constant 64 : index
      %get3A_880 = tpu.vector_load %arg10[%get3A_878, %get3A_879] {strides = array<i32>} : memref<16x256xf32, #tpu.memory_space<vmem>>, vector<16xf32>,
      %mul3A_881 = vector.broadcast %reduce_sum3A_229 : f32 to vector<16xf32>
      %mul3A_882 = arith.mulf %get3A_880, %mul3A_881 : vector<16xf32>
      %add3A_883 = arith.addf %add3A_869, %mul3A_882 : vector<16xf32>
      %get3A_884 = arith.constant 15 : i32
      %get3A_885 = arith.index_cast %get3A_884 : i32 to index
      %get3A_886 = arith.constant 64 : index
      %get3A_887 = tpu.vector_load %arg10[%get3A_885, %get3A_886] {strides = array<i32>} : memref<16x256xf32, #tpu.memory_space<vmem>>, vector<16xf32>,
      %mul3A_888 = vector.broadcast %reduce_sum3A_309 : f32 to vector<16xf32>
      %mul3A_889 = arith.mulf %get3A_887, %mul3A_888 : vector<16xf32>
      %add3A_890 = arith.addf %add3A_876, %mul3A_889 : vector<16xf32>
      %swap3A_891 = arith.index_cast %mul3A_60 : i32 to index
      %swap3A_892 = arith.constant 64 : index
      %swap3A_893 = tpu.vector_load %arg12[%swap3A_891, %swap3A_892] {strides = array<i32>} : memref<32x256xf32, #tpu.memory_space<vmem>>, vector<16xf32>,
      tpu.vector_store %arg12[%swap3A_891, %swap3A_892], %add3A_883 {strides = array<i32>} : memref<32x256xf32, #tpu.memory_space<vmem>>, vector<16xf32>,
      %add3A_894 = arith.constant 1 : i32
      %add3A_895 = arith.addi %mul3A_60, %add3A_894 : i32
      %swap3A_896 = arith.index_cast %add3A_895 : i32 to index
      %swap3A_897 = arith.constant 64 : index
      %swap3A_898 = tpu.vector_load %arg12[%swap3A_896, %swap3A_897] {strides = array<i32>} : memref<32x256xf32, #tpu.memory_space<vmem>>, vector<16xf32>,
      tpu.vector_store %arg12[%swap3A_896, %swap3A_897], %add3A_890 {strides = array<i32>} : memref<32x256xf32, #tpu.memory_space<vmem>>, vector<16xf32>,
      %get3A_899 = arith.constant 0 : i32
      %get3A_900 = arith.index_cast %get3A_899 : i32 to index
      %get3A_901 = arith.constant 80 : index
      %get3A_902 = tpu.vector_load %arg10[%get3A_900, %get3A_901] {strides = array<i32>} : memref<16x256xf32, #tpu.memory_space<vmem>>, vector<16xf32>,
      %mul3A_903 = vector.broadcast %reduce_sum3A_159 : f32 to vector<16xf32>
      %mul3A_904 = arith.mulf %get3A_902, %mul3A_903 : vector<16xf32>
      %get3A_905 = arith.constant 8 : i32
      %get3A_906 = arith.index_cast %get3A_905 : i32 to index
      %get3A_907 = arith.constant 80 : index
      %get3A_908 = tpu.vector_load %arg10[%get3A_906, %get3A_907] {strides = array<i32>} : memref<16x256xf32, #tpu.memory_space<vmem>>, vector<16xf32>,
      %mul3A_909 = vector.broadcast %reduce_sum3A_239 : f32 to vector<16xf32>
      %mul3A_910 = arith.mulf %get3A_908, %mul3A_909 : vector<16xf32>
      %get3A_911 = arith.constant 1 : i32
      %get3A_912 = arith.index_cast %get3A_911 : i32 to index
      %get3A_913 = arith.constant 80 : index
      %get3A_914 = tpu.vector_load %arg10[%get3A_912, %get3A_913] {strides = array<i32>} : memref<16x256xf32, #tpu.memory_space<vmem>>, vector<16xf32>,
      %mul3A_915 = vector.broadcast %reduce_sum3A_169 : f32 to vector<16xf32>
      %mul3A_916 = arith.mulf %get3A_914, %mul3A_915 : vector<16xf32>
      %add3A_917 = arith.addf %mul3A_904, %mul3A_916 : vector<16xf32>
      %get3A_918 = arith.constant 9 : i32
      %get3A_919 = arith.index_cast %get3A_918 : i32 to index
      %get3A_920 = arith.constant 80 : index
      %get3A_921 = tpu.vector_load %arg10[%get3A_919, %get3A_920] {strides = array<i32>} : memref<16x256xf32, #tpu.memory_space<vmem>>, vector<16xf32>,
      %mul3A_922 = vector.broadcast %reduce_sum3A_249 : f32 to vector<16xf32>
      %mul3A_923 = arith.mulf %get3A_921, %mul3A_922 : vector<16xf32>
      %add3A_924 = arith.addf %mul3A_910, %mul3A_923 : vector<16xf32>
      %get3A_925 = arith.constant 2 : i32
      %get3A_926 = arith.index_cast %get3A_925 : i32 to index
      %get3A_927 = arith.constant 80 : index
      %get3A_928 = tpu.vector_load %arg10[%get3A_926, %get3A_927] {strides = array<i32>} : memref<16x256xf32, #tpu.memory_space<vmem>>, vector<16xf32>,
      %mul3A_929 = vector.broadcast %reduce_sum3A_179 : f32 to vector<16xf32>
      %mul3A_930 = arith.mulf %get3A_928, %mul3A_929 : vector<16xf32>
      %add3A_931 = arith.addf %add3A_917, %mul3A_930 : vector<16xf32>
      %get3A_932 = arith.constant 10 : i32
      %get3A_933 = arith.index_cast %get3A_932 : i32 to index
      %get3A_934 = arith.constant 80 : index
      %get3A_935 = tpu.vector_load %arg10[%get3A_933, %get3A_934] {strides = array<i32>} : memref<16x256xf32, #tpu.memory_space<vmem>>, vector<16xf32>,
      %mul3A_936 = vector.broadcast %reduce_sum3A_259 : f32 to vector<16xf32>
      %mul3A_937 = arith.mulf %get3A_935, %mul3A_936 : vector<16xf32>
      %add3A_938 = arith.addf %add3A_924, %mul3A_937 : vector<16xf32>
      %get3A_939 = arith.constant 3 : i32
      %get3A_940 = arith.index_cast %get3A_939 : i32 to index
      %get3A_941 = arith.constant 80 : index
      %get3A_942 = tpu.vector_load %arg10[%get3A_940, %get3A_941] {strides = array<i32>} : memref<16x256xf32, #tpu.memory_space<vmem>>, vector<16xf32>,
      %mul3A_943 = vector.broadcast %reduce_sum3A_189 : f32 to vector<16xf32>
      %mul3A_944 = arith.mulf %get3A_942, %mul3A_943 : vector<16xf32>
      %add3A_945 = arith.addf %add3A_931, %mul3A_944 : vector<16xf32>
      %get3A_946 = arith.constant 11 : i32
      %get3A_947 = arith.index_cast %get3A_946 : i32 to index
      %get3A_948 = arith.constant 80 : index
      %get3A_949 = tpu.vector_load %arg10[%get3A_947, %get3A_948] {strides = array<i32>} : memref<16x256xf32, #tpu.memory_space<vmem>>, vector<16xf32>,
      %mul3A_950 = vector.broadcast %reduce_sum3A_269 : f32 to vector<16xf32>
      %mul3A_951 = arith.mulf %get3A_949, %mul3A_950 : vector<16xf32>
      %add3A_952 = arith.addf %add3A_938, %mul3A_951 : vector<16xf32>
      %get3A_953 = arith.constant 4 : i32
      %get3A_954 = arith.index_cast %get3A_953 : i32 to index
      %get3A_955 = arith.constant 80 : index
      %get3A_956 = tpu.vector_load %arg10[%get3A_954, %get3A_955] {strides = array<i32>} : memref<16x256xf32, #tpu.memory_space<vmem>>, vector<16xf32>,
      %mul3A_957 = vector.broadcast %reduce_sum3A_199 : f32 to vector<16xf32>
      %mul3A_958 = arith.mulf %get3A_956, %mul3A_957 : vector<16xf32>
      %add3A_959 = arith.addf %add3A_945, %mul3A_958 : vector<16xf32>
      %get3A_960 = arith.constant 12 : i32
      %get3A_961 = arith.index_cast %get3A_960 : i32 to index
      %get3A_962 = arith.constant 80 : index
      %get3A_963 = tpu.vector_load %arg10[%get3A_961, %get3A_962] {strides = array<i32>} : memref<16x256xf32, #tpu.memory_space<vmem>>, vector<16xf32>,
      %mul3A_964 = vector.broadcast %reduce_sum3A_279 : f32 to vector<16xf32>
      %mul3A_965 = arith.mulf %get3A_963, %mul3A_964 : vector<16xf32>
      %add3A_966 = arith.addf %add3A_952, %mul3A_965 : vector<16xf32>
      %get3A_967 = arith.constant 5 : i32
      %get3A_968 = arith.index_cast %get3A_967 : i32 to index
      %get3A_969 = arith.constant 80 : index
      %get3A_970 = tpu.vector_load %arg10[%get3A_968, %get3A_969] {strides = array<i32>} : memref<16x256xf32, #tpu.memory_space<vmem>>, vector<16xf32>,
      %mul3A_971 = vector.broadcast %reduce_sum3A_209 : f32 to vector<16xf32>
      %mul3A_972 = arith.mulf %get3A_970, %mul3A_971 : vector<16xf32>
      %add3A_973 = arith.addf %add3A_959, %mul3A_972 : vector<16xf32>
      %get3A_974 = arith.constant 13 : i32
      %get3A_975 = arith.index_cast %get3A_974 : i32 to index
      %get3A_976 = arith.constant 80 : index
      %get3A_977 = tpu.vector_load %arg10[%get3A_975, %get3A_976] {strides = array<i32>} : memref<16x256xf32, #tpu.memory_space<vmem>>, vector<16xf32>,
      %mul3A_978 = vector.broadcast %reduce_sum3A_289 : f32 to vector<16xf32>
      %mul3A_979 = arith.mulf %get3A_977, %mul3A_978 : vector<16xf32>
      %add3A_980 = arith.addf %add3A_966, %mul3A_979 : vector<16xf32>
      %get3A_981 = arith.constant 6 : i32
      %get3A_982 = arith.index_cast %get3A_981 : i32 to index
      %get3A_983 = arith.constant 80 : index
      %get3A_984 = tpu.vector_load %arg10[%get3A_982, %get3A_983] {strides = array<i32>} : memref<16x256xf32, #tpu.memory_space<vmem>>, vector<16xf32>,
      %mul3A_985 = vector.broadcast %reduce_sum3A_219 : f32 to vector<16xf32>
      %mul3A_986 = arith.mulf %get3A_984, %mul3A_985 : vector<16xf32>
      %add3A_987 = arith.addf %add3A_973, %mul3A_986 : vector<16xf32>
      %get3A_988 = arith.constant 14 : i32
      %get3A_989 = arith.index_cast %get3A_988 : i32 to index
      %get3A_990 = arith.constant 80 : index
      %get3A_991 = tpu.vector_load %arg10[%get3A_989, %get3A_990] {strides = array<i32>} : memref<16x256xf32, #tpu.memory_space<vmem>>, vector<16xf32>,
      %mul3A_992 = vector.broadcast %reduce_sum3A_299 : f32 to vector<16xf32>
      %mul3A_993 = arith.mulf %get3A_991, %mul3A_992 : vector<16xf32>
      %add3A_994 = arith.addf %add3A_980, %mul3A_993 : vector<16xf32>
      %get3A_995 = arith.constant 7 : i32
      %get3A_996 = arith.index_cast %get3A_995 : i32 to index
      %get3A_997 = arith.constant 80 : index
      %get3A_998 = tpu.vector_load %arg10[%get3A_996, %get3A_997] {strides = array<i32>} : memref<16x256xf32, #tpu.memory_space<vmem>>, vector<16xf32>,
      %mul3A_999 = vector.broadcast %reduce_sum3A_229 : f32 to vector<16xf32>
      %mul3A_1000 = arith.mulf %get3A_998, %mul3A_999 : vector<16xf32>
      %add3A_1001 = arith.addf %add3A_987, %mul3A_1000 : vector<16xf32>
      %get3A_1002 = arith.constant 15 : i32
      %get3A_1003 = arith.index_cast %get3A_1002 : i32 to index
      %get3A_1004 = arith.constant 80 : index
      %get3A_1005 = tpu.vector_load %arg10[%get3A_1003, %get3A_1004] {strides = array<i32>} : memref<16x256xf32, #tpu.memory_space<vmem>>, vector<16xf32>,
      %mul3A_1006 = vector.broadcast %reduce_sum3A_309 : f32 to vector<16xf32>
      %mul3A_1007 = arith.mulf %get3A_1005, %mul3A_1006 : vector<16xf32>
      %add3A_1008 = arith.addf %add3A_994, %mul3A_1007 : vector<16xf32>
      %swap3A_1009 = arith.index_cast %mul3A_60 : i32 to index
      %swap3A_1010 = arith.constant 80 : index
      %swap3A_1011 = tpu.vector_load %arg12[%swap3A_1009, %swap3A_1010] {strides = array<i32>} : memref<32x256xf32, #tpu.memory_space<vmem>>, vector<16xf32>,
      tpu.vector_store %arg12[%swap3A_1009, %swap3A_1010], %add3A_1001 {strides = array<i32>} : memref<32x256xf32, #tpu.memory_space<vmem>>, vector<16xf32>,
      %add3A_1012 = arith.constant 1 : i32
      %add3A_1013 = arith.addi %mul3A_60, %add3A_1012 : i32
      %swap3A_1014 = arith.index_cast %add3A_1013 : i32 to index
      %swap3A_1015 = arith.constant 80 : index
      %swap3A_1016 = tpu.vector_load %arg12[%swap3A_1014, %swap3A_1015] {strides = array<i32>} : memref<32x256xf32, #tpu.memory_space<vmem>>, vector<16xf32>,
      tpu.vector_store %arg12[%swap3A_1014, %swap3A_1015], %add3A_1008 {strides = array<i32>} : memref<32x256xf32, #tpu.memory_space<vmem>>, vector<16xf32>,
      %get3A_1017 = arith.constant 0 : i32
      %get3A_1018 = arith.index_cast %get3A_1017 : i32 to index
      %get3A_1019 = arith.constant 96 : index
      %get3A_1020 = tpu.vector_load %arg10[%get3A_1018, %get3A_1019] {strides = array<i32>} : memref<16x256xf32, #tpu.memory_space<vmem>>, vector<16xf32>,
      %mul3A_1021 = vector.broadcast %reduce_sum3A_159 : f32 to vector<16xf32>
      %mul3A_1022 = arith.mulf %get3A_1020, %mul3A_1021 : vector<16xf32>
      %get3A_1023 = arith.constant 8 : i32
      %get3A_1024 = arith.index_cast %get3A_1023 : i32 to index
      %get3A_1025 = arith.constant 96 : index
      %get3A_1026 = tpu.vector_load %arg10[%get3A_1024, %get3A_1025] {strides = array<i32>} : memref<16x256xf32, #tpu.memory_space<vmem>>, vector<16xf32>,
      %mul3A_1027 = vector.broadcast %reduce_sum3A_239 : f32 to vector<16xf32>
      %mul3A_1028 = arith.mulf %get3A_1026, %mul3A_1027 : vector<16xf32>
      %get3A_1029 = arith.constant 1 : i32
      %get3A_1030 = arith.index_cast %get3A_1029 : i32 to index
      %get3A_1031 = arith.constant 96 : index
      %get3A_1032 = tpu.vector_load %arg10[%get3A_1030, %get3A_1031] {strides = array<i32>} : memref<16x256xf32, #tpu.memory_space<vmem>>, vector<16xf32>,
      %mul3A_1033 = vector.broadcast %reduce_sum3A_169 : f32 to vector<16xf32>
      %mul3A_1034 = arith.mulf %get3A_1032, %mul3A_1033 : vector<16xf32>
      %add3A_1035 = arith.addf %mul3A_1022, %mul3A_1034 : vector<16xf32>
      %get3A_1036 = arith.constant 9 : i32
      %get3A_1037 = arith.index_cast %get3A_1036 : i32 to index
      %get3A_1038 = arith.constant 96 : index
      %get3A_1039 = tpu.vector_load %arg10[%get3A_1037, %get3A_1038] {strides = array<i32>} : memref<16x256xf32, #tpu.memory_space<vmem>>, vector<16xf32>,
      %mul3A_1040 = vector.broadcast %reduce_sum3A_249 : f32 to vector<16xf32>
      %mul3A_1041 = arith.mulf %get3A_1039, %mul3A_1040 : vector<16xf32>
      %add3A_1042 = arith.addf %mul3A_1028, %mul3A_1041 : vector<16xf32>
      %get3A_1043 = arith.constant 2 : i32
      %get3A_1044 = arith.index_cast %get3A_1043 : i32 to index
      %get3A_1045 = arith.constant 96 : index
      %get3A_1046 = tpu.vector_load %arg10[%get3A_1044, %get3A_1045] {strides = array<i32>} : memref<16x256xf32, #tpu.memory_space<vmem>>, vector<16xf32>,
      %mul3A_1047 = vector.broadcast %reduce_sum3A_179 : f32 to vector<16xf32>
      %mul3A_1048 = arith.mulf %get3A_1046, %mul3A_1047 : vector<16xf32>
      %add3A_1049 = arith.addf %add3A_1035, %mul3A_1048 : vector<16xf32>
      %get3A_1050 = arith.constant 10 : i32
      %get3A_1051 = arith.index_cast %get3A_1050 : i32 to index
      %get3A_1052 = arith.constant 96 : index
      %get3A_1053 = tpu.vector_load %arg10[%get3A_1051, %get3A_1052] {strides = array<i32>} : memref<16x256xf32, #tpu.memory_space<vmem>>, vector<16xf32>,
      %mul3A_1054 = vector.broadcast %reduce_sum3A_259 : f32 to vector<16xf32>
      %mul3A_1055 = arith.mulf %get3A_1053, %mul3A_1054 : vector<16xf32>
      %add3A_1056 = arith.addf %add3A_1042, %mul3A_1055 : vector<16xf32>
      %get3A_1057 = arith.constant 3 : i32
      %get3A_1058 = arith.index_cast %get3A_1057 : i32 to index
      %get3A_1059 = arith.constant 96 : index
      %get3A_1060 = tpu.vector_load %arg10[%get3A_1058, %get3A_1059] {strides = array<i32>} : memref<16x256xf32, #tpu.memory_space<vmem>>, vector<16xf32>,
      %mul3A_1061 = vector.broadcast %reduce_sum3A_189 : f32 to vector<16xf32>
      %mul3A_1062 = arith.mulf %get3A_1060, %mul3A_1061 : vector<16xf32>
      %add3A_1063 = arith.addf %add3A_1049, %mul3A_1062 : vector<16xf32>
      %get3A_1064 = arith.constant 11 : i32
      %get3A_1065 = arith.index_cast %get3A_1064 : i32 to index
      %get3A_1066 = arith.constant 96 : index
      %get3A_1067 = tpu.vector_load %arg10[%get3A_1065, %get3A_1066] {strides = array<i32>} : memref<16x256xf32, #tpu.memory_space<vmem>>, vector<16xf32>,
      %mul3A_1068 = vector.broadcast %reduce_sum3A_269 : f32 to vector<16xf32>
      %mul3A_1069 = arith.mulf %get3A_1067, %mul3A_1068 : vector<16xf32>
      %add3A_1070 = arith.addf %add3A_1056, %mul3A_1069 : vector<16xf32>
      %get3A_1071 = arith.constant 4 : i32
      %get3A_1072 = arith.index_cast %get3A_1071 : i32 to index
      %get3A_1073 = arith.constant 96 : index
      %get3A_1074 = tpu.vector_load %arg10[%get3A_1072, %get3A_1073] {strides = array<i32>} : memref<16x256xf32, #tpu.memory_space<vmem>>, vector<16xf32>,
      %mul3A_1075 = vector.broadcast %reduce_sum3A_199 : f32 to vector<16xf32>
      %mul3A_1076 = arith.mulf %get3A_1074, %mul3A_1075 : vector<16xf32>
      %add3A_1077 = arith.addf %add3A_1063, %mul3A_1076 : vector<16xf32>
      %get3A_1078 = arith.constant 12 : i32
      %get3A_1079 = arith.index_cast %get3A_1078 : i32 to index
      %get3A_1080 = arith.constant 96 : index
      %get3A_1081 = tpu.vector_load %arg10[%get3A_1079, %get3A_1080] {strides = array<i32>} : memref<16x256xf32, #tpu.memory_space<vmem>>, vector<16xf32>,
      %mul3A_1082 = vector.broadcast %reduce_sum3A_279 : f32 to vector<16xf32>
      %mul3A_1083 = arith.mulf %get3A_1081, %mul3A_1082 : vector<16xf32>
      %add3A_1084 = arith.addf %add3A_1070, %mul3A_1083 : vector<16xf32>
      %get3A_1085 = arith.constant 5 : i32
      %get3A_1086 = arith.index_cast %get3A_1085 : i32 to index
      %get3A_1087 = arith.constant 96 : index
      %get3A_1088 = tpu.vector_load %arg10[%get3A_1086, %get3A_1087] {strides = array<i32>} : memref<16x256xf32, #tpu.memory_space<vmem>>, vector<16xf32>,
      %mul3A_1089 = vector.broadcast %reduce_sum3A_209 : f32 to vector<16xf32>
      %mul3A_1090 = arith.mulf %get3A_1088, %mul3A_1089 : vector<16xf32>
      %add3A_1091 = arith.addf %add3A_1077, %mul3A_1090 : vector<16xf32>
      %get3A_1092 = arith.constant 13 : i32
      %get3A_1093 = arith.index_cast %get3A_1092 : i32 to index
      %get3A_1094 = arith.constant 96 : index
      %get3A_1095 = tpu.vector_load %arg10[%get3A_1093, %get3A_1094] {strides = array<i32>} : memref<16x256xf32, #tpu.memory_space<vmem>>, vector<16xf32>,
      %mul3A_1096 = vector.broadcast %reduce_sum3A_289 : f32 to vector<16xf32>
      %mul3A_1097 = arith.mulf %get3A_1095, %mul3A_1096 : vector<16xf32>
      %add3A_1098 = arith.addf %add3A_1084, %mul3A_1097 : vector<16xf32>
      %get3A_1099 = arith.constant 6 : i32
      %get3A_1100 = arith.index_cast %get3A_1099 : i32 to index
      %get3A_1101 = arith.constant 96 : index
      %get3A_1102 = tpu.vector_load %arg10[%get3A_1100, %get3A_1101] {strides = array<i32>} : memref<16x256xf32, #tpu.memory_space<vmem>>, vector<16xf32>,
      %mul3A_1103 = vector.broadcast %reduce_sum3A_219 : f32 to vector<16xf32>
      %mul3A_1104 = arith.mulf %get3A_1102, %mul3A_1103 : vector<16xf32>
      %add3A_1105 = arith.addf %add3A_1091, %mul3A_1104 : vector<16xf32>
      %get3A_1106 = arith.constant 14 : i32
      %get3A_1107 = arith.index_cast %get3A_1106 : i32 to index
      %get3A_1108 = arith.constant 96 : index
      %get3A_1109 = tpu.vector_load %arg10[%get3A_1107, %get3A_1108] {strides = array<i32>} : memref<16x256xf32, #tpu.memory_space<vmem>>, vector<16xf32>,
      %mul3A_1110 = vector.broadcast %reduce_sum3A_299 : f32 to vector<16xf32>
      %mul3A_1111 = arith.mulf %get3A_1109, %mul3A_1110 : vector<16xf32>
      %add3A_1112 = arith.addf %add3A_1098, %mul3A_1111 : vector<16xf32>
      %get3A_1113 = arith.constant 7 : i32
      %get3A_1114 = arith.index_cast %get3A_1113 : i32 to index
      %get3A_1115 = arith.constant 96 : index
      %get3A_1116 = tpu.vector_load %arg10[%get3A_1114, %get3A_1115] {strides = array<i32>} : memref<16x256xf32, #tpu.memory_space<vmem>>, vector<16xf32>,
      %mul3A_1117 = vector.broadcast %reduce_sum3A_229 : f32 to vector<16xf32>
      %mul3A_1118 = arith.mulf %get3A_1116, %mul3A_1117 : vector<16xf32>
      %add3A_1119 = arith.addf %add3A_1105, %mul3A_1118 : vector<16xf32>
      %get3A_1120 = arith.constant 15 : i32
      %get3A_1121 = arith.index_cast %get3A_1120 : i32 to index
      %get3A_1122 = arith.constant 96 : index
      %get3A_1123 = tpu.vector_load %arg10[%get3A_1121, %get3A_1122] {strides = array<i32>} : memref<16x256xf32, #tpu.memory_space<vmem>>, vector<16xf32>,
      %mul3A_1124 = vector.broadcast %reduce_sum3A_309 : f32 to vector<16xf32>
      %mul3A_1125 = arith.mulf %get3A_1123, %mul3A_1124 : vector<16xf32>
      %add3A_1126 = arith.addf %add3A_1112, %mul3A_1125 : vector<16xf32>
      %swap3A_1127 = arith.index_cast %mul3A_60 : i32 to index
      %swap3A_1128 = arith.constant 96 : index
      %swap3A_1129 = tpu.vector_load %arg12[%swap3A_1127, %swap3A_1128] {strides = array<i32>} : memref<32x256xf32, #tpu.memory_space<vmem>>, vector<16xf32>,
      tpu.vector_store %arg12[%swap3A_1127, %swap3A_1128], %add3A_1119 {strides = array<i32>} : memref<32x256xf32, #tpu.memory_space<vmem>>, vector<16xf32>,
      %add3A_1130 = arith.constant 1 : i32
      %add3A_1131 = arith.addi %mul3A_60, %add3A_1130 : i32
      %swap3A_1132 = arith.index_cast %add3A_1131 : i32 to index
      %swap3A_1133 = arith.constant 96 : index
      %swap3A_1134 = tpu.vector_load %arg12[%swap3A_1132, %swap3A_1133] {strides = array<i32>} : memref<32x256xf32, #tpu.memory_space<vmem>>, vector<16xf32>,
      tpu.vector_store %arg12[%swap3A_1132, %swap3A_1133], %add3A_1126 {strides = array<i32>} : memref<32x256xf32, #tpu.memory_space<vmem>>, vector<16xf32>,
      %get3A_1135 = arith.constant 0 : i32
      %get3A_1136 = arith.index_cast %get3A_1135 : i32 to index
      %get3A_1137 = arith.constant 112 : index
      %get3A_1138 = tpu.vector_load %arg10[%get3A_1136, %get3A_1137] {strides = array<i32>} : memref<16x256xf32, #tpu.memory_space<vmem>>, vector<16xf32>,
      %mul3A_1139 = vector.broadcast %reduce_sum3A_159 : f32 to vector<16xf32>
      %mul3A_1140 = arith.mulf %get3A_1138, %mul3A_1139 : vector<16xf32>
      %get3A_1141 = arith.constant 8 : i32
      %get3A_1142 = arith.index_cast %get3A_1141 : i32 to index
      %get3A_1143 = arith.constant 112 : index
      %get3A_1144 = tpu.vector_load %arg10[%get3A_1142, %get3A_1143] {strides = array<i32>} : memref<16x256xf32, #tpu.memory_space<vmem>>, vector<16xf32>,
      %mul3A_1145 = vector.broadcast %reduce_sum3A_239 : f32 to vector<16xf32>
      %mul3A_1146 = arith.mulf %get3A_1144, %mul3A_1145 : vector<16xf32>
      %get3A_1147 = arith.constant 1 : i32
      %get3A_1148 = arith.index_cast %get3A_1147 : i32 to index
      %get3A_1149 = arith.constant 112 : index
      %get3A_1150 = tpu.vector_load %arg10[%get3A_1148, %get3A_1149] {strides = array<i32>} : memref<16x256xf32, #tpu.memory_space<vmem>>, vector<16xf32>,
      %mul3A_1151 = vector.broadcast %reduce_sum3A_169 : f32 to vector<16xf32>
      %mul3A_1152 = arith.mulf %get3A_1150, %mul3A_1151 : vector<16xf32>
      %add3A_1153 = arith.addf %mul3A_1140, %mul3A_1152 : vector<16xf32>
      %get3A_1154 = arith.constant 9 : i32
      %get3A_1155 = arith.index_cast %get3A_1154 : i32 to index
      %get3A_1156 = arith.constant 112 : index
      %get3A_1157 = tpu.vector_load %arg10[%get3A_1155, %get3A_1156] {strides = array<i32>} : memref<16x256xf32, #tpu.memory_space<vmem>>, vector<16xf32>,
      %mul3A_1158 = vector.broadcast %reduce_sum3A_249 : f32 to vector<16xf32>
      %mul3A_1159 = arith.mulf %get3A_1157, %mul3A_1158 : vector<16xf32>
      %add3A_1160 = arith.addf %mul3A_1146, %mul3A_1159 : vector<16xf32>
      %get3A_1161 = arith.constant 2 : i32
      %get3A_1162 = arith.index_cast %get3A_1161 : i32 to index
      %get3A_1163 = arith.constant 112 : index
      %get3A_1164 = tpu.vector_load %arg10[%get3A_1162, %get3A_1163] {strides = array<i32>} : memref<16x256xf32, #tpu.memory_space<vmem>>, vector<16xf32>,
      %mul3A_1165 = vector.broadcast %reduce_sum3A_179 : f32 to vector<16xf32>
      %mul3A_1166 = arith.mulf %get3A_1164, %mul3A_1165 : vector<16xf32>
      %add3A_1167 = arith.addf %add3A_1153, %mul3A_1166 : vector<16xf32>
      %get3A_1168 = arith.constant 10 : i32
      %get3A_1169 = arith.index_cast %get3A_1168 : i32 to index
      %get3A_1170 = arith.constant 112 : index
      %get3A_1171 = tpu.vector_load %arg10[%get3A_1169, %get3A_1170] {strides = array<i32>} : memref<16x256xf32, #tpu.memory_space<vmem>>, vector<16xf32>,
      %mul3A_1172 = vector.broadcast %reduce_sum3A_259 : f32 to vector<16xf32>
      %mul3A_1173 = arith.mulf %get3A_1171, %mul3A_1172 : vector<16xf32>
      %add3A_1174 = arith.addf %add3A_1160, %mul3A_1173 : vector<16xf32>
      %get3A_1175 = arith.constant 3 : i32
      %get3A_1176 = arith.index_cast %get3A_1175 : i32 to index
      %get3A_1177 = arith.constant 112 : index
      %get3A_1178 = tpu.vector_load %arg10[%get3A_1176, %get3A_1177] {strides = array<i32>} : memref<16x256xf32, #tpu.memory_space<vmem>>, vector<16xf32>,
      %mul3A_1179 = vector.broadcast %reduce_sum3A_189 : f32 to vector<16xf32>
      %mul3A_1180 = arith.mulf %get3A_1178, %mul3A_1179 : vector<16xf32>
      %add3A_1181 = arith.addf %add3A_1167, %mul3A_1180 : vector<16xf32>
      %get3A_1182 = arith.constant 11 : i32
      %get3A_1183 = arith.index_cast %get3A_1182 : i32 to index
      %get3A_1184 = arith.constant 112 : index
      %get3A_1185 = tpu.vector_load %arg10[%get3A_1183, %get3A_1184] {strides = array<i32>} : memref<16x256xf32, #tpu.memory_space<vmem>>, vector<16xf32>,
      %mul3A_1186 = vector.broadcast %reduce_sum3A_269 : f32 to vector<16xf32>
      %mul3A_1187 = arith.mulf %get3A_1185, %mul3A_1186 : vector<16xf32>
      %add3A_1188 = arith.addf %add3A_1174, %mul3A_1187 : vector<16xf32>
      %get3A_1189 = arith.constant 4 : i32
      %get3A_1190 = arith.index_cast %get3A_1189 : i32 to index
      %get3A_1191 = arith.constant 112 : index
      %get3A_1192 = tpu.vector_load %arg10[%get3A_1190, %get3A_1191] {strides = array<i32>} : memref<16x256xf32, #tpu.memory_space<vmem>>, vector<16xf32>,
      %mul3A_1193 = vector.broadcast %reduce_sum3A_199 : f32 to vector<16xf32>
      %mul3A_1194 = arith.mulf %get3A_1192, %mul3A_1193 : vector<16xf32>
      %add3A_1195 = arith.addf %add3A_1181, %mul3A_1194 : vector<16xf32>
      %get3A_1196 = arith.constant 12 : i32
      %get3A_1197 = arith.index_cast %get3A_1196 : i32 to index
      %get3A_1198 = arith.constant 112 : index
      %get3A_1199 = tpu.vector_load %arg10[%get3A_1197, %get3A_1198] {strides = array<i32>} : memref<16x256xf32, #tpu.memory_space<vmem>>, vector<16xf32>,
      %mul3A_1200 = vector.broadcast %reduce_sum3A_279 : f32 to vector<16xf32>
      %mul3A_1201 = arith.mulf %get3A_1199, %mul3A_1200 : vector<16xf32>
      %add3A_1202 = arith.addf %add3A_1188, %mul3A_1201 : vector<16xf32>
      %get3A_1203 = arith.constant 5 : i32
      %get3A_1204 = arith.index_cast %get3A_1203 : i32 to index
      %get3A_1205 = arith.constant 112 : index
      %get3A_1206 = tpu.vector_load %arg10[%get3A_1204, %get3A_1205] {strides = array<i32>} : memref<16x256xf32, #tpu.memory_space<vmem>>, vector<16xf32>,
      %mul3A_1207 = vector.broadcast %reduce_sum3A_209 : f32 to vector<16xf32>
      %mul3A_1208 = arith.mulf %get3A_1206, %mul3A_1207 : vector<16xf32>
      %add3A_1209 = arith.addf %add3A_1195, %mul3A_1208 : vector<16xf32>
      %get3A_1210 = arith.constant 13 : i32
      %get3A_1211 = arith.index_cast %get3A_1210 : i32 to index
      %get3A_1212 = arith.constant 112 : index
      %get3A_1213 = tpu.vector_load %arg10[%get3A_1211, %get3A_1212] {strides = array<i32>} : memref<16x256xf32, #tpu.memory_space<vmem>>, vector<16xf32>,
      %mul3A_1214 = vector.broadcast %reduce_sum3A_289 : f32 to vector<16xf32>
      %mul3A_1215 = arith.mulf %get3A_1213, %mul3A_1214 : vector<16xf32>
      %add3A_1216 = arith.addf %add3A_1202, %mul3A_1215 : vector<16xf32>
      %get3A_1217 = arith.constant 6 : i32
      %get3A_1218 = arith.index_cast %get3A_1217 : i32 to index
      %get3A_1219 = arith.constant 112 : index
      %get3A_1220 = tpu.vector_load %arg10[%get3A_1218, %get3A_1219] {strides = array<i32>} : memref<16x256xf32, #tpu.memory_space<vmem>>, vector<16xf32>,
      %mul3A_1221 = vector.broadcast %reduce_sum3A_219 : f32 to vector<16xf32>
      %mul3A_1222 = arith.mulf %get3A_1220, %mul3A_1221 : vector<16xf32>
      %add3A_1223 = arith.addf %add3A_1209, %mul3A_1222 : vector<16xf32>
      %get3A_1224 = arith.constant 14 : i32
      %get3A_1225 = arith.index_cast %get3A_1224 : i32 to index
      %get3A_1226 = arith.constant 112 : index
      %get3A_1227 = tpu.vector_load %arg10[%get3A_1225, %get3A_1226] {strides = array<i32>} : memref<16x256xf32, #tpu.memory_space<vmem>>, vector<16xf32>,
      %mul3A_1228 = vector.broadcast %reduce_sum3A_299 : f32 to vector<16xf32>
      %mul3A_1229 = arith.mulf %get3A_1227, %mul3A_1228 : vector<16xf32>
      %add3A_1230 = arith.addf %add3A_1216, %mul3A_1229 : vector<16xf32>
      %get3A_1231 = arith.constant 7 : i32
      %get3A_1232 = arith.index_cast %get3A_1231 : i32 to index
      %get3A_1233 = arith.constant 112 : index
      %get3A_1234 = tpu.vector_load %arg10[%get3A_1232, %get3A_1233] {strides = array<i32>} : memref<16x256xf32, #tpu.memory_space<vmem>>, vector<16xf32>,
      %mul3A_1235 = vector.broadcast %reduce_sum3A_229 : f32 to vector<16xf32>
      %mul3A_1236 = arith.mulf %get3A_1234, %mul3A_1235 : vector<16xf32>
      %add3A_1237 = arith.addf %add3A_1223, %mul3A_1236 : vector<16xf32>
      %get3A_1238 = arith.constant 15 : i32
      %get3A_1239 = arith.index_cast %get3A_1238 : i32 to index
      %get3A_1240 = arith.constant 112 : index
      %get3A_1241 = tpu.vector_load %arg10[%get3A_1239, %get3A_1240] {strides = array<i32>} : memref<16x256xf32, #tpu.memory_space<vmem>>, vector<16xf32>,
      %mul3A_1242 = vector.broadcast %reduce_sum3A_309 : f32 to vector<16xf32>
      %mul3A_1243 = arith.mulf %get3A_1241, %mul3A_1242 : vector<16xf32>
      %add3A_1244 = arith.addf %add3A_1230, %mul3A_1243 : vector<16xf32>
      %swap3A_1245 = arith.index_cast %mul3A_60 : i32 to index
      %swap3A_1246 = arith.constant 112 : index
      %swap3A_1247 = tpu.vector_load %arg12[%swap3A_1245, %swap3A_1246] {strides = array<i32>} : memref<32x256xf32, #tpu.memory_space<vmem>>, vector<16xf32>,
      tpu.vector_store %arg12[%swap3A_1245, %swap3A_1246], %add3A_1237 {strides = array<i32>} : memref<32x256xf32, #tpu.memory_space<vmem>>, vector<16xf32>,
      %add3A_1248 = arith.constant 1 : i32
      %add3A_1249 = arith.addi %mul3A_60, %add3A_1248 : i32
      %swap3A_1250 = arith.index_cast %add3A_1249 : i32 to index
      %swap3A_1251 = arith.constant 112 : index
      %swap3A_1252 = tpu.vector_load %arg12[%swap3A_1250, %swap3A_1251] {strides = array<i32>} : memref<32x256xf32, #tpu.memory_space<vmem>>, vector<16xf32>,
      tpu.vector_store %arg12[%swap3A_1250, %swap3A_1251], %add3A_1244 {strides = array<i32>} : memref<32x256xf32, #tpu.memory_space<vmem>>, vector<16xf32>,
      %get3A_1253 = arith.constant 0 : i32
      %get3A_1254 = arith.index_cast %get3A_1253 : i32 to index
      %get3A_1255 = arith.constant 128 : index
      %get3A_1256 = tpu.vector_load %arg10[%get3A_1254, %get3A_1255] {strides = array<i32>} : memref<16x256xf32, #tpu.memory_space<vmem>>, vector<16xf32>,
      %mul3A_1257 = vector.broadcast %reduce_sum3A_159 : f32 to vector<16xf32>
      %mul3A_1258 = arith.mulf %get3A_1256, %mul3A_1257 : vector<16xf32>
      %get3A_1259 = arith.constant 8 : i32
      %get3A_1260 = arith.index_cast %get3A_1259 : i32 to index
      %get3A_1261 = arith.constant 128 : index
      %get3A_1262 = tpu.vector_load %arg10[%get3A_1260, %get3A_1261] {strides = array<i32>} : memref<16x256xf32, #tpu.memory_space<vmem>>, vector<16xf32>,
      %mul3A_1263 = vector.broadcast %reduce_sum3A_239 : f32 to vector<16xf32>
      %mul3A_1264 = arith.mulf %get3A_1262, %mul3A_1263 : vector<16xf32>
      %get3A_1265 = arith.constant 1 : i32
      %get3A_1266 = arith.index_cast %get3A_1265 : i32 to index
      %get3A_1267 = arith.constant 128 : index
      %get3A_1268 = tpu.vector_load %arg10[%get3A_1266, %get3A_1267] {strides = array<i32>} : memref<16x256xf32, #tpu.memory_space<vmem>>, vector<16xf32>,
      %mul3A_1269 = vector.broadcast %reduce_sum3A_169 : f32 to vector<16xf32>
      %mul3A_1270 = arith.mulf %get3A_1268, %mul3A_1269 : vector<16xf32>
      %add3A_1271 = arith.addf %mul3A_1258, %mul3A_1270 : vector<16xf32>
      %get3A_1272 = arith.constant 9 : i32
      %get3A_1273 = arith.index_cast %get3A_1272 : i32 to index
      %get3A_1274 = arith.constant 128 : index
      %get3A_1275 = tpu.vector_load %arg10[%get3A_1273, %get3A_1274] {strides = array<i32>} : memref<16x256xf32, #tpu.memory_space<vmem>>, vector<16xf32>,
      %mul3A_1276 = vector.broadcast %reduce_sum3A_249 : f32 to vector<16xf32>
      %mul3A_1277 = arith.mulf %get3A_1275, %mul3A_1276 : vector<16xf32>
      %add3A_1278 = arith.addf %mul3A_1264, %mul3A_1277 : vector<16xf32>
      %get3A_1279 = arith.constant 2 : i32
      %get3A_1280 = arith.index_cast %get3A_1279 : i32 to index
      %get3A_1281 = arith.constant 128 : index
      %get3A_1282 = tpu.vector_load %arg10[%get3A_1280, %get3A_1281] {strides = array<i32>} : memref<16x256xf32, #tpu.memory_space<vmem>>, vector<16xf32>,
      %mul3A_1283 = vector.broadcast %reduce_sum3A_179 : f32 to vector<16xf32>
      %mul3A_1284 = arith.mulf %get3A_1282, %mul3A_1283 : vector<16xf32>
      %add3A_1285 = arith.addf %add3A_1271, %mul3A_1284 : vector<16xf32>
      %get3A_1286 = arith.constant 10 : i32
      %get3A_1287 = arith.index_cast %get3A_1286 : i32 to index
      %get3A_1288 = arith.constant 128 : index
      %get3A_1289 = tpu.vector_load %arg10[%get3A_1287, %get3A_1288] {strides = array<i32>} : memref<16x256xf32, #tpu.memory_space<vmem>>, vector<16xf32>,
      %mul3A_1290 = vector.broadcast %reduce_sum3A_259 : f32 to vector<16xf32>
      %mul3A_1291 = arith.mulf %get3A_1289, %mul3A_1290 : vector<16xf32>
      %add3A_1292 = arith.addf %add3A_1278, %mul3A_1291 : vector<16xf32>
      %get3A_1293 = arith.constant 3 : i32
      %get3A_1294 = arith.index_cast %get3A_1293 : i32 to index
      %get3A_1295 = arith.constant 128 : index
      %get3A_1296 = tpu.vector_load %arg10[%get3A_1294, %get3A_1295] {strides = array<i32>} : memref<16x256xf32, #tpu.memory_space<vmem>>, vector<16xf32>,
      %mul3A_1297 = vector.broadcast %reduce_sum3A_189 : f32 to vector<16xf32>
      %mul3A_1298 = arith.mulf %get3A_1296, %mul3A_1297 : vector<16xf32>
      %add3A_1299 = arith.addf %add3A_1285, %mul3A_1298 : vector<16xf32>
      %get3A_1300 = arith.constant 11 : i32
      %get3A_1301 = arith.index_cast %get3A_1300 : i32 to index
      %get3A_1302 = arith.constant 128 : index
      %get3A_1303 = tpu.vector_load %arg10[%get3A_1301, %get3A_1302] {strides = array<i32>} : memref<16x256xf32, #tpu.memory_space<vmem>>, vector<16xf32>,
      %mul3A_1304 = vector.broadcast %reduce_sum3A_269 : f32 to vector<16xf32>
      %mul3A_1305 = arith.mulf %get3A_1303, %mul3A_1304 : vector<16xf32>
      %add3A_1306 = arith.addf %add3A_1292, %mul3A_1305 : vector<16xf32>
      %get3A_1307 = arith.constant 4 : i32
      %get3A_1308 = arith.index_cast %get3A_1307 : i32 to index
      %get3A_1309 = arith.constant 128 : index
      %get3A_1310 = tpu.vector_load %arg10[%get3A_1308, %get3A_1309] {strides = array<i32>} : memref<16x256xf32, #tpu.memory_space<vmem>>, vector<16xf32>,
      %mul3A_1311 = vector.broadcast %reduce_sum3A_199 : f32 to vector<16xf32>
      %mul3A_1312 = arith.mulf %get3A_1310, %mul3A_1311 : vector<16xf32>
      %add3A_1313 = arith.addf %add3A_1299, %mul3A_1312 : vector<16xf32>
      %get3A_1314 = arith.constant 12 : i32
      %get3A_1315 = arith.index_cast %get3A_1314 : i32 to index
      %get3A_1316 = arith.constant 128 : index
      %get3A_1317 = tpu.vector_load %arg10[%get3A_1315, %get3A_1316] {strides = array<i32>} : memref<16x256xf32, #tpu.memory_space<vmem>>, vector<16xf32>,
      %mul3A_1318 = vector.broadcast %reduce_sum3A_279 : f32 to vector<16xf32>
      %mul3A_1319 = arith.mulf %get3A_1317, %mul3A_1318 : vector<16xf32>
      %add3A_1320 = arith.addf %add3A_1306, %mul3A_1319 : vector<16xf32>
      %get3A_1321 = arith.constant 5 : i32
      %get3A_1322 = arith.index_cast %get3A_1321 : i32 to index
      %get3A_1323 = arith.constant 128 : index
      %get3A_1324 = tpu.vector_load %arg10[%get3A_1322, %get3A_1323] {strides = array<i32>} : memref<16x256xf32, #tpu.memory_space<vmem>>, vector<16xf32>,
      %mul3A_1325 = vector.broadcast %reduce_sum3A_209 : f32 to vector<16xf32>
      %mul3A_1326 = arith.mulf %get3A_1324, %mul3A_1325 : vector<16xf32>
      %add3A_1327 = arith.addf %add3A_1313, %mul3A_1326 : vector<16xf32>
      %get3A_1328 = arith.constant 13 : i32
      %get3A_1329 = arith.index_cast %get3A_1328 : i32 to index
      %get3A_1330 = arith.constant 128 : index
      %get3A_1331 = tpu.vector_load %arg10[%get3A_1329, %get3A_1330] {strides = array<i32>} : memref<16x256xf32, #tpu.memory_space<vmem>>, vector<16xf32>,
      %mul3A_1332 = vector.broadcast %reduce_sum3A_289 : f32 to vector<16xf32>
      %mul3A_1333 = arith.mulf %get3A_1331, %mul3A_1332 : vector<16xf32>
      %add3A_1334 = arith.addf %add3A_1320, %mul3A_1333 : vector<16xf32>
      %get3A_1335 = arith.constant 6 : i32
      %get3A_1336 = arith.index_cast %get3A_1335 : i32 to index
      %get3A_1337 = arith.constant 128 : index
      %get3A_1338 = tpu.vector_load %arg10[%get3A_1336, %get3A_1337] {strides = array<i32>} : memref<16x256xf32, #tpu.memory_space<vmem>>, vector<16xf32>,
      %mul3A_1339 = vector.broadcast %reduce_sum3A_219 : f32 to vector<16xf32>
      %mul3A_1340 = arith.mulf %get3A_1338, %mul3A_1339 : vector<16xf32>
      %add3A_1341 = arith.addf %add3A_1327, %mul3A_1340 : vector<16xf32>
      %get3A_1342 = arith.constant 14 : i32
      %get3A_1343 = arith.index_cast %get3A_1342 : i32 to index
      %get3A_1344 = arith.constant 128 : index
      %get3A_1345 = tpu.vector_load %arg10[%get3A_1343, %get3A_1344] {strides = array<i32>} : memref<16x256xf32, #tpu.memory_space<vmem>>, vector<16xf32>,
      %mul3A_1346 = vector.broadcast %reduce_sum3A_299 : f32 to vector<16xf32>
      %mul3A_1347 = arith.mulf %get3A_1345, %mul3A_1346 : vector<16xf32>
      %add3A_1348 = arith.addf %add3A_1334, %mul3A_1347 : vector<16xf32>
      %get3A_1349 = arith.constant 7 : i32
      %get3A_1350 = arith.index_cast %get3A_1349 : i32 to index
      %get3A_1351 = arith.constant 128 : index
      %get3A_1352 = tpu.vector_load %arg10[%get3A_1350, %get3A_1351] {strides = array<i32>} : memref<16x256xf32, #tpu.memory_space<vmem>>, vector<16xf32>,
      %mul3A_1353 = vector.broadcast %reduce_sum3A_229 : f32 to vector<16xf32>
      %mul3A_1354 = arith.mulf %get3A_1352, %mul3A_1353 : vector<16xf32>
      %add3A_1355 = arith.addf %add3A_1341, %mul3A_1354 : vector<16xf32>
      %get3A_1356 = arith.constant 15 : i32
      %get3A_1357 = arith.index_cast %get3A_1356 : i32 to index
      %get3A_1358 = arith.constant 128 : index
      %get3A_1359 = tpu.vector_load %arg10[%get3A_1357, %get3A_1358] {strides = array<i32>} : memref<16x256xf32, #tpu.memory_space<vmem>>, vector<16xf32>,
      %mul3A_1360 = vector.broadcast %reduce_sum3A_309 : f32 to vector<16xf32>
      %mul3A_1361 = arith.mulf %get3A_1359, %mul3A_1360 : vector<16xf32>
      %add3A_1362 = arith.addf %add3A_1348, %mul3A_1361 : vector<16xf32>
      %swap3A_1363 = arith.index_cast %mul3A_60 : i32 to index
      %swap3A_1364 = arith.constant 128 : index
      %swap3A_1365 = tpu.vector_load %arg12[%swap3A_1363, %swap3A_1364] {strides = array<i32>} : memref<32x256xf32, #tpu.memory_space<vmem>>, vector<16xf32>,
      tpu.vector_store %arg12[%swap3A_1363, %swap3A_1364], %add3A_1355 {strides = array<i32>} : memref<32x256xf32, #tpu.memory_space<vmem>>, vector<16xf32>,
      %add3A_1366 = arith.constant 1 : i32
      %add3A_1367 = arith.addi %mul3A_60, %add3A_1366 : i32
      %swap3A_1368 = arith.index_cast %add3A_1367 : i32 to index
      %swap3A_1369 = arith.constant 128 : index
      %swap3A_1370 = tpu.vector_load %arg12[%swap3A_1368, %swap3A_1369] {strides = array<i32>} : memref<32x256xf32, #tpu.memory_space<vmem>>, vector<16xf32>,
      tpu.vector_store %arg12[%swap3A_1368, %swap3A_1369], %add3A_1362 {strides = array<i32>} : memref<32x256xf32, #tpu.memory_space<vmem>>, vector<16xf32>,
      %get3A_1371 = arith.constant 0 : i32
      %get3A_1372 = arith.index_cast %get3A_1371 : i32 to index
      %get3A_1373 = arith.constant 144 : index
      %get3A_1374 = tpu.vector_load %arg10[%get3A_1372, %get3A_1373] {strides = array<i32>} : memref<16x256xf32, #tpu.memory_space<vmem>>, vector<16xf32>,
      %mul3A_1375 = vector.broadcast %reduce_sum3A_159 : f32 to vector<16xf32>
      %mul3A_1376 = arith.mulf %get3A_1374, %mul3A_1375 : vector<16xf32>
      %get3A_1377 = arith.constant 8 : i32
      %get3A_1378 = arith.index_cast %get3A_1377 : i32 to index
      %get3A_1379 = arith.constant 144 : index
      %get3A_1380 = tpu.vector_load %arg10[%get3A_1378, %get3A_1379] {strides = array<i32>} : memref<16x256xf32, #tpu.memory_space<vmem>>, vector<16xf32>,
      %mul3A_1381 = vector.broadcast %reduce_sum3A_239 : f32 to vector<16xf32>
      %mul3A_1382 = arith.mulf %get3A_1380, %mul3A_1381 : vector<16xf32>
      %get3A_1383 = arith.constant 1 : i32
      %get3A_1384 = arith.index_cast %get3A_1383 : i32 to index
      %get3A_1385 = arith.constant 144 : index
      %get3A_1386 = tpu.vector_load %arg10[%get3A_1384, %get3A_1385] {strides = array<i32>} : memref<16x256xf32, #tpu.memory_space<vmem>>, vector<16xf32>,
      %mul3A_1387 = vector.broadcast %reduce_sum3A_169 : f32 to vector<16xf32>
      %mul3A_1388 = arith.mulf %get3A_1386, %mul3A_1387 : vector<16xf32>
      %add3A_1389 = arith.addf %mul3A_1376, %mul3A_1388 : vector<16xf32>
      %get3A_1390 = arith.constant 9 : i32
      %get3A_1391 = arith.index_cast %get3A_1390 : i32 to index
      %get3A_1392 = arith.constant 144 : index
      %get3A_1393 = tpu.vector_load %arg10[%get3A_1391, %get3A_1392] {strides = array<i32>} : memref<16x256xf32, #tpu.memory_space<vmem>>, vector<16xf32>,
      %mul3A_1394 = vector.broadcast %reduce_sum3A_249 : f32 to vector<16xf32>
      %mul3A_1395 = arith.mulf %get3A_1393, %mul3A_1394 : vector<16xf32>
      %add3A_1396 = arith.addf %mul3A_1382, %mul3A_1395 : vector<16xf32>
      %get3A_1397 = arith.constant 2 : i32
      %get3A_1398 = arith.index_cast %get3A_1397 : i32 to index
      %get3A_1399 = arith.constant 144 : index
      %get3A_1400 = tpu.vector_load %arg10[%get3A_1398, %get3A_1399] {strides = array<i32>} : memref<16x256xf32, #tpu.memory_space<vmem>>, vector<16xf32>,
      %mul3A_1401 = vector.broadcast %reduce_sum3A_179 : f32 to vector<16xf32>
      %mul3A_1402 = arith.mulf %get3A_1400, %mul3A_1401 : vector<16xf32>
      %add3A_1403 = arith.addf %add3A_1389, %mul3A_1402 : vector<16xf32>
      %get3A_1404 = arith.constant 10 : i32
      %get3A_1405 = arith.index_cast %get3A_1404 : i32 to index
      %get3A_1406 = arith.constant 144 : index
      %get3A_1407 = tpu.vector_load %arg10[%get3A_1405, %get3A_1406] {strides = array<i32>} : memref<16x256xf32, #tpu.memory_space<vmem>>, vector<16xf32>,
      %mul3A_1408 = vector.broadcast %reduce_sum3A_259 : f32 to vector<16xf32>
      %mul3A_1409 = arith.mulf %get3A_1407, %mul3A_1408 : vector<16xf32>
      %add3A_1410 = arith.addf %add3A_1396, %mul3A_1409 : vector<16xf32>
      %get3A_1411 = arith.constant 3 : i32
      %get3A_1412 = arith.index_cast %get3A_1411 : i32 to index
      %get3A_1413 = arith.constant 144 : index
      %get3A_1414 = tpu.vector_load %arg10[%get3A_1412, %get3A_1413] {strides = array<i32>} : memref<16x256xf32, #tpu.memory_space<vmem>>, vector<16xf32>,
      %mul3A_1415 = vector.broadcast %reduce_sum3A_189 : f32 to vector<16xf32>
      %mul3A_1416 = arith.mulf %get3A_1414, %mul3A_1415 : vector<16xf32>
      %add3A_1417 = arith.addf %add3A_1403, %mul3A_1416 : vector<16xf32>
      %get3A_1418 = arith.constant 11 : i32
      %get3A_1419 = arith.index_cast %get3A_1418 : i32 to index
      %get3A_1420 = arith.constant 144 : index
      %get3A_1421 = tpu.vector_load %arg10[%get3A_1419, %get3A_1420] {strides = array<i32>} : memref<16x256xf32, #tpu.memory_space<vmem>>, vector<16xf32>,
      %mul3A_1422 = vector.broadcast %reduce_sum3A_269 : f32 to vector<16xf32>
      %mul3A_1423 = arith.mulf %get3A_1421, %mul3A_1422 : vector<16xf32>
      %add3A_1424 = arith.addf %add3A_1410, %mul3A_1423 : vector<16xf32>
      %get3A_1425 = arith.constant 4 : i32
      %get3A_1426 = arith.index_cast %get3A_1425 : i32 to index
      %get3A_1427 = arith.constant 144 : index
      %get3A_1428 = tpu.vector_load %arg10[%get3A_1426, %get3A_1427] {strides = array<i32>} : memref<16x256xf32, #tpu.memory_space<vmem>>, vector<16xf32>,
      %mul3A_1429 = vector.broadcast %reduce_sum3A_199 : f32 to vector<16xf32>
      %mul3A_1430 = arith.mulf %get3A_1428, %mul3A_1429 : vector<16xf32>
      %add3A_1431 = arith.addf %add3A_1417, %mul3A_1430 : vector<16xf32>
      %get3A_1432 = arith.constant 12 : i32
      %get3A_1433 = arith.index_cast %get3A_1432 : i32 to index
      %get3A_1434 = arith.constant 144 : index
      %get3A_1435 = tpu.vector_load %arg10[%get3A_1433, %get3A_1434] {strides = array<i32>} : memref<16x256xf32, #tpu.memory_space<vmem>>, vector<16xf32>,
      %mul3A_1436 = vector.broadcast %reduce_sum3A_279 : f32 to vector<16xf32>
      %mul3A_1437 = arith.mulf %get3A_1435, %mul3A_1436 : vector<16xf32>
      %add3A_1438 = arith.addf %add3A_1424, %mul3A_1437 : vector<16xf32>
      %get3A_1439 = arith.constant 5 : i32
      %get3A_1440 = arith.index_cast %get3A_1439 : i32 to index
      %get3A_1441 = arith.constant 144 : index
      %get3A_1442 = tpu.vector_load %arg10[%get3A_1440, %get3A_1441] {strides = array<i32>} : memref<16x256xf32, #tpu.memory_space<vmem>>, vector<16xf32>,
      %mul3A_1443 = vector.broadcast %reduce_sum3A_209 : f32 to vector<16xf32>
      %mul3A_1444 = arith.mulf %get3A_1442, %mul3A_1443 : vector<16xf32>
      %add3A_1445 = arith.addf %add3A_1431, %mul3A_1444 : vector<16xf32>
      %get3A_1446 = arith.constant 13 : i32
      %get3A_1447 = arith.index_cast %get3A_1446 : i32 to index
      %get3A_1448 = arith.constant 144 : index
      %get3A_1449 = tpu.vector_load %arg10[%get3A_1447, %get3A_1448] {strides = array<i32>} : memref<16x256xf32, #tpu.memory_space<vmem>>, vector<16xf32>,
      %mul3A_1450 = vector.broadcast %reduce_sum3A_289 : f32 to vector<16xf32>
      %mul3A_1451 = arith.mulf %get3A_1449, %mul3A_1450 : vector<16xf32>
      %add3A_1452 = arith.addf %add3A_1438, %mul3A_1451 : vector<16xf32>
      %get3A_1453 = arith.constant 6 : i32
      %get3A_1454 = arith.index_cast %get3A_1453 : i32 to index
      %get3A_1455 = arith.constant 144 : index
      %get3A_1456 = tpu.vector_load %arg10[%get3A_1454, %get3A_1455] {strides = array<i32>} : memref<16x256xf32, #tpu.memory_space<vmem>>, vector<16xf32>,
      %mul3A_1457 = vector.broadcast %reduce_sum3A_219 : f32 to vector<16xf32>
      %mul3A_1458 = arith.mulf %get3A_1456, %mul3A_1457 : vector<16xf32>
      %add3A_1459 = arith.addf %add3A_1445, %mul3A_1458 : vector<16xf32>
      %get3A_1460 = arith.constant 14 : i32
      %get3A_1461 = arith.index_cast %get3A_1460 : i32 to index
      %get3A_1462 = arith.constant 144 : index
      %get3A_1463 = tpu.vector_load %arg10[%get3A_1461, %get3A_1462] {strides = array<i32>} : memref<16x256xf32, #tpu.memory_space<vmem>>, vector<16xf32>,
      %mul3A_1464 = vector.broadcast %reduce_sum3A_299 : f32 to vector<16xf32>
      %mul3A_1465 = arith.mulf %get3A_1463, %mul3A_1464 : vector<16xf32>
      %add3A_1466 = arith.addf %add3A_1452, %mul3A_1465 : vector<16xf32>
      %get3A_1467 = arith.constant 7 : i32
      %get3A_1468 = arith.index_cast %get3A_1467 : i32 to index
      %get3A_1469 = arith.constant 144 : index
      %get3A_1470 = tpu.vector_load %arg10[%get3A_1468, %get3A_1469] {strides = array<i32>} : memref<16x256xf32, #tpu.memory_space<vmem>>, vector<16xf32>,
      %mul3A_1471 = vector.broadcast %reduce_sum3A_229 : f32 to vector<16xf32>
      %mul3A_1472 = arith.mulf %get3A_1470, %mul3A_1471 : vector<16xf32>
      %add3A_1473 = arith.addf %add3A_1459, %mul3A_1472 : vector<16xf32>
      %get3A_1474 = arith.constant 15 : i32
      %get3A_1475 = arith.index_cast %get3A_1474 : i32 to index
      %get3A_1476 = arith.constant 144 : index
      %get3A_1477 = tpu.vector_load %arg10[%get3A_1475, %get3A_1476] {strides = array<i32>} : memref<16x256xf32, #tpu.memory_space<vmem>>, vector<16xf32>,
      %mul3A_1478 = vector.broadcast %reduce_sum3A_309 : f32 to vector<16xf32>
      %mul3A_1479 = arith.mulf %get3A_1477, %mul3A_1478 : vector<16xf32>
      %add3A_1480 = arith.addf %add3A_1466, %mul3A_1479 : vector<16xf32>
      %swap3A_1481 = arith.index_cast %mul3A_60 : i32 to index
      %swap3A_1482 = arith.constant 144 : index
      %swap3A_1483 = tpu.vector_load %arg12[%swap3A_1481, %swap3A_1482] {strides = array<i32>} : memref<32x256xf32, #tpu.memory_space<vmem>>, vector<16xf32>,
      tpu.vector_store %arg12[%swap3A_1481, %swap3A_1482], %add3A_1473 {strides = array<i32>} : memref<32x256xf32, #tpu.memory_space<vmem>>, vector<16xf32>,
      %add3A_1484 = arith.constant 1 : i32
      %add3A_1485 = arith.addi %mul3A_60, %add3A_1484 : i32
      %swap3A_1486 = arith.index_cast %add3A_1485 : i32 to index
      %swap3A_1487 = arith.constant 144 : index
      %swap3A_1488 = tpu.vector_load %arg12[%swap3A_1486, %swap3A_1487] {strides = array<i32>} : memref<32x256xf32, #tpu.memory_space<vmem>>, vector<16xf32>,
      tpu.vector_store %arg12[%swap3A_1486, %swap3A_1487], %add3A_1480 {strides = array<i32>} : memref<32x256xf32, #tpu.memory_space<vmem>>, vector<16xf32>,
      %get3A_1489 = arith.constant 0 : i32
      %get3A_1490 = arith.index_cast %get3A_1489 : i32 to index
      %get3A_1491 = arith.constant 160 : index
      %get3A_1492 = tpu.vector_load %arg10[%get3A_1490, %get3A_1491] {strides = array<i32>} : memref<16x256xf32, #tpu.memory_space<vmem>>, vector<16xf32>,
      %mul3A_1493 = vector.broadcast %reduce_sum3A_159 : f32 to vector<16xf32>
      %mul3A_1494 = arith.mulf %get3A_1492, %mul3A_1493 : vector<16xf32>
      %get3A_1495 = arith.constant 8 : i32
      %get3A_1496 = arith.index_cast %get3A_1495 : i32 to index
      %get3A_1497 = arith.constant 160 : index
      %get3A_1498 = tpu.vector_load %arg10[%get3A_1496, %get3A_1497] {strides = array<i32>} : memref<16x256xf32, #tpu.memory_space<vmem>>, vector<16xf32>,
      %mul3A_1499 = vector.broadcast %reduce_sum3A_239 : f32 to vector<16xf32>
      %mul3A_1500 = arith.mulf %get3A_1498, %mul3A_1499 : vector<16xf32>
      %get3A_1501 = arith.constant 1 : i32
      %get3A_1502 = arith.index_cast %get3A_1501 : i32 to index
      %get3A_1503 = arith.constant 160 : index
      %get3A_1504 = tpu.vector_load %arg10[%get3A_1502, %get3A_1503] {strides = array<i32>} : memref<16x256xf32, #tpu.memory_space<vmem>>, vector<16xf32>,
      %mul3A_1505 = vector.broadcast %reduce_sum3A_169 : f32 to vector<16xf32>
      %mul3A_1506 = arith.mulf %get3A_1504, %mul3A_1505 : vector<16xf32>
      %add3A_1507 = arith.addf %mul3A_1494, %mul3A_1506 : vector<16xf32>
      %get3A_1508 = arith.constant 9 : i32
      %get3A_1509 = arith.index_cast %get3A_1508 : i32 to index
      %get3A_1510 = arith.constant 160 : index
      %get3A_1511 = tpu.vector_load %arg10[%get3A_1509, %get3A_1510] {strides = array<i32>} : memref<16x256xf32, #tpu.memory_space<vmem>>, vector<16xf32>,
      %mul3A_1512 = vector.broadcast %reduce_sum3A_249 : f32 to vector<16xf32>
      %mul3A_1513 = arith.mulf %get3A_1511, %mul3A_1512 : vector<16xf32>
      %add3A_1514 = arith.addf %mul3A_1500, %mul3A_1513 : vector<16xf32>
      %get3A_1515 = arith.constant 2 : i32
      %get3A_1516 = arith.index_cast %get3A_1515 : i32 to index
      %get3A_1517 = arith.constant 160 : index
      %get3A_1518 = tpu.vector_load %arg10[%get3A_1516, %get3A_1517] {strides = array<i32>} : memref<16x256xf32, #tpu.memory_space<vmem>>, vector<16xf32>,
      %mul3A_1519 = vector.broadcast %reduce_sum3A_179 : f32 to vector<16xf32>
      %mul3A_1520 = arith.mulf %get3A_1518, %mul3A_1519 : vector<16xf32>
      %add3A_1521 = arith.addf %add3A_1507, %mul3A_1520 : vector<16xf32>
      %get3A_1522 = arith.constant 10 : i32
      %get3A_1523 = arith.index_cast %get3A_1522 : i32 to index
      %get3A_1524 = arith.constant 160 : index
      %get3A_1525 = tpu.vector_load %arg10[%get3A_1523, %get3A_1524] {strides = array<i32>} : memref<16x256xf32, #tpu.memory_space<vmem>>, vector<16xf32>,
      %mul3A_1526 = vector.broadcast %reduce_sum3A_259 : f32 to vector<16xf32>
      %mul3A_1527 = arith.mulf %get3A_1525, %mul3A_1526 : vector<16xf32>
      %add3A_1528 = arith.addf %add3A_1514, %mul3A_1527 : vector<16xf32>
      %get3A_1529 = arith.constant 3 : i32
      %get3A_1530 = arith.index_cast %get3A_1529 : i32 to index
      %get3A_1531 = arith.constant 160 : index
      %get3A_1532 = tpu.vector_load %arg10[%get3A_1530, %get3A_1531] {strides = array<i32>} : memref<16x256xf32, #tpu.memory_space<vmem>>, vector<16xf32>,
      %mul3A_1533 = vector.broadcast %reduce_sum3A_189 : f32 to vector<16xf32>
      %mul3A_1534 = arith.mulf %get3A_1532, %mul3A_1533 : vector<16xf32>
      %add3A_1535 = arith.addf %add3A_1521, %mul3A_1534 : vector<16xf32>
      %get3A_1536 = arith.constant 11 : i32
      %get3A_1537 = arith.index_cast %get3A_1536 : i32 to index
      %get3A_1538 = arith.constant 160 : index
      %get3A_1539 = tpu.vector_load %arg10[%get3A_1537, %get3A_1538] {strides = array<i32>} : memref<16x256xf32, #tpu.memory_space<vmem>>, vector<16xf32>,
      %mul3A_1540 = vector.broadcast %reduce_sum3A_269 : f32 to vector<16xf32>
      %mul3A_1541 = arith.mulf %get3A_1539, %mul3A_1540 : vector<16xf32>
      %add3A_1542 = arith.addf %add3A_1528, %mul3A_1541 : vector<16xf32>
      %get3A_1543 = arith.constant 4 : i32
      %get3A_1544 = arith.index_cast %get3A_1543 : i32 to index
      %get3A_1545 = arith.constant 160 : index
      %get3A_1546 = tpu.vector_load %arg10[%get3A_1544, %get3A_1545] {strides = array<i32>} : memref<16x256xf32, #tpu.memory_space<vmem>>, vector<16xf32>,
      %mul3A_1547 = vector.broadcast %reduce_sum3A_199 : f32 to vector<16xf32>
      %mul3A_1548 = arith.mulf %get3A_1546, %mul3A_1547 : vector<16xf32>
      %add3A_1549 = arith.addf %add3A_1535, %mul3A_1548 : vector<16xf32>
      %get3A_1550 = arith.constant 12 : i32
      %get3A_1551 = arith.index_cast %get3A_1550 : i32 to index
      %get3A_1552 = arith.constant 160 : index
      %get3A_1553 = tpu.vector_load %arg10[%get3A_1551, %get3A_1552] {strides = array<i32>} : memref<16x256xf32, #tpu.memory_space<vmem>>, vector<16xf32>,
      %mul3A_1554 = vector.broadcast %reduce_sum3A_279 : f32 to vector<16xf32>
      %mul3A_1555 = arith.mulf %get3A_1553, %mul3A_1554 : vector<16xf32>
      %add3A_1556 = arith.addf %add3A_1542, %mul3A_1555 : vector<16xf32>
      %get3A_1557 = arith.constant 5 : i32
      %get3A_1558 = arith.index_cast %get3A_1557 : i32 to index
      %get3A_1559 = arith.constant 160 : index
      %get3A_1560 = tpu.vector_load %arg10[%get3A_1558, %get3A_1559] {strides = array<i32>} : memref<16x256xf32, #tpu.memory_space<vmem>>, vector<16xf32>,
      %mul3A_1561 = vector.broadcast %reduce_sum3A_209 : f32 to vector<16xf32>
      %mul3A_1562 = arith.mulf %get3A_1560, %mul3A_1561 : vector<16xf32>
      %add3A_1563 = arith.addf %add3A_1549, %mul3A_1562 : vector<16xf32>
      %get3A_1564 = arith.constant 13 : i32
      %get3A_1565 = arith.index_cast %get3A_1564 : i32 to index
      %get3A_1566 = arith.constant 160 : index
      %get3A_1567 = tpu.vector_load %arg10[%get3A_1565, %get3A_1566] {strides = array<i32>} : memref<16x256xf32, #tpu.memory_space<vmem>>, vector<16xf32>,
      %mul3A_1568 = vector.broadcast %reduce_sum3A_289 : f32 to vector<16xf32>
      %mul3A_1569 = arith.mulf %get3A_1567, %mul3A_1568 : vector<16xf32>
      %add3A_1570 = arith.addf %add3A_1556, %mul3A_1569 : vector<16xf32>
      %get3A_1571 = arith.constant 6 : i32
      %get3A_1572 = arith.index_cast %get3A_1571 : i32 to index
      %get3A_1573 = arith.constant 160 : index
      %get3A_1574 = tpu.vector_load %arg10[%get3A_1572, %get3A_1573] {strides = array<i32>} : memref<16x256xf32, #tpu.memory_space<vmem>>, vector<16xf32>,
      %mul3A_1575 = vector.broadcast %reduce_sum3A_219 : f32 to vector<16xf32>
      %mul3A_1576 = arith.mulf %get3A_1574, %mul3A_1575 : vector<16xf32>
      %add3A_1577 = arith.addf %add3A_1563, %mul3A_1576 : vector<16xf32>
      %get3A_1578 = arith.constant 14 : i32
      %get3A_1579 = arith.index_cast %get3A_1578 : i32 to index
      %get3A_1580 = arith.constant 160 : index
      %get3A_1581 = tpu.vector_load %arg10[%get3A_1579, %get3A_1580] {strides = array<i32>} : memref<16x256xf32, #tpu.memory_space<vmem>>, vector<16xf32>,
      %mul3A_1582 = vector.broadcast %reduce_sum3A_299 : f32 to vector<16xf32>
      %mul3A_1583 = arith.mulf %get3A_1581, %mul3A_1582 : vector<16xf32>
      %add3A_1584 = arith.addf %add3A_1570, %mul3A_1583 : vector<16xf32>
      %get3A_1585 = arith.constant 7 : i32
      %get3A_1586 = arith.index_cast %get3A_1585 : i32 to index
      %get3A_1587 = arith.constant 160 : index
      %get3A_1588 = tpu.vector_load %arg10[%get3A_1586, %get3A_1587] {strides = array<i32>} : memref<16x256xf32, #tpu.memory_space<vmem>>, vector<16xf32>,
      %mul3A_1589 = vector.broadcast %reduce_sum3A_229 : f32 to vector<16xf32>
      %mul3A_1590 = arith.mulf %get3A_1588, %mul3A_1589 : vector<16xf32>
      %add3A_1591 = arith.addf %add3A_1577, %mul3A_1590 : vector<16xf32>
      %get3A_1592 = arith.constant 15 : i32
      %get3A_1593 = arith.index_cast %get3A_1592 : i32 to index
      %get3A_1594 = arith.constant 160 : index
      %get3A_1595 = tpu.vector_load %arg10[%get3A_1593, %get3A_1594] {strides = array<i32>} : memref<16x256xf32, #tpu.memory_space<vmem>>, vector<16xf32>,
      %mul3A_1596 = vector.broadcast %reduce_sum3A_309 : f32 to vector<16xf32>
      %mul3A_1597 = arith.mulf %get3A_1595, %mul3A_1596 : vector<16xf32>
      %add3A_1598 = arith.addf %add3A_1584, %mul3A_1597 : vector<16xf32>
      %swap3A_1599 = arith.index_cast %mul3A_60 : i32 to index
      %swap3A_1600 = arith.constant 160 : index
      %swap3A_1601 = tpu.vector_load %arg12[%swap3A_1599, %swap3A_1600] {strides = array<i32>} : memref<32x256xf32, #tpu.memory_space<vmem>>, vector<16xf32>,
      tpu.vector_store %arg12[%swap3A_1599, %swap3A_1600], %add3A_1591 {strides = array<i32>} : memref<32x256xf32, #tpu.memory_space<vmem>>, vector<16xf32>,
      %add3A_1602 = arith.constant 1 : i32
      %add3A_1603 = arith.addi %mul3A_60, %add3A_1602 : i32
      %swap3A_1604 = arith.index_cast %add3A_1603 : i32 to index
      %swap3A_1605 = arith.constant 160 : index
      %swap3A_1606 = tpu.vector_load %arg12[%swap3A_1604, %swap3A_1605] {strides = array<i32>} : memref<32x256xf32, #tpu.memory_space<vmem>>, vector<16xf32>,
      tpu.vector_store %arg12[%swap3A_1604, %swap3A_1605], %add3A_1598 {strides = array<i32>} : memref<32x256xf32, #tpu.memory_space<vmem>>, vector<16xf32>,
      %get3A_1607 = arith.constant 0 : i32
      %get3A_1608 = arith.index_cast %get3A_1607 : i32 to index
      %get3A_1609 = arith.constant 176 : index
      %get3A_1610 = tpu.vector_load %arg10[%get3A_1608, %get3A_1609] {strides = array<i32>} : memref<16x256xf32, #tpu.memory_space<vmem>>, vector<16xf32>,
      %mul3A_1611 = vector.broadcast %reduce_sum3A_159 : f32 to vector<16xf32>
      %mul3A_1612 = arith.mulf %get3A_1610, %mul3A_1611 : vector<16xf32>
      %get3A_1613 = arith.constant 8 : i32
      %get3A_1614 = arith.index_cast %get3A_1613 : i32 to index
      %get3A_1615 = arith.constant 176 : index
      %get3A_1616 = tpu.vector_load %arg10[%get3A_1614, %get3A_1615] {strides = array<i32>} : memref<16x256xf32, #tpu.memory_space<vmem>>, vector<16xf32>,
      %mul3A_1617 = vector.broadcast %reduce_sum3A_239 : f32 to vector<16xf32>
      %mul3A_1618 = arith.mulf %get3A_1616, %mul3A_1617 : vector<16xf32>
      %get3A_1619 = arith.constant 1 : i32
      %get3A_1620 = arith.index_cast %get3A_1619 : i32 to index
      %get3A_1621 = arith.constant 176 : index
      %get3A_1622 = tpu.vector_load %arg10[%get3A_1620, %get3A_1621] {strides = array<i32>} : memref<16x256xf32, #tpu.memory_space<vmem>>, vector<16xf32>,
      %mul3A_1623 = vector.broadcast %reduce_sum3A_169 : f32 to vector<16xf32>
      %mul3A_1624 = arith.mulf %get3A_1622, %mul3A_1623 : vector<16xf32>
      %add3A_1625 = arith.addf %mul3A_1612, %mul3A_1624 : vector<16xf32>
      %get3A_1626 = arith.constant 9 : i32
      %get3A_1627 = arith.index_cast %get3A_1626 : i32 to index
      %get3A_1628 = arith.constant 176 : index
      %get3A_1629 = tpu.vector_load %arg10[%get3A_1627, %get3A_1628] {strides = array<i32>} : memref<16x256xf32, #tpu.memory_space<vmem>>, vector<16xf32>,
      %mul3A_1630 = vector.broadcast %reduce_sum3A_249 : f32 to vector<16xf32>
      %mul3A_1631 = arith.mulf %get3A_1629, %mul3A_1630 : vector<16xf32>
      %add3A_1632 = arith.addf %mul3A_1618, %mul3A_1631 : vector<16xf32>
      %get3A_1633 = arith.constant 2 : i32
      %get3A_1634 = arith.index_cast %get3A_1633 : i32 to index
      %get3A_1635 = arith.constant 176 : index
      %get3A_1636 = tpu.vector_load %arg10[%get3A_1634, %get3A_1635] {strides = array<i32>} : memref<16x256xf32, #tpu.memory_space<vmem>>, vector<16xf32>,
      %mul3A_1637 = vector.broadcast %reduce_sum3A_179 : f32 to vector<16xf32>
      %mul3A_1638 = arith.mulf %get3A_1636, %mul3A_1637 : vector<16xf32>
      %add3A_1639 = arith.addf %add3A_1625, %mul3A_1638 : vector<16xf32>
      %get3A_1640 = arith.constant 10 : i32
      %get3A_1641 = arith.index_cast %get3A_1640 : i32 to index
      %get3A_1642 = arith.constant 176 : index
      %get3A_1643 = tpu.vector_load %arg10[%get3A_1641, %get3A_1642] {strides = array<i32>} : memref<16x256xf32, #tpu.memory_space<vmem>>, vector<16xf32>,
      %mul3A_1644 = vector.broadcast %reduce_sum3A_259 : f32 to vector<16xf32>
      %mul3A_1645 = arith.mulf %get3A_1643, %mul3A_1644 : vector<16xf32>
      %add3A_1646 = arith.addf %add3A_1632, %mul3A_1645 : vector<16xf32>
      %get3A_1647 = arith.constant 3 : i32
      %get3A_1648 = arith.index_cast %get3A_1647 : i32 to index
      %get3A_1649 = arith.constant 176 : index
      %get3A_1650 = tpu.vector_load %arg10[%get3A_1648, %get3A_1649] {strides = array<i32>} : memref<16x256xf32, #tpu.memory_space<vmem>>, vector<16xf32>,
      %mul3A_1651 = vector.broadcast %reduce_sum3A_189 : f32 to vector<16xf32>
      %mul3A_1652 = arith.mulf %get3A_1650, %mul3A_1651 : vector<16xf32>
      %add3A_1653 = arith.addf %add3A_1639, %mul3A_1652 : vector<16xf32>
      %get3A_1654 = arith.constant 11 : i32
      %get3A_1655 = arith.index_cast %get3A_1654 : i32 to index
      %get3A_1656 = arith.constant 176 : index
      %get3A_1657 = tpu.vector_load %arg10[%get3A_1655, %get3A_1656] {strides = array<i32>} : memref<16x256xf32, #tpu.memory_space<vmem>>, vector<16xf32>,
      %mul3A_1658 = vector.broadcast %reduce_sum3A_269 : f32 to vector<16xf32>
      %mul3A_1659 = arith.mulf %get3A_1657, %mul3A_1658 : vector<16xf32>
      %add3A_1660 = arith.addf %add3A_1646, %mul3A_1659 : vector<16xf32>
      %get3A_1661 = arith.constant 4 : i32
      %get3A_1662 = arith.index_cast %get3A_1661 : i32 to index
      %get3A_1663 = arith.constant 176 : index
      %get3A_1664 = tpu.vector_load %arg10[%get3A_1662, %get3A_1663] {strides = array<i32>} : memref<16x256xf32, #tpu.memory_space<vmem>>, vector<16xf32>,
      %mul3A_1665 = vector.broadcast %reduce_sum3A_199 : f32 to vector<16xf32>
      %mul3A_1666 = arith.mulf %get3A_1664, %mul3A_1665 : vector<16xf32>
      %add3A_1667 = arith.addf %add3A_1653, %mul3A_1666 : vector<16xf32>
      %get3A_1668 = arith.constant 12 : i32
      %get3A_1669 = arith.index_cast %get3A_1668 : i32 to index
      %get3A_1670 = arith.constant 176 : index
      %get3A_1671 = tpu.vector_load %arg10[%get3A_1669, %get3A_1670] {strides = array<i32>} : memref<16x256xf32, #tpu.memory_space<vmem>>, vector<16xf32>,
      %mul3A_1672 = vector.broadcast %reduce_sum3A_279 : f32 to vector<16xf32>
      %mul3A_1673 = arith.mulf %get3A_1671, %mul3A_1672 : vector<16xf32>
      %add3A_1674 = arith.addf %add3A_1660, %mul3A_1673 : vector<16xf32>
      %get3A_1675 = arith.constant 5 : i32
      %get3A_1676 = arith.index_cast %get3A_1675 : i32 to index
      %get3A_1677 = arith.constant 176 : index
      %get3A_1678 = tpu.vector_load %arg10[%get3A_1676, %get3A_1677] {strides = array<i32>} : memref<16x256xf32, #tpu.memory_space<vmem>>, vector<16xf32>,
      %mul3A_1679 = vector.broadcast %reduce_sum3A_209 : f32 to vector<16xf32>
      %mul3A_1680 = arith.mulf %get3A_1678, %mul3A_1679 : vector<16xf32>
      %add3A_1681 = arith.addf %add3A_1667, %mul3A_1680 : vector<16xf32>
      %get3A_1682 = arith.constant 13 : i32
      %get3A_1683 = arith.index_cast %get3A_1682 : i32 to index
      %get3A_1684 = arith.constant 176 : index
      %get3A_1685 = tpu.vector_load %arg10[%get3A_1683, %get3A_1684] {strides = array<i32>} : memref<16x256xf32, #tpu.memory_space<vmem>>, vector<16xf32>,
      %mul3A_1686 = vector.broadcast %reduce_sum3A_289 : f32 to vector<16xf32>
      %mul3A_1687 = arith.mulf %get3A_1685, %mul3A_1686 : vector<16xf32>
      %add3A_1688 = arith.addf %add3A_1674, %mul3A_1687 : vector<16xf32>
      %get3A_1689 = arith.constant 6 : i32
      %get3A_1690 = arith.index_cast %get3A_1689 : i32 to index
      %get3A_1691 = arith.constant 176 : index
      %get3A_1692 = tpu.vector_load %arg10[%get3A_1690, %get3A_1691] {strides = array<i32>} : memref<16x256xf32, #tpu.memory_space<vmem>>, vector<16xf32>,
      %mul3A_1693 = vector.broadcast %reduce_sum3A_219 : f32 to vector<16xf32>
      %mul3A_1694 = arith.mulf %get3A_1692, %mul3A_1693 : vector<16xf32>
      %add3A_1695 = arith.addf %add3A_1681, %mul3A_1694 : vector<16xf32>
      %get3A_1696 = arith.constant 14 : i32
      %get3A_1697 = arith.index_cast %get3A_1696 : i32 to index
      %get3A_1698 = arith.constant 176 : index
      %get3A_1699 = tpu.vector_load %arg10[%get3A_1697, %get3A_1698] {strides = array<i32>} : memref<16x256xf32, #tpu.memory_space<vmem>>, vector<16xf32>,
      %mul3A_1700 = vector.broadcast %reduce_sum3A_299 : f32 to vector<16xf32>
      %mul3A_1701 = arith.mulf %get3A_1699, %mul3A_1700 : vector<16xf32>
      %add3A_1702 = arith.addf %add3A_1688, %mul3A_1701 : vector<16xf32>
      %get3A_1703 = arith.constant 7 : i32
      %get3A_1704 = arith.index_cast %get3A_1703 : i32 to index
      %get3A_1705 = arith.constant 176 : index
      %get3A_1706 = tpu.vector_load %arg10[%get3A_1704, %get3A_1705] {strides = array<i32>} : memref<16x256xf32, #tpu.memory_space<vmem>>, vector<16xf32>,
      %mul3A_1707 = vector.broadcast %reduce_sum3A_229 : f32 to vector<16xf32>
      %mul3A_1708 = arith.mulf %get3A_1706, %mul3A_1707 : vector<16xf32>
      %add3A_1709 = arith.addf %add3A_1695, %mul3A_1708 : vector<16xf32>
      %get3A_1710 = arith.constant 15 : i32
      %get3A_1711 = arith.index_cast %get3A_1710 : i32 to index
      %get3A_1712 = arith.constant 176 : index
      %get3A_1713 = tpu.vector_load %arg10[%get3A_1711, %get3A_1712] {strides = array<i32>} : memref<16x256xf32, #tpu.memory_space<vmem>>, vector<16xf32>,
      %mul3A_1714 = vector.broadcast %reduce_sum3A_309 : f32 to vector<16xf32>
      %mul3A_1715 = arith.mulf %get3A_1713, %mul3A_1714 : vector<16xf32>
      %add3A_1716 = arith.addf %add3A_1702, %mul3A_1715 : vector<16xf32>
      %swap3A_1717 = arith.index_cast %mul3A_60 : i32 to index
      %swap3A_1718 = arith.constant 176 : index
      %swap3A_1719 = tpu.vector_load %arg12[%swap3A_1717, %swap3A_1718] {strides = array<i32>} : memref<32x256xf32, #tpu.memory_space<vmem>>, vector<16xf32>,
      tpu.vector_store %arg12[%swap3A_1717, %swap3A_1718], %add3A_1709 {strides = array<i32>} : memref<32x256xf32, #tpu.memory_space<vmem>>, vector<16xf32>,
      %add3A_1720 = arith.constant 1 : i32
      %add3A_1721 = arith.addi %mul3A_60, %add3A_1720 : i32
      %swap3A_1722 = arith.index_cast %add3A_1721 : i32 to index
      %swap3A_1723 = arith.constant 176 : index
      %swap3A_1724 = tpu.vector_load %arg12[%swap3A_1722, %swap3A_1723] {strides = array<i32>} : memref<32x256xf32, #tpu.memory_space<vmem>>, vector<16xf32>,
      tpu.vector_store %arg12[%swap3A_1722, %swap3A_1723], %add3A_1716 {strides = array<i32>} : memref<32x256xf32, #tpu.memory_space<vmem>>, vector<16xf32>,
      %get3A_1725 = arith.constant 0 : i32
      %get3A_1726 = arith.index_cast %get3A_1725 : i32 to index
      %get3A_1727 = arith.constant 192 : index
      %get3A_1728 = tpu.vector_load %arg10[%get3A_1726, %get3A_1727] {strides = array<i32>} : memref<16x256xf32, #tpu.memory_space<vmem>>, vector<16xf32>,
      %mul3A_1729 = vector.broadcast %reduce_sum3A_159 : f32 to vector<16xf32>
      %mul3A_1730 = arith.mulf %get3A_1728, %mul3A_1729 : vector<16xf32>
      %get3A_1731 = arith.constant 8 : i32
      %get3A_1732 = arith.index_cast %get3A_1731 : i32 to index
      %get3A_1733 = arith.constant 192 : index
      %get3A_1734 = tpu.vector_load %arg10[%get3A_1732, %get3A_1733] {strides = array<i32>} : memref<16x256xf32, #tpu.memory_space<vmem>>, vector<16xf32>,
      %mul3A_1735 = vector.broadcast %reduce_sum3A_239 : f32 to vector<16xf32>
      %mul3A_1736 = arith.mulf %get3A_1734, %mul3A_1735 : vector<16xf32>
      %get3A_1737 = arith.constant 1 : i32
      %get3A_1738 = arith.index_cast %get3A_1737 : i32 to index
      %get3A_1739 = arith.constant 192 : index
      %get3A_1740 = tpu.vector_load %arg10[%get3A_1738, %get3A_1739] {strides = array<i32>} : memref<16x256xf32, #tpu.memory_space<vmem>>, vector<16xf32>,
      %mul3A_1741 = vector.broadcast %reduce_sum3A_169 : f32 to vector<16xf32>
      %mul3A_1742 = arith.mulf %get3A_1740, %mul3A_1741 : vector<16xf32>
      %add3A_1743 = arith.addf %mul3A_1730, %mul3A_1742 : vector<16xf32>
      %get3A_1744 = arith.constant 9 : i32
      %get3A_1745 = arith.index_cast %get3A_1744 : i32 to index
      %get3A_1746 = arith.constant 192 : index
      %get3A_1747 = tpu.vector_load %arg10[%get3A_1745, %get3A_1746] {strides = array<i32>} : memref<16x256xf32, #tpu.memory_space<vmem>>, vector<16xf32>,
      %mul3A_1748 = vector.broadcast %reduce_sum3A_249 : f32 to vector<16xf32>
      %mul3A_1749 = arith.mulf %get3A_1747, %mul3A_1748 : vector<16xf32>
      %add3A_1750 = arith.addf %mul3A_1736, %mul3A_1749 : vector<16xf32>
      %get3A_1751 = arith.constant 2 : i32
      %get3A_1752 = arith.index_cast %get3A_1751 : i32 to index
      %get3A_1753 = arith.constant 192 : index
      %get3A_1754 = tpu.vector_load %arg10[%get3A_1752, %get3A_1753] {strides = array<i32>} : memref<16x256xf32, #tpu.memory_space<vmem>>, vector<16xf32>,
      %mul3A_1755 = vector.broadcast %reduce_sum3A_179 : f32 to vector<16xf32>
      %mul3A_1756 = arith.mulf %get3A_1754, %mul3A_1755 : vector<16xf32>
      %add3A_1757 = arith.addf %add3A_1743, %mul3A_1756 : vector<16xf32>
      %get3A_1758 = arith.constant 10 : i32
      %get3A_1759 = arith.index_cast %get3A_1758 : i32 to index
      %get3A_1760 = arith.constant 192 : index
      %get3A_1761 = tpu.vector_load %arg10[%get3A_1759, %get3A_1760] {strides = array<i32>} : memref<16x256xf32, #tpu.memory_space<vmem>>, vector<16xf32>,
      %mul3A_1762 = vector.broadcast %reduce_sum3A_259 : f32 to vector<16xf32>
      %mul3A_1763 = arith.mulf %get3A_1761, %mul3A_1762 : vector<16xf32>
      %add3A_1764 = arith.addf %add3A_1750, %mul3A_1763 : vector<16xf32>
      %get3A_1765 = arith.constant 3 : i32
      %get3A_1766 = arith.index_cast %get3A_1765 : i32 to index
      %get3A_1767 = arith.constant 192 : index
      %get3A_1768 = tpu.vector_load %arg10[%get3A_1766, %get3A_1767] {strides = array<i32>} : memref<16x256xf32, #tpu.memory_space<vmem>>, vector<16xf32>,
      %mul3A_1769 = vector.broadcast %reduce_sum3A_189 : f32 to vector<16xf32>
      %mul3A_1770 = arith.mulf %get3A_1768, %mul3A_1769 : vector<16xf32>
      %add3A_1771 = arith.addf %add3A_1757, %mul3A_1770 : vector<16xf32>
      %get3A_1772 = arith.constant 11 : i32
      %get3A_1773 = arith.index_cast %get3A_1772 : i32 to index
      %get3A_1774 = arith.constant 192 : index
      %get3A_1775 = tpu.vector_load %arg10[%get3A_1773, %get3A_1774] {strides = array<i32>} : memref<16x256xf32, #tpu.memory_space<vmem>>, vector<16xf32>,
      %mul3A_1776 = vector.broadcast %reduce_sum3A_269 : f32 to vector<16xf32>
      %mul3A_1777 = arith.mulf %get3A_1775, %mul3A_1776 : vector<16xf32>
      %add3A_1778 = arith.addf %add3A_1764, %mul3A_1777 : vector<16xf32>
      %get3A_1779 = arith.constant 4 : i32
      %get3A_1780 = arith.index_cast %get3A_1779 : i32 to index
      %get3A_1781 = arith.constant 192 : index
      %get3A_1782 = tpu.vector_load %arg10[%get3A_1780, %get3A_1781] {strides = array<i32>} : memref<16x256xf32, #tpu.memory_space<vmem>>, vector<16xf32>,
      %mul3A_1783 = vector.broadcast %reduce_sum3A_199 : f32 to vector<16xf32>
      %mul3A_1784 = arith.mulf %get3A_1782, %mul3A_1783 : vector<16xf32>
      %add3A_1785 = arith.addf %add3A_1771, %mul3A_1784 : vector<16xf32>
      %get3A_1786 = arith.constant 12 : i32
      %get3A_1787 = arith.index_cast %get3A_1786 : i32 to index
      %get3A_1788 = arith.constant 192 : index
      %get3A_1789 = tpu.vector_load %arg10[%get3A_1787, %get3A_1788] {strides = array<i32>} : memref<16x256xf32, #tpu.memory_space<vmem>>, vector<16xf32>,
      %mul3A_1790 = vector.broadcast %reduce_sum3A_279 : f32 to vector<16xf32>
      %mul3A_1791 = arith.mulf %get3A_1789, %mul3A_1790 : vector<16xf32>
      %add3A_1792 = arith.addf %add3A_1778, %mul3A_1791 : vector<16xf32>
      %get3A_1793 = arith.constant 5 : i32
      %get3A_1794 = arith.index_cast %get3A_1793 : i32 to index
      %get3A_1795 = arith.constant 192 : index
      %get3A_1796 = tpu.vector_load %arg10[%get3A_1794, %get3A_1795] {strides = array<i32>} : memref<16x256xf32, #tpu.memory_space<vmem>>, vector<16xf32>,
      %mul3A_1797 = vector.broadcast %reduce_sum3A_209 : f32 to vector<16xf32>
      %mul3A_1798 = arith.mulf %get3A_1796, %mul3A_1797 : vector<16xf32>
      %add3A_1799 = arith.addf %add3A_1785, %mul3A_1798 : vector<16xf32>
      %get3A_1800 = arith.constant 13 : i32
      %get3A_1801 = arith.index_cast %get3A_1800 : i32 to index
      %get3A_1802 = arith.constant 192 : index
      %get3A_1803 = tpu.vector_load %arg10[%get3A_1801, %get3A_1802] {strides = array<i32>} : memref<16x256xf32, #tpu.memory_space<vmem>>, vector<16xf32>,
      %mul3A_1804 = vector.broadcast %reduce_sum3A_289 : f32 to vector<16xf32>
      %mul3A_1805 = arith.mulf %get3A_1803, %mul3A_1804 : vector<16xf32>
      %add3A_1806 = arith.addf %add3A_1792, %mul3A_1805 : vector<16xf32>
      %get3A_1807 = arith.constant 6 : i32
      %get3A_1808 = arith.index_cast %get3A_1807 : i32 to index
      %get3A_1809 = arith.constant 192 : index
      %get3A_1810 = tpu.vector_load %arg10[%get3A_1808, %get3A_1809] {strides = array<i32>} : memref<16x256xf32, #tpu.memory_space<vmem>>, vector<16xf32>,
      %mul3A_1811 = vector.broadcast %reduce_sum3A_219 : f32 to vector<16xf32>
      %mul3A_1812 = arith.mulf %get3A_1810, %mul3A_1811 : vector<16xf32>
      %add3A_1813 = arith.addf %add3A_1799, %mul3A_1812 : vector<16xf32>
      %get3A_1814 = arith.constant 14 : i32
      %get3A_1815 = arith.index_cast %get3A_1814 : i32 to index
      %get3A_1816 = arith.constant 192 : index
      %get3A_1817 = tpu.vector_load %arg10[%get3A_1815, %get3A_1816] {strides = array<i32>} : memref<16x256xf32, #tpu.memory_space<vmem>>, vector<16xf32>,
      %mul3A_1818 = vector.broadcast %reduce_sum3A_299 : f32 to vector<16xf32>
      %mul3A_1819 = arith.mulf %get3A_1817, %mul3A_1818 : vector<16xf32>
      %add3A_1820 = arith.addf %add3A_1806, %mul3A_1819 : vector<16xf32>
      %get3A_1821 = arith.constant 7 : i32
      %get3A_1822 = arith.index_cast %get3A_1821 : i32 to index
      %get3A_1823 = arith.constant 192 : index
      %get3A_1824 = tpu.vector_load %arg10[%get3A_1822, %get3A_1823] {strides = array<i32>} : memref<16x256xf32, #tpu.memory_space<vmem>>, vector<16xf32>,
      %mul3A_1825 = vector.broadcast %reduce_sum3A_229 : f32 to vector<16xf32>
      %mul3A_1826 = arith.mulf %get3A_1824, %mul3A_1825 : vector<16xf32>
      %add3A_1827 = arith.addf %add3A_1813, %mul3A_1826 : vector<16xf32>
      %get3A_1828 = arith.constant 15 : i32
      %get3A_1829 = arith.index_cast %get3A_1828 : i32 to index
      %get3A_1830 = arith.constant 192 : index
      %get3A_1831 = tpu.vector_load %arg10[%get3A_1829, %get3A_1830] {strides = array<i32>} : memref<16x256xf32, #tpu.memory_space<vmem>>, vector<16xf32>,
      %mul3A_1832 = vector.broadcast %reduce_sum3A_309 : f32 to vector<16xf32>
      %mul3A_1833 = arith.mulf %get3A_1831, %mul3A_1832 : vector<16xf32>
      %add3A_1834 = arith.addf %add3A_1820, %mul3A_1833 : vector<16xf32>
      %swap3A_1835 = arith.index_cast %mul3A_60 : i32 to index
      %swap3A_1836 = arith.constant 192 : index
      %swap3A_1837 = tpu.vector_load %arg12[%swap3A_1835, %swap3A_1836] {strides = array<i32>} : memref<32x256xf32, #tpu.memory_space<vmem>>, vector<16xf32>,
      tpu.vector_store %arg12[%swap3A_1835, %swap3A_1836], %add3A_1827 {strides = array<i32>} : memref<32x256xf32, #tpu.memory_space<vmem>>, vector<16xf32>,
      %add3A_1838 = arith.constant 1 : i32
      %add3A_1839 = arith.addi %mul3A_60, %add3A_1838 : i32
      %swap3A_1840 = arith.index_cast %add3A_1839 : i32 to index
      %swap3A_1841 = arith.constant 192 : index
      %swap3A_1842 = tpu.vector_load %arg12[%swap3A_1840, %swap3A_1841] {strides = array<i32>} : memref<32x256xf32, #tpu.memory_space<vmem>>, vector<16xf32>,
      tpu.vector_store %arg12[%swap3A_1840, %swap3A_1841], %add3A_1834 {strides = array<i32>} : memref<32x256xf32, #tpu.memory_space<vmem>>, vector<16xf32>,
      %get3A_1843 = arith.constant 0 : i32
      %get3A_1844 = arith.index_cast %get3A_1843 : i32 to index
      %get3A_1845 = arith.constant 208 : index
      %get3A_1846 = tpu.vector_load %arg10[%get3A_1844, %get3A_1845] {strides = array<i32>} : memref<16x256xf32, #tpu.memory_space<vmem>>, vector<16xf32>,
      %mul3A_1847 = vector.broadcast %reduce_sum3A_159 : f32 to vector<16xf32>
      %mul3A_1848 = arith.mulf %get3A_1846, %mul3A_1847 : vector<16xf32>
      %get3A_1849 = arith.constant 8 : i32
      %get3A_1850 = arith.index_cast %get3A_1849 : i32 to index
      %get3A_1851 = arith.constant 208 : index
      %get3A_1852 = tpu.vector_load %arg10[%get3A_1850, %get3A_1851] {strides = array<i32>} : memref<16x256xf32, #tpu.memory_space<vmem>>, vector<16xf32>,
      %mul3A_1853 = vector.broadcast %reduce_sum3A_239 : f32 to vector<16xf32>
      %mul3A_1854 = arith.mulf %get3A_1852, %mul3A_1853 : vector<16xf32>
      %get3A_1855 = arith.constant 1 : i32
      %get3A_1856 = arith.index_cast %get3A_1855 : i32 to index
      %get3A_1857 = arith.constant 208 : index
      %get3A_1858 = tpu.vector_load %arg10[%get3A_1856, %get3A_1857] {strides = array<i32>} : memref<16x256xf32, #tpu.memory_space<vmem>>, vector<16xf32>,
      %mul3A_1859 = vector.broadcast %reduce_sum3A_169 : f32 to vector<16xf32>
      %mul3A_1860 = arith.mulf %get3A_1858, %mul3A_1859 : vector<16xf32>
      %add3A_1861 = arith.addf %mul3A_1848, %mul3A_1860 : vector<16xf32>
      %get3A_1862 = arith.constant 9 : i32
      %get3A_1863 = arith.index_cast %get3A_1862 : i32 to index
      %get3A_1864 = arith.constant 208 : index
      %get3A_1865 = tpu.vector_load %arg10[%get3A_1863, %get3A_1864] {strides = array<i32>} : memref<16x256xf32, #tpu.memory_space<vmem>>, vector<16xf32>,
      %mul3A_1866 = vector.broadcast %reduce_sum3A_249 : f32 to vector<16xf32>
      %mul3A_1867 = arith.mulf %get3A_1865, %mul3A_1866 : vector<16xf32>
      %add3A_1868 = arith.addf %mul3A_1854, %mul3A_1867 : vector<16xf32>
      %get3A_1869 = arith.constant 2 : i32
      %get3A_1870 = arith.index_cast %get3A_1869 : i32 to index
      %get3A_1871 = arith.constant 208 : index
      %get3A_1872 = tpu.vector_load %arg10[%get3A_1870, %get3A_1871] {strides = array<i32>} : memref<16x256xf32, #tpu.memory_space<vmem>>, vector<16xf32>,
      %mul3A_1873 = vector.broadcast %reduce_sum3A_179 : f32 to vector<16xf32>
      %mul3A_1874 = arith.mulf %get3A_1872, %mul3A_1873 : vector<16xf32>
      %add3A_1875 = arith.addf %add3A_1861, %mul3A_1874 : vector<16xf32>
      %get3A_1876 = arith.constant 10 : i32
      %get3A_1877 = arith.index_cast %get3A_1876 : i32 to index
      %get3A_1878 = arith.constant 208 : index
      %get3A_1879 = tpu.vector_load %arg10[%get3A_1877, %get3A_1878] {strides = array<i32>} : memref<16x256xf32, #tpu.memory_space<vmem>>, vector<16xf32>,
      %mul3A_1880 = vector.broadcast %reduce_sum3A_259 : f32 to vector<16xf32>
      %mul3A_1881 = arith.mulf %get3A_1879, %mul3A_1880 : vector<16xf32>
      %add3A_1882 = arith.addf %add3A_1868, %mul3A_1881 : vector<16xf32>
      %get3A_1883 = arith.constant 3 : i32
      %get3A_1884 = arith.index_cast %get3A_1883 : i32 to index
      %get3A_1885 = arith.constant 208 : index
      %get3A_1886 = tpu.vector_load %arg10[%get3A_1884, %get3A_1885] {strides = array<i32>} : memref<16x256xf32, #tpu.memory_space<vmem>>, vector<16xf32>,
      %mul3A_1887 = vector.broadcast %reduce_sum3A_189 : f32 to vector<16xf32>
      %mul3A_1888 = arith.mulf %get3A_1886, %mul3A_1887 : vector<16xf32>
      %add3A_1889 = arith.addf %add3A_1875, %mul3A_1888 : vector<16xf32>
      %get3A_1890 = arith.constant 11 : i32
      %get3A_1891 = arith.index_cast %get3A_1890 : i32 to index
      %get3A_1892 = arith.constant 208 : index
      %get3A_1893 = tpu.vector_load %arg10[%get3A_1891, %get3A_1892] {strides = array<i32>} : memref<16x256xf32, #tpu.memory_space<vmem>>, vector<16xf32>,
      %mul3A_1894 = vector.broadcast %reduce_sum3A_269 : f32 to vector<16xf32>
      %mul3A_1895 = arith.mulf %get3A_1893, %mul3A_1894 : vector<16xf32>
      %add3A_1896 = arith.addf %add3A_1882, %mul3A_1895 : vector<16xf32>
      %get3A_1897 = arith.constant 4 : i32
      %get3A_1898 = arith.index_cast %get3A_1897 : i32 to index
      %get3A_1899 = arith.constant 208 : index
      %get3A_1900 = tpu.vector_load %arg10[%get3A_1898, %get3A_1899] {strides = array<i32>} : memref<16x256xf32, #tpu.memory_space<vmem>>, vector<16xf32>,
      %mul3A_1901 = vector.broadcast %reduce_sum3A_199 : f32 to vector<16xf32>
      %mul3A_1902 = arith.mulf %get3A_1900, %mul3A_1901 : vector<16xf32>
      %add3A_1903 = arith.addf %add3A_1889, %mul3A_1902 : vector<16xf32>
      %get3A_1904 = arith.constant 12 : i32
      %get3A_1905 = arith.index_cast %get3A_1904 : i32 to index
      %get3A_1906 = arith.constant 208 : index
      %get3A_1907 = tpu.vector_load %arg10[%get3A_1905, %get3A_1906] {strides = array<i32>} : memref<16x256xf32, #tpu.memory_space<vmem>>, vector<16xf32>,
      %mul3A_1908 = vector.broadcast %reduce_sum3A_279 : f32 to vector<16xf32>
      %mul3A_1909 = arith.mulf %get3A_1907, %mul3A_1908 : vector<16xf32>
      %add3A_1910 = arith.addf %add3A_1896, %mul3A_1909 : vector<16xf32>
      %get3A_1911 = arith.constant 5 : i32
      %get3A_1912 = arith.index_cast %get3A_1911 : i32 to index
      %get3A_1913 = arith.constant 208 : index
      %get3A_1914 = tpu.vector_load %arg10[%get3A_1912, %get3A_1913] {strides = array<i32>} : memref<16x256xf32, #tpu.memory_space<vmem>>, vector<16xf32>,
      %mul3A_1915 = vector.broadcast %reduce_sum3A_209 : f32 to vector<16xf32>
      %mul3A_1916 = arith.mulf %get3A_1914, %mul3A_1915 : vector<16xf32>
      %add3A_1917 = arith.addf %add3A_1903, %mul3A_1916 : vector<16xf32>
      %get3A_1918 = arith.constant 13 : i32
      %get3A_1919 = arith.index_cast %get3A_1918 : i32 to index
      %get3A_1920 = arith.constant 208 : index
      %get3A_1921 = tpu.vector_load %arg10[%get3A_1919, %get3A_1920] {strides = array<i32>} : memref<16x256xf32, #tpu.memory_space<vmem>>, vector<16xf32>,
      %mul3A_1922 = vector.broadcast %reduce_sum3A_289 : f32 to vector<16xf32>
      %mul3A_1923 = arith.mulf %get3A_1921, %mul3A_1922 : vector<16xf32>
      %add3A_1924 = arith.addf %add3A_1910, %mul3A_1923 : vector<16xf32>
      %get3A_1925 = arith.constant 6 : i32
      %get3A_1926 = arith.index_cast %get3A_1925 : i32 to index
      %get3A_1927 = arith.constant 208 : index
      %get3A_1928 = tpu.vector_load %arg10[%get3A_1926, %get3A_1927] {strides = array<i32>} : memref<16x256xf32, #tpu.memory_space<vmem>>, vector<16xf32>,
      %mul3A_1929 = vector.broadcast %reduce_sum3A_219 : f32 to vector<16xf32>
      %mul3A_1930 = arith.mulf %get3A_1928, %mul3A_1929 : vector<16xf32>
      %add3A_1931 = arith.addf %add3A_1917, %mul3A_1930 : vector<16xf32>
      %get3A_1932 = arith.constant 14 : i32
      %get3A_1933 = arith.index_cast %get3A_1932 : i32 to index
      %get3A_1934 = arith.constant 208 : index
      %get3A_1935 = tpu.vector_load %arg10[%get3A_1933, %get3A_1934] {strides = array<i32>} : memref<16x256xf32, #tpu.memory_space<vmem>>, vector<16xf32>,
      %mul3A_1936 = vector.broadcast %reduce_sum3A_299 : f32 to vector<16xf32>
      %mul3A_1937 = arith.mulf %get3A_1935, %mul3A_1936 : vector<16xf32>
      %add3A_1938 = arith.addf %add3A_1924, %mul3A_1937 : vector<16xf32>
      %get3A_1939 = arith.constant 7 : i32
      %get3A_1940 = arith.index_cast %get3A_1939 : i32 to index
      %get3A_1941 = arith.constant 208 : index
      %get3A_1942 = tpu.vector_load %arg10[%get3A_1940, %get3A_1941] {strides = array<i32>} : memref<16x256xf32, #tpu.memory_space<vmem>>, vector<16xf32>,
      %mul3A_1943 = vector.broadcast %reduce_sum3A_229 : f32 to vector<16xf32>
      %mul3A_1944 = arith.mulf %get3A_1942, %mul3A_1943 : vector<16xf32>
      %add3A_1945 = arith.addf %add3A_1931, %mul3A_1944 : vector<16xf32>
      %get3A_1946 = arith.constant 15 : i32
      %get3A_1947 = arith.index_cast %get3A_1946 : i32 to index
      %get3A_1948 = arith.constant 208 : index
      %get3A_1949 = tpu.vector_load %arg10[%get3A_1947, %get3A_1948] {strides = array<i32>} : memref<16x256xf32, #tpu.memory_space<vmem>>, vector<16xf32>,
      %mul3A_1950 = vector.broadcast %reduce_sum3A_309 : f32 to vector<16xf32>
      %mul3A_1951 = arith.mulf %get3A_1949, %mul3A_1950 : vector<16xf32>
      %add3A_1952 = arith.addf %add3A_1938, %mul3A_1951 : vector<16xf32>
      %swap3A_1953 = arith.index_cast %mul3A_60 : i32 to index
      %swap3A_1954 = arith.constant 208 : index
      %swap3A_1955 = tpu.vector_load %arg12[%swap3A_1953, %swap3A_1954] {strides = array<i32>} : memref<32x256xf32, #tpu.memory_space<vmem>>, vector<16xf32>,
      tpu.vector_store %arg12[%swap3A_1953, %swap3A_1954], %add3A_1945 {strides = array<i32>} : memref<32x256xf32, #tpu.memory_space<vmem>>, vector<16xf32>,
      %add3A_1956 = arith.constant 1 : i32
      %add3A_1957 = arith.addi %mul3A_60, %add3A_1956 : i32
      %swap3A_1958 = arith.index_cast %add3A_1957 : i32 to index
      %swap3A_1959 = arith.constant 208 : index
      %swap3A_1960 = tpu.vector_load %arg12[%swap3A_1958, %swap3A_1959] {strides = array<i32>} : memref<32x256xf32, #tpu.memory_space<vmem>>, vector<16xf32>,
      tpu.vector_store %arg12[%swap3A_1958, %swap3A_1959], %add3A_1952 {strides = array<i32>} : memref<32x256xf32, #tpu.memory_space<vmem>>, vector<16xf32>,
      %get3A_1961 = arith.constant 0 : i32
      %get3A_1962 = arith.index_cast %get3A_1961 : i32 to index
      %get3A_1963 = arith.constant 224 : index
      %get3A_1964 = tpu.vector_load %arg10[%get3A_1962, %get3A_1963] {strides = array<i32>} : memref<16x256xf32, #tpu.memory_space<vmem>>, vector<16xf32>,
      %mul3A_1965 = vector.broadcast %reduce_sum3A_159 : f32 to vector<16xf32>
      %mul3A_1966 = arith.mulf %get3A_1964, %mul3A_1965 : vector<16xf32>
      %get3A_1967 = arith.constant 8 : i32
      %get3A_1968 = arith.index_cast %get3A_1967 : i32 to index
      %get3A_1969 = arith.constant 224 : index
      %get3A_1970 = tpu.vector_load %arg10[%get3A_1968, %get3A_1969] {strides = array<i32>} : memref<16x256xf32, #tpu.memory_space<vmem>>, vector<16xf32>,
      %mul3A_1971 = vector.broadcast %reduce_sum3A_239 : f32 to vector<16xf32>
      %mul3A_1972 = arith.mulf %get3A_1970, %mul3A_1971 : vector<16xf32>
      %get3A_1973 = arith.constant 1 : i32
      %get3A_1974 = arith.index_cast %get3A_1973 : i32 to index
      %get3A_1975 = arith.constant 224 : index
      %get3A_1976 = tpu.vector_load %arg10[%get3A_1974, %get3A_1975] {strides = array<i32>} : memref<16x256xf32, #tpu.memory_space<vmem>>, vector<16xf32>,
      %mul3A_1977 = vector.broadcast %reduce_sum3A_169 : f32 to vector<16xf32>
      %mul3A_1978 = arith.mulf %get3A_1976, %mul3A_1977 : vector<16xf32>
      %add3A_1979 = arith.addf %mul3A_1966, %mul3A_1978 : vector<16xf32>
      %get3A_1980 = arith.constant 9 : i32
      %get3A_1981 = arith.index_cast %get3A_1980 : i32 to index
      %get3A_1982 = arith.constant 224 : index
      %get3A_1983 = tpu.vector_load %arg10[%get3A_1981, %get3A_1982] {strides = array<i32>} : memref<16x256xf32, #tpu.memory_space<vmem>>, vector<16xf32>,
      %mul3A_1984 = vector.broadcast %reduce_sum3A_249 : f32 to vector<16xf32>
      %mul3A_1985 = arith.mulf %get3A_1983, %mul3A_1984 : vector<16xf32>
      %add3A_1986 = arith.addf %mul3A_1972, %mul3A_1985 : vector<16xf32>
      %get3A_1987 = arith.constant 2 : i32
      %get3A_1988 = arith.index_cast %get3A_1987 : i32 to index
      %get3A_1989 = arith.constant 224 : index
      %get3A_1990 = tpu.vector_load %arg10[%get3A_1988, %get3A_1989] {strides = array<i32>} : memref<16x256xf32, #tpu.memory_space<vmem>>, vector<16xf32>,
      %mul3A_1991 = vector.broadcast %reduce_sum3A_179 : f32 to vector<16xf32>
      %mul3A_1992 = arith.mulf %get3A_1990, %mul3A_1991 : vector<16xf32>
      %add3A_1993 = arith.addf %add3A_1979, %mul3A_1992 : vector<16xf32>
      %get3A_1994 = arith.constant 10 : i32
      %get3A_1995 = arith.index_cast %get3A_1994 : i32 to index
      %get3A_1996 = arith.constant 224 : index
      %get3A_1997 = tpu.vector_load %arg10[%get3A_1995, %get3A_1996] {strides = array<i32>} : memref<16x256xf32, #tpu.memory_space<vmem>>, vector<16xf32>,
      %mul3A_1998 = vector.broadcast %reduce_sum3A_259 : f32 to vector<16xf32>
      %mul3A_1999 = arith.mulf %get3A_1997, %mul3A_1998 : vector<16xf32>
      %add3A_2000 = arith.addf %add3A_1986, %mul3A_1999 : vector<16xf32>
      %get3A_2001 = arith.constant 3 : i32
      %get3A_2002 = arith.index_cast %get3A_2001 : i32 to index
      %get3A_2003 = arith.constant 224 : index
      %get3A_2004 = tpu.vector_load %arg10[%get3A_2002, %get3A_2003] {strides = array<i32>} : memref<16x256xf32, #tpu.memory_space<vmem>>, vector<16xf32>,
      %mul3A_2005 = vector.broadcast %reduce_sum3A_189 : f32 to vector<16xf32>
      %mul3A_2006 = arith.mulf %get3A_2004, %mul3A_2005 : vector<16xf32>
      %add3A_2007 = arith.addf %add3A_1993, %mul3A_2006 : vector<16xf32>
      %get3A_2008 = arith.constant 11 : i32
      %get3A_2009 = arith.index_cast %get3A_2008 : i32 to index
      %get3A_2010 = arith.constant 224 : index
      %get3A_2011 = tpu.vector_load %arg10[%get3A_2009, %get3A_2010] {strides = array<i32>} : memref<16x256xf32, #tpu.memory_space<vmem>>, vector<16xf32>,
      %mul3A_2012 = vector.broadcast %reduce_sum3A_269 : f32 to vector<16xf32>
      %mul3A_2013 = arith.mulf %get3A_2011, %mul3A_2012 : vector<16xf32>
      %add3A_2014 = arith.addf %add3A_2000, %mul3A_2013 : vector<16xf32>
      %get3A_2015 = arith.constant 4 : i32
      %get3A_2016 = arith.index_cast %get3A_2015 : i32 to index
      %get3A_2017 = arith.constant 224 : index
      %get3A_2018 = tpu.vector_load %arg10[%get3A_2016, %get3A_2017] {strides = array<i32>} : memref<16x256xf32, #tpu.memory_space<vmem>>, vector<16xf32>,
      %mul3A_2019 = vector.broadcast %reduce_sum3A_199 : f32 to vector<16xf32>
      %mul3A_2020 = arith.mulf %get3A_2018, %mul3A_2019 : vector<16xf32>
      %add3A_2021 = arith.addf %add3A_2007, %mul3A_2020 : vector<16xf32>
      %get3A_2022 = arith.constant 12 : i32
      %get3A_2023 = arith.index_cast %get3A_2022 : i32 to index
      %get3A_2024 = arith.constant 224 : index
      %get3A_2025 = tpu.vector_load %arg10[%get3A_2023, %get3A_2024] {strides = array<i32>} : memref<16x256xf32, #tpu.memory_space<vmem>>, vector<16xf32>,
      %mul3A_2026 = vector.broadcast %reduce_sum3A_279 : f32 to vector<16xf32>
      %mul3A_2027 = arith.mulf %get3A_2025, %mul3A_2026 : vector<16xf32>
      %add3A_2028 = arith.addf %add3A_2014, %mul3A_2027 : vector<16xf32>
      %get3A_2029 = arith.constant 5 : i32
      %get3A_2030 = arith.index_cast %get3A_2029 : i32 to index
      %get3A_2031 = arith.constant 224 : index
      %get3A_2032 = tpu.vector_load %arg10[%get3A_2030, %get3A_2031] {strides = array<i32>} : memref<16x256xf32, #tpu.memory_space<vmem>>, vector<16xf32>,
      %mul3A_2033 = vector.broadcast %reduce_sum3A_209 : f32 to vector<16xf32>
      %mul3A_2034 = arith.mulf %get3A_2032, %mul3A_2033 : vector<16xf32>
      %add3A_2035 = arith.addf %add3A_2021, %mul3A_2034 : vector<16xf32>
      %get3A_2036 = arith.constant 13 : i32
      %get3A_2037 = arith.index_cast %get3A_2036 : i32 to index
      %get3A_2038 = arith.constant 224 : index
      %get3A_2039 = tpu.vector_load %arg10[%get3A_2037, %get3A_2038] {strides = array<i32>} : memref<16x256xf32, #tpu.memory_space<vmem>>, vector<16xf32>,
      %mul3A_2040 = vector.broadcast %reduce_sum3A_289 : f32 to vector<16xf32>
      %mul3A_2041 = arith.mulf %get3A_2039, %mul3A_2040 : vector<16xf32>
      %add3A_2042 = arith.addf %add3A_2028, %mul3A_2041 : vector<16xf32>
      %get3A_2043 = arith.constant 6 : i32
      %get3A_2044 = arith.index_cast %get3A_2043 : i32 to index
      %get3A_2045 = arith.constant 224 : index
      %get3A_2046 = tpu.vector_load %arg10[%get3A_2044, %get3A_2045] {strides = array<i32>} : memref<16x256xf32, #tpu.memory_space<vmem>>, vector<16xf32>,
      %mul3A_2047 = vector.broadcast %reduce_sum3A_219 : f32 to vector<16xf32>
      %mul3A_2048 = arith.mulf %get3A_2046, %mul3A_2047 : vector<16xf32>
      %add3A_2049 = arith.addf %add3A_2035, %mul3A_2048 : vector<16xf32>
      %get3A_2050 = arith.constant 14 : i32
      %get3A_2051 = arith.index_cast %get3A_2050 : i32 to index
      %get3A_2052 = arith.constant 224 : index
      %get3A_2053 = tpu.vector_load %arg10[%get3A_2051, %get3A_2052] {strides = array<i32>} : memref<16x256xf32, #tpu.memory_space<vmem>>, vector<16xf32>,
      %mul3A_2054 = vector.broadcast %reduce_sum3A_299 : f32 to vector<16xf32>
      %mul3A_2055 = arith.mulf %get3A_2053, %mul3A_2054 : vector<16xf32>
      %add3A_2056 = arith.addf %add3A_2042, %mul3A_2055 : vector<16xf32>
      %get3A_2057 = arith.constant 7 : i32
      %get3A_2058 = arith.index_cast %get3A_2057 : i32 to index
      %get3A_2059 = arith.constant 224 : index
      %get3A_2060 = tpu.vector_load %arg10[%get3A_2058, %get3A_2059] {strides = array<i32>} : memref<16x256xf32, #tpu.memory_space<vmem>>, vector<16xf32>,
      %mul3A_2061 = vector.broadcast %reduce_sum3A_229 : f32 to vector<16xf32>
      %mul3A_2062 = arith.mulf %get3A_2060, %mul3A_2061 : vector<16xf32>
      %add3A_2063 = arith.addf %add3A_2049, %mul3A_2062 : vector<16xf32>
      %get3A_2064 = arith.constant 15 : i32
      %get3A_2065 = arith.index_cast %get3A_2064 : i32 to index
      %get3A_2066 = arith.constant 224 : index
      %get3A_2067 = tpu.vector_load %arg10[%get3A_2065, %get3A_2066] {strides = array<i32>} : memref<16x256xf32, #tpu.memory_space<vmem>>, vector<16xf32>,
      %mul3A_2068 = vector.broadcast %reduce_sum3A_309 : f32 to vector<16xf32>
      %mul3A_2069 = arith.mulf %get3A_2067, %mul3A_2068 : vector<16xf32>
      %add3A_2070 = arith.addf %add3A_2056, %mul3A_2069 : vector<16xf32>
      %swap3A_2071 = arith.index_cast %mul3A_60 : i32 to index
      %swap3A_2072 = arith.constant 224 : index
      %swap3A_2073 = tpu.vector_load %arg12[%swap3A_2071, %swap3A_2072] {strides = array<i32>} : memref<32x256xf32, #tpu.memory_space<vmem>>, vector<16xf32>,
      tpu.vector_store %arg12[%swap3A_2071, %swap3A_2072], %add3A_2063 {strides = array<i32>} : memref<32x256xf32, #tpu.memory_space<vmem>>, vector<16xf32>,
      %add3A_2074 = arith.constant 1 : i32
      %add3A_2075 = arith.addi %mul3A_60, %add3A_2074 : i32
      %swap3A_2076 = arith.index_cast %add3A_2075 : i32 to index
      %swap3A_2077 = arith.constant 224 : index
      %swap3A_2078 = tpu.vector_load %arg12[%swap3A_2076, %swap3A_2077] {strides = array<i32>} : memref<32x256xf32, #tpu.memory_space<vmem>>, vector<16xf32>,
      tpu.vector_store %arg12[%swap3A_2076, %swap3A_2077], %add3A_2070 {strides = array<i32>} : memref<32x256xf32, #tpu.memory_space<vmem>>, vector<16xf32>,
      %get3A_2079 = arith.constant 0 : i32
      %get3A_2080 = arith.index_cast %get3A_2079 : i32 to index
      %get3A_2081 = arith.constant 240 : index
      %get3A_2082 = tpu.vector_load %arg10[%get3A_2080, %get3A_2081] {strides = array<i32>} : memref<16x256xf32, #tpu.memory_space<vmem>>, vector<16xf32>,
      %mul3A_2083 = vector.broadcast %reduce_sum3A_159 : f32 to vector<16xf32>
      %mul3A_2084 = arith.mulf %get3A_2082, %mul3A_2083 : vector<16xf32>
      %get3A_2085 = arith.constant 8 : i32
      %get3A_2086 = arith.index_cast %get3A_2085 : i32 to index
      %get3A_2087 = arith.constant 240 : index
      %get3A_2088 = tpu.vector_load %arg10[%get3A_2086, %get3A_2087] {strides = array<i32>} : memref<16x256xf32, #tpu.memory_space<vmem>>, vector<16xf32>,
      %mul3A_2089 = vector.broadcast %reduce_sum3A_239 : f32 to vector<16xf32>
      %mul3A_2090 = arith.mulf %get3A_2088, %mul3A_2089 : vector<16xf32>
      %get3A_2091 = arith.constant 1 : i32
      %get3A_2092 = arith.index_cast %get3A_2091 : i32 to index
      %get3A_2093 = arith.constant 240 : index
      %get3A_2094 = tpu.vector_load %arg10[%get3A_2092, %get3A_2093] {strides = array<i32>} : memref<16x256xf32, #tpu.memory_space<vmem>>, vector<16xf32>,
      %mul3A_2095 = vector.broadcast %reduce_sum3A_169 : f32 to vector<16xf32>
      %mul3A_2096 = arith.mulf %get3A_2094, %mul3A_2095 : vector<16xf32>
      %add3A_2097 = arith.addf %mul3A_2084, %mul3A_2096 : vector<16xf32>
      %get3A_2098 = arith.constant 9 : i32
      %get3A_2099 = arith.index_cast %get3A_2098 : i32 to index
      %get3A_2100 = arith.constant 240 : index
      %get3A_2101 = tpu.vector_load %arg10[%get3A_2099, %get3A_2100] {strides = array<i32>} : memref<16x256xf32, #tpu.memory_space<vmem>>, vector<16xf32>,
      %mul3A_2102 = vector.broadcast %reduce_sum3A_249 : f32 to vector<16xf32>
      %mul3A_2103 = arith.mulf %get3A_2101, %mul3A_2102 : vector<16xf32>
      %add3A_2104 = arith.addf %mul3A_2090, %mul3A_2103 : vector<16xf32>
      %get3A_2105 = arith.constant 2 : i32
      %get3A_2106 = arith.index_cast %get3A_2105 : i32 to index
      %get3A_2107 = arith.constant 240 : index
      %get3A_2108 = tpu.vector_load %arg10[%get3A_2106, %get3A_2107] {strides = array<i32>} : memref<16x256xf32, #tpu.memory_space<vmem>>, vector<16xf32>,
      %mul3A_2109 = vector.broadcast %reduce_sum3A_179 : f32 to vector<16xf32>
      %mul3A_2110 = arith.mulf %get3A_2108, %mul3A_2109 : vector<16xf32>
      %add3A_2111 = arith.addf %add3A_2097, %mul3A_2110 : vector<16xf32>
      %get3A_2112 = arith.constant 10 : i32
      %get3A_2113 = arith.index_cast %get3A_2112 : i32 to index
      %get3A_2114 = arith.constant 240 : index
      %get3A_2115 = tpu.vector_load %arg10[%get3A_2113, %get3A_2114] {strides = array<i32>} : memref<16x256xf32, #tpu.memory_space<vmem>>, vector<16xf32>,
      %mul3A_2116 = vector.broadcast %reduce_sum3A_259 : f32 to vector<16xf32>
      %mul3A_2117 = arith.mulf %get3A_2115, %mul3A_2116 : vector<16xf32>
      %add3A_2118 = arith.addf %add3A_2104, %mul3A_2117 : vector<16xf32>
      %get3A_2119 = arith.constant 3 : i32
      %get3A_2120 = arith.index_cast %get3A_2119 : i32 to index
      %get3A_2121 = arith.constant 240 : index
      %get3A_2122 = tpu.vector_load %arg10[%get3A_2120, %get3A_2121] {strides = array<i32>} : memref<16x256xf32, #tpu.memory_space<vmem>>, vector<16xf32>,
      %mul3A_2123 = vector.broadcast %reduce_sum3A_189 : f32 to vector<16xf32>
      %mul3A_2124 = arith.mulf %get3A_2122, %mul3A_2123 : vector<16xf32>
      %add3A_2125 = arith.addf %add3A_2111, %mul3A_2124 : vector<16xf32>
      %get3A_2126 = arith.constant 11 : i32
      %get3A_2127 = arith.index_cast %get3A_2126 : i32 to index
      %get3A_2128 = arith.constant 240 : index
      %get3A_2129 = tpu.vector_load %arg10[%get3A_2127, %get3A_2128] {strides = array<i32>} : memref<16x256xf32, #tpu.memory_space<vmem>>, vector<16xf32>,
      %mul3A_2130 = vector.broadcast %reduce_sum3A_269 : f32 to vector<16xf32>
      %mul3A_2131 = arith.mulf %get3A_2129, %mul3A_2130 : vector<16xf32>
      %add3A_2132 = arith.addf %add3A_2118, %mul3A_2131 : vector<16xf32>
      %get3A_2133 = arith.constant 4 : i32
      %get3A_2134 = arith.index_cast %get3A_2133 : i32 to index
      %get3A_2135 = arith.constant 240 : index
      %get3A_2136 = tpu.vector_load %arg10[%get3A_2134, %get3A_2135] {strides = array<i32>} : memref<16x256xf32, #tpu.memory_space<vmem>>, vector<16xf32>,
      %mul3A_2137 = vector.broadcast %reduce_sum3A_199 : f32 to vector<16xf32>
      %mul3A_2138 = arith.mulf %get3A_2136, %mul3A_2137 : vector<16xf32>
      %add3A_2139 = arith.addf %add3A_2125, %mul3A_2138 : vector<16xf32>
      %get3A_2140 = arith.constant 12 : i32
      %get3A_2141 = arith.index_cast %get3A_2140 : i32 to index
      %get3A_2142 = arith.constant 240 : index
      %get3A_2143 = tpu.vector_load %arg10[%get3A_2141, %get3A_2142] {strides = array<i32>} : memref<16x256xf32, #tpu.memory_space<vmem>>, vector<16xf32>,
      %mul3A_2144 = vector.broadcast %reduce_sum3A_279 : f32 to vector<16xf32>
      %mul3A_2145 = arith.mulf %get3A_2143, %mul3A_2144 : vector<16xf32>
      %add3A_2146 = arith.addf %add3A_2132, %mul3A_2145 : vector<16xf32>
      %get3A_2147 = arith.constant 5 : i32
      %get3A_2148 = arith.index_cast %get3A_2147 : i32 to index
      %get3A_2149 = arith.constant 240 : index
      %get3A_2150 = tpu.vector_load %arg10[%get3A_2148, %get3A_2149] {strides = array<i32>} : memref<16x256xf32, #tpu.memory_space<vmem>>, vector<16xf32>,
      %mul3A_2151 = vector.broadcast %reduce_sum3A_209 : f32 to vector<16xf32>
      %mul3A_2152 = arith.mulf %get3A_2150, %mul3A_2151 : vector<16xf32>
      %add3A_2153 = arith.addf %add3A_2139, %mul3A_2152 : vector<16xf32>
      %get3A_2154 = arith.constant 13 : i32
      %get3A_2155 = arith.index_cast %get3A_2154 : i32 to index
      %get3A_2156 = arith.constant 240 : index
      %get3A_2157 = tpu.vector_load %arg10[%get3A_2155, %get3A_2156] {strides = array<i32>} : memref<16x256xf32, #tpu.memory_space<vmem>>, vector<16xf32>,
      %mul3A_2158 = vector.broadcast %reduce_sum3A_289 : f32 to vector<16xf32>
      %mul3A_2159 = arith.mulf %get3A_2157, %mul3A_2158 : vector<16xf32>
      %add3A_2160 = arith.addf %add3A_2146, %mul3A_2159 : vector<16xf32>
      %get3A_2161 = arith.constant 6 : i32
      %get3A_2162 = arith.index_cast %get3A_2161 : i32 to index
      %get3A_2163 = arith.constant 240 : index
      %get3A_2164 = tpu.vector_load %arg10[%get3A_2162, %get3A_2163] {strides = array<i32>} : memref<16x256xf32, #tpu.memory_space<vmem>>, vector<16xf32>,
      %mul3A_2165 = vector.broadcast %reduce_sum3A_219 : f32 to vector<16xf32>
      %mul3A_2166 = arith.mulf %get3A_2164, %mul3A_2165 : vector<16xf32>
      %add3A_2167 = arith.addf %add3A_2153, %mul3A_2166 : vector<16xf32>
      %get3A_2168 = arith.constant 14 : i32
      %get3A_2169 = arith.index_cast %get3A_2168 : i32 to index
      %get3A_2170 = arith.constant 240 : index
      %get3A_2171 = tpu.vector_load %arg10[%get3A_2169, %get3A_2170] {strides = array<i32>} : memref<16x256xf32, #tpu.memory_space<vmem>>, vector<16xf32>,
      %mul3A_2172 = vector.broadcast %reduce_sum3A_299 : f32 to vector<16xf32>
      %mul3A_2173 = arith.mulf %get3A_2171, %mul3A_2172 : vector<16xf32>
      %add3A_2174 = arith.addf %add3A_2160, %mul3A_2173 : vector<16xf32>
      %get3A_2175 = arith.constant 7 : i32
      %get3A_2176 = arith.index_cast %get3A_2175 : i32 to index
      %get3A_2177 = arith.constant 240 : index
      %get3A_2178 = tpu.vector_load %arg10[%get3A_2176, %get3A_2177] {strides = array<i32>} : memref<16x256xf32, #tpu.memory_space<vmem>>, vector<16xf32>,
      %mul3A_2179 = vector.broadcast %reduce_sum3A_229 : f32 to vector<16xf32>
      %mul3A_2180 = arith.mulf %get3A_2178, %mul3A_2179 : vector<16xf32>
      %add3A_2181 = arith.addf %add3A_2167, %mul3A_2180 : vector<16xf32>
      %get3A_2182 = arith.constant 15 : i32
      %get3A_2183 = arith.index_cast %get3A_2182 : i32 to index
      %get3A_2184 = arith.constant 240 : index
      %get3A_2185 = tpu.vector_load %arg10[%get3A_2183, %get3A_2184] {strides = array<i32>} : memref<16x256xf32, #tpu.memory_space<vmem>>, vector<16xf32>,
      %mul3A_2186 = vector.broadcast %reduce_sum3A_309 : f32 to vector<16xf32>
      %mul3A_2187 = arith.mulf %get3A_2185, %mul3A_2186 : vector<16xf32>
      %add3A_2188 = arith.addf %add3A_2174, %mul3A_2187 : vector<16xf32>
      %swap3A_2189 = arith.index_cast %mul3A_60 : i32 to index
      %swap3A_2190 = arith.constant 240 : index
      %swap3A_2191 = tpu.vector_load %arg12[%swap3A_2189, %swap3A_2190] {strides = array<i32>} : memref<32x256xf32, #tpu.memory_space<vmem>>, vector<16xf32>,
      tpu.vector_store %arg12[%swap3A_2189, %swap3A_2190], %add3A_2181 {strides = array<i32>} : memref<32x256xf32, #tpu.memory_space<vmem>>, vector<16xf32>,
      %add3A_2192 = arith.constant 1 : i32
      %add3A_2193 = arith.addi %mul3A_60, %add3A_2192 : i32
      %swap3A_2194 = arith.index_cast %add3A_2193 : i32 to index
      %swap3A_2195 = arith.constant 240 : index
      %swap3A_2196 = tpu.vector_load %arg12[%swap3A_2194, %swap3A_2195] {strides = array<i32>} : memref<32x256xf32, #tpu.memory_space<vmem>>, vector<16xf32>,
      tpu.vector_store %arg12[%swap3A_2194, %swap3A_2195], %add3A_2188 {strides = array<i32>} : memref<32x256xf32, #tpu.memory_space<vmem>>, vector<16xf32>,
      %mul3A_2197 = arith.constant 16 : i32
      %mul3A_2198 = arith.muli %min3A_45, %mul3A_2197 : i32
      %get3A_2199 = arith.index_cast %mul3A_2198 : i32 to index
      %get3A_2200 = tpu.vector_load %arg9[%get3A_2199] {strides = array<i32>} : memref<12544xi32, #tpu.memory_space<vmem>>, vector<16xi32>,
      %dma_start3A_2201 = arith.constant 0 : i32
      %dma_start3A_2202 = arith.constant 0 : i32
      %dma_start3A_2203 = tpu.memref_slice %arg2[%dma_start3A_2201, %dma_start3A_2202] : memref<12512x256xf32, #tpu.memory_space<hbm>> -> memref<12512x256xf32, #tpu.memory_space<hbm>>
      tpu.enqueue_indirect_dma source(%dma_start3A_2203 : memref<12512x256xf32, #tpu.memory_space<hbm>>) target(%arg10 : memref<16x256xf32, #tpu.memory_space<vmem>>) offsets(%get3A_2200 : vector<16xi32>) semaphore(%arg13 : memref<!tpu.dma_semaphore, #tpu.memory_space<semaphore_mem>>)
      %mul3A_2204 = arith.constant 16 : i32
      %mul3A_2205 = arith.muli %add3A_42, %mul3A_2204 : i32
      %get3A_2206 = arith.index_cast %mul3A_2205 : i32 to index
      %get3A_2207 = tpu.vector_load %arg9[%get3A_2206] {strides = array<i32>} : memref<12544xi32, #tpu.memory_space<vmem>>, vector<16xi32>,
      %dma_wait3A_2208 = arith.constant 0 : i32
      %dma_wait3A_2209 = arith.constant 0 : i32
      %dma_wait3A_2210 = tpu.memref_slice %arg2[%dma_wait3A_2208, %dma_wait3A_2209] : memref<12512x256xf32, #tpu.memory_space<hbm>> -> memref<12512x256xf32, #tpu.memory_space<hbm>>
      tpu.wait_indirect_dma semaphore(%arg14 : memref<!tpu.dma_semaphore, #tpu.memory_space<semaphore_mem>>) src(%dma_wait3A_2210 : memref<12512x256xf32, #tpu.memory_space<hbm>>) dst(%arg11 : memref<16x256xf32, #tpu.memory_space<vmem>>)
      %add3A_2211 = arith.constant 2 : i32
      %add3A_2212 = arith.addi %mul3A_60, %add3A_2211 : i32
      %mul3A_2213 = arith.constant 2 : i32
      %mul3A_2214 = arith.muli %add3A_42, %mul3A_2213 : i32
      %mul3A_2215 = arith.constant 16 : i32
      %mul3A_2216 = arith.muli %add3A_42, %mul3A_2215 : i32
      %get3A_2217 = arith.index_cast %mul3A_2216 : i32 to index
      %get3A_2218 = tpu.vector_load %arg9[%get3A_2217] {strides = array<i32>} : memref<12544xi32, #tpu.memory_space<vmem>>, vector<16xi32>,
      %gather3A_2219 = tpu.vector_load_idx %arg7[%broadcast_in_dim3A_5, %get3A_2218] : memref<3x12512xf32, #tpu.memory_space<vmem>>[vector<16xi32>, vector<16xi32>], vector<16xf32>,
      %gather3A_2220 = tpu.vector_load_idx %arg7[%broadcast_in_dim3A_7, %get3A_2218] : memref<3x12512xf32, #tpu.memory_space<vmem>>[vector<16xi32>, vector<16xi32>], vector<16xf32>,
      %gather3A_2221 = tpu.vector_load_idx %arg7[%broadcast_in_dim3A_9, %get3A_2218] : memref<3x12512xf32, #tpu.memory_space<vmem>>[vector<16xi32>, vector<16xi32>], vector<16xf32>,
      %ge3A_2222 = arith.constant 8 : i32
      %ge3A_2223 = vector.broadcast %ge3A_2222 : i32 to vector<16xi32>
      %ge3A_2224 = arith.cmpi sge, %iota3A, %ge3A_2223 : vector<16xi32>
      %add3A_2225 = arith.constant 1 : i32
      %add3A_2226 = arith.addi %mul3A_2214, %add3A_2225 : i32
      %broadcast_in_dim3A_2227 = vector.broadcast %add3A_2226 : i32 to vector<16xi32>
      %broadcast_in_dim3A_2228 = vector.broadcast %mul3A_2214 : i32 to vector<16xi32>
      %select_n3A_2229 = arith.select %ge3A_2224, %broadcast_in_dim3A_2227, %broadcast_in_dim3A_2228 : vector<16xi1>, vector<16xi32>
      %gather3A_2230 = tpu.vector_load_idx %arg8[%select_n3A_2229, %broadcast_in_dim3A_5] : memref<1568x3xf32, #tpu.memory_space<vmem>>[vector<16xi32>, vector<16xi32>], vector<16xf32>,
      %gather3A_2231 = tpu.vector_load_idx %arg8[%select_n3A_2229, %broadcast_in_dim3A_7] : memref<1568x3xf32, #tpu.memory_space<vmem>>[vector<16xi32>, vector<16xi32>], vector<16xf32>,
      %gather3A_2232 = tpu.vector_load_idx %arg8[%select_n3A_2229, %broadcast_in_dim3A_9] : memref<1568x3xf32, #tpu.memory_space<vmem>>[vector<16xi32>, vector<16xi32>], vector<16xf32>,
      %sub3A_2233 = arith.subf %gather3A_2230, %gather3A_2219 : vector<16xf32>
      %sub3A_2234 = arith.subf %gather3A_2231, %gather3A_2220 : vector<16xf32>
      %sub3A_2235 = arith.subf %gather3A_2232, %gather3A_2221 : vector<16xf32>
      %mul3A_2236 = arith.mulf %sub3A_2233, %sub3A_2233 : vector<16xf32>
      %mul3A_2237 = arith.mulf %sub3A_2234, %sub3A_2234 : vector<16xf32>
      %add3A_2238 = arith.addf %mul3A_2236, %mul3A_2237 : vector<16xf32>
      %mul3A_2239 = arith.mulf %sub3A_2235, %sub3A_2235 : vector<16xf32>
      %add3A_2240 = arith.addf %add3A_2238, %mul3A_2239 : vector<16xf32>
      %ne3A_2241 = arith.constant 12500 : i32
      %ne3A_2242 = vector.broadcast %ne3A_2241 : i32 to vector<16xi32>
      %ne3A_2243 = arith.cmpi ne, %get3A_2218, %ne3A_2242 : vector<16xi32>
      %jit3A_2244 = arith.constant 1.000000e+00 : f32
      %jit3A_2245 = arith.constant 0.000000e+00 : f32
      %broadcast_in_dim3A_2246 = vector.broadcast %jit3A_2244 : f32 to vector<16xf32>
      %broadcast_in_dim3A_2247 = vector.broadcast %jit3A_2245 : f32 to vector<16xf32>
      %select_n3A_2248 = arith.select %ne3A_2243, %broadcast_in_dim3A_2246, %broadcast_in_dim3A_2247 : vector<16xi1>, vector<16xf32>
      %add3A_2249 = arith.constant 9.99999993E-9 : f32
      %add3A_2250 = vector.broadcast %add3A_2249 : f32 to vector<16xf32>
      %add3A_2251 = arith.addf %add3A_2240, %add3A_2250 : vector<16xf32>
      %div3A_2252 = arith.divf %select_n3A_2248, %add3A_2251 : vector<16xf32>
      %lt3A_2253 = arith.constant 8 : i32
      %lt3A_2254 = vector.broadcast %lt3A_2253 : i32 to vector<16xi32>
      %lt3A_2255 = arith.cmpi slt, %iota3A, %lt3A_2254 : vector<16xi32>
      %jit3A_2256 = arith.constant 0.000000e+00 : f32
      %broadcast_in_dim3A_2257 = vector.broadcast %jit3A_2256 : f32 to vector<16xf32>
      %select_n3A_2258 = arith.select %lt3A_2255, %div3A_2252, %broadcast_in_dim3A_2257 : vector<16xi1>, vector<16xf32>
      %reduce_sum3A_2259 = arith.constant true
      %reduce_sum3A_2260 = vector.broadcast %reduce_sum3A_2259 : i1 to vector<16xi1>
      %reduce_sum3A_2261 = tpu.scan <sum>, %select_n3A_2258 masked %reduce_sum3A_2260 : vector<16xf32>, vector<16xi1> -> vector<16xf32>
      %reduce_sum3A_2262 = vector.extract %reduce_sum3A_2261[15] : f32 from vector<16xf32>
      %reduce_sum3A_2263 = arith.constant true
      %reduce_sum3A_2264 = vector.broadcast %reduce_sum3A_2263 : i1 to vector<16xi1>
      %reduce_sum3A_2265 = tpu.scan <sum>, %div3A_2252 masked %reduce_sum3A_2264 : vector<16xf32>, vector<16xi1> -> vector<16xf32>
      %reduce_sum3A_2266 = vector.extract %reduce_sum3A_2265[15] : f32 from vector<16xf32>
      %lt3A_2267 = arith.constant 8 : i32
      %lt3A_2268 = vector.broadcast %lt3A_2267 : i32 to vector<16xi32>
      %lt3A_2269 = arith.cmpi slt, %iota3A, %lt3A_2268 : vector<16xi32>
      %sub3A_2270 = arith.subf %reduce_sum3A_2266, %reduce_sum3A_2262 : f32
      %broadcast_in_dim3A_2271 = vector.broadcast %reduce_sum3A_2262 : f32 to vector<16xf32>
      %broadcast_in_dim3A_2272 = vector.broadcast %sub3A_2270 : f32 to vector<16xf32>
      %select_n3A_2273 = arith.select %lt3A_2269, %broadcast_in_dim3A_2271, %broadcast_in_dim3A_2272 : vector<16xi1>, vector<16xf32>
      %add3A_2274 = arith.constant 9.99999993E-9 : f32
      %add3A_2275 = vector.broadcast %add3A_2274 : f32 to vector<16xf32>
      %add3A_2276 = arith.addf %select_n3A_2273, %add3A_2275 : vector<16xf32>
      %div3A_2277 = arith.divf %div3A_2252, %add3A_2276 : vector<16xf32>
      %eq3A_2278 = arith.constant 0 : i32
      %eq3A_2279 = vector.broadcast %eq3A_2278 : i32 to vector<16xi32>
      %eq3A_2280 = arith.cmpi eq, %iota3A, %eq3A_2279 : vector<16xi32>
      %jit3A_2281 = arith.constant 0.000000e+00 : f32
      %broadcast_in_dim3A_2282 = vector.broadcast %jit3A_2281 : f32 to vector<16xf32>
      %select_n3A_2283 = arith.select %eq3A_2280, %div3A_2277, %broadcast_in_dim3A_2282 : vector<16xi1>, vector<16xf32>
      %reduce_sum3A_2284 = arith.constant true
      %reduce_sum3A_2285 = vector.broadcast %reduce_sum3A_2284 : i1 to vector<16xi1>
      %reduce_sum3A_2286 = tpu.scan <sum>, %select_n3A_2283 masked %reduce_sum3A_2285 : vector<16xf32>, vector<16xi1> -> vector<16xf32>
      %reduce_sum3A_2287 = vector.extract %reduce_sum3A_2286[15] : f32 from vector<16xf32>
      %eq3A_2288 = arith.constant 1 : i32
      %eq3A_2289 = vector.broadcast %eq3A_2288 : i32 to vector<16xi32>
      %eq3A_2290 = arith.cmpi eq, %iota3A, %eq3A_2289 : vector<16xi32>
      %jit3A_2291 = arith.constant 0.000000e+00 : f32
      %broadcast_in_dim3A_2292 = vector.broadcast %jit3A_2291 : f32 to vector<16xf32>
      %select_n3A_2293 = arith.select %eq3A_2290, %div3A_2277, %broadcast_in_dim3A_2292 : vector<16xi1>, vector<16xf32>
      %reduce_sum3A_2294 = arith.constant true
      %reduce_sum3A_2295 = vector.broadcast %reduce_sum3A_2294 : i1 to vector<16xi1>
      %reduce_sum3A_2296 = tpu.scan <sum>, %select_n3A_2293 masked %reduce_sum3A_2295 : vector<16xf32>, vector<16xi1> -> vector<16xf32>
      %reduce_sum3A_2297 = vector.extract %reduce_sum3A_2296[15] : f32 from vector<16xf32>
      %eq3A_2298 = arith.constant 2 : i32
      %eq3A_2299 = vector.broadcast %eq3A_2298 : i32 to vector<16xi32>
      %eq3A_2300 = arith.cmpi eq, %iota3A, %eq3A_2299 : vector<16xi32>
      %jit3A_2301 = arith.constant 0.000000e+00 : f32
      %broadcast_in_dim3A_2302 = vector.broadcast %jit3A_2301 : f32 to vector<16xf32>
      %select_n3A_2303 = arith.select %eq3A_2300, %div3A_2277, %broadcast_in_dim3A_2302 : vector<16xi1>, vector<16xf32>
      %reduce_sum3A_2304 = arith.constant true
      %reduce_sum3A_2305 = vector.broadcast %reduce_sum3A_2304 : i1 to vector<16xi1>
      %reduce_sum3A_2306 = tpu.scan <sum>, %select_n3A_2303 masked %reduce_sum3A_2305 : vector<16xf32>, vector<16xi1> -> vector<16xf32>
      %reduce_sum3A_2307 = vector.extract %reduce_sum3A_2306[15] : f32 from vector<16xf32>
      %eq3A_2308 = arith.constant 3 : i32
      %eq3A_2309 = vector.broadcast %eq3A_2308 : i32 to vector<16xi32>
      %eq3A_2310 = arith.cmpi eq, %iota3A, %eq3A_2309 : vector<16xi32>
      %jit3A_2311 = arith.constant 0.000000e+00 : f32
      %broadcast_in_dim3A_2312 = vector.broadcast %jit3A_2311 : f32 to vector<16xf32>
      %select_n3A_2313 = arith.select %eq3A_2310, %div3A_2277, %broadcast_in_dim3A_2312 : vector<16xi1>, vector<16xf32>
      %reduce_sum3A_2314 = arith.constant true
      %reduce_sum3A_2315 = vector.broadcast %reduce_sum3A_2314 : i1 to vector<16xi1>
      %reduce_sum3A_2316 = tpu.scan <sum>, %select_n3A_2313 masked %reduce_sum3A_2315 : vector<16xf32>, vector<16xi1> -> vector<16xf32>
      %reduce_sum3A_2317 = vector.extract %reduce_sum3A_2316[15] : f32 from vector<16xf32>
      %eq3A_2318 = arith.constant 4 : i32
      %eq3A_2319 = vector.broadcast %eq3A_2318 : i32 to vector<16xi32>
      %eq3A_2320 = arith.cmpi eq, %iota3A, %eq3A_2319 : vector<16xi32>
      %jit3A_2321 = arith.constant 0.000000e+00 : f32
      %broadcast_in_dim3A_2322 = vector.broadcast %jit3A_2321 : f32 to vector<16xf32>
      %select_n3A_2323 = arith.select %eq3A_2320, %div3A_2277, %broadcast_in_dim3A_2322 : vector<16xi1>, vector<16xf32>
      %reduce_sum3A_2324 = arith.constant true
      %reduce_sum3A_2325 = vector.broadcast %reduce_sum3A_2324 : i1 to vector<16xi1>
      %reduce_sum3A_2326 = tpu.scan <sum>, %select_n3A_2323 masked %reduce_sum3A_2325 : vector<16xf32>, vector<16xi1> -> vector<16xf32>
      %reduce_sum3A_2327 = vector.extract %reduce_sum3A_2326[15] : f32 from vector<16xf32>
      %eq3A_2328 = arith.constant 5 : i32
      %eq3A_2329 = vector.broadcast %eq3A_2328 : i32 to vector<16xi32>
      %eq3A_2330 = arith.cmpi eq, %iota3A, %eq3A_2329 : vector<16xi32>
      %jit3A_2331 = arith.constant 0.000000e+00 : f32
      %broadcast_in_dim3A_2332 = vector.broadcast %jit3A_2331 : f32 to vector<16xf32>
      %select_n3A_2333 = arith.select %eq3A_2330, %div3A_2277, %broadcast_in_dim3A_2332 : vector<16xi1>, vector<16xf32>
      %reduce_sum3A_2334 = arith.constant true
      %reduce_sum3A_2335 = vector.broadcast %reduce_sum3A_2334 : i1 to vector<16xi1>
      %reduce_sum3A_2336 = tpu.scan <sum>, %select_n3A_2333 masked %reduce_sum3A_2335 : vector<16xf32>, vector<16xi1> -> vector<16xf32>
      %reduce_sum3A_2337 = vector.extract %reduce_sum3A_2336[15] : f32 from vector<16xf32>
      %eq3A_2338 = arith.constant 6 : i32
      %eq3A_2339 = vector.broadcast %eq3A_2338 : i32 to vector<16xi32>
      %eq3A_2340 = arith.cmpi eq, %iota3A, %eq3A_2339 : vector<16xi32>
      %jit3A_2341 = arith.constant 0.000000e+00 : f32
      %broadcast_in_dim3A_2342 = vector.broadcast %jit3A_2341 : f32 to vector<16xf32>
      %select_n3A_2343 = arith.select %eq3A_2340, %div3A_2277, %broadcast_in_dim3A_2342 : vector<16xi1>, vector<16xf32>
      %reduce_sum3A_2344 = arith.constant true
      %reduce_sum3A_2345 = vector.broadcast %reduce_sum3A_2344 : i1 to vector<16xi1>
      %reduce_sum3A_2346 = tpu.scan <sum>, %select_n3A_2343 masked %reduce_sum3A_2345 : vector<16xf32>, vector<16xi1> -> vector<16xf32>
      %reduce_sum3A_2347 = vector.extract %reduce_sum3A_2346[15] : f32 from vector<16xf32>
      %eq3A_2348 = arith.constant 7 : i32
      %eq3A_2349 = vector.broadcast %eq3A_2348 : i32 to vector<16xi32>
      %eq3A_2350 = arith.cmpi eq, %iota3A, %eq3A_2349 : vector<16xi32>
      %jit3A_2351 = arith.constant 0.000000e+00 : f32
      %broadcast_in_dim3A_2352 = vector.broadcast %jit3A_2351 : f32 to vector<16xf32>
      %select_n3A_2353 = arith.select %eq3A_2350, %div3A_2277, %broadcast_in_dim3A_2352 : vector<16xi1>, vector<16xf32>
      %reduce_sum3A_2354 = arith.constant true
      %reduce_sum3A_2355 = vector.broadcast %reduce_sum3A_2354 : i1 to vector<16xi1>
      %reduce_sum3A_2356 = tpu.scan <sum>, %select_n3A_2353 masked %reduce_sum3A_2355 : vector<16xf32>, vector<16xi1> -> vector<16xf32>
      %reduce_sum3A_2357 = vector.extract %reduce_sum3A_2356[15] : f32 from vector<16xf32>
      %eq3A_2358 = arith.constant 8 : i32
      %eq3A_2359 = vector.broadcast %eq3A_2358 : i32 to vector<16xi32>
      %eq3A_2360 = arith.cmpi eq, %iota3A, %eq3A_2359 : vector<16xi32>
      %jit3A_2361 = arith.constant 0.000000e+00 : f32
      %broadcast_in_dim3A_2362 = vector.broadcast %jit3A_2361 : f32 to vector<16xf32>
      %select_n3A_2363 = arith.select %eq3A_2360, %div3A_2277, %broadcast_in_dim3A_2362 : vector<16xi1>, vector<16xf32>
      %reduce_sum3A_2364 = arith.constant true
      %reduce_sum3A_2365 = vector.broadcast %reduce_sum3A_2364 : i1 to vector<16xi1>
      %reduce_sum3A_2366 = tpu.scan <sum>, %select_n3A_2363 masked %reduce_sum3A_2365 : vector<16xf32>, vector<16xi1> -> vector<16xf32>
      %reduce_sum3A_2367 = vector.extract %reduce_sum3A_2366[15] : f32 from vector<16xf32>
      %eq3A_2368 = arith.constant 9 : i32
      %eq3A_2369 = vector.broadcast %eq3A_2368 : i32 to vector<16xi32>
      %eq3A_2370 = arith.cmpi eq, %iota3A, %eq3A_2369 : vector<16xi32>
      %jit3A_2371 = arith.constant 0.000000e+00 : f32
      %broadcast_in_dim3A_2372 = vector.broadcast %jit3A_2371 : f32 to vector<16xf32>
      %select_n3A_2373 = arith.select %eq3A_2370, %div3A_2277, %broadcast_in_dim3A_2372 : vector<16xi1>, vector<16xf32>
      %reduce_sum3A_2374 = arith.constant true
      %reduce_sum3A_2375 = vector.broadcast %reduce_sum3A_2374 : i1 to vector<16xi1>
      %reduce_sum3A_2376 = tpu.scan <sum>, %select_n3A_2373 masked %reduce_sum3A_2375 : vector<16xf32>, vector<16xi1> -> vector<16xf32>
      %reduce_sum3A_2377 = vector.extract %reduce_sum3A_2376[15] : f32 from vector<16xf32>
      %eq3A_2378 = arith.constant 10 : i32
      %eq3A_2379 = vector.broadcast %eq3A_2378 : i32 to vector<16xi32>
      %eq3A_2380 = arith.cmpi eq, %iota3A, %eq3A_2379 : vector<16xi32>
      %jit3A_2381 = arith.constant 0.000000e+00 : f32
      %broadcast_in_dim3A_2382 = vector.broadcast %jit3A_2381 : f32 to vector<16xf32>
      %select_n3A_2383 = arith.select %eq3A_2380, %div3A_2277, %broadcast_in_dim3A_2382 : vector<16xi1>, vector<16xf32>
      %reduce_sum3A_2384 = arith.constant true
      %reduce_sum3A_2385 = vector.broadcast %reduce_sum3A_2384 : i1 to vector<16xi1>
      %reduce_sum3A_2386 = tpu.scan <sum>, %select_n3A_2383 masked %reduce_sum3A_2385 : vector<16xf32>, vector<16xi1> -> vector<16xf32>
      %reduce_sum3A_2387 = vector.extract %reduce_sum3A_2386[15] : f32 from vector<16xf32>
      %eq3A_2388 = arith.constant 11 : i32
      %eq3A_2389 = vector.broadcast %eq3A_2388 : i32 to vector<16xi32>
      %eq3A_2390 = arith.cmpi eq, %iota3A, %eq3A_2389 : vector<16xi32>
      %jit3A_2391 = arith.constant 0.000000e+00 : f32
      %broadcast_in_dim3A_2392 = vector.broadcast %jit3A_2391 : f32 to vector<16xf32>
      %select_n3A_2393 = arith.select %eq3A_2390, %div3A_2277, %broadcast_in_dim3A_2392 : vector<16xi1>, vector<16xf32>
      %reduce_sum3A_2394 = arith.constant true
      %reduce_sum3A_2395 = vector.broadcast %reduce_sum3A_2394 : i1 to vector<16xi1>
      %reduce_sum3A_2396 = tpu.scan <sum>, %select_n3A_2393 masked %reduce_sum3A_2395 : vector<16xf32>, vector<16xi1> -> vector<16xf32>
      %reduce_sum3A_2397 = vector.extract %reduce_sum3A_2396[15] : f32 from vector<16xf32>
      %eq3A_2398 = arith.constant 12 : i32
      %eq3A_2399 = vector.broadcast %eq3A_2398 : i32 to vector<16xi32>
      %eq3A_2400 = arith.cmpi eq, %iota3A, %eq3A_2399 : vector<16xi32>
      %jit3A_2401 = arith.constant 0.000000e+00 : f32
      %broadcast_in_dim3A_2402 = vector.broadcast %jit3A_2401 : f32 to vector<16xf32>
      %select_n3A_2403 = arith.select %eq3A_2400, %div3A_2277, %broadcast_in_dim3A_2402 : vector<16xi1>, vector<16xf32>
      %reduce_sum3A_2404 = arith.constant true
      %reduce_sum3A_2405 = vector.broadcast %reduce_sum3A_2404 : i1 to vector<16xi1>
      %reduce_sum3A_2406 = tpu.scan <sum>, %select_n3A_2403 masked %reduce_sum3A_2405 : vector<16xf32>, vector<16xi1> -> vector<16xf32>
      %reduce_sum3A_2407 = vector.extract %reduce_sum3A_2406[15] : f32 from vector<16xf32>
      %eq3A_2408 = arith.constant 13 : i32
      %eq3A_2409 = vector.broadcast %eq3A_2408 : i32 to vector<16xi32>
      %eq3A_2410 = arith.cmpi eq, %iota3A, %eq3A_2409 : vector<16xi32>
      %jit3A_2411 = arith.constant 0.000000e+00 : f32
      %broadcast_in_dim3A_2412 = vector.broadcast %jit3A_2411 : f32 to vector<16xf32>
      %select_n3A_2413 = arith.select %eq3A_2410, %div3A_2277, %broadcast_in_dim3A_2412 : vector<16xi1>, vector<16xf32>
      %reduce_sum3A_2414 = arith.constant true
      %reduce_sum3A_2415 = vector.broadcast %reduce_sum3A_2414 : i1 to vector<16xi1>
      %reduce_sum3A_2416 = tpu.scan <sum>, %select_n3A_2413 masked %reduce_sum3A_2415 : vector<16xf32>, vector<16xi1> -> vector<16xf32>
      %reduce_sum3A_2417 = vector.extract %reduce_sum3A_2416[15] : f32 from vector<16xf32>
      %eq3A_2418 = arith.constant 14 : i32
      %eq3A_2419 = vector.broadcast %eq3A_2418 : i32 to vector<16xi32>
      %eq3A_2420 = arith.cmpi eq, %iota3A, %eq3A_2419 : vector<16xi32>
      %jit3A_2421 = arith.constant 0.000000e+00 : f32
      %broadcast_in_dim3A_2422 = vector.broadcast %jit3A_2421 : f32 to vector<16xf32>
      %select_n3A_2423 = arith.select %eq3A_2420, %div3A_2277, %broadcast_in_dim3A_2422 : vector<16xi1>, vector<16xf32>
      %reduce_sum3A_2424 = arith.constant true
      %reduce_sum3A_2425 = vector.broadcast %reduce_sum3A_2424 : i1 to vector<16xi1>
      %reduce_sum3A_2426 = tpu.scan <sum>, %select_n3A_2423 masked %reduce_sum3A_2425 : vector<16xf32>, vector<16xi1> -> vector<16xf32>
      %reduce_sum3A_2427 = vector.extract %reduce_sum3A_2426[15] : f32 from vector<16xf32>
      %eq3A_2428 = arith.constant 15 : i32
      %eq3A_2429 = vector.broadcast %eq3A_2428 : i32 to vector<16xi32>
      %eq3A_2430 = arith.cmpi eq, %iota3A, %eq3A_2429 : vector<16xi32>
      %jit3A_2431 = arith.constant 0.000000e+00 : f32
      %broadcast_in_dim3A_2432 = vector.broadcast %jit3A_2431 : f32 to vector<16xf32>
      %select_n3A_2433 = arith.select %eq3A_2430, %div3A_2277, %broadcast_in_dim3A_2432 : vector<16xi1>, vector<16xf32>
      %reduce_sum3A_2434 = arith.constant true
      %reduce_sum3A_2435 = vector.broadcast %reduce_sum3A_2434 : i1 to vector<16xi1>
      %reduce_sum3A_2436 = tpu.scan <sum>, %select_n3A_2433 masked %reduce_sum3A_2435 : vector<16xf32>, vector<16xi1> -> vector<16xf32>
      %reduce_sum3A_2437 = vector.extract %reduce_sum3A_2436[15] : f32 from vector<16xf32>
      %get3A_2438 = arith.constant 0 : i32
      %get3A_2439 = arith.index_cast %get3A_2438 : i32 to index
      %get3A_2440 = arith.constant 0 : index
      %get3A_2441 = tpu.vector_load %arg11[%get3A_2439, %get3A_2440] {strides = array<i32>} : memref<16x256xf32, #tpu.memory_space<vmem>>, vector<16xf32>,
      %mul3A_2442 = vector.broadcast %reduce_sum3A_2287 : f32 to vector<16xf32>
      %mul3A_2443 = arith.mulf %get3A_2441, %mul3A_2442 : vector<16xf32>
      %get3A_2444 = arith.constant 8 : i32
      %get3A_2445 = arith.index_cast %get3A_2444 : i32 to index
      %get3A_2446 = arith.constant 0 : index
      %get3A_2447 = tpu.vector_load %arg11[%get3A_2445, %get3A_2446] {strides = array<i32>} : memref<16x256xf32, #tpu.memory_space<vmem>>, vector<16xf32>,
      %mul3A_2448 = vector.broadcast %reduce_sum3A_2367 : f32 to vector<16xf32>
      %mul3A_2449 = arith.mulf %get3A_2447, %mul3A_2448 : vector<16xf32>
      %get3A_2450 = arith.constant 1 : i32
      %get3A_2451 = arith.index_cast %get3A_2450 : i32 to index
      %get3A_2452 = arith.constant 0 : index
      %get3A_2453 = tpu.vector_load %arg11[%get3A_2451, %get3A_2452] {strides = array<i32>} : memref<16x256xf32, #tpu.memory_space<vmem>>, vector<16xf32>,
      %mul3A_2454 = vector.broadcast %reduce_sum3A_2297 : f32 to vector<16xf32>
      %mul3A_2455 = arith.mulf %get3A_2453, %mul3A_2454 : vector<16xf32>
      %add3A_2456 = arith.addf %mul3A_2443, %mul3A_2455 : vector<16xf32>
      %get3A_2457 = arith.constant 9 : i32
      %get3A_2458 = arith.index_cast %get3A_2457 : i32 to index
      %get3A_2459 = arith.constant 0 : index
      %get3A_2460 = tpu.vector_load %arg11[%get3A_2458, %get3A_2459] {strides = array<i32>} : memref<16x256xf32, #tpu.memory_space<vmem>>, vector<16xf32>,
      %mul3A_2461 = vector.broadcast %reduce_sum3A_2377 : f32 to vector<16xf32>
      %mul3A_2462 = arith.mulf %get3A_2460, %mul3A_2461 : vector<16xf32>
      %add3A_2463 = arith.addf %mul3A_2449, %mul3A_2462 : vector<16xf32>
      %get3A_2464 = arith.constant 2 : i32
      %get3A_2465 = arith.index_cast %get3A_2464 : i32 to index
      %get3A_2466 = arith.constant 0 : index
      %get3A_2467 = tpu.vector_load %arg11[%get3A_2465, %get3A_2466] {strides = array<i32>} : memref<16x256xf32, #tpu.memory_space<vmem>>, vector<16xf32>,
      %mul3A_2468 = vector.broadcast %reduce_sum3A_2307 : f32 to vector<16xf32>
      %mul3A_2469 = arith.mulf %get3A_2467, %mul3A_2468 : vector<16xf32>
      %add3A_2470 = arith.addf %add3A_2456, %mul3A_2469 : vector<16xf32>
      %get3A_2471 = arith.constant 10 : i32
      %get3A_2472 = arith.index_cast %get3A_2471 : i32 to index
      %get3A_2473 = arith.constant 0 : index
      %get3A_2474 = tpu.vector_load %arg11[%get3A_2472, %get3A_2473] {strides = array<i32>} : memref<16x256xf32, #tpu.memory_space<vmem>>, vector<16xf32>,
      %mul3A_2475 = vector.broadcast %reduce_sum3A_2387 : f32 to vector<16xf32>
      %mul3A_2476 = arith.mulf %get3A_2474, %mul3A_2475 : vector<16xf32>
      %add3A_2477 = arith.addf %add3A_2463, %mul3A_2476 : vector<16xf32>
      %get3A_2478 = arith.constant 3 : i32
      %get3A_2479 = arith.index_cast %get3A_2478 : i32 to index
      %get3A_2480 = arith.constant 0 : index
      %get3A_2481 = tpu.vector_load %arg11[%get3A_2479, %get3A_2480] {strides = array<i32>} : memref<16x256xf32, #tpu.memory_space<vmem>>, vector<16xf32>,
      %mul3A_2482 = vector.broadcast %reduce_sum3A_2317 : f32 to vector<16xf32>
      %mul3A_2483 = arith.mulf %get3A_2481, %mul3A_2482 : vector<16xf32>
      %add3A_2484 = arith.addf %add3A_2470, %mul3A_2483 : vector<16xf32>
      %get3A_2485 = arith.constant 11 : i32
      %get3A_2486 = arith.index_cast %get3A_2485 : i32 to index
      %get3A_2487 = arith.constant 0 : index
      %get3A_2488 = tpu.vector_load %arg11[%get3A_2486, %get3A_2487] {strides = array<i32>} : memref<16x256xf32, #tpu.memory_space<vmem>>, vector<16xf32>,
      %mul3A_2489 = vector.broadcast %reduce_sum3A_2397 : f32 to vector<16xf32>
      %mul3A_2490 = arith.mulf %get3A_2488, %mul3A_2489 : vector<16xf32>
      %add3A_2491 = arith.addf %add3A_2477, %mul3A_2490 : vector<16xf32>
      %get3A_2492 = arith.constant 4 : i32
      %get3A_2493 = arith.index_cast %get3A_2492 : i32 to index
      %get3A_2494 = arith.constant 0 : index
      %get3A_2495 = tpu.vector_load %arg11[%get3A_2493, %get3A_2494] {strides = array<i32>} : memref<16x256xf32, #tpu.memory_space<vmem>>, vector<16xf32>,
      %mul3A_2496 = vector.broadcast %reduce_sum3A_2327 : f32 to vector<16xf32>
      %mul3A_2497 = arith.mulf %get3A_2495, %mul3A_2496 : vector<16xf32>
      %add3A_2498 = arith.addf %add3A_2484, %mul3A_2497 : vector<16xf32>
      %get3A_2499 = arith.constant 12 : i32
      %get3A_2500 = arith.index_cast %get3A_2499 : i32 to index
      %get3A_2501 = arith.constant 0 : index
      %get3A_2502 = tpu.vector_load %arg11[%get3A_2500, %get3A_2501] {strides = array<i32>} : memref<16x256xf32, #tpu.memory_space<vmem>>, vector<16xf32>,
      %mul3A_2503 = vector.broadcast %reduce_sum3A_2407 : f32 to vector<16xf32>
      %mul3A_2504 = arith.mulf %get3A_2502, %mul3A_2503 : vector<16xf32>
      %add3A_2505 = arith.addf %add3A_2491, %mul3A_2504 : vector<16xf32>
      %get3A_2506 = arith.constant 5 : i32
      %get3A_2507 = arith.index_cast %get3A_2506 : i32 to index
      %get3A_2508 = arith.constant 0 : index
      %get3A_2509 = tpu.vector_load %arg11[%get3A_2507, %get3A_2508] {strides = array<i32>} : memref<16x256xf32, #tpu.memory_space<vmem>>, vector<16xf32>,
      %mul3A_2510 = vector.broadcast %reduce_sum3A_2337 : f32 to vector<16xf32>
      %mul3A_2511 = arith.mulf %get3A_2509, %mul3A_2510 : vector<16xf32>
      %add3A_2512 = arith.addf %add3A_2498, %mul3A_2511 : vector<16xf32>
      %get3A_2513 = arith.constant 13 : i32
      %get3A_2514 = arith.index_cast %get3A_2513 : i32 to index
      %get3A_2515 = arith.constant 0 : index
      %get3A_2516 = tpu.vector_load %arg11[%get3A_2514, %get3A_2515] {strides = array<i32>} : memref<16x256xf32, #tpu.memory_space<vmem>>, vector<16xf32>,
      %mul3A_2517 = vector.broadcast %reduce_sum3A_2417 : f32 to vector<16xf32>
      %mul3A_2518 = arith.mulf %get3A_2516, %mul3A_2517 : vector<16xf32>
      %add3A_2519 = arith.addf %add3A_2505, %mul3A_2518 : vector<16xf32>
      %get3A_2520 = arith.constant 6 : i32
      %get3A_2521 = arith.index_cast %get3A_2520 : i32 to index
      %get3A_2522 = arith.constant 0 : index
      %get3A_2523 = tpu.vector_load %arg11[%get3A_2521, %get3A_2522] {strides = array<i32>} : memref<16x256xf32, #tpu.memory_space<vmem>>, vector<16xf32>,
      %mul3A_2524 = vector.broadcast %reduce_sum3A_2347 : f32 to vector<16xf32>
      %mul3A_2525 = arith.mulf %get3A_2523, %mul3A_2524 : vector<16xf32>
      %add3A_2526 = arith.addf %add3A_2512, %mul3A_2525 : vector<16xf32>
      %get3A_2527 = arith.constant 14 : i32
      %get3A_2528 = arith.index_cast %get3A_2527 : i32 to index
      %get3A_2529 = arith.constant 0 : index
      %get3A_2530 = tpu.vector_load %arg11[%get3A_2528, %get3A_2529] {strides = array<i32>} : memref<16x256xf32, #tpu.memory_space<vmem>>, vector<16xf32>,
      %mul3A_2531 = vector.broadcast %reduce_sum3A_2427 : f32 to vector<16xf32>
      %mul3A_2532 = arith.mulf %get3A_2530, %mul3A_2531 : vector<16xf32>
      %add3A_2533 = arith.addf %add3A_2519, %mul3A_2532 : vector<16xf32>
      %get3A_2534 = arith.constant 7 : i32
      %get3A_2535 = arith.index_cast %get3A_2534 : i32 to index
      %get3A_2536 = arith.constant 0 : index
      %get3A_2537 = tpu.vector_load %arg11[%get3A_2535, %get3A_2536] {strides = array<i32>} : memref<16x256xf32, #tpu.memory_space<vmem>>, vector<16xf32>,
      %mul3A_2538 = vector.broadcast %reduce_sum3A_2357 : f32 to vector<16xf32>
      %mul3A_2539 = arith.mulf %get3A_2537, %mul3A_2538 : vector<16xf32>
      %add3A_2540 = arith.addf %add3A_2526, %mul3A_2539 : vector<16xf32>
      %get3A_2541 = arith.constant 15 : i32
      %get3A_2542 = arith.index_cast %get3A_2541 : i32 to index
      %get3A_2543 = arith.constant 0 : index
      %get3A_2544 = tpu.vector_load %arg11[%get3A_2542, %get3A_2543] {strides = array<i32>} : memref<16x256xf32, #tpu.memory_space<vmem>>, vector<16xf32>,
      %mul3A_2545 = vector.broadcast %reduce_sum3A_2437 : f32 to vector<16xf32>
      %mul3A_2546 = arith.mulf %get3A_2544, %mul3A_2545 : vector<16xf32>
      %add3A_2547 = arith.addf %add3A_2533, %mul3A_2546 : vector<16xf32>
      %swap3A_2548 = arith.index_cast %add3A_2212 : i32 to index
      %swap3A_2549 = arith.constant 0 : index
      %swap3A_2550 = tpu.vector_load %arg12[%swap3A_2548, %swap3A_2549] {strides = array<i32>} : memref<32x256xf32, #tpu.memory_space<vmem>>, vector<16xf32>,
      tpu.vector_store %arg12[%swap3A_2548, %swap3A_2549], %add3A_2540 {strides = array<i32>} : memref<32x256xf32, #tpu.memory_space<vmem>>, vector<16xf32>,
      %add3A_2551 = arith.constant 1 : i32
      %add3A_2552 = arith.addi %add3A_2212, %add3A_2551 : i32
      %swap3A_2553 = arith.index_cast %add3A_2552 : i32 to index
      %swap3A_2554 = arith.constant 0 : index
      %swap3A_2555 = tpu.vector_load %arg12[%swap3A_2553, %swap3A_2554] {strides = array<i32>} : memref<32x256xf32, #tpu.memory_space<vmem>>, vector<16xf32>,
      tpu.vector_store %arg12[%swap3A_2553, %swap3A_2554], %add3A_2547 {strides = array<i32>} : memref<32x256xf32, #tpu.memory_space<vmem>>, vector<16xf32>,
      %get3A_2556 = arith.constant 0 : i32
      %get3A_2557 = arith.index_cast %get3A_2556 : i32 to index
      %get3A_2558 = arith.constant 16 : index
      %get3A_2559 = tpu.vector_load %arg11[%get3A_2557, %get3A_2558] {strides = array<i32>} : memref<16x256xf32, #tpu.memory_space<vmem>>, vector<16xf32>,
      %mul3A_2560 = vector.broadcast %reduce_sum3A_2287 : f32 to vector<16xf32>
      %mul3A_2561 = arith.mulf %get3A_2559, %mul3A_2560 : vector<16xf32>
      %get3A_2562 = arith.constant 8 : i32
      %get3A_2563 = arith.index_cast %get3A_2562 : i32 to index
      %get3A_2564 = arith.constant 16 : index
      %get3A_2565 = tpu.vector_load %arg11[%get3A_2563, %get3A_2564] {strides = array<i32>} : memref<16x256xf32, #tpu.memory_space<vmem>>, vector<16xf32>,
      %mul3A_2566 = vector.broadcast %reduce_sum3A_2367 : f32 to vector<16xf32>
      %mul3A_2567 = arith.mulf %get3A_2565, %mul3A_2566 : vector<16xf32>
      %get3A_2568 = arith.constant 1 : i32
      %get3A_2569 = arith.index_cast %get3A_2568 : i32 to index
      %get3A_2570 = arith.constant 16 : index
      %get3A_2571 = tpu.vector_load %arg11[%get3A_2569, %get3A_2570] {strides = array<i32>} : memref<16x256xf32, #tpu.memory_space<vmem>>, vector<16xf32>,
      %mul3A_2572 = vector.broadcast %reduce_sum3A_2297 : f32 to vector<16xf32>
      %mul3A_2573 = arith.mulf %get3A_2571, %mul3A_2572 : vector<16xf32>
      %add3A_2574 = arith.addf %mul3A_2561, %mul3A_2573 : vector<16xf32>
      %get3A_2575 = arith.constant 9 : i32
      %get3A_2576 = arith.index_cast %get3A_2575 : i32 to index
      %get3A_2577 = arith.constant 16 : index
      %get3A_2578 = tpu.vector_load %arg11[%get3A_2576, %get3A_2577] {strides = array<i32>} : memref<16x256xf32, #tpu.memory_space<vmem>>, vector<16xf32>,
      %mul3A_2579 = vector.broadcast %reduce_sum3A_2377 : f32 to vector<16xf32>
      %mul3A_2580 = arith.mulf %get3A_2578, %mul3A_2579 : vector<16xf32>
      %add3A_2581 = arith.addf %mul3A_2567, %mul3A_2580 : vector<16xf32>
      %get3A_2582 = arith.constant 2 : i32
      %get3A_2583 = arith.index_cast %get3A_2582 : i32 to index
      %get3A_2584 = arith.constant 16 : index
      %get3A_2585 = tpu.vector_load %arg11[%get3A_2583, %get3A_2584] {strides = array<i32>} : memref<16x256xf32, #tpu.memory_space<vmem>>, vector<16xf32>,
      %mul3A_2586 = vector.broadcast %reduce_sum3A_2307 : f32 to vector<16xf32>
      %mul3A_2587 = arith.mulf %get3A_2585, %mul3A_2586 : vector<16xf32>
      %add3A_2588 = arith.addf %add3A_2574, %mul3A_2587 : vector<16xf32>
      %get3A_2589 = arith.constant 10 : i32
      %get3A_2590 = arith.index_cast %get3A_2589 : i32 to index
      %get3A_2591 = arith.constant 16 : index
      %get3A_2592 = tpu.vector_load %arg11[%get3A_2590, %get3A_2591] {strides = array<i32>} : memref<16x256xf32, #tpu.memory_space<vmem>>, vector<16xf32>,
      %mul3A_2593 = vector.broadcast %reduce_sum3A_2387 : f32 to vector<16xf32>
      %mul3A_2594 = arith.mulf %get3A_2592, %mul3A_2593 : vector<16xf32>
      %add3A_2595 = arith.addf %add3A_2581, %mul3A_2594 : vector<16xf32>
      %get3A_2596 = arith.constant 3 : i32
      %get3A_2597 = arith.index_cast %get3A_2596 : i32 to index
      %get3A_2598 = arith.constant 16 : index
      %get3A_2599 = tpu.vector_load %arg11[%get3A_2597, %get3A_2598] {strides = array<i32>} : memref<16x256xf32, #tpu.memory_space<vmem>>, vector<16xf32>,
      %mul3A_2600 = vector.broadcast %reduce_sum3A_2317 : f32 to vector<16xf32>
      %mul3A_2601 = arith.mulf %get3A_2599, %mul3A_2600 : vector<16xf32>
      %add3A_2602 = arith.addf %add3A_2588, %mul3A_2601 : vector<16xf32>
      %get3A_2603 = arith.constant 11 : i32
      %get3A_2604 = arith.index_cast %get3A_2603 : i32 to index
      %get3A_2605 = arith.constant 16 : index
      %get3A_2606 = tpu.vector_load %arg11[%get3A_2604, %get3A_2605] {strides = array<i32>} : memref<16x256xf32, #tpu.memory_space<vmem>>, vector<16xf32>,
      %mul3A_2607 = vector.broadcast %reduce_sum3A_2397 : f32 to vector<16xf32>
      %mul3A_2608 = arith.mulf %get3A_2606, %mul3A_2607 : vector<16xf32>
      %add3A_2609 = arith.addf %add3A_2595, %mul3A_2608 : vector<16xf32>
      %get3A_2610 = arith.constant 4 : i32
      %get3A_2611 = arith.index_cast %get3A_2610 : i32 to index
      %get3A_2612 = arith.constant 16 : index
      %get3A_2613 = tpu.vector_load %arg11[%get3A_2611, %get3A_2612] {strides = array<i32>} : memref<16x256xf32, #tpu.memory_space<vmem>>, vector<16xf32>,
      %mul3A_2614 = vector.broadcast %reduce_sum3A_2327 : f32 to vector<16xf32>
      %mul3A_2615 = arith.mulf %get3A_2613, %mul3A_2614 : vector<16xf32>
      %add3A_2616 = arith.addf %add3A_2602, %mul3A_2615 : vector<16xf32>
      %get3A_2617 = arith.constant 12 : i32
      %get3A_2618 = arith.index_cast %get3A_2617 : i32 to index
      %get3A_2619 = arith.constant 16 : index
      %get3A_2620 = tpu.vector_load %arg11[%get3A_2618, %get3A_2619] {strides = array<i32>} : memref<16x256xf32, #tpu.memory_space<vmem>>, vector<16xf32>,
      %mul3A_2621 = vector.broadcast %reduce_sum3A_2407 : f32 to vector<16xf32>
      %mul3A_2622 = arith.mulf %get3A_2620, %mul3A_2621 : vector<16xf32>
      %add3A_2623 = arith.addf %add3A_2609, %mul3A_2622 : vector<16xf32>
      %get3A_2624 = arith.constant 5 : i32
      %get3A_2625 = arith.index_cast %get3A_2624 : i32 to index
      %get3A_2626 = arith.constant 16 : index
      %get3A_2627 = tpu.vector_load %arg11[%get3A_2625, %get3A_2626] {strides = array<i32>} : memref<16x256xf32, #tpu.memory_space<vmem>>, vector<16xf32>,
      %mul3A_2628 = vector.broadcast %reduce_sum3A_2337 : f32 to vector<16xf32>
      %mul3A_2629 = arith.mulf %get3A_2627, %mul3A_2628 : vector<16xf32>
      %add3A_2630 = arith.addf %add3A_2616, %mul3A_2629 : vector<16xf32>
      %get3A_2631 = arith.constant 13 : i32
      %get3A_2632 = arith.index_cast %get3A_2631 : i32 to index
      %get3A_2633 = arith.constant 16 : index
      %get3A_2634 = tpu.vector_load %arg11[%get3A_2632, %get3A_2633] {strides = array<i32>} : memref<16x256xf32, #tpu.memory_space<vmem>>, vector<16xf32>,
      %mul3A_2635 = vector.broadcast %reduce_sum3A_2417 : f32 to vector<16xf32>
      %mul3A_2636 = arith.mulf %get3A_2634, %mul3A_2635 : vector<16xf32>
      %add3A_2637 = arith.addf %add3A_2623, %mul3A_2636 : vector<16xf32>
      %get3A_2638 = arith.constant 6 : i32
      %get3A_2639 = arith.index_cast %get3A_2638 : i32 to index
      %get3A_2640 = arith.constant 16 : index
      %get3A_2641 = tpu.vector_load %arg11[%get3A_2639, %get3A_2640] {strides = array<i32>} : memref<16x256xf32, #tpu.memory_space<vmem>>, vector<16xf32>,
      %mul3A_2642 = vector.broadcast %reduce_sum3A_2347 : f32 to vector<16xf32>
      %mul3A_2643 = arith.mulf %get3A_2641, %mul3A_2642 : vector<16xf32>
      %add3A_2644 = arith.addf %add3A_2630, %mul3A_2643 : vector<16xf32>
      %get3A_2645 = arith.constant 14 : i32
      %get3A_2646 = arith.index_cast %get3A_2645 : i32 to index
      %get3A_2647 = arith.constant 16 : index
      %get3A_2648 = tpu.vector_load %arg11[%get3A_2646, %get3A_2647] {strides = array<i32>} : memref<16x256xf32, #tpu.memory_space<vmem>>, vector<16xf32>,
      %mul3A_2649 = vector.broadcast %reduce_sum3A_2427 : f32 to vector<16xf32>
      %mul3A_2650 = arith.mulf %get3A_2648, %mul3A_2649 : vector<16xf32>
      %add3A_2651 = arith.addf %add3A_2637, %mul3A_2650 : vector<16xf32>
      %get3A_2652 = arith.constant 7 : i32
      %get3A_2653 = arith.index_cast %get3A_2652 : i32 to index
      %get3A_2654 = arith.constant 16 : index
      %get3A_2655 = tpu.vector_load %arg11[%get3A_2653, %get3A_2654] {strides = array<i32>} : memref<16x256xf32, #tpu.memory_space<vmem>>, vector<16xf32>,
      %mul3A_2656 = vector.broadcast %reduce_sum3A_2357 : f32 to vector<16xf32>
      %mul3A_2657 = arith.mulf %get3A_2655, %mul3A_2656 : vector<16xf32>
      %add3A_2658 = arith.addf %add3A_2644, %mul3A_2657 : vector<16xf32>
      %get3A_2659 = arith.constant 15 : i32
      %get3A_2660 = arith.index_cast %get3A_2659 : i32 to index
      %get3A_2661 = arith.constant 16 : index
      %get3A_2662 = tpu.vector_load %arg11[%get3A_2660, %get3A_2661] {strides = array<i32>} : memref<16x256xf32, #tpu.memory_space<vmem>>, vector<16xf32>,
      %mul3A_2663 = vector.broadcast %reduce_sum3A_2437 : f32 to vector<16xf32>
      %mul3A_2664 = arith.mulf %get3A_2662, %mul3A_2663 : vector<16xf32>
      %add3A_2665 = arith.addf %add3A_2651, %mul3A_2664 : vector<16xf32>
      %swap3A_2666 = arith.index_cast %add3A_2212 : i32 to index
      %swap3A_2667 = arith.constant 16 : index
      %swap3A_2668 = tpu.vector_load %arg12[%swap3A_2666, %swap3A_2667] {strides = array<i32>} : memref<32x256xf32, #tpu.memory_space<vmem>>, vector<16xf32>,
      tpu.vector_store %arg12[%swap3A_2666, %swap3A_2667], %add3A_2658 {strides = array<i32>} : memref<32x256xf32, #tpu.memory_space<vmem>>, vector<16xf32>,
      %add3A_2669 = arith.constant 1 : i32
      %add3A_2670 = arith.addi %add3A_2212, %add3A_2669 : i32
      %swap3A_2671 = arith.index_cast %add3A_2670 : i32 to index
      %swap3A_2672 = arith.constant 16 : index
      %swap3A_2673 = tpu.vector_load %arg12[%swap3A_2671, %swap3A_2672] {strides = array<i32>} : memref<32x256xf32, #tpu.memory_space<vmem>>, vector<16xf32>,
      tpu.vector_store %arg12[%swap3A_2671, %swap3A_2672], %add3A_2665 {strides = array<i32>} : memref<32x256xf32, #tpu.memory_space<vmem>>, vector<16xf32>,
      %get3A_2674 = arith.constant 0 : i32
      %get3A_2675 = arith.index_cast %get3A_2674 : i32 to index
      %get3A_2676 = arith.constant 32 : index
      %get3A_2677 = tpu.vector_load %arg11[%get3A_2675, %get3A_2676] {strides = array<i32>} : memref<16x256xf32, #tpu.memory_space<vmem>>, vector<16xf32>,
      %mul3A_2678 = vector.broadcast %reduce_sum3A_2287 : f32 to vector<16xf32>
      %mul3A_2679 = arith.mulf %get3A_2677, %mul3A_2678 : vector<16xf32>
      %get3A_2680 = arith.constant 8 : i32
      %get3A_2681 = arith.index_cast %get3A_2680 : i32 to index
      %get3A_2682 = arith.constant 32 : index
      %get3A_2683 = tpu.vector_load %arg11[%get3A_2681, %get3A_2682] {strides = array<i32>} : memref<16x256xf32, #tpu.memory_space<vmem>>, vector<16xf32>,
      %mul3A_2684 = vector.broadcast %reduce_sum3A_2367 : f32 to vector<16xf32>
      %mul3A_2685 = arith.mulf %get3A_2683, %mul3A_2684 : vector<16xf32>
      %get3A_2686 = arith.constant 1 : i32
      %get3A_2687 = arith.index_cast %get3A_2686 : i32 to index
      %get3A_2688 = arith.constant 32 : index
      %get3A_2689 = tpu.vector_load %arg11[%get3A_2687, %get3A_2688] {strides = array<i32>} : memref<16x256xf32, #tpu.memory_space<vmem>>, vector<16xf32>,
      %mul3A_2690 = vector.broadcast %reduce_sum3A_2297 : f32 to vector<16xf32>
      %mul3A_2691 = arith.mulf %get3A_2689, %mul3A_2690 : vector<16xf32>
      %add3A_2692 = arith.addf %mul3A_2679, %mul3A_2691 : vector<16xf32>
      %get3A_2693 = arith.constant 9 : i32
      %get3A_2694 = arith.index_cast %get3A_2693 : i32 to index
      %get3A_2695 = arith.constant 32 : index
      %get3A_2696 = tpu.vector_load %arg11[%get3A_2694, %get3A_2695] {strides = array<i32>} : memref<16x256xf32, #tpu.memory_space<vmem>>, vector<16xf32>,
      %mul3A_2697 = vector.broadcast %reduce_sum3A_2377 : f32 to vector<16xf32>
      %mul3A_2698 = arith.mulf %get3A_2696, %mul3A_2697 : vector<16xf32>
      %add3A_2699 = arith.addf %mul3A_2685, %mul3A_2698 : vector<16xf32>
      %get3A_2700 = arith.constant 2 : i32
      %get3A_2701 = arith.index_cast %get3A_2700 : i32 to index
      %get3A_2702 = arith.constant 32 : index
      %get3A_2703 = tpu.vector_load %arg11[%get3A_2701, %get3A_2702] {strides = array<i32>} : memref<16x256xf32, #tpu.memory_space<vmem>>, vector<16xf32>,
      %mul3A_2704 = vector.broadcast %reduce_sum3A_2307 : f32 to vector<16xf32>
      %mul3A_2705 = arith.mulf %get3A_2703, %mul3A_2704 : vector<16xf32>
      %add3A_2706 = arith.addf %add3A_2692, %mul3A_2705 : vector<16xf32>
      %get3A_2707 = arith.constant 10 : i32
      %get3A_2708 = arith.index_cast %get3A_2707 : i32 to index
      %get3A_2709 = arith.constant 32 : index
      %get3A_2710 = tpu.vector_load %arg11[%get3A_2708, %get3A_2709] {strides = array<i32>} : memref<16x256xf32, #tpu.memory_space<vmem>>, vector<16xf32>,
      %mul3A_2711 = vector.broadcast %reduce_sum3A_2387 : f32 to vector<16xf32>
      %mul3A_2712 = arith.mulf %get3A_2710, %mul3A_2711 : vector<16xf32>
      %add3A_2713 = arith.addf %add3A_2699, %mul3A_2712 : vector<16xf32>
      %get3A_2714 = arith.constant 3 : i32
      %get3A_2715 = arith.index_cast %get3A_2714 : i32 to index
      %get3A_2716 = arith.constant 32 : index
      %get3A_2717 = tpu.vector_load %arg11[%get3A_2715, %get3A_2716] {strides = array<i32>} : memref<16x256xf32, #tpu.memory_space<vmem>>, vector<16xf32>,
      %mul3A_2718 = vector.broadcast %reduce_sum3A_2317 : f32 to vector<16xf32>
      %mul3A_2719 = arith.mulf %get3A_2717, %mul3A_2718 : vector<16xf32>
      %add3A_2720 = arith.addf %add3A_2706, %mul3A_2719 : vector<16xf32>
      %get3A_2721 = arith.constant 11 : i32
      %get3A_2722 = arith.index_cast %get3A_2721 : i32 to index
      %get3A_2723 = arith.constant 32 : index
      %get3A_2724 = tpu.vector_load %arg11[%get3A_2722, %get3A_2723] {strides = array<i32>} : memref<16x256xf32, #tpu.memory_space<vmem>>, vector<16xf32>,
      %mul3A_2725 = vector.broadcast %reduce_sum3A_2397 : f32 to vector<16xf32>
      %mul3A_2726 = arith.mulf %get3A_2724, %mul3A_2725 : vector<16xf32>
      %add3A_2727 = arith.addf %add3A_2713, %mul3A_2726 : vector<16xf32>
      %get3A_2728 = arith.constant 4 : i32
      %get3A_2729 = arith.index_cast %get3A_2728 : i32 to index
      %get3A_2730 = arith.constant 32 : index
      %get3A_2731 = tpu.vector_load %arg11[%get3A_2729, %get3A_2730] {strides = array<i32>} : memref<16x256xf32, #tpu.memory_space<vmem>>, vector<16xf32>,
      %mul3A_2732 = vector.broadcast %reduce_sum3A_2327 : f32 to vector<16xf32>
      %mul3A_2733 = arith.mulf %get3A_2731, %mul3A_2732 : vector<16xf32>
      %add3A_2734 = arith.addf %add3A_2720, %mul3A_2733 : vector<16xf32>
      %get3A_2735 = arith.constant 12 : i32
      %get3A_2736 = arith.index_cast %get3A_2735 : i32 to index
      %get3A_2737 = arith.constant 32 : index
      %get3A_2738 = tpu.vector_load %arg11[%get3A_2736, %get3A_2737] {strides = array<i32>} : memref<16x256xf32, #tpu.memory_space<vmem>>, vector<16xf32>,
      %mul3A_2739 = vector.broadcast %reduce_sum3A_2407 : f32 to vector<16xf32>
      %mul3A_2740 = arith.mulf %get3A_2738, %mul3A_2739 : vector<16xf32>
      %add3A_2741 = arith.addf %add3A_2727, %mul3A_2740 : vector<16xf32>
      %get3A_2742 = arith.constant 5 : i32
      %get3A_2743 = arith.index_cast %get3A_2742 : i32 to index
      %get3A_2744 = arith.constant 32 : index
      %get3A_2745 = tpu.vector_load %arg11[%get3A_2743, %get3A_2744] {strides = array<i32>} : memref<16x256xf32, #tpu.memory_space<vmem>>, vector<16xf32>,
      %mul3A_2746 = vector.broadcast %reduce_sum3A_2337 : f32 to vector<16xf32>
      %mul3A_2747 = arith.mulf %get3A_2745, %mul3A_2746 : vector<16xf32>
      %add3A_2748 = arith.addf %add3A_2734, %mul3A_2747 : vector<16xf32>
      %get3A_2749 = arith.constant 13 : i32
      %get3A_2750 = arith.index_cast %get3A_2749 : i32 to index
      %get3A_2751 = arith.constant 32 : index
      %get3A_2752 = tpu.vector_load %arg11[%get3A_2750, %get3A_2751] {strides = array<i32>} : memref<16x256xf32, #tpu.memory_space<vmem>>, vector<16xf32>,
      %mul3A_2753 = vector.broadcast %reduce_sum3A_2417 : f32 to vector<16xf32>
      %mul3A_2754 = arith.mulf %get3A_2752, %mul3A_2753 : vector<16xf32>
      %add3A_2755 = arith.addf %add3A_2741, %mul3A_2754 : vector<16xf32>
      %get3A_2756 = arith.constant 6 : i32
      %get3A_2757 = arith.index_cast %get3A_2756 : i32 to index
      %get3A_2758 = arith.constant 32 : index
      %get3A_2759 = tpu.vector_load %arg11[%get3A_2757, %get3A_2758] {strides = array<i32>} : memref<16x256xf32, #tpu.memory_space<vmem>>, vector<16xf32>,
      %mul3A_2760 = vector.broadcast %reduce_sum3A_2347 : f32 to vector<16xf32>
      %mul3A_2761 = arith.mulf %get3A_2759, %mul3A_2760 : vector<16xf32>
      %add3A_2762 = arith.addf %add3A_2748, %mul3A_2761 : vector<16xf32>
      %get3A_2763 = arith.constant 14 : i32
      %get3A_2764 = arith.index_cast %get3A_2763 : i32 to index
      %get3A_2765 = arith.constant 32 : index
      %get3A_2766 = tpu.vector_load %arg11[%get3A_2764, %get3A_2765] {strides = array<i32>} : memref<16x256xf32, #tpu.memory_space<vmem>>, vector<16xf32>,
      %mul3A_2767 = vector.broadcast %reduce_sum3A_2427 : f32 to vector<16xf32>
      %mul3A_2768 = arith.mulf %get3A_2766, %mul3A_2767 : vector<16xf32>
      %add3A_2769 = arith.addf %add3A_2755, %mul3A_2768 : vector<16xf32>
      %get3A_2770 = arith.constant 7 : i32
      %get3A_2771 = arith.index_cast %get3A_2770 : i32 to index
      %get3A_2772 = arith.constant 32 : index
      %get3A_2773 = tpu.vector_load %arg11[%get3A_2771, %get3A_2772] {strides = array<i32>} : memref<16x256xf32, #tpu.memory_space<vmem>>, vector<16xf32>,
      %mul3A_2774 = vector.broadcast %reduce_sum3A_2357 : f32 to vector<16xf32>
      %mul3A_2775 = arith.mulf %get3A_2773, %mul3A_2774 : vector<16xf32>
      %add3A_2776 = arith.addf %add3A_2762, %mul3A_2775 : vector<16xf32>
      %get3A_2777 = arith.constant 15 : i32
      %get3A_2778 = arith.index_cast %get3A_2777 : i32 to index
      %get3A_2779 = arith.constant 32 : index
      %get3A_2780 = tpu.vector_load %arg11[%get3A_2778, %get3A_2779] {strides = array<i32>} : memref<16x256xf32, #tpu.memory_space<vmem>>, vector<16xf32>,
      %mul3A_2781 = vector.broadcast %reduce_sum3A_2437 : f32 to vector<16xf32>
      %mul3A_2782 = arith.mulf %get3A_2780, %mul3A_2781 : vector<16xf32>
      %add3A_2783 = arith.addf %add3A_2769, %mul3A_2782 : vector<16xf32>
      %swap3A_2784 = arith.index_cast %add3A_2212 : i32 to index
      %swap3A_2785 = arith.constant 32 : index
      %swap3A_2786 = tpu.vector_load %arg12[%swap3A_2784, %swap3A_2785] {strides = array<i32>} : memref<32x256xf32, #tpu.memory_space<vmem>>, vector<16xf32>,
      tpu.vector_store %arg12[%swap3A_2784, %swap3A_2785], %add3A_2776 {strides = array<i32>} : memref<32x256xf32, #tpu.memory_space<vmem>>, vector<16xf32>,
      %add3A_2787 = arith.constant 1 : i32
      %add3A_2788 = arith.addi %add3A_2212, %add3A_2787 : i32
      %swap3A_2789 = arith.index_cast %add3A_2788 : i32 to index
      %swap3A_2790 = arith.constant 32 : index
      %swap3A_2791 = tpu.vector_load %arg12[%swap3A_2789, %swap3A_2790] {strides = array<i32>} : memref<32x256xf32, #tpu.memory_space<vmem>>, vector<16xf32>,
      tpu.vector_store %arg12[%swap3A_2789, %swap3A_2790], %add3A_2783 {strides = array<i32>} : memref<32x256xf32, #tpu.memory_space<vmem>>, vector<16xf32>,
      %get3A_2792 = arith.constant 0 : i32
      %get3A_2793 = arith.index_cast %get3A_2792 : i32 to index
      %get3A_2794 = arith.constant 48 : index
      %get3A_2795 = tpu.vector_load %arg11[%get3A_2793, %get3A_2794] {strides = array<i32>} : memref<16x256xf32, #tpu.memory_space<vmem>>, vector<16xf32>,
      %mul3A_2796 = vector.broadcast %reduce_sum3A_2287 : f32 to vector<16xf32>
      %mul3A_2797 = arith.mulf %get3A_2795, %mul3A_2796 : vector<16xf32>
      %get3A_2798 = arith.constant 8 : i32
      %get3A_2799 = arith.index_cast %get3A_2798 : i32 to index
      %get3A_2800 = arith.constant 48 : index
      %get3A_2801 = tpu.vector_load %arg11[%get3A_2799, %get3A_2800] {strides = array<i32>} : memref<16x256xf32, #tpu.memory_space<vmem>>, vector<16xf32>,
      %mul3A_2802 = vector.broadcast %reduce_sum3A_2367 : f32 to vector<16xf32>
      %mul3A_2803 = arith.mulf %get3A_2801, %mul3A_2802 : vector<16xf32>
      %get3A_2804 = arith.constant 1 : i32
      %get3A_2805 = arith.index_cast %get3A_2804 : i32 to index
      %get3A_2806 = arith.constant 48 : index
      %get3A_2807 = tpu.vector_load %arg11[%get3A_2805, %get3A_2806] {strides = array<i32>} : memref<16x256xf32, #tpu.memory_space<vmem>>, vector<16xf32>,
      %mul3A_2808 = vector.broadcast %reduce_sum3A_2297 : f32 to vector<16xf32>
      %mul3A_2809 = arith.mulf %get3A_2807, %mul3A_2808 : vector<16xf32>
      %add3A_2810 = arith.addf %mul3A_2797, %mul3A_2809 : vector<16xf32>
      %get3A_2811 = arith.constant 9 : i32
      %get3A_2812 = arith.index_cast %get3A_2811 : i32 to index
      %get3A_2813 = arith.constant 48 : index
      %get3A_2814 = tpu.vector_load %arg11[%get3A_2812, %get3A_2813] {strides = array<i32>} : memref<16x256xf32, #tpu.memory_space<vmem>>, vector<16xf32>,
      %mul3A_2815 = vector.broadcast %reduce_sum3A_2377 : f32 to vector<16xf32>
      %mul3A_2816 = arith.mulf %get3A_2814, %mul3A_2815 : vector<16xf32>
      %add3A_2817 = arith.addf %mul3A_2803, %mul3A_2816 : vector<16xf32>
      %get3A_2818 = arith.constant 2 : i32
      %get3A_2819 = arith.index_cast %get3A_2818 : i32 to index
      %get3A_2820 = arith.constant 48 : index
      %get3A_2821 = tpu.vector_load %arg11[%get3A_2819, %get3A_2820] {strides = array<i32>} : memref<16x256xf32, #tpu.memory_space<vmem>>, vector<16xf32>,
      %mul3A_2822 = vector.broadcast %reduce_sum3A_2307 : f32 to vector<16xf32>
      %mul3A_2823 = arith.mulf %get3A_2821, %mul3A_2822 : vector<16xf32>
      %add3A_2824 = arith.addf %add3A_2810, %mul3A_2823 : vector<16xf32>
      %get3A_2825 = arith.constant 10 : i32
      %get3A_2826 = arith.index_cast %get3A_2825 : i32 to index
      %get3A_2827 = arith.constant 48 : index
      %get3A_2828 = tpu.vector_load %arg11[%get3A_2826, %get3A_2827] {strides = array<i32>} : memref<16x256xf32, #tpu.memory_space<vmem>>, vector<16xf32>,
      %mul3A_2829 = vector.broadcast %reduce_sum3A_2387 : f32 to vector<16xf32>
      %mul3A_2830 = arith.mulf %get3A_2828, %mul3A_2829 : vector<16xf32>
      %add3A_2831 = arith.addf %add3A_2817, %mul3A_2830 : vector<16xf32>
      %get3A_2832 = arith.constant 3 : i32
      %get3A_2833 = arith.index_cast %get3A_2832 : i32 to index
      %get3A_2834 = arith.constant 48 : index
      %get3A_2835 = tpu.vector_load %arg11[%get3A_2833, %get3A_2834] {strides = array<i32>} : memref<16x256xf32, #tpu.memory_space<vmem>>, vector<16xf32>,
      %mul3A_2836 = vector.broadcast %reduce_sum3A_2317 : f32 to vector<16xf32>
      %mul3A_2837 = arith.mulf %get3A_2835, %mul3A_2836 : vector<16xf32>
      %add3A_2838 = arith.addf %add3A_2824, %mul3A_2837 : vector<16xf32>
      %get3A_2839 = arith.constant 11 : i32
      %get3A_2840 = arith.index_cast %get3A_2839 : i32 to index
      %get3A_2841 = arith.constant 48 : index
      %get3A_2842 = tpu.vector_load %arg11[%get3A_2840, %get3A_2841] {strides = array<i32>} : memref<16x256xf32, #tpu.memory_space<vmem>>, vector<16xf32>,
      %mul3A_2843 = vector.broadcast %reduce_sum3A_2397 : f32 to vector<16xf32>
      %mul3A_2844 = arith.mulf %get3A_2842, %mul3A_2843 : vector<16xf32>
      %add3A_2845 = arith.addf %add3A_2831, %mul3A_2844 : vector<16xf32>
      %get3A_2846 = arith.constant 4 : i32
      %get3A_2847 = arith.index_cast %get3A_2846 : i32 to index
      %get3A_2848 = arith.constant 48 : index
      %get3A_2849 = tpu.vector_load %arg11[%get3A_2847, %get3A_2848] {strides = array<i32>} : memref<16x256xf32, #tpu.memory_space<vmem>>, vector<16xf32>,
      %mul3A_2850 = vector.broadcast %reduce_sum3A_2327 : f32 to vector<16xf32>
      %mul3A_2851 = arith.mulf %get3A_2849, %mul3A_2850 : vector<16xf32>
      %add3A_2852 = arith.addf %add3A_2838, %mul3A_2851 : vector<16xf32>
      %get3A_2853 = arith.constant 12 : i32
      %get3A_2854 = arith.index_cast %get3A_2853 : i32 to index
      %get3A_2855 = arith.constant 48 : index
      %get3A_2856 = tpu.vector_load %arg11[%get3A_2854, %get3A_2855] {strides = array<i32>} : memref<16x256xf32, #tpu.memory_space<vmem>>, vector<16xf32>,
      %mul3A_2857 = vector.broadcast %reduce_sum3A_2407 : f32 to vector<16xf32>
      %mul3A_2858 = arith.mulf %get3A_2856, %mul3A_2857 : vector<16xf32>
      %add3A_2859 = arith.addf %add3A_2845, %mul3A_2858 : vector<16xf32>
      %get3A_2860 = arith.constant 5 : i32
      %get3A_2861 = arith.index_cast %get3A_2860 : i32 to index
      %get3A_2862 = arith.constant 48 : index
      %get3A_2863 = tpu.vector_load %arg11[%get3A_2861, %get3A_2862] {strides = array<i32>} : memref<16x256xf32, #tpu.memory_space<vmem>>, vector<16xf32>,
      %mul3A_2864 = vector.broadcast %reduce_sum3A_2337 : f32 to vector<16xf32>
      %mul3A_2865 = arith.mulf %get3A_2863, %mul3A_2864 : vector<16xf32>
      %add3A_2866 = arith.addf %add3A_2852, %mul3A_2865 : vector<16xf32>
      %get3A_2867 = arith.constant 13 : i32
      %get3A_2868 = arith.index_cast %get3A_2867 : i32 to index
      %get3A_2869 = arith.constant 48 : index
      %get3A_2870 = tpu.vector_load %arg11[%get3A_2868, %get3A_2869] {strides = array<i32>} : memref<16x256xf32, #tpu.memory_space<vmem>>, vector<16xf32>,
      %mul3A_2871 = vector.broadcast %reduce_sum3A_2417 : f32 to vector<16xf32>
      %mul3A_2872 = arith.mulf %get3A_2870, %mul3A_2871 : vector<16xf32>
      %add3A_2873 = arith.addf %add3A_2859, %mul3A_2872 : vector<16xf32>
      %get3A_2874 = arith.constant 6 : i32
      %get3A_2875 = arith.index_cast %get3A_2874 : i32 to index
      %get3A_2876 = arith.constant 48 : index
      %get3A_2877 = tpu.vector_load %arg11[%get3A_2875, %get3A_2876] {strides = array<i32>} : memref<16x256xf32, #tpu.memory_space<vmem>>, vector<16xf32>,
      %mul3A_2878 = vector.broadcast %reduce_sum3A_2347 : f32 to vector<16xf32>
      %mul3A_2879 = arith.mulf %get3A_2877, %mul3A_2878 : vector<16xf32>
      %add3A_2880 = arith.addf %add3A_2866, %mul3A_2879 : vector<16xf32>
      %get3A_2881 = arith.constant 14 : i32
      %get3A_2882 = arith.index_cast %get3A_2881 : i32 to index
      %get3A_2883 = arith.constant 48 : index
      %get3A_2884 = tpu.vector_load %arg11[%get3A_2882, %get3A_2883] {strides = array<i32>} : memref<16x256xf32, #tpu.memory_space<vmem>>, vector<16xf32>,
      %mul3A_2885 = vector.broadcast %reduce_sum3A_2427 : f32 to vector<16xf32>
      %mul3A_2886 = arith.mulf %get3A_2884, %mul3A_2885 : vector<16xf32>
      %add3A_2887 = arith.addf %add3A_2873, %mul3A_2886 : vector<16xf32>
      %get3A_2888 = arith.constant 7 : i32
      %get3A_2889 = arith.index_cast %get3A_2888 : i32 to index
      %get3A_2890 = arith.constant 48 : index
      %get3A_2891 = tpu.vector_load %arg11[%get3A_2889, %get3A_2890] {strides = array<i32>} : memref<16x256xf32, #tpu.memory_space<vmem>>, vector<16xf32>,
      %mul3A_2892 = vector.broadcast %reduce_sum3A_2357 : f32 to vector<16xf32>
      %mul3A_2893 = arith.mulf %get3A_2891, %mul3A_2892 : vector<16xf32>
      %add3A_2894 = arith.addf %add3A_2880, %mul3A_2893 : vector<16xf32>
      %get3A_2895 = arith.constant 15 : i32
      %get3A_2896 = arith.index_cast %get3A_2895 : i32 to index
      %get3A_2897 = arith.constant 48 : index
      %get3A_2898 = tpu.vector_load %arg11[%get3A_2896, %get3A_2897] {strides = array<i32>} : memref<16x256xf32, #tpu.memory_space<vmem>>, vector<16xf32>,
      %mul3A_2899 = vector.broadcast %reduce_sum3A_2437 : f32 to vector<16xf32>
      %mul3A_2900 = arith.mulf %get3A_2898, %mul3A_2899 : vector<16xf32>
      %add3A_2901 = arith.addf %add3A_2887, %mul3A_2900 : vector<16xf32>
      %swap3A_2902 = arith.index_cast %add3A_2212 : i32 to index
      %swap3A_2903 = arith.constant 48 : index
      %swap3A_2904 = tpu.vector_load %arg12[%swap3A_2902, %swap3A_2903] {strides = array<i32>} : memref<32x256xf32, #tpu.memory_space<vmem>>, vector<16xf32>,
      tpu.vector_store %arg12[%swap3A_2902, %swap3A_2903], %add3A_2894 {strides = array<i32>} : memref<32x256xf32, #tpu.memory_space<vmem>>, vector<16xf32>,
      %add3A_2905 = arith.constant 1 : i32
      %add3A_2906 = arith.addi %add3A_2212, %add3A_2905 : i32
      %swap3A_2907 = arith.index_cast %add3A_2906 : i32 to index
      %swap3A_2908 = arith.constant 48 : index
      %swap3A_2909 = tpu.vector_load %arg12[%swap3A_2907, %swap3A_2908] {strides = array<i32>} : memref<32x256xf32, #tpu.memory_space<vmem>>, vector<16xf32>,
      tpu.vector_store %arg12[%swap3A_2907, %swap3A_2908], %add3A_2901 {strides = array<i32>} : memref<32x256xf32, #tpu.memory_space<vmem>>, vector<16xf32>,
      %get3A_2910 = arith.constant 0 : i32
      %get3A_2911 = arith.index_cast %get3A_2910 : i32 to index
      %get3A_2912 = arith.constant 64 : index
      %get3A_2913 = tpu.vector_load %arg11[%get3A_2911, %get3A_2912] {strides = array<i32>} : memref<16x256xf32, #tpu.memory_space<vmem>>, vector<16xf32>,
      %mul3A_2914 = vector.broadcast %reduce_sum3A_2287 : f32 to vector<16xf32>
      %mul3A_2915 = arith.mulf %get3A_2913, %mul3A_2914 : vector<16xf32>
      %get3A_2916 = arith.constant 8 : i32
      %get3A_2917 = arith.index_cast %get3A_2916 : i32 to index
      %get3A_2918 = arith.constant 64 : index
      %get3A_2919 = tpu.vector_load %arg11[%get3A_2917, %get3A_2918] {strides = array<i32>} : memref<16x256xf32, #tpu.memory_space<vmem>>, vector<16xf32>,
      %mul3A_2920 = vector.broadcast %reduce_sum3A_2367 : f32 to vector<16xf32>
      %mul3A_2921 = arith.mulf %get3A_2919, %mul3A_2920 : vector<16xf32>
      %get3A_2922 = arith.constant 1 : i32
      %get3A_2923 = arith.index_cast %get3A_2922 : i32 to index
      %get3A_2924 = arith.constant 64 : index
      %get3A_2925 = tpu.vector_load %arg11[%get3A_2923, %get3A_2924] {strides = array<i32>} : memref<16x256xf32, #tpu.memory_space<vmem>>, vector<16xf32>,
      %mul3A_2926 = vector.broadcast %reduce_sum3A_2297 : f32 to vector<16xf32>
      %mul3A_2927 = arith.mulf %get3A_2925, %mul3A_2926 : vector<16xf32>
      %add3A_2928 = arith.addf %mul3A_2915, %mul3A_2927 : vector<16xf32>
      %get3A_2929 = arith.constant 9 : i32
      %get3A_2930 = arith.index_cast %get3A_2929 : i32 to index
      %get3A_2931 = arith.constant 64 : index
      %get3A_2932 = tpu.vector_load %arg11[%get3A_2930, %get3A_2931] {strides = array<i32>} : memref<16x256xf32, #tpu.memory_space<vmem>>, vector<16xf32>,
      %mul3A_2933 = vector.broadcast %reduce_sum3A_2377 : f32 to vector<16xf32>
      %mul3A_2934 = arith.mulf %get3A_2932, %mul3A_2933 : vector<16xf32>
      %add3A_2935 = arith.addf %mul3A_2921, %mul3A_2934 : vector<16xf32>
      %get3A_2936 = arith.constant 2 : i32
      %get3A_2937 = arith.index_cast %get3A_2936 : i32 to index
      %get3A_2938 = arith.constant 64 : index
      %get3A_2939 = tpu.vector_load %arg11[%get3A_2937, %get3A_2938] {strides = array<i32>} : memref<16x256xf32, #tpu.memory_space<vmem>>, vector<16xf32>,
      %mul3A_2940 = vector.broadcast %reduce_sum3A_2307 : f32 to vector<16xf32>
      %mul3A_2941 = arith.mulf %get3A_2939, %mul3A_2940 : vector<16xf32>
      %add3A_2942 = arith.addf %add3A_2928, %mul3A_2941 : vector<16xf32>
      %get3A_2943 = arith.constant 10 : i32
      %get3A_2944 = arith.index_cast %get3A_2943 : i32 to index
      %get3A_2945 = arith.constant 64 : index
      %get3A_2946 = tpu.vector_load %arg11[%get3A_2944, %get3A_2945] {strides = array<i32>} : memref<16x256xf32, #tpu.memory_space<vmem>>, vector<16xf32>,
      %mul3A_2947 = vector.broadcast %reduce_sum3A_2387 : f32 to vector<16xf32>
      %mul3A_2948 = arith.mulf %get3A_2946, %mul3A_2947 : vector<16xf32>
      %add3A_2949 = arith.addf %add3A_2935, %mul3A_2948 : vector<16xf32>
      %get3A_2950 = arith.constant 3 : i32
      %get3A_2951 = arith.index_cast %get3A_2950 : i32 to index
      %get3A_2952 = arith.constant 64 : index
      %get3A_2953 = tpu.vector_load %arg11[%get3A_2951, %get3A_2952] {strides = array<i32>} : memref<16x256xf32, #tpu.memory_space<vmem>>, vector<16xf32>,
      %mul3A_2954 = vector.broadcast %reduce_sum3A_2317 : f32 to vector<16xf32>
      %mul3A_2955 = arith.mulf %get3A_2953, %mul3A_2954 : vector<16xf32>
      %add3A_2956 = arith.addf %add3A_2942, %mul3A_2955 : vector<16xf32>
      %get3A_2957 = arith.constant 11 : i32
      %get3A_2958 = arith.index_cast %get3A_2957 : i32 to index
      %get3A_2959 = arith.constant 64 : index
      %get3A_2960 = tpu.vector_load %arg11[%get3A_2958, %get3A_2959] {strides = array<i32>} : memref<16x256xf32, #tpu.memory_space<vmem>>, vector<16xf32>,
      %mul3A_2961 = vector.broadcast %reduce_sum3A_2397 : f32 to vector<16xf32>
      %mul3A_2962 = arith.mulf %get3A_2960, %mul3A_2961 : vector<16xf32>
      %add3A_2963 = arith.addf %add3A_2949, %mul3A_2962 : vector<16xf32>
      %get3A_2964 = arith.constant 4 : i32
      %get3A_2965 = arith.index_cast %get3A_2964 : i32 to index
      %get3A_2966 = arith.constant 64 : index
      %get3A_2967 = tpu.vector_load %arg11[%get3A_2965, %get3A_2966] {strides = array<i32>} : memref<16x256xf32, #tpu.memory_space<vmem>>, vector<16xf32>,
      %mul3A_2968 = vector.broadcast %reduce_sum3A_2327 : f32 to vector<16xf32>
      %mul3A_2969 = arith.mulf %get3A_2967, %mul3A_2968 : vector<16xf32>
      %add3A_2970 = arith.addf %add3A_2956, %mul3A_2969 : vector<16xf32>
      %get3A_2971 = arith.constant 12 : i32
      %get3A_2972 = arith.index_cast %get3A_2971 : i32 to index
      %get3A_2973 = arith.constant 64 : index
      %get3A_2974 = tpu.vector_load %arg11[%get3A_2972, %get3A_2973] {strides = array<i32>} : memref<16x256xf32, #tpu.memory_space<vmem>>, vector<16xf32>,
      %mul3A_2975 = vector.broadcast %reduce_sum3A_2407 : f32 to vector<16xf32>
      %mul3A_2976 = arith.mulf %get3A_2974, %mul3A_2975 : vector<16xf32>
      %add3A_2977 = arith.addf %add3A_2963, %mul3A_2976 : vector<16xf32>
      %get3A_2978 = arith.constant 5 : i32
      %get3A_2979 = arith.index_cast %get3A_2978 : i32 to index
      %get3A_2980 = arith.constant 64 : index
      %get3A_2981 = tpu.vector_load %arg11[%get3A_2979, %get3A_2980] {strides = array<i32>} : memref<16x256xf32, #tpu.memory_space<vmem>>, vector<16xf32>,
      %mul3A_2982 = vector.broadcast %reduce_sum3A_2337 : f32 to vector<16xf32>
      %mul3A_2983 = arith.mulf %get3A_2981, %mul3A_2982 : vector<16xf32>
      %add3A_2984 = arith.addf %add3A_2970, %mul3A_2983 : vector<16xf32>
      %get3A_2985 = arith.constant 13 : i32
      %get3A_2986 = arith.index_cast %get3A_2985 : i32 to index
      %get3A_2987 = arith.constant 64 : index
      %get3A_2988 = tpu.vector_load %arg11[%get3A_2986, %get3A_2987] {strides = array<i32>} : memref<16x256xf32, #tpu.memory_space<vmem>>, vector<16xf32>,
      %mul3A_2989 = vector.broadcast %reduce_sum3A_2417 : f32 to vector<16xf32>
      %mul3A_2990 = arith.mulf %get3A_2988, %mul3A_2989 : vector<16xf32>
      %add3A_2991 = arith.addf %add3A_2977, %mul3A_2990 : vector<16xf32>
      %get3A_2992 = arith.constant 6 : i32
      %get3A_2993 = arith.index_cast %get3A_2992 : i32 to index
      %get3A_2994 = arith.constant 64 : index
      %get3A_2995 = tpu.vector_load %arg11[%get3A_2993, %get3A_2994] {strides = array<i32>} : memref<16x256xf32, #tpu.memory_space<vmem>>, vector<16xf32>,
      %mul3A_2996 = vector.broadcast %reduce_sum3A_2347 : f32 to vector<16xf32>
      %mul3A_2997 = arith.mulf %get3A_2995, %mul3A_2996 : vector<16xf32>
      %add3A_2998 = arith.addf %add3A_2984, %mul3A_2997 : vector<16xf32>
      %get3A_2999 = arith.constant 14 : i32
      %get3A_3000 = arith.index_cast %get3A_2999 : i32 to index
      %get3A_3001 = arith.constant 64 : index
      %get3A_3002 = tpu.vector_load %arg11[%get3A_3000, %get3A_3001] {strides = array<i32>} : memref<16x256xf32, #tpu.memory_space<vmem>>, vector<16xf32>,
      %mul3A_3003 = vector.broadcast %reduce_sum3A_2427 : f32 to vector<16xf32>
      %mul3A_3004 = arith.mulf %get3A_3002, %mul3A_3003 : vector<16xf32>
      %add3A_3005 = arith.addf %add3A_2991, %mul3A_3004 : vector<16xf32>
      %get3A_3006 = arith.constant 7 : i32
      %get3A_3007 = arith.index_cast %get3A_3006 : i32 to index
      %get3A_3008 = arith.constant 64 : index
      %get3A_3009 = tpu.vector_load %arg11[%get3A_3007, %get3A_3008] {strides = array<i32>} : memref<16x256xf32, #tpu.memory_space<vmem>>, vector<16xf32>,
      %mul3A_3010 = vector.broadcast %reduce_sum3A_2357 : f32 to vector<16xf32>
      %mul3A_3011 = arith.mulf %get3A_3009, %mul3A_3010 : vector<16xf32>
      %add3A_3012 = arith.addf %add3A_2998, %mul3A_3011 : vector<16xf32>
      %get3A_3013 = arith.constant 15 : i32
      %get3A_3014 = arith.index_cast %get3A_3013 : i32 to index
      %get3A_3015 = arith.constant 64 : index
      %get3A_3016 = tpu.vector_load %arg11[%get3A_3014, %get3A_3015] {strides = array<i32>} : memref<16x256xf32, #tpu.memory_space<vmem>>, vector<16xf32>,
      %mul3A_3017 = vector.broadcast %reduce_sum3A_2437 : f32 to vector<16xf32>
      %mul3A_3018 = arith.mulf %get3A_3016, %mul3A_3017 : vector<16xf32>
      %add3A_3019 = arith.addf %add3A_3005, %mul3A_3018 : vector<16xf32>
      %swap3A_3020 = arith.index_cast %add3A_2212 : i32 to index
      %swap3A_3021 = arith.constant 64 : index
      %swap3A_3022 = tpu.vector_load %arg12[%swap3A_3020, %swap3A_3021] {strides = array<i32>} : memref<32x256xf32, #tpu.memory_space<vmem>>, vector<16xf32>,
      tpu.vector_store %arg12[%swap3A_3020, %swap3A_3021], %add3A_3012 {strides = array<i32>} : memref<32x256xf32, #tpu.memory_space<vmem>>, vector<16xf32>,
      %add3A_3023 = arith.constant 1 : i32
      %add3A_3024 = arith.addi %add3A_2212, %add3A_3023 : i32
      %swap3A_3025 = arith.index_cast %add3A_3024 : i32 to index
      %swap3A_3026 = arith.constant 64 : index
      %swap3A_3027 = tpu.vector_load %arg12[%swap3A_3025, %swap3A_3026] {strides = array<i32>} : memref<32x256xf32, #tpu.memory_space<vmem>>, vector<16xf32>,
      tpu.vector_store %arg12[%swap3A_3025, %swap3A_3026], %add3A_3019 {strides = array<i32>} : memref<32x256xf32, #tpu.memory_space<vmem>>, vector<16xf32>,
      %get3A_3028 = arith.constant 0 : i32
      %get3A_3029 = arith.index_cast %get3A_3028 : i32 to index
      %get3A_3030 = arith.constant 80 : index
      %get3A_3031 = tpu.vector_load %arg11[%get3A_3029, %get3A_3030] {strides = array<i32>} : memref<16x256xf32, #tpu.memory_space<vmem>>, vector<16xf32>,
      %mul3A_3032 = vector.broadcast %reduce_sum3A_2287 : f32 to vector<16xf32>
      %mul3A_3033 = arith.mulf %get3A_3031, %mul3A_3032 : vector<16xf32>
      %get3A_3034 = arith.constant 8 : i32
      %get3A_3035 = arith.index_cast %get3A_3034 : i32 to index
      %get3A_3036 = arith.constant 80 : index
      %get3A_3037 = tpu.vector_load %arg11[%get3A_3035, %get3A_3036] {strides = array<i32>} : memref<16x256xf32, #tpu.memory_space<vmem>>, vector<16xf32>,
      %mul3A_3038 = vector.broadcast %reduce_sum3A_2367 : f32 to vector<16xf32>
      %mul3A_3039 = arith.mulf %get3A_3037, %mul3A_3038 : vector<16xf32>
      %get3A_3040 = arith.constant 1 : i32
      %get3A_3041 = arith.index_cast %get3A_3040 : i32 to index
      %get3A_3042 = arith.constant 80 : index
      %get3A_3043 = tpu.vector_load %arg11[%get3A_3041, %get3A_3042] {strides = array<i32>} : memref<16x256xf32, #tpu.memory_space<vmem>>, vector<16xf32>,
      %mul3A_3044 = vector.broadcast %reduce_sum3A_2297 : f32 to vector<16xf32>
      %mul3A_3045 = arith.mulf %get3A_3043, %mul3A_3044 : vector<16xf32>
      %add3A_3046 = arith.addf %mul3A_3033, %mul3A_3045 : vector<16xf32>
      %get3A_3047 = arith.constant 9 : i32
      %get3A_3048 = arith.index_cast %get3A_3047 : i32 to index
      %get3A_3049 = arith.constant 80 : index
      %get3A_3050 = tpu.vector_load %arg11[%get3A_3048, %get3A_3049] {strides = array<i32>} : memref<16x256xf32, #tpu.memory_space<vmem>>, vector<16xf32>,
      %mul3A_3051 = vector.broadcast %reduce_sum3A_2377 : f32 to vector<16xf32>
      %mul3A_3052 = arith.mulf %get3A_3050, %mul3A_3051 : vector<16xf32>
      %add3A_3053 = arith.addf %mul3A_3039, %mul3A_3052 : vector<16xf32>
      %get3A_3054 = arith.constant 2 : i32
      %get3A_3055 = arith.index_cast %get3A_3054 : i32 to index
      %get3A_3056 = arith.constant 80 : index
      %get3A_3057 = tpu.vector_load %arg11[%get3A_3055, %get3A_3056] {strides = array<i32>} : memref<16x256xf32, #tpu.memory_space<vmem>>, vector<16xf32>,
      %mul3A_3058 = vector.broadcast %reduce_sum3A_2307 : f32 to vector<16xf32>
      %mul3A_3059 = arith.mulf %get3A_3057, %mul3A_3058 : vector<16xf32>
      %add3A_3060 = arith.addf %add3A_3046, %mul3A_3059 : vector<16xf32>
      %get3A_3061 = arith.constant 10 : i32
      %get3A_3062 = arith.index_cast %get3A_3061 : i32 to index
      %get3A_3063 = arith.constant 80 : index
      %get3A_3064 = tpu.vector_load %arg11[%get3A_3062, %get3A_3063] {strides = array<i32>} : memref<16x256xf32, #tpu.memory_space<vmem>>, vector<16xf32>,
      %mul3A_3065 = vector.broadcast %reduce_sum3A_2387 : f32 to vector<16xf32>
      %mul3A_3066 = arith.mulf %get3A_3064, %mul3A_3065 : vector<16xf32>
      %add3A_3067 = arith.addf %add3A_3053, %mul3A_3066 : vector<16xf32>
      %get3A_3068 = arith.constant 3 : i32
      %get3A_3069 = arith.index_cast %get3A_3068 : i32 to index
      %get3A_3070 = arith.constant 80 : index
      %get3A_3071 = tpu.vector_load %arg11[%get3A_3069, %get3A_3070] {strides = array<i32>} : memref<16x256xf32, #tpu.memory_space<vmem>>, vector<16xf32>,
      %mul3A_3072 = vector.broadcast %reduce_sum3A_2317 : f32 to vector<16xf32>
      %mul3A_3073 = arith.mulf %get3A_3071, %mul3A_3072 : vector<16xf32>
      %add3A_3074 = arith.addf %add3A_3060, %mul3A_3073 : vector<16xf32>
      %get3A_3075 = arith.constant 11 : i32
      %get3A_3076 = arith.index_cast %get3A_3075 : i32 to index
      %get3A_3077 = arith.constant 80 : index
      %get3A_3078 = tpu.vector_load %arg11[%get3A_3076, %get3A_3077] {strides = array<i32>} : memref<16x256xf32, #tpu.memory_space<vmem>>, vector<16xf32>,
      %mul3A_3079 = vector.broadcast %reduce_sum3A_2397 : f32 to vector<16xf32>
      %mul3A_3080 = arith.mulf %get3A_3078, %mul3A_3079 : vector<16xf32>
      %add3A_3081 = arith.addf %add3A_3067, %mul3A_3080 : vector<16xf32>
      %get3A_3082 = arith.constant 4 : i32
      %get3A_3083 = arith.index_cast %get3A_3082 : i32 to index
      %get3A_3084 = arith.constant 80 : index
      %get3A_3085 = tpu.vector_load %arg11[%get3A_3083, %get3A_3084] {strides = array<i32>} : memref<16x256xf32, #tpu.memory_space<vmem>>, vector<16xf32>,
      %mul3A_3086 = vector.broadcast %reduce_sum3A_2327 : f32 to vector<16xf32>
      %mul3A_3087 = arith.mulf %get3A_3085, %mul3A_3086 : vector<16xf32>
      %add3A_3088 = arith.addf %add3A_3074, %mul3A_3087 : vector<16xf32>
      %get3A_3089 = arith.constant 12 : i32
      %get3A_3090 = arith.index_cast %get3A_3089 : i32 to index
      %get3A_3091 = arith.constant 80 : index
      %get3A_3092 = tpu.vector_load %arg11[%get3A_3090, %get3A_3091] {strides = array<i32>} : memref<16x256xf32, #tpu.memory_space<vmem>>, vector<16xf32>,
      %mul3A_3093 = vector.broadcast %reduce_sum3A_2407 : f32 to vector<16xf32>
      %mul3A_3094 = arith.mulf %get3A_3092, %mul3A_3093 : vector<16xf32>
      %add3A_3095 = arith.addf %add3A_3081, %mul3A_3094 : vector<16xf32>
      %get3A_3096 = arith.constant 5 : i32
      %get3A_3097 = arith.index_cast %get3A_3096 : i32 to index
      %get3A_3098 = arith.constant 80 : index
      %get3A_3099 = tpu.vector_load %arg11[%get3A_3097, %get3A_3098] {strides = array<i32>} : memref<16x256xf32, #tpu.memory_space<vmem>>, vector<16xf32>,
      %mul3A_3100 = vector.broadcast %reduce_sum3A_2337 : f32 to vector<16xf32>
      %mul3A_3101 = arith.mulf %get3A_3099, %mul3A_3100 : vector<16xf32>
      %add3A_3102 = arith.addf %add3A_3088, %mul3A_3101 : vector<16xf32>
      %get3A_3103 = arith.constant 13 : i32
      %get3A_3104 = arith.index_cast %get3A_3103 : i32 to index
      %get3A_3105 = arith.constant 80 : index
      %get3A_3106 = tpu.vector_load %arg11[%get3A_3104, %get3A_3105] {strides = array<i32>} : memref<16x256xf32, #tpu.memory_space<vmem>>, vector<16xf32>,
      %mul3A_3107 = vector.broadcast %reduce_sum3A_2417 : f32 to vector<16xf32>
      %mul3A_3108 = arith.mulf %get3A_3106, %mul3A_3107 : vector<16xf32>
      %add3A_3109 = arith.addf %add3A_3095, %mul3A_3108 : vector<16xf32>
      %get3A_3110 = arith.constant 6 : i32
      %get3A_3111 = arith.index_cast %get3A_3110 : i32 to index
      %get3A_3112 = arith.constant 80 : index
      %get3A_3113 = tpu.vector_load %arg11[%get3A_3111, %get3A_3112] {strides = array<i32>} : memref<16x256xf32, #tpu.memory_space<vmem>>, vector<16xf32>,
      %mul3A_3114 = vector.broadcast %reduce_sum3A_2347 : f32 to vector<16xf32>
      %mul3A_3115 = arith.mulf %get3A_3113, %mul3A_3114 : vector<16xf32>
      %add3A_3116 = arith.addf %add3A_3102, %mul3A_3115 : vector<16xf32>
      %get3A_3117 = arith.constant 14 : i32
      %get3A_3118 = arith.index_cast %get3A_3117 : i32 to index
      %get3A_3119 = arith.constant 80 : index
      %get3A_3120 = tpu.vector_load %arg11[%get3A_3118, %get3A_3119] {strides = array<i32>} : memref<16x256xf32, #tpu.memory_space<vmem>>, vector<16xf32>,
      %mul3A_3121 = vector.broadcast %reduce_sum3A_2427 : f32 to vector<16xf32>
      %mul3A_3122 = arith.mulf %get3A_3120, %mul3A_3121 : vector<16xf32>
      %add3A_3123 = arith.addf %add3A_3109, %mul3A_3122 : vector<16xf32>
      %get3A_3124 = arith.constant 7 : i32
      %get3A_3125 = arith.index_cast %get3A_3124 : i32 to index
      %get3A_3126 = arith.constant 80 : index
      %get3A_3127 = tpu.vector_load %arg11[%get3A_3125, %get3A_3126] {strides = array<i32>} : memref<16x256xf32, #tpu.memory_space<vmem>>, vector<16xf32>,
      %mul3A_3128 = vector.broadcast %reduce_sum3A_2357 : f32 to vector<16xf32>
      %mul3A_3129 = arith.mulf %get3A_3127, %mul3A_3128 : vector<16xf32>
      %add3A_3130 = arith.addf %add3A_3116, %mul3A_3129 : vector<16xf32>
      %get3A_3131 = arith.constant 15 : i32
      %get3A_3132 = arith.index_cast %get3A_3131 : i32 to index
      %get3A_3133 = arith.constant 80 : index
      %get3A_3134 = tpu.vector_load %arg11[%get3A_3132, %get3A_3133] {strides = array<i32>} : memref<16x256xf32, #tpu.memory_space<vmem>>, vector<16xf32>,
      %mul3A_3135 = vector.broadcast %reduce_sum3A_2437 : f32 to vector<16xf32>
      %mul3A_3136 = arith.mulf %get3A_3134, %mul3A_3135 : vector<16xf32>
      %add3A_3137 = arith.addf %add3A_3123, %mul3A_3136 : vector<16xf32>
      %swap3A_3138 = arith.index_cast %add3A_2212 : i32 to index
      %swap3A_3139 = arith.constant 80 : index
      %swap3A_3140 = tpu.vector_load %arg12[%swap3A_3138, %swap3A_3139] {strides = array<i32>} : memref<32x256xf32, #tpu.memory_space<vmem>>, vector<16xf32>,
      tpu.vector_store %arg12[%swap3A_3138, %swap3A_3139], %add3A_3130 {strides = array<i32>} : memref<32x256xf32, #tpu.memory_space<vmem>>, vector<16xf32>,
      %add3A_3141 = arith.constant 1 : i32
      %add3A_3142 = arith.addi %add3A_2212, %add3A_3141 : i32
      %swap3A_3143 = arith.index_cast %add3A_3142 : i32 to index
      %swap3A_3144 = arith.constant 80 : index
      %swap3A_3145 = tpu.vector_load %arg12[%swap3A_3143, %swap3A_3144] {strides = array<i32>} : memref<32x256xf32, #tpu.memory_space<vmem>>, vector<16xf32>,
      tpu.vector_store %arg12[%swap3A_3143, %swap3A_3144], %add3A_3137 {strides = array<i32>} : memref<32x256xf32, #tpu.memory_space<vmem>>, vector<16xf32>,
      %get3A_3146 = arith.constant 0 : i32
      %get3A_3147 = arith.index_cast %get3A_3146 : i32 to index
      %get3A_3148 = arith.constant 96 : index
      %get3A_3149 = tpu.vector_load %arg11[%get3A_3147, %get3A_3148] {strides = array<i32>} : memref<16x256xf32, #tpu.memory_space<vmem>>, vector<16xf32>,
      %mul3A_3150 = vector.broadcast %reduce_sum3A_2287 : f32 to vector<16xf32>
      %mul3A_3151 = arith.mulf %get3A_3149, %mul3A_3150 : vector<16xf32>
      %get3A_3152 = arith.constant 8 : i32
      %get3A_3153 = arith.index_cast %get3A_3152 : i32 to index
      %get3A_3154 = arith.constant 96 : index
      %get3A_3155 = tpu.vector_load %arg11[%get3A_3153, %get3A_3154] {strides = array<i32>} : memref<16x256xf32, #tpu.memory_space<vmem>>, vector<16xf32>,
      %mul3A_3156 = vector.broadcast %reduce_sum3A_2367 : f32 to vector<16xf32>
      %mul3A_3157 = arith.mulf %get3A_3155, %mul3A_3156 : vector<16xf32>
      %get3A_3158 = arith.constant 1 : i32
      %get3A_3159 = arith.index_cast %get3A_3158 : i32 to index
      %get3A_3160 = arith.constant 96 : index
      %get3A_3161 = tpu.vector_load %arg11[%get3A_3159, %get3A_3160] {strides = array<i32>} : memref<16x256xf32, #tpu.memory_space<vmem>>, vector<16xf32>,
      %mul3A_3162 = vector.broadcast %reduce_sum3A_2297 : f32 to vector<16xf32>
      %mul3A_3163 = arith.mulf %get3A_3161, %mul3A_3162 : vector<16xf32>
      %add3A_3164 = arith.addf %mul3A_3151, %mul3A_3163 : vector<16xf32>
      %get3A_3165 = arith.constant 9 : i32
      %get3A_3166 = arith.index_cast %get3A_3165 : i32 to index
      %get3A_3167 = arith.constant 96 : index
      %get3A_3168 = tpu.vector_load %arg11[%get3A_3166, %get3A_3167] {strides = array<i32>} : memref<16x256xf32, #tpu.memory_space<vmem>>, vector<16xf32>,
      %mul3A_3169 = vector.broadcast %reduce_sum3A_2377 : f32 to vector<16xf32>
      %mul3A_3170 = arith.mulf %get3A_3168, %mul3A_3169 : vector<16xf32>
      %add3A_3171 = arith.addf %mul3A_3157, %mul3A_3170 : vector<16xf32>
      %get3A_3172 = arith.constant 2 : i32
      %get3A_3173 = arith.index_cast %get3A_3172 : i32 to index
      %get3A_3174 = arith.constant 96 : index
      %get3A_3175 = tpu.vector_load %arg11[%get3A_3173, %get3A_3174] {strides = array<i32>} : memref<16x256xf32, #tpu.memory_space<vmem>>, vector<16xf32>,
      %mul3A_3176 = vector.broadcast %reduce_sum3A_2307 : f32 to vector<16xf32>
      %mul3A_3177 = arith.mulf %get3A_3175, %mul3A_3176 : vector<16xf32>
      %add3A_3178 = arith.addf %add3A_3164, %mul3A_3177 : vector<16xf32>
      %get3A_3179 = arith.constant 10 : i32
      %get3A_3180 = arith.index_cast %get3A_3179 : i32 to index
      %get3A_3181 = arith.constant 96 : index
      %get3A_3182 = tpu.vector_load %arg11[%get3A_3180, %get3A_3181] {strides = array<i32>} : memref<16x256xf32, #tpu.memory_space<vmem>>, vector<16xf32>,
      %mul3A_3183 = vector.broadcast %reduce_sum3A_2387 : f32 to vector<16xf32>
      %mul3A_3184 = arith.mulf %get3A_3182, %mul3A_3183 : vector<16xf32>
      %add3A_3185 = arith.addf %add3A_3171, %mul3A_3184 : vector<16xf32>
      %get3A_3186 = arith.constant 3 : i32
      %get3A_3187 = arith.index_cast %get3A_3186 : i32 to index
      %get3A_3188 = arith.constant 96 : index
      %get3A_3189 = tpu.vector_load %arg11[%get3A_3187, %get3A_3188] {strides = array<i32>} : memref<16x256xf32, #tpu.memory_space<vmem>>, vector<16xf32>,
      %mul3A_3190 = vector.broadcast %reduce_sum3A_2317 : f32 to vector<16xf32>
      %mul3A_3191 = arith.mulf %get3A_3189, %mul3A_3190 : vector<16xf32>
      %add3A_3192 = arith.addf %add3A_3178, %mul3A_3191 : vector<16xf32>
      %get3A_3193 = arith.constant 11 : i32
      %get3A_3194 = arith.index_cast %get3A_3193 : i32 to index
      %get3A_3195 = arith.constant 96 : index
      %get3A_3196 = tpu.vector_load %arg11[%get3A_3194, %get3A_3195] {strides = array<i32>} : memref<16x256xf32, #tpu.memory_space<vmem>>, vector<16xf32>,
      %mul3A_3197 = vector.broadcast %reduce_sum3A_2397 : f32 to vector<16xf32>
      %mul3A_3198 = arith.mulf %get3A_3196, %mul3A_3197 : vector<16xf32>
      %add3A_3199 = arith.addf %add3A_3185, %mul3A_3198 : vector<16xf32>
      %get3A_3200 = arith.constant 4 : i32
      %get3A_3201 = arith.index_cast %get3A_3200 : i32 to index
      %get3A_3202 = arith.constant 96 : index
      %get3A_3203 = tpu.vector_load %arg11[%get3A_3201, %get3A_3202] {strides = array<i32>} : memref<16x256xf32, #tpu.memory_space<vmem>>, vector<16xf32>,
      %mul3A_3204 = vector.broadcast %reduce_sum3A_2327 : f32 to vector<16xf32>
      %mul3A_3205 = arith.mulf %get3A_3203, %mul3A_3204 : vector<16xf32>
      %add3A_3206 = arith.addf %add3A_3192, %mul3A_3205 : vector<16xf32>
      %get3A_3207 = arith.constant 12 : i32
      %get3A_3208 = arith.index_cast %get3A_3207 : i32 to index
      %get3A_3209 = arith.constant 96 : index
      %get3A_3210 = tpu.vector_load %arg11[%get3A_3208, %get3A_3209] {strides = array<i32>} : memref<16x256xf32, #tpu.memory_space<vmem>>, vector<16xf32>,
      %mul3A_3211 = vector.broadcast %reduce_sum3A_2407 : f32 to vector<16xf32>
      %mul3A_3212 = arith.mulf %get3A_3210, %mul3A_3211 : vector<16xf32>
      %add3A_3213 = arith.addf %add3A_3199, %mul3A_3212 : vector<16xf32>
      %get3A_3214 = arith.constant 5 : i32
      %get3A_3215 = arith.index_cast %get3A_3214 : i32 to index
      %get3A_3216 = arith.constant 96 : index
      %get3A_3217 = tpu.vector_load %arg11[%get3A_3215, %get3A_3216] {strides = array<i32>} : memref<16x256xf32, #tpu.memory_space<vmem>>, vector<16xf32>,
      %mul3A_3218 = vector.broadcast %reduce_sum3A_2337 : f32 to vector<16xf32>
      %mul3A_3219 = arith.mulf %get3A_3217, %mul3A_3218 : vector<16xf32>
      %add3A_3220 = arith.addf %add3A_3206, %mul3A_3219 : vector<16xf32>
      %get3A_3221 = arith.constant 13 : i32
      %get3A_3222 = arith.index_cast %get3A_3221 : i32 to index
      %get3A_3223 = arith.constant 96 : index
      %get3A_3224 = tpu.vector_load %arg11[%get3A_3222, %get3A_3223] {strides = array<i32>} : memref<16x256xf32, #tpu.memory_space<vmem>>, vector<16xf32>,
      %mul3A_3225 = vector.broadcast %reduce_sum3A_2417 : f32 to vector<16xf32>
      %mul3A_3226 = arith.mulf %get3A_3224, %mul3A_3225 : vector<16xf32>
      %add3A_3227 = arith.addf %add3A_3213, %mul3A_3226 : vector<16xf32>
      %get3A_3228 = arith.constant 6 : i32
      %get3A_3229 = arith.index_cast %get3A_3228 : i32 to index
      %get3A_3230 = arith.constant 96 : index
      %get3A_3231 = tpu.vector_load %arg11[%get3A_3229, %get3A_3230] {strides = array<i32>} : memref<16x256xf32, #tpu.memory_space<vmem>>, vector<16xf32>,
      %mul3A_3232 = vector.broadcast %reduce_sum3A_2347 : f32 to vector<16xf32>
      %mul3A_3233 = arith.mulf %get3A_3231, %mul3A_3232 : vector<16xf32>
      %add3A_3234 = arith.addf %add3A_3220, %mul3A_3233 : vector<16xf32>
      %get3A_3235 = arith.constant 14 : i32
      %get3A_3236 = arith.index_cast %get3A_3235 : i32 to index
      %get3A_3237 = arith.constant 96 : index
      %get3A_3238 = tpu.vector_load %arg11[%get3A_3236, %get3A_3237] {strides = array<i32>} : memref<16x256xf32, #tpu.memory_space<vmem>>, vector<16xf32>,
      %mul3A_3239 = vector.broadcast %reduce_sum3A_2427 : f32 to vector<16xf32>
      %mul3A_3240 = arith.mulf %get3A_3238, %mul3A_3239 : vector<16xf32>
      %add3A_3241 = arith.addf %add3A_3227, %mul3A_3240 : vector<16xf32>
      %get3A_3242 = arith.constant 7 : i32
      %get3A_3243 = arith.index_cast %get3A_3242 : i32 to index
      %get3A_3244 = arith.constant 96 : index
      %get3A_3245 = tpu.vector_load %arg11[%get3A_3243, %get3A_3244] {strides = array<i32>} : memref<16x256xf32, #tpu.memory_space<vmem>>, vector<16xf32>,
      %mul3A_3246 = vector.broadcast %reduce_sum3A_2357 : f32 to vector<16xf32>
      %mul3A_3247 = arith.mulf %get3A_3245, %mul3A_3246 : vector<16xf32>
      %add3A_3248 = arith.addf %add3A_3234, %mul3A_3247 : vector<16xf32>
      %get3A_3249 = arith.constant 15 : i32
      %get3A_3250 = arith.index_cast %get3A_3249 : i32 to index
      %get3A_3251 = arith.constant 96 : index
      %get3A_3252 = tpu.vector_load %arg11[%get3A_3250, %get3A_3251] {strides = array<i32>} : memref<16x256xf32, #tpu.memory_space<vmem>>, vector<16xf32>,
      %mul3A_3253 = vector.broadcast %reduce_sum3A_2437 : f32 to vector<16xf32>
      %mul3A_3254 = arith.mulf %get3A_3252, %mul3A_3253 : vector<16xf32>
      %add3A_3255 = arith.addf %add3A_3241, %mul3A_3254 : vector<16xf32>
      %swap3A_3256 = arith.index_cast %add3A_2212 : i32 to index
      %swap3A_3257 = arith.constant 96 : index
      %swap3A_3258 = tpu.vector_load %arg12[%swap3A_3256, %swap3A_3257] {strides = array<i32>} : memref<32x256xf32, #tpu.memory_space<vmem>>, vector<16xf32>,
      tpu.vector_store %arg12[%swap3A_3256, %swap3A_3257], %add3A_3248 {strides = array<i32>} : memref<32x256xf32, #tpu.memory_space<vmem>>, vector<16xf32>,
      %add3A_3259 = arith.constant 1 : i32
      %add3A_3260 = arith.addi %add3A_2212, %add3A_3259 : i32
      %swap3A_3261 = arith.index_cast %add3A_3260 : i32 to index
      %swap3A_3262 = arith.constant 96 : index
      %swap3A_3263 = tpu.vector_load %arg12[%swap3A_3261, %swap3A_3262] {strides = array<i32>} : memref<32x256xf32, #tpu.memory_space<vmem>>, vector<16xf32>,
      tpu.vector_store %arg12[%swap3A_3261, %swap3A_3262], %add3A_3255 {strides = array<i32>} : memref<32x256xf32, #tpu.memory_space<vmem>>, vector<16xf32>,
      %get3A_3264 = arith.constant 0 : i32
      %get3A_3265 = arith.index_cast %get3A_3264 : i32 to index
      %get3A_3266 = arith.constant 112 : index
      %get3A_3267 = tpu.vector_load %arg11[%get3A_3265, %get3A_3266] {strides = array<i32>} : memref<16x256xf32, #tpu.memory_space<vmem>>, vector<16xf32>,
      %mul3A_3268 = vector.broadcast %reduce_sum3A_2287 : f32 to vector<16xf32>
      %mul3A_3269 = arith.mulf %get3A_3267, %mul3A_3268 : vector<16xf32>
      %get3A_3270 = arith.constant 8 : i32
      %get3A_3271 = arith.index_cast %get3A_3270 : i32 to index
      %get3A_3272 = arith.constant 112 : index
      %get3A_3273 = tpu.vector_load %arg11[%get3A_3271, %get3A_3272] {strides = array<i32>} : memref<16x256xf32, #tpu.memory_space<vmem>>, vector<16xf32>,
      %mul3A_3274 = vector.broadcast %reduce_sum3A_2367 : f32 to vector<16xf32>
      %mul3A_3275 = arith.mulf %get3A_3273, %mul3A_3274 : vector<16xf32>
      %get3A_3276 = arith.constant 1 : i32
      %get3A_3277 = arith.index_cast %get3A_3276 : i32 to index
      %get3A_3278 = arith.constant 112 : index
      %get3A_3279 = tpu.vector_load %arg11[%get3A_3277, %get3A_3278] {strides = array<i32>} : memref<16x256xf32, #tpu.memory_space<vmem>>, vector<16xf32>,
      %mul3A_3280 = vector.broadcast %reduce_sum3A_2297 : f32 to vector<16xf32>
      %mul3A_3281 = arith.mulf %get3A_3279, %mul3A_3280 : vector<16xf32>
      %add3A_3282 = arith.addf %mul3A_3269, %mul3A_3281 : vector<16xf32>
      %get3A_3283 = arith.constant 9 : i32
      %get3A_3284 = arith.index_cast %get3A_3283 : i32 to index
      %get3A_3285 = arith.constant 112 : index
      %get3A_3286 = tpu.vector_load %arg11[%get3A_3284, %get3A_3285] {strides = array<i32>} : memref<16x256xf32, #tpu.memory_space<vmem>>, vector<16xf32>,
      %mul3A_3287 = vector.broadcast %reduce_sum3A_2377 : f32 to vector<16xf32>
      %mul3A_3288 = arith.mulf %get3A_3286, %mul3A_3287 : vector<16xf32>
      %add3A_3289 = arith.addf %mul3A_3275, %mul3A_3288 : vector<16xf32>
      %get3A_3290 = arith.constant 2 : i32
      %get3A_3291 = arith.index_cast %get3A_3290 : i32 to index
      %get3A_3292 = arith.constant 112 : index
      %get3A_3293 = tpu.vector_load %arg11[%get3A_3291, %get3A_3292] {strides = array<i32>} : memref<16x256xf32, #tpu.memory_space<vmem>>, vector<16xf32>,
      %mul3A_3294 = vector.broadcast %reduce_sum3A_2307 : f32 to vector<16xf32>
      %mul3A_3295 = arith.mulf %get3A_3293, %mul3A_3294 : vector<16xf32>
      %add3A_3296 = arith.addf %add3A_3282, %mul3A_3295 : vector<16xf32>
      %get3A_3297 = arith.constant 10 : i32
      %get3A_3298 = arith.index_cast %get3A_3297 : i32 to index
      %get3A_3299 = arith.constant 112 : index
      %get3A_3300 = tpu.vector_load %arg11[%get3A_3298, %get3A_3299] {strides = array<i32>} : memref<16x256xf32, #tpu.memory_space<vmem>>, vector<16xf32>,
      %mul3A_3301 = vector.broadcast %reduce_sum3A_2387 : f32 to vector<16xf32>
      %mul3A_3302 = arith.mulf %get3A_3300, %mul3A_3301 : vector<16xf32>
      %add3A_3303 = arith.addf %add3A_3289, %mul3A_3302 : vector<16xf32>
      %get3A_3304 = arith.constant 3 : i32
      %get3A_3305 = arith.index_cast %get3A_3304 : i32 to index
      %get3A_3306 = arith.constant 112 : index
      %get3A_3307 = tpu.vector_load %arg11[%get3A_3305, %get3A_3306] {strides = array<i32>} : memref<16x256xf32, #tpu.memory_space<vmem>>, vector<16xf32>,
      %mul3A_3308 = vector.broadcast %reduce_sum3A_2317 : f32 to vector<16xf32>
      %mul3A_3309 = arith.mulf %get3A_3307, %mul3A_3308 : vector<16xf32>
      %add3A_3310 = arith.addf %add3A_3296, %mul3A_3309 : vector<16xf32>
      %get3A_3311 = arith.constant 11 : i32
      %get3A_3312 = arith.index_cast %get3A_3311 : i32 to index
      %get3A_3313 = arith.constant 112 : index
      %get3A_3314 = tpu.vector_load %arg11[%get3A_3312, %get3A_3313] {strides = array<i32>} : memref<16x256xf32, #tpu.memory_space<vmem>>, vector<16xf32>,
      %mul3A_3315 = vector.broadcast %reduce_sum3A_2397 : f32 to vector<16xf32>
      %mul3A_3316 = arith.mulf %get3A_3314, %mul3A_3315 : vector<16xf32>
      %add3A_3317 = arith.addf %add3A_3303, %mul3A_3316 : vector<16xf32>
      %get3A_3318 = arith.constant 4 : i32
      %get3A_3319 = arith.index_cast %get3A_3318 : i32 to index
      %get3A_3320 = arith.constant 112 : index
      %get3A_3321 = tpu.vector_load %arg11[%get3A_3319, %get3A_3320] {strides = array<i32>} : memref<16x256xf32, #tpu.memory_space<vmem>>, vector<16xf32>,
      %mul3A_3322 = vector.broadcast %reduce_sum3A_2327 : f32 to vector<16xf32>
      %mul3A_3323 = arith.mulf %get3A_3321, %mul3A_3322 : vector<16xf32>
      %add3A_3324 = arith.addf %add3A_3310, %mul3A_3323 : vector<16xf32>
      %get3A_3325 = arith.constant 12 : i32
      %get3A_3326 = arith.index_cast %get3A_3325 : i32 to index
      %get3A_3327 = arith.constant 112 : index
      %get3A_3328 = tpu.vector_load %arg11[%get3A_3326, %get3A_3327] {strides = array<i32>} : memref<16x256xf32, #tpu.memory_space<vmem>>, vector<16xf32>,
      %mul3A_3329 = vector.broadcast %reduce_sum3A_2407 : f32 to vector<16xf32>
      %mul3A_3330 = arith.mulf %get3A_3328, %mul3A_3329 : vector<16xf32>
      %add3A_3331 = arith.addf %add3A_3317, %mul3A_3330 : vector<16xf32>
      %get3A_3332 = arith.constant 5 : i32
      %get3A_3333 = arith.index_cast %get3A_3332 : i32 to index
      %get3A_3334 = arith.constant 112 : index
      %get3A_3335 = tpu.vector_load %arg11[%get3A_3333, %get3A_3334] {strides = array<i32>} : memref<16x256xf32, #tpu.memory_space<vmem>>, vector<16xf32>,
      %mul3A_3336 = vector.broadcast %reduce_sum3A_2337 : f32 to vector<16xf32>
      %mul3A_3337 = arith.mulf %get3A_3335, %mul3A_3336 : vector<16xf32>
      %add3A_3338 = arith.addf %add3A_3324, %mul3A_3337 : vector<16xf32>
      %get3A_3339 = arith.constant 13 : i32
      %get3A_3340 = arith.index_cast %get3A_3339 : i32 to index
      %get3A_3341 = arith.constant 112 : index
      %get3A_3342 = tpu.vector_load %arg11[%get3A_3340, %get3A_3341] {strides = array<i32>} : memref<16x256xf32, #tpu.memory_space<vmem>>, vector<16xf32>,
      %mul3A_3343 = vector.broadcast %reduce_sum3A_2417 : f32 to vector<16xf32>
      %mul3A_3344 = arith.mulf %get3A_3342, %mul3A_3343 : vector<16xf32>
      %add3A_3345 = arith.addf %add3A_3331, %mul3A_3344 : vector<16xf32>
      %get3A_3346 = arith.constant 6 : i32
      %get3A_3347 = arith.index_cast %get3A_3346 : i32 to index
      %get3A_3348 = arith.constant 112 : index
      %get3A_3349 = tpu.vector_load %arg11[%get3A_3347, %get3A_3348] {strides = array<i32>} : memref<16x256xf32, #tpu.memory_space<vmem>>, vector<16xf32>,
      %mul3A_3350 = vector.broadcast %reduce_sum3A_2347 : f32 to vector<16xf32>
      %mul3A_3351 = arith.mulf %get3A_3349, %mul3A_3350 : vector<16xf32>
      %add3A_3352 = arith.addf %add3A_3338, %mul3A_3351 : vector<16xf32>
      %get3A_3353 = arith.constant 14 : i32
      %get3A_3354 = arith.index_cast %get3A_3353 : i32 to index
      %get3A_3355 = arith.constant 112 : index
      %get3A_3356 = tpu.vector_load %arg11[%get3A_3354, %get3A_3355] {strides = array<i32>} : memref<16x256xf32, #tpu.memory_space<vmem>>, vector<16xf32>,
      %mul3A_3357 = vector.broadcast %reduce_sum3A_2427 : f32 to vector<16xf32>
      %mul3A_3358 = arith.mulf %get3A_3356, %mul3A_3357 : vector<16xf32>
      %add3A_3359 = arith.addf %add3A_3345, %mul3A_3358 : vector<16xf32>
      %get3A_3360 = arith.constant 7 : i32
      %get3A_3361 = arith.index_cast %get3A_3360 : i32 to index
      %get3A_3362 = arith.constant 112 : index
      %get3A_3363 = tpu.vector_load %arg11[%get3A_3361, %get3A_3362] {strides = array<i32>} : memref<16x256xf32, #tpu.memory_space<vmem>>, vector<16xf32>,
      %mul3A_3364 = vector.broadcast %reduce_sum3A_2357 : f32 to vector<16xf32>
      %mul3A_3365 = arith.mulf %get3A_3363, %mul3A_3364 : vector<16xf32>
      %add3A_3366 = arith.addf %add3A_3352, %mul3A_3365 : vector<16xf32>
      %get3A_3367 = arith.constant 15 : i32
      %get3A_3368 = arith.index_cast %get3A_3367 : i32 to index
      %get3A_3369 = arith.constant 112 : index
      %get3A_3370 = tpu.vector_load %arg11[%get3A_3368, %get3A_3369] {strides = array<i32>} : memref<16x256xf32, #tpu.memory_space<vmem>>, vector<16xf32>,
      %mul3A_3371 = vector.broadcast %reduce_sum3A_2437 : f32 to vector<16xf32>
      %mul3A_3372 = arith.mulf %get3A_3370, %mul3A_3371 : vector<16xf32>
      %add3A_3373 = arith.addf %add3A_3359, %mul3A_3372 : vector<16xf32>
      %swap3A_3374 = arith.index_cast %add3A_2212 : i32 to index
      %swap3A_3375 = arith.constant 112 : index
      %swap3A_3376 = tpu.vector_load %arg12[%swap3A_3374, %swap3A_3375] {strides = array<i32>} : memref<32x256xf32, #tpu.memory_space<vmem>>, vector<16xf32>,
      tpu.vector_store %arg12[%swap3A_3374, %swap3A_3375], %add3A_3366 {strides = array<i32>} : memref<32x256xf32, #tpu.memory_space<vmem>>, vector<16xf32>,
      %add3A_3377 = arith.constant 1 : i32
      %add3A_3378 = arith.addi %add3A_2212, %add3A_3377 : i32
      %swap3A_3379 = arith.index_cast %add3A_3378 : i32 to index
      %swap3A_3380 = arith.constant 112 : index
      %swap3A_3381 = tpu.vector_load %arg12[%swap3A_3379, %swap3A_3380] {strides = array<i32>} : memref<32x256xf32, #tpu.memory_space<vmem>>, vector<16xf32>,
      tpu.vector_store %arg12[%swap3A_3379, %swap3A_3380], %add3A_3373 {strides = array<i32>} : memref<32x256xf32, #tpu.memory_space<vmem>>, vector<16xf32>,
      %get3A_3382 = arith.constant 0 : i32
      %get3A_3383 = arith.index_cast %get3A_3382 : i32 to index
      %get3A_3384 = arith.constant 128 : index
      %get3A_3385 = tpu.vector_load %arg11[%get3A_3383, %get3A_3384] {strides = array<i32>} : memref<16x256xf32, #tpu.memory_space<vmem>>, vector<16xf32>,
      %mul3A_3386 = vector.broadcast %reduce_sum3A_2287 : f32 to vector<16xf32>
      %mul3A_3387 = arith.mulf %get3A_3385, %mul3A_3386 : vector<16xf32>
      %get3A_3388 = arith.constant 8 : i32
      %get3A_3389 = arith.index_cast %get3A_3388 : i32 to index
      %get3A_3390 = arith.constant 128 : index
      %get3A_3391 = tpu.vector_load %arg11[%get3A_3389, %get3A_3390] {strides = array<i32>} : memref<16x256xf32, #tpu.memory_space<vmem>>, vector<16xf32>,
      %mul3A_3392 = vector.broadcast %reduce_sum3A_2367 : f32 to vector<16xf32>
      %mul3A_3393 = arith.mulf %get3A_3391, %mul3A_3392 : vector<16xf32>
      %get3A_3394 = arith.constant 1 : i32
      %get3A_3395 = arith.index_cast %get3A_3394 : i32 to index
      %get3A_3396 = arith.constant 128 : index
      %get3A_3397 = tpu.vector_load %arg11[%get3A_3395, %get3A_3396] {strides = array<i32>} : memref<16x256xf32, #tpu.memory_space<vmem>>, vector<16xf32>,
      %mul3A_3398 = vector.broadcast %reduce_sum3A_2297 : f32 to vector<16xf32>
      %mul3A_3399 = arith.mulf %get3A_3397, %mul3A_3398 : vector<16xf32>
      %add3A_3400 = arith.addf %mul3A_3387, %mul3A_3399 : vector<16xf32>
      %get3A_3401 = arith.constant 9 : i32
      %get3A_3402 = arith.index_cast %get3A_3401 : i32 to index
      %get3A_3403 = arith.constant 128 : index
      %get3A_3404 = tpu.vector_load %arg11[%get3A_3402, %get3A_3403] {strides = array<i32>} : memref<16x256xf32, #tpu.memory_space<vmem>>, vector<16xf32>,
      %mul3A_3405 = vector.broadcast %reduce_sum3A_2377 : f32 to vector<16xf32>
      %mul3A_3406 = arith.mulf %get3A_3404, %mul3A_3405 : vector<16xf32>
      %add3A_3407 = arith.addf %mul3A_3393, %mul3A_3406 : vector<16xf32>
      %get3A_3408 = arith.constant 2 : i32
      %get3A_3409 = arith.index_cast %get3A_3408 : i32 to index
      %get3A_3410 = arith.constant 128 : index
      %get3A_3411 = tpu.vector_load %arg11[%get3A_3409, %get3A_3410] {strides = array<i32>} : memref<16x256xf32, #tpu.memory_space<vmem>>, vector<16xf32>,
      %mul3A_3412 = vector.broadcast %reduce_sum3A_2307 : f32 to vector<16xf32>
      %mul3A_3413 = arith.mulf %get3A_3411, %mul3A_3412 : vector<16xf32>
      %add3A_3414 = arith.addf %add3A_3400, %mul3A_3413 : vector<16xf32>
      %get3A_3415 = arith.constant 10 : i32
      %get3A_3416 = arith.index_cast %get3A_3415 : i32 to index
      %get3A_3417 = arith.constant 128 : index
      %get3A_3418 = tpu.vector_load %arg11[%get3A_3416, %get3A_3417] {strides = array<i32>} : memref<16x256xf32, #tpu.memory_space<vmem>>, vector<16xf32>,
      %mul3A_3419 = vector.broadcast %reduce_sum3A_2387 : f32 to vector<16xf32>
      %mul3A_3420 = arith.mulf %get3A_3418, %mul3A_3419 : vector<16xf32>
      %add3A_3421 = arith.addf %add3A_3407, %mul3A_3420 : vector<16xf32>
      %get3A_3422 = arith.constant 3 : i32
      %get3A_3423 = arith.index_cast %get3A_3422 : i32 to index
      %get3A_3424 = arith.constant 128 : index
      %get3A_3425 = tpu.vector_load %arg11[%get3A_3423, %get3A_3424] {strides = array<i32>} : memref<16x256xf32, #tpu.memory_space<vmem>>, vector<16xf32>,
      %mul3A_3426 = vector.broadcast %reduce_sum3A_2317 : f32 to vector<16xf32>
      %mul3A_3427 = arith.mulf %get3A_3425, %mul3A_3426 : vector<16xf32>
      %add3A_3428 = arith.addf %add3A_3414, %mul3A_3427 : vector<16xf32>
      %get3A_3429 = arith.constant 11 : i32
      %get3A_3430 = arith.index_cast %get3A_3429 : i32 to index
      %get3A_3431 = arith.constant 128 : index
      %get3A_3432 = tpu.vector_load %arg11[%get3A_3430, %get3A_3431] {strides = array<i32>} : memref<16x256xf32, #tpu.memory_space<vmem>>, vector<16xf32>,
      %mul3A_3433 = vector.broadcast %reduce_sum3A_2397 : f32 to vector<16xf32>
      %mul3A_3434 = arith.mulf %get3A_3432, %mul3A_3433 : vector<16xf32>
      %add3A_3435 = arith.addf %add3A_3421, %mul3A_3434 : vector<16xf32>
      %get3A_3436 = arith.constant 4 : i32
      %get3A_3437 = arith.index_cast %get3A_3436 : i32 to index
      %get3A_3438 = arith.constant 128 : index
      %get3A_3439 = tpu.vector_load %arg11[%get3A_3437, %get3A_3438] {strides = array<i32>} : memref<16x256xf32, #tpu.memory_space<vmem>>, vector<16xf32>,
      %mul3A_3440 = vector.broadcast %reduce_sum3A_2327 : f32 to vector<16xf32>
      %mul3A_3441 = arith.mulf %get3A_3439, %mul3A_3440 : vector<16xf32>
      %add3A_3442 = arith.addf %add3A_3428, %mul3A_3441 : vector<16xf32>
      %get3A_3443 = arith.constant 12 : i32
      %get3A_3444 = arith.index_cast %get3A_3443 : i32 to index
      %get3A_3445 = arith.constant 128 : index
      %get3A_3446 = tpu.vector_load %arg11[%get3A_3444, %get3A_3445] {strides = array<i32>} : memref<16x256xf32, #tpu.memory_space<vmem>>, vector<16xf32>,
      %mul3A_3447 = vector.broadcast %reduce_sum3A_2407 : f32 to vector<16xf32>
      %mul3A_3448 = arith.mulf %get3A_3446, %mul3A_3447 : vector<16xf32>
      %add3A_3449 = arith.addf %add3A_3435, %mul3A_3448 : vector<16xf32>
      %get3A_3450 = arith.constant 5 : i32
      %get3A_3451 = arith.index_cast %get3A_3450 : i32 to index
      %get3A_3452 = arith.constant 128 : index
      %get3A_3453 = tpu.vector_load %arg11[%get3A_3451, %get3A_3452] {strides = array<i32>} : memref<16x256xf32, #tpu.memory_space<vmem>>, vector<16xf32>,
      %mul3A_3454 = vector.broadcast %reduce_sum3A_2337 : f32 to vector<16xf32>
      %mul3A_3455 = arith.mulf %get3A_3453, %mul3A_3454 : vector<16xf32>
      %add3A_3456 = arith.addf %add3A_3442, %mul3A_3455 : vector<16xf32>
      %get3A_3457 = arith.constant 13 : i32
      %get3A_3458 = arith.index_cast %get3A_3457 : i32 to index
      %get3A_3459 = arith.constant 128 : index
      %get3A_3460 = tpu.vector_load %arg11[%get3A_3458, %get3A_3459] {strides = array<i32>} : memref<16x256xf32, #tpu.memory_space<vmem>>, vector<16xf32>,
      %mul3A_3461 = vector.broadcast %reduce_sum3A_2417 : f32 to vector<16xf32>
      %mul3A_3462 = arith.mulf %get3A_3460, %mul3A_3461 : vector<16xf32>
      %add3A_3463 = arith.addf %add3A_3449, %mul3A_3462 : vector<16xf32>
      %get3A_3464 = arith.constant 6 : i32
      %get3A_3465 = arith.index_cast %get3A_3464 : i32 to index
      %get3A_3466 = arith.constant 128 : index
      %get3A_3467 = tpu.vector_load %arg11[%get3A_3465, %get3A_3466] {strides = array<i32>} : memref<16x256xf32, #tpu.memory_space<vmem>>, vector<16xf32>,
      %mul3A_3468 = vector.broadcast %reduce_sum3A_2347 : f32 to vector<16xf32>
      %mul3A_3469 = arith.mulf %get3A_3467, %mul3A_3468 : vector<16xf32>
      %add3A_3470 = arith.addf %add3A_3456, %mul3A_3469 : vector<16xf32>
      %get3A_3471 = arith.constant 14 : i32
      %get3A_3472 = arith.index_cast %get3A_3471 : i32 to index
      %get3A_3473 = arith.constant 128 : index
      %get3A_3474 = tpu.vector_load %arg11[%get3A_3472, %get3A_3473] {strides = array<i32>} : memref<16x256xf32, #tpu.memory_space<vmem>>, vector<16xf32>,
      %mul3A_3475 = vector.broadcast %reduce_sum3A_2427 : f32 to vector<16xf32>
      %mul3A_3476 = arith.mulf %get3A_3474, %mul3A_3475 : vector<16xf32>
      %add3A_3477 = arith.addf %add3A_3463, %mul3A_3476 : vector<16xf32>
      %get3A_3478 = arith.constant 7 : i32
      %get3A_3479 = arith.index_cast %get3A_3478 : i32 to index
      %get3A_3480 = arith.constant 128 : index
      %get3A_3481 = tpu.vector_load %arg11[%get3A_3479, %get3A_3480] {strides = array<i32>} : memref<16x256xf32, #tpu.memory_space<vmem>>, vector<16xf32>,
      %mul3A_3482 = vector.broadcast %reduce_sum3A_2357 : f32 to vector<16xf32>
      %mul3A_3483 = arith.mulf %get3A_3481, %mul3A_3482 : vector<16xf32>
      %add3A_3484 = arith.addf %add3A_3470, %mul3A_3483 : vector<16xf32>
      %get3A_3485 = arith.constant 15 : i32
      %get3A_3486 = arith.index_cast %get3A_3485 : i32 to index
      %get3A_3487 = arith.constant 128 : index
      %get3A_3488 = tpu.vector_load %arg11[%get3A_3486, %get3A_3487] {strides = array<i32>} : memref<16x256xf32, #tpu.memory_space<vmem>>, vector<16xf32>,
      %mul3A_3489 = vector.broadcast %reduce_sum3A_2437 : f32 to vector<16xf32>
      %mul3A_3490 = arith.mulf %get3A_3488, %mul3A_3489 : vector<16xf32>
      %add3A_3491 = arith.addf %add3A_3477, %mul3A_3490 : vector<16xf32>
      %swap3A_3492 = arith.index_cast %add3A_2212 : i32 to index
      %swap3A_3493 = arith.constant 128 : index
      %swap3A_3494 = tpu.vector_load %arg12[%swap3A_3492, %swap3A_3493] {strides = array<i32>} : memref<32x256xf32, #tpu.memory_space<vmem>>, vector<16xf32>,
      tpu.vector_store %arg12[%swap3A_3492, %swap3A_3493], %add3A_3484 {strides = array<i32>} : memref<32x256xf32, #tpu.memory_space<vmem>>, vector<16xf32>,
      %add3A_3495 = arith.constant 1 : i32
      %add3A_3496 = arith.addi %add3A_2212, %add3A_3495 : i32
      %swap3A_3497 = arith.index_cast %add3A_3496 : i32 to index
      %swap3A_3498 = arith.constant 128 : index
      %swap3A_3499 = tpu.vector_load %arg12[%swap3A_3497, %swap3A_3498] {strides = array<i32>} : memref<32x256xf32, #tpu.memory_space<vmem>>, vector<16xf32>,
      tpu.vector_store %arg12[%swap3A_3497, %swap3A_3498], %add3A_3491 {strides = array<i32>} : memref<32x256xf32, #tpu.memory_space<vmem>>, vector<16xf32>,
      %get3A_3500 = arith.constant 0 : i32
      %get3A_3501 = arith.index_cast %get3A_3500 : i32 to index
      %get3A_3502 = arith.constant 144 : index
      %get3A_3503 = tpu.vector_load %arg11[%get3A_3501, %get3A_3502] {strides = array<i32>} : memref<16x256xf32, #tpu.memory_space<vmem>>, vector<16xf32>,
      %mul3A_3504 = vector.broadcast %reduce_sum3A_2287 : f32 to vector<16xf32>
      %mul3A_3505 = arith.mulf %get3A_3503, %mul3A_3504 : vector<16xf32>
      %get3A_3506 = arith.constant 8 : i32
      %get3A_3507 = arith.index_cast %get3A_3506 : i32 to index
      %get3A_3508 = arith.constant 144 : index
      %get3A_3509 = tpu.vector_load %arg11[%get3A_3507, %get3A_3508] {strides = array<i32>} : memref<16x256xf32, #tpu.memory_space<vmem>>, vector<16xf32>,
      %mul3A_3510 = vector.broadcast %reduce_sum3A_2367 : f32 to vector<16xf32>
      %mul3A_3511 = arith.mulf %get3A_3509, %mul3A_3510 : vector<16xf32>
      %get3A_3512 = arith.constant 1 : i32
      %get3A_3513 = arith.index_cast %get3A_3512 : i32 to index
      %get3A_3514 = arith.constant 144 : index
      %get3A_3515 = tpu.vector_load %arg11[%get3A_3513, %get3A_3514] {strides = array<i32>} : memref<16x256xf32, #tpu.memory_space<vmem>>, vector<16xf32>,
      %mul3A_3516 = vector.broadcast %reduce_sum3A_2297 : f32 to vector<16xf32>
      %mul3A_3517 = arith.mulf %get3A_3515, %mul3A_3516 : vector<16xf32>
      %add3A_3518 = arith.addf %mul3A_3505, %mul3A_3517 : vector<16xf32>
      %get3A_3519 = arith.constant 9 : i32
      %get3A_3520 = arith.index_cast %get3A_3519 : i32 to index
      %get3A_3521 = arith.constant 144 : index
      %get3A_3522 = tpu.vector_load %arg11[%get3A_3520, %get3A_3521] {strides = array<i32>} : memref<16x256xf32, #tpu.memory_space<vmem>>, vector<16xf32>,
      %mul3A_3523 = vector.broadcast %reduce_sum3A_2377 : f32 to vector<16xf32>
      %mul3A_3524 = arith.mulf %get3A_3522, %mul3A_3523 : vector<16xf32>
      %add3A_3525 = arith.addf %mul3A_3511, %mul3A_3524 : vector<16xf32>
      %get3A_3526 = arith.constant 2 : i32
      %get3A_3527 = arith.index_cast %get3A_3526 : i32 to index
      %get3A_3528 = arith.constant 144 : index
      %get3A_3529 = tpu.vector_load %arg11[%get3A_3527, %get3A_3528] {strides = array<i32>} : memref<16x256xf32, #tpu.memory_space<vmem>>, vector<16xf32>,
      %mul3A_3530 = vector.broadcast %reduce_sum3A_2307 : f32 to vector<16xf32>
      %mul3A_3531 = arith.mulf %get3A_3529, %mul3A_3530 : vector<16xf32>
      %add3A_3532 = arith.addf %add3A_3518, %mul3A_3531 : vector<16xf32>
      %get3A_3533 = arith.constant 10 : i32
      %get3A_3534 = arith.index_cast %get3A_3533 : i32 to index
      %get3A_3535 = arith.constant 144 : index
      %get3A_3536 = tpu.vector_load %arg11[%get3A_3534, %get3A_3535] {strides = array<i32>} : memref<16x256xf32, #tpu.memory_space<vmem>>, vector<16xf32>,
      %mul3A_3537 = vector.broadcast %reduce_sum3A_2387 : f32 to vector<16xf32>
      %mul3A_3538 = arith.mulf %get3A_3536, %mul3A_3537 : vector<16xf32>
      %add3A_3539 = arith.addf %add3A_3525, %mul3A_3538 : vector<16xf32>
      %get3A_3540 = arith.constant 3 : i32
      %get3A_3541 = arith.index_cast %get3A_3540 : i32 to index
      %get3A_3542 = arith.constant 144 : index
      %get3A_3543 = tpu.vector_load %arg11[%get3A_3541, %get3A_3542] {strides = array<i32>} : memref<16x256xf32, #tpu.memory_space<vmem>>, vector<16xf32>,
      %mul3A_3544 = vector.broadcast %reduce_sum3A_2317 : f32 to vector<16xf32>
      %mul3A_3545 = arith.mulf %get3A_3543, %mul3A_3544 : vector<16xf32>
      %add3A_3546 = arith.addf %add3A_3532, %mul3A_3545 : vector<16xf32>
      %get3A_3547 = arith.constant 11 : i32
      %get3A_3548 = arith.index_cast %get3A_3547 : i32 to index
      %get3A_3549 = arith.constant 144 : index
      %get3A_3550 = tpu.vector_load %arg11[%get3A_3548, %get3A_3549] {strides = array<i32>} : memref<16x256xf32, #tpu.memory_space<vmem>>, vector<16xf32>,
      %mul3A_3551 = vector.broadcast %reduce_sum3A_2397 : f32 to vector<16xf32>
      %mul3A_3552 = arith.mulf %get3A_3550, %mul3A_3551 : vector<16xf32>
      %add3A_3553 = arith.addf %add3A_3539, %mul3A_3552 : vector<16xf32>
      %get3A_3554 = arith.constant 4 : i32
      %get3A_3555 = arith.index_cast %get3A_3554 : i32 to index
      %get3A_3556 = arith.constant 144 : index
      %get3A_3557 = tpu.vector_load %arg11[%get3A_3555, %get3A_3556] {strides = array<i32>} : memref<16x256xf32, #tpu.memory_space<vmem>>, vector<16xf32>,
      %mul3A_3558 = vector.broadcast %reduce_sum3A_2327 : f32 to vector<16xf32>
      %mul3A_3559 = arith.mulf %get3A_3557, %mul3A_3558 : vector<16xf32>
      %add3A_3560 = arith.addf %add3A_3546, %mul3A_3559 : vector<16xf32>
      %get3A_3561 = arith.constant 12 : i32
      %get3A_3562 = arith.index_cast %get3A_3561 : i32 to index
      %get3A_3563 = arith.constant 144 : index
      %get3A_3564 = tpu.vector_load %arg11[%get3A_3562, %get3A_3563] {strides = array<i32>} : memref<16x256xf32, #tpu.memory_space<vmem>>, vector<16xf32>,
      %mul3A_3565 = vector.broadcast %reduce_sum3A_2407 : f32 to vector<16xf32>
      %mul3A_3566 = arith.mulf %get3A_3564, %mul3A_3565 : vector<16xf32>
      %add3A_3567 = arith.addf %add3A_3553, %mul3A_3566 : vector<16xf32>
      %get3A_3568 = arith.constant 5 : i32
      %get3A_3569 = arith.index_cast %get3A_3568 : i32 to index
      %get3A_3570 = arith.constant 144 : index
      %get3A_3571 = tpu.vector_load %arg11[%get3A_3569, %get3A_3570] {strides = array<i32>} : memref<16x256xf32, #tpu.memory_space<vmem>>, vector<16xf32>,
      %mul3A_3572 = vector.broadcast %reduce_sum3A_2337 : f32 to vector<16xf32>
      %mul3A_3573 = arith.mulf %get3A_3571, %mul3A_3572 : vector<16xf32>
      %add3A_3574 = arith.addf %add3A_3560, %mul3A_3573 : vector<16xf32>
      %get3A_3575 = arith.constant 13 : i32
      %get3A_3576 = arith.index_cast %get3A_3575 : i32 to index
      %get3A_3577 = arith.constant 144 : index
      %get3A_3578 = tpu.vector_load %arg11[%get3A_3576, %get3A_3577] {strides = array<i32>} : memref<16x256xf32, #tpu.memory_space<vmem>>, vector<16xf32>,
      %mul3A_3579 = vector.broadcast %reduce_sum3A_2417 : f32 to vector<16xf32>
      %mul3A_3580 = arith.mulf %get3A_3578, %mul3A_3579 : vector<16xf32>
      %add3A_3581 = arith.addf %add3A_3567, %mul3A_3580 : vector<16xf32>
      %get3A_3582 = arith.constant 6 : i32
      %get3A_3583 = arith.index_cast %get3A_3582 : i32 to index
      %get3A_3584 = arith.constant 144 : index
      %get3A_3585 = tpu.vector_load %arg11[%get3A_3583, %get3A_3584] {strides = array<i32>} : memref<16x256xf32, #tpu.memory_space<vmem>>, vector<16xf32>,
      %mul3A_3586 = vector.broadcast %reduce_sum3A_2347 : f32 to vector<16xf32>
      %mul3A_3587 = arith.mulf %get3A_3585, %mul3A_3586 : vector<16xf32>
      %add3A_3588 = arith.addf %add3A_3574, %mul3A_3587 : vector<16xf32>
      %get3A_3589 = arith.constant 14 : i32
      %get3A_3590 = arith.index_cast %get3A_3589 : i32 to index
      %get3A_3591 = arith.constant 144 : index
      %get3A_3592 = tpu.vector_load %arg11[%get3A_3590, %get3A_3591] {strides = array<i32>} : memref<16x256xf32, #tpu.memory_space<vmem>>, vector<16xf32>,
      %mul3A_3593 = vector.broadcast %reduce_sum3A_2427 : f32 to vector<16xf32>
      %mul3A_3594 = arith.mulf %get3A_3592, %mul3A_3593 : vector<16xf32>
      %add3A_3595 = arith.addf %add3A_3581, %mul3A_3594 : vector<16xf32>
      %get3A_3596 = arith.constant 7 : i32
      %get3A_3597 = arith.index_cast %get3A_3596 : i32 to index
      %get3A_3598 = arith.constant 144 : index
      %get3A_3599 = tpu.vector_load %arg11[%get3A_3597, %get3A_3598] {strides = array<i32>} : memref<16x256xf32, #tpu.memory_space<vmem>>, vector<16xf32>,
      %mul3A_3600 = vector.broadcast %reduce_sum3A_2357 : f32 to vector<16xf32>
      %mul3A_3601 = arith.mulf %get3A_3599, %mul3A_3600 : vector<16xf32>
      %add3A_3602 = arith.addf %add3A_3588, %mul3A_3601 : vector<16xf32>
      %get3A_3603 = arith.constant 15 : i32
      %get3A_3604 = arith.index_cast %get3A_3603 : i32 to index
      %get3A_3605 = arith.constant 144 : index
      %get3A_3606 = tpu.vector_load %arg11[%get3A_3604, %get3A_3605] {strides = array<i32>} : memref<16x256xf32, #tpu.memory_space<vmem>>, vector<16xf32>,
      %mul3A_3607 = vector.broadcast %reduce_sum3A_2437 : f32 to vector<16xf32>
      %mul3A_3608 = arith.mulf %get3A_3606, %mul3A_3607 : vector<16xf32>
      %add3A_3609 = arith.addf %add3A_3595, %mul3A_3608 : vector<16xf32>
      %swap3A_3610 = arith.index_cast %add3A_2212 : i32 to index
      %swap3A_3611 = arith.constant 144 : index
      %swap3A_3612 = tpu.vector_load %arg12[%swap3A_3610, %swap3A_3611] {strides = array<i32>} : memref<32x256xf32, #tpu.memory_space<vmem>>, vector<16xf32>,
      tpu.vector_store %arg12[%swap3A_3610, %swap3A_3611], %add3A_3602 {strides = array<i32>} : memref<32x256xf32, #tpu.memory_space<vmem>>, vector<16xf32>,
      %add3A_3613 = arith.constant 1 : i32
      %add3A_3614 = arith.addi %add3A_2212, %add3A_3613 : i32
      %swap3A_3615 = arith.index_cast %add3A_3614 : i32 to index
      %swap3A_3616 = arith.constant 144 : index
      %swap3A_3617 = tpu.vector_load %arg12[%swap3A_3615, %swap3A_3616] {strides = array<i32>} : memref<32x256xf32, #tpu.memory_space<vmem>>, vector<16xf32>,
      tpu.vector_store %arg12[%swap3A_3615, %swap3A_3616], %add3A_3609 {strides = array<i32>} : memref<32x256xf32, #tpu.memory_space<vmem>>, vector<16xf32>,
      %get3A_3618 = arith.constant 0 : i32
      %get3A_3619 = arith.index_cast %get3A_3618 : i32 to index
      %get3A_3620 = arith.constant 160 : index
      %get3A_3621 = tpu.vector_load %arg11[%get3A_3619, %get3A_3620] {strides = array<i32>} : memref<16x256xf32, #tpu.memory_space<vmem>>, vector<16xf32>,
      %mul3A_3622 = vector.broadcast %reduce_sum3A_2287 : f32 to vector<16xf32>
      %mul3A_3623 = arith.mulf %get3A_3621, %mul3A_3622 : vector<16xf32>
      %get3A_3624 = arith.constant 8 : i32
      %get3A_3625 = arith.index_cast %get3A_3624 : i32 to index
      %get3A_3626 = arith.constant 160 : index
      %get3A_3627 = tpu.vector_load %arg11[%get3A_3625, %get3A_3626] {strides = array<i32>} : memref<16x256xf32, #tpu.memory_space<vmem>>, vector<16xf32>,
      %mul3A_3628 = vector.broadcast %reduce_sum3A_2367 : f32 to vector<16xf32>
      %mul3A_3629 = arith.mulf %get3A_3627, %mul3A_3628 : vector<16xf32>
      %get3A_3630 = arith.constant 1 : i32
      %get3A_3631 = arith.index_cast %get3A_3630 : i32 to index
      %get3A_3632 = arith.constant 160 : index
      %get3A_3633 = tpu.vector_load %arg11[%get3A_3631, %get3A_3632] {strides = array<i32>} : memref<16x256xf32, #tpu.memory_space<vmem>>, vector<16xf32>,
      %mul3A_3634 = vector.broadcast %reduce_sum3A_2297 : f32 to vector<16xf32>
      %mul3A_3635 = arith.mulf %get3A_3633, %mul3A_3634 : vector<16xf32>
      %add3A_3636 = arith.addf %mul3A_3623, %mul3A_3635 : vector<16xf32>
      %get3A_3637 = arith.constant 9 : i32
      %get3A_3638 = arith.index_cast %get3A_3637 : i32 to index
      %get3A_3639 = arith.constant 160 : index
      %get3A_3640 = tpu.vector_load %arg11[%get3A_3638, %get3A_3639] {strides = array<i32>} : memref<16x256xf32, #tpu.memory_space<vmem>>, vector<16xf32>,
      %mul3A_3641 = vector.broadcast %reduce_sum3A_2377 : f32 to vector<16xf32>
      %mul3A_3642 = arith.mulf %get3A_3640, %mul3A_3641 : vector<16xf32>
      %add3A_3643 = arith.addf %mul3A_3629, %mul3A_3642 : vector<16xf32>
      %get3A_3644 = arith.constant 2 : i32
      %get3A_3645 = arith.index_cast %get3A_3644 : i32 to index
      %get3A_3646 = arith.constant 160 : index
      %get3A_3647 = tpu.vector_load %arg11[%get3A_3645, %get3A_3646] {strides = array<i32>} : memref<16x256xf32, #tpu.memory_space<vmem>>, vector<16xf32>,
      %mul3A_3648 = vector.broadcast %reduce_sum3A_2307 : f32 to vector<16xf32>
      %mul3A_3649 = arith.mulf %get3A_3647, %mul3A_3648 : vector<16xf32>
      %add3A_3650 = arith.addf %add3A_3636, %mul3A_3649 : vector<16xf32>
      %get3A_3651 = arith.constant 10 : i32
      %get3A_3652 = arith.index_cast %get3A_3651 : i32 to index
      %get3A_3653 = arith.constant 160 : index
      %get3A_3654 = tpu.vector_load %arg11[%get3A_3652, %get3A_3653] {strides = array<i32>} : memref<16x256xf32, #tpu.memory_space<vmem>>, vector<16xf32>,
      %mul3A_3655 = vector.broadcast %reduce_sum3A_2387 : f32 to vector<16xf32>
      %mul3A_3656 = arith.mulf %get3A_3654, %mul3A_3655 : vector<16xf32>
      %add3A_3657 = arith.addf %add3A_3643, %mul3A_3656 : vector<16xf32>
      %get3A_3658 = arith.constant 3 : i32
      %get3A_3659 = arith.index_cast %get3A_3658 : i32 to index
      %get3A_3660 = arith.constant 160 : index
      %get3A_3661 = tpu.vector_load %arg11[%get3A_3659, %get3A_3660] {strides = array<i32>} : memref<16x256xf32, #tpu.memory_space<vmem>>, vector<16xf32>,
      %mul3A_3662 = vector.broadcast %reduce_sum3A_2317 : f32 to vector<16xf32>
      %mul3A_3663 = arith.mulf %get3A_3661, %mul3A_3662 : vector<16xf32>
      %add3A_3664 = arith.addf %add3A_3650, %mul3A_3663 : vector<16xf32>
      %get3A_3665 = arith.constant 11 : i32
      %get3A_3666 = arith.index_cast %get3A_3665 : i32 to index
      %get3A_3667 = arith.constant 160 : index
      %get3A_3668 = tpu.vector_load %arg11[%get3A_3666, %get3A_3667] {strides = array<i32>} : memref<16x256xf32, #tpu.memory_space<vmem>>, vector<16xf32>,
      %mul3A_3669 = vector.broadcast %reduce_sum3A_2397 : f32 to vector<16xf32>
      %mul3A_3670 = arith.mulf %get3A_3668, %mul3A_3669 : vector<16xf32>
      %add3A_3671 = arith.addf %add3A_3657, %mul3A_3670 : vector<16xf32>
      %get3A_3672 = arith.constant 4 : i32
      %get3A_3673 = arith.index_cast %get3A_3672 : i32 to index
      %get3A_3674 = arith.constant 160 : index
      %get3A_3675 = tpu.vector_load %arg11[%get3A_3673, %get3A_3674] {strides = array<i32>} : memref<16x256xf32, #tpu.memory_space<vmem>>, vector<16xf32>,
      %mul3A_3676 = vector.broadcast %reduce_sum3A_2327 : f32 to vector<16xf32>
      %mul3A_3677 = arith.mulf %get3A_3675, %mul3A_3676 : vector<16xf32>
      %add3A_3678 = arith.addf %add3A_3664, %mul3A_3677 : vector<16xf32>
      %get3A_3679 = arith.constant 12 : i32
      %get3A_3680 = arith.index_cast %get3A_3679 : i32 to index
      %get3A_3681 = arith.constant 160 : index
      %get3A_3682 = tpu.vector_load %arg11[%get3A_3680, %get3A_3681] {strides = array<i32>} : memref<16x256xf32, #tpu.memory_space<vmem>>, vector<16xf32>,
      %mul3A_3683 = vector.broadcast %reduce_sum3A_2407 : f32 to vector<16xf32>
      %mul3A_3684 = arith.mulf %get3A_3682, %mul3A_3683 : vector<16xf32>
      %add3A_3685 = arith.addf %add3A_3671, %mul3A_3684 : vector<16xf32>
      %get3A_3686 = arith.constant 5 : i32
      %get3A_3687 = arith.index_cast %get3A_3686 : i32 to index
      %get3A_3688 = arith.constant 160 : index
      %get3A_3689 = tpu.vector_load %arg11[%get3A_3687, %get3A_3688] {strides = array<i32>} : memref<16x256xf32, #tpu.memory_space<vmem>>, vector<16xf32>,
      %mul3A_3690 = vector.broadcast %reduce_sum3A_2337 : f32 to vector<16xf32>
      %mul3A_3691 = arith.mulf %get3A_3689, %mul3A_3690 : vector<16xf32>
      %add3A_3692 = arith.addf %add3A_3678, %mul3A_3691 : vector<16xf32>
      %get3A_3693 = arith.constant 13 : i32
      %get3A_3694 = arith.index_cast %get3A_3693 : i32 to index
      %get3A_3695 = arith.constant 160 : index
      %get3A_3696 = tpu.vector_load %arg11[%get3A_3694, %get3A_3695] {strides = array<i32>} : memref<16x256xf32, #tpu.memory_space<vmem>>, vector<16xf32>,
      %mul3A_3697 = vector.broadcast %reduce_sum3A_2417 : f32 to vector<16xf32>
      %mul3A_3698 = arith.mulf %get3A_3696, %mul3A_3697 : vector<16xf32>
      %add3A_3699 = arith.addf %add3A_3685, %mul3A_3698 : vector<16xf32>
      %get3A_3700 = arith.constant 6 : i32
      %get3A_3701 = arith.index_cast %get3A_3700 : i32 to index
      %get3A_3702 = arith.constant 160 : index
      %get3A_3703 = tpu.vector_load %arg11[%get3A_3701, %get3A_3702] {strides = array<i32>} : memref<16x256xf32, #tpu.memory_space<vmem>>, vector<16xf32>,
      %mul3A_3704 = vector.broadcast %reduce_sum3A_2347 : f32 to vector<16xf32>
      %mul3A_3705 = arith.mulf %get3A_3703, %mul3A_3704 : vector<16xf32>
      %add3A_3706 = arith.addf %add3A_3692, %mul3A_3705 : vector<16xf32>
      %get3A_3707 = arith.constant 14 : i32
      %get3A_3708 = arith.index_cast %get3A_3707 : i32 to index
      %get3A_3709 = arith.constant 160 : index
      %get3A_3710 = tpu.vector_load %arg11[%get3A_3708, %get3A_3709] {strides = array<i32>} : memref<16x256xf32, #tpu.memory_space<vmem>>, vector<16xf32>,
      %mul3A_3711 = vector.broadcast %reduce_sum3A_2427 : f32 to vector<16xf32>
      %mul3A_3712 = arith.mulf %get3A_3710, %mul3A_3711 : vector<16xf32>
      %add3A_3713 = arith.addf %add3A_3699, %mul3A_3712 : vector<16xf32>
      %get3A_3714 = arith.constant 7 : i32
      %get3A_3715 = arith.index_cast %get3A_3714 : i32 to index
      %get3A_3716 = arith.constant 160 : index
      %get3A_3717 = tpu.vector_load %arg11[%get3A_3715, %get3A_3716] {strides = array<i32>} : memref<16x256xf32, #tpu.memory_space<vmem>>, vector<16xf32>,
      %mul3A_3718 = vector.broadcast %reduce_sum3A_2357 : f32 to vector<16xf32>
      %mul3A_3719 = arith.mulf %get3A_3717, %mul3A_3718 : vector<16xf32>
      %add3A_3720 = arith.addf %add3A_3706, %mul3A_3719 : vector<16xf32>
      %get3A_3721 = arith.constant 15 : i32
      %get3A_3722 = arith.index_cast %get3A_3721 : i32 to index
      %get3A_3723 = arith.constant 160 : index
      %get3A_3724 = tpu.vector_load %arg11[%get3A_3722, %get3A_3723] {strides = array<i32>} : memref<16x256xf32, #tpu.memory_space<vmem>>, vector<16xf32>,
      %mul3A_3725 = vector.broadcast %reduce_sum3A_2437 : f32 to vector<16xf32>
      %mul3A_3726 = arith.mulf %get3A_3724, %mul3A_3725 : vector<16xf32>
      %add3A_3727 = arith.addf %add3A_3713, %mul3A_3726 : vector<16xf32>
      %swap3A_3728 = arith.index_cast %add3A_2212 : i32 to index
      %swap3A_3729 = arith.constant 160 : index
      %swap3A_3730 = tpu.vector_load %arg12[%swap3A_3728, %swap3A_3729] {strides = array<i32>} : memref<32x256xf32, #tpu.memory_space<vmem>>, vector<16xf32>,
      tpu.vector_store %arg12[%swap3A_3728, %swap3A_3729], %add3A_3720 {strides = array<i32>} : memref<32x256xf32, #tpu.memory_space<vmem>>, vector<16xf32>,
      %add3A_3731 = arith.constant 1 : i32
      %add3A_3732 = arith.addi %add3A_2212, %add3A_3731 : i32
      %swap3A_3733 = arith.index_cast %add3A_3732 : i32 to index
      %swap3A_3734 = arith.constant 160 : index
      %swap3A_3735 = tpu.vector_load %arg12[%swap3A_3733, %swap3A_3734] {strides = array<i32>} : memref<32x256xf32, #tpu.memory_space<vmem>>, vector<16xf32>,
      tpu.vector_store %arg12[%swap3A_3733, %swap3A_3734], %add3A_3727 {strides = array<i32>} : memref<32x256xf32, #tpu.memory_space<vmem>>, vector<16xf32>,
      %get3A_3736 = arith.constant 0 : i32
      %get3A_3737 = arith.index_cast %get3A_3736 : i32 to index
      %get3A_3738 = arith.constant 176 : index
      %get3A_3739 = tpu.vector_load %arg11[%get3A_3737, %get3A_3738] {strides = array<i32>} : memref<16x256xf32, #tpu.memory_space<vmem>>, vector<16xf32>,
      %mul3A_3740 = vector.broadcast %reduce_sum3A_2287 : f32 to vector<16xf32>
      %mul3A_3741 = arith.mulf %get3A_3739, %mul3A_3740 : vector<16xf32>
      %get3A_3742 = arith.constant 8 : i32
      %get3A_3743 = arith.index_cast %get3A_3742 : i32 to index
      %get3A_3744 = arith.constant 176 : index
      %get3A_3745 = tpu.vector_load %arg11[%get3A_3743, %get3A_3744] {strides = array<i32>} : memref<16x256xf32, #tpu.memory_space<vmem>>, vector<16xf32>,
      %mul3A_3746 = vector.broadcast %reduce_sum3A_2367 : f32 to vector<16xf32>
      %mul3A_3747 = arith.mulf %get3A_3745, %mul3A_3746 : vector<16xf32>
      %get3A_3748 = arith.constant 1 : i32
      %get3A_3749 = arith.index_cast %get3A_3748 : i32 to index
      %get3A_3750 = arith.constant 176 : index
      %get3A_3751 = tpu.vector_load %arg11[%get3A_3749, %get3A_3750] {strides = array<i32>} : memref<16x256xf32, #tpu.memory_space<vmem>>, vector<16xf32>,
      %mul3A_3752 = vector.broadcast %reduce_sum3A_2297 : f32 to vector<16xf32>
      %mul3A_3753 = arith.mulf %get3A_3751, %mul3A_3752 : vector<16xf32>
      %add3A_3754 = arith.addf %mul3A_3741, %mul3A_3753 : vector<16xf32>
      %get3A_3755 = arith.constant 9 : i32
      %get3A_3756 = arith.index_cast %get3A_3755 : i32 to index
      %get3A_3757 = arith.constant 176 : index
      %get3A_3758 = tpu.vector_load %arg11[%get3A_3756, %get3A_3757] {strides = array<i32>} : memref<16x256xf32, #tpu.memory_space<vmem>>, vector<16xf32>,
      %mul3A_3759 = vector.broadcast %reduce_sum3A_2377 : f32 to vector<16xf32>
      %mul3A_3760 = arith.mulf %get3A_3758, %mul3A_3759 : vector<16xf32>
      %add3A_3761 = arith.addf %mul3A_3747, %mul3A_3760 : vector<16xf32>
      %get3A_3762 = arith.constant 2 : i32
      %get3A_3763 = arith.index_cast %get3A_3762 : i32 to index
      %get3A_3764 = arith.constant 176 : index
      %get3A_3765 = tpu.vector_load %arg11[%get3A_3763, %get3A_3764] {strides = array<i32>} : memref<16x256xf32, #tpu.memory_space<vmem>>, vector<16xf32>,
      %mul3A_3766 = vector.broadcast %reduce_sum3A_2307 : f32 to vector<16xf32>
      %mul3A_3767 = arith.mulf %get3A_3765, %mul3A_3766 : vector<16xf32>
      %add3A_3768 = arith.addf %add3A_3754, %mul3A_3767 : vector<16xf32>
      %get3A_3769 = arith.constant 10 : i32
      %get3A_3770 = arith.index_cast %get3A_3769 : i32 to index
      %get3A_3771 = arith.constant 176 : index
      %get3A_3772 = tpu.vector_load %arg11[%get3A_3770, %get3A_3771] {strides = array<i32>} : memref<16x256xf32, #tpu.memory_space<vmem>>, vector<16xf32>,
      %mul3A_3773 = vector.broadcast %reduce_sum3A_2387 : f32 to vector<16xf32>
      %mul3A_3774 = arith.mulf %get3A_3772, %mul3A_3773 : vector<16xf32>
      %add3A_3775 = arith.addf %add3A_3761, %mul3A_3774 : vector<16xf32>
      %get3A_3776 = arith.constant 3 : i32
      %get3A_3777 = arith.index_cast %get3A_3776 : i32 to index
      %get3A_3778 = arith.constant 176 : index
      %get3A_3779 = tpu.vector_load %arg11[%get3A_3777, %get3A_3778] {strides = array<i32>} : memref<16x256xf32, #tpu.memory_space<vmem>>, vector<16xf32>,
      %mul3A_3780 = vector.broadcast %reduce_sum3A_2317 : f32 to vector<16xf32>
      %mul3A_3781 = arith.mulf %get3A_3779, %mul3A_3780 : vector<16xf32>
      %add3A_3782 = arith.addf %add3A_3768, %mul3A_3781 : vector<16xf32>
      %get3A_3783 = arith.constant 11 : i32
      %get3A_3784 = arith.index_cast %get3A_3783 : i32 to index
      %get3A_3785 = arith.constant 176 : index
      %get3A_3786 = tpu.vector_load %arg11[%get3A_3784, %get3A_3785] {strides = array<i32>} : memref<16x256xf32, #tpu.memory_space<vmem>>, vector<16xf32>,
      %mul3A_3787 = vector.broadcast %reduce_sum3A_2397 : f32 to vector<16xf32>
      %mul3A_3788 = arith.mulf %get3A_3786, %mul3A_3787 : vector<16xf32>
      %add3A_3789 = arith.addf %add3A_3775, %mul3A_3788 : vector<16xf32>
      %get3A_3790 = arith.constant 4 : i32
      %get3A_3791 = arith.index_cast %get3A_3790 : i32 to index
      %get3A_3792 = arith.constant 176 : index
      %get3A_3793 = tpu.vector_load %arg11[%get3A_3791, %get3A_3792] {strides = array<i32>} : memref<16x256xf32, #tpu.memory_space<vmem>>, vector<16xf32>,
      %mul3A_3794 = vector.broadcast %reduce_sum3A_2327 : f32 to vector<16xf32>
      %mul3A_3795 = arith.mulf %get3A_3793, %mul3A_3794 : vector<16xf32>
      %add3A_3796 = arith.addf %add3A_3782, %mul3A_3795 : vector<16xf32>
      %get3A_3797 = arith.constant 12 : i32
      %get3A_3798 = arith.index_cast %get3A_3797 : i32 to index
      %get3A_3799 = arith.constant 176 : index
      %get3A_3800 = tpu.vector_load %arg11[%get3A_3798, %get3A_3799] {strides = array<i32>} : memref<16x256xf32, #tpu.memory_space<vmem>>, vector<16xf32>,
      %mul3A_3801 = vector.broadcast %reduce_sum3A_2407 : f32 to vector<16xf32>
      %mul3A_3802 = arith.mulf %get3A_3800, %mul3A_3801 : vector<16xf32>
      %add3A_3803 = arith.addf %add3A_3789, %mul3A_3802 : vector<16xf32>
      %get3A_3804 = arith.constant 5 : i32
      %get3A_3805 = arith.index_cast %get3A_3804 : i32 to index
      %get3A_3806 = arith.constant 176 : index
      %get3A_3807 = tpu.vector_load %arg11[%get3A_3805, %get3A_3806] {strides = array<i32>} : memref<16x256xf32, #tpu.memory_space<vmem>>, vector<16xf32>,
      %mul3A_3808 = vector.broadcast %reduce_sum3A_2337 : f32 to vector<16xf32>
      %mul3A_3809 = arith.mulf %get3A_3807, %mul3A_3808 : vector<16xf32>
      %add3A_3810 = arith.addf %add3A_3796, %mul3A_3809 : vector<16xf32>
      %get3A_3811 = arith.constant 13 : i32
      %get3A_3812 = arith.index_cast %get3A_3811 : i32 to index
      %get3A_3813 = arith.constant 176 : index
      %get3A_3814 = tpu.vector_load %arg11[%get3A_3812, %get3A_3813] {strides = array<i32>} : memref<16x256xf32, #tpu.memory_space<vmem>>, vector<16xf32>,
      %mul3A_3815 = vector.broadcast %reduce_sum3A_2417 : f32 to vector<16xf32>
      %mul3A_3816 = arith.mulf %get3A_3814, %mul3A_3815 : vector<16xf32>
      %add3A_3817 = arith.addf %add3A_3803, %mul3A_3816 : vector<16xf32>
      %get3A_3818 = arith.constant 6 : i32
      %get3A_3819 = arith.index_cast %get3A_3818 : i32 to index
      %get3A_3820 = arith.constant 176 : index
      %get3A_3821 = tpu.vector_load %arg11[%get3A_3819, %get3A_3820] {strides = array<i32>} : memref<16x256xf32, #tpu.memory_space<vmem>>, vector<16xf32>,
      %mul3A_3822 = vector.broadcast %reduce_sum3A_2347 : f32 to vector<16xf32>
      %mul3A_3823 = arith.mulf %get3A_3821, %mul3A_3822 : vector<16xf32>
      %add3A_3824 = arith.addf %add3A_3810, %mul3A_3823 : vector<16xf32>
      %get3A_3825 = arith.constant 14 : i32
      %get3A_3826 = arith.index_cast %get3A_3825 : i32 to index
      %get3A_3827 = arith.constant 176 : index
      %get3A_3828 = tpu.vector_load %arg11[%get3A_3826, %get3A_3827] {strides = array<i32>} : memref<16x256xf32, #tpu.memory_space<vmem>>, vector<16xf32>,
      %mul3A_3829 = vector.broadcast %reduce_sum3A_2427 : f32 to vector<16xf32>
      %mul3A_3830 = arith.mulf %get3A_3828, %mul3A_3829 : vector<16xf32>
      %add3A_3831 = arith.addf %add3A_3817, %mul3A_3830 : vector<16xf32>
      %get3A_3832 = arith.constant 7 : i32
      %get3A_3833 = arith.index_cast %get3A_3832 : i32 to index
      %get3A_3834 = arith.constant 176 : index
      %get3A_3835 = tpu.vector_load %arg11[%get3A_3833, %get3A_3834] {strides = array<i32>} : memref<16x256xf32, #tpu.memory_space<vmem>>, vector<16xf32>,
      %mul3A_3836 = vector.broadcast %reduce_sum3A_2357 : f32 to vector<16xf32>
      %mul3A_3837 = arith.mulf %get3A_3835, %mul3A_3836 : vector<16xf32>
      %add3A_3838 = arith.addf %add3A_3824, %mul3A_3837 : vector<16xf32>
      %get3A_3839 = arith.constant 15 : i32
      %get3A_3840 = arith.index_cast %get3A_3839 : i32 to index
      %get3A_3841 = arith.constant 176 : index
      %get3A_3842 = tpu.vector_load %arg11[%get3A_3840, %get3A_3841] {strides = array<i32>} : memref<16x256xf32, #tpu.memory_space<vmem>>, vector<16xf32>,
      %mul3A_3843 = vector.broadcast %reduce_sum3A_2437 : f32 to vector<16xf32>
      %mul3A_3844 = arith.mulf %get3A_3842, %mul3A_3843 : vector<16xf32>
      %add3A_3845 = arith.addf %add3A_3831, %mul3A_3844 : vector<16xf32>
      %swap3A_3846 = arith.index_cast %add3A_2212 : i32 to index
      %swap3A_3847 = arith.constant 176 : index
      %swap3A_3848 = tpu.vector_load %arg12[%swap3A_3846, %swap3A_3847] {strides = array<i32>} : memref<32x256xf32, #tpu.memory_space<vmem>>, vector<16xf32>,
      tpu.vector_store %arg12[%swap3A_3846, %swap3A_3847], %add3A_3838 {strides = array<i32>} : memref<32x256xf32, #tpu.memory_space<vmem>>, vector<16xf32>,
      %add3A_3849 = arith.constant 1 : i32
      %add3A_3850 = arith.addi %add3A_2212, %add3A_3849 : i32
      %swap3A_3851 = arith.index_cast %add3A_3850 : i32 to index
      %swap3A_3852 = arith.constant 176 : index
      %swap3A_3853 = tpu.vector_load %arg12[%swap3A_3851, %swap3A_3852] {strides = array<i32>} : memref<32x256xf32, #tpu.memory_space<vmem>>, vector<16xf32>,
      tpu.vector_store %arg12[%swap3A_3851, %swap3A_3852], %add3A_3845 {strides = array<i32>} : memref<32x256xf32, #tpu.memory_space<vmem>>, vector<16xf32>,
      %get3A_3854 = arith.constant 0 : i32
      %get3A_3855 = arith.index_cast %get3A_3854 : i32 to index
      %get3A_3856 = arith.constant 192 : index
      %get3A_3857 = tpu.vector_load %arg11[%get3A_3855, %get3A_3856] {strides = array<i32>} : memref<16x256xf32, #tpu.memory_space<vmem>>, vector<16xf32>,
      %mul3A_3858 = vector.broadcast %reduce_sum3A_2287 : f32 to vector<16xf32>
      %mul3A_3859 = arith.mulf %get3A_3857, %mul3A_3858 : vector<16xf32>
      %get3A_3860 = arith.constant 8 : i32
      %get3A_3861 = arith.index_cast %get3A_3860 : i32 to index
      %get3A_3862 = arith.constant 192 : index
      %get3A_3863 = tpu.vector_load %arg11[%get3A_3861, %get3A_3862] {strides = array<i32>} : memref<16x256xf32, #tpu.memory_space<vmem>>, vector<16xf32>,
      %mul3A_3864 = vector.broadcast %reduce_sum3A_2367 : f32 to vector<16xf32>
      %mul3A_3865 = arith.mulf %get3A_3863, %mul3A_3864 : vector<16xf32>
      %get3A_3866 = arith.constant 1 : i32
      %get3A_3867 = arith.index_cast %get3A_3866 : i32 to index
      %get3A_3868 = arith.constant 192 : index
      %get3A_3869 = tpu.vector_load %arg11[%get3A_3867, %get3A_3868] {strides = array<i32>} : memref<16x256xf32, #tpu.memory_space<vmem>>, vector<16xf32>,
      %mul3A_3870 = vector.broadcast %reduce_sum3A_2297 : f32 to vector<16xf32>
      %mul3A_3871 = arith.mulf %get3A_3869, %mul3A_3870 : vector<16xf32>
      %add3A_3872 = arith.addf %mul3A_3859, %mul3A_3871 : vector<16xf32>
      %get3A_3873 = arith.constant 9 : i32
      %get3A_3874 = arith.index_cast %get3A_3873 : i32 to index
      %get3A_3875 = arith.constant 192 : index
      %get3A_3876 = tpu.vector_load %arg11[%get3A_3874, %get3A_3875] {strides = array<i32>} : memref<16x256xf32, #tpu.memory_space<vmem>>, vector<16xf32>,
      %mul3A_3877 = vector.broadcast %reduce_sum3A_2377 : f32 to vector<16xf32>
      %mul3A_3878 = arith.mulf %get3A_3876, %mul3A_3877 : vector<16xf32>
      %add3A_3879 = arith.addf %mul3A_3865, %mul3A_3878 : vector<16xf32>
      %get3A_3880 = arith.constant 2 : i32
      %get3A_3881 = arith.index_cast %get3A_3880 : i32 to index
      %get3A_3882 = arith.constant 192 : index
      %get3A_3883 = tpu.vector_load %arg11[%get3A_3881, %get3A_3882] {strides = array<i32>} : memref<16x256xf32, #tpu.memory_space<vmem>>, vector<16xf32>,
      %mul3A_3884 = vector.broadcast %reduce_sum3A_2307 : f32 to vector<16xf32>
      %mul3A_3885 = arith.mulf %get3A_3883, %mul3A_3884 : vector<16xf32>
      %add3A_3886 = arith.addf %add3A_3872, %mul3A_3885 : vector<16xf32>
      %get3A_3887 = arith.constant 10 : i32
      %get3A_3888 = arith.index_cast %get3A_3887 : i32 to index
      %get3A_3889 = arith.constant 192 : index
      %get3A_3890 = tpu.vector_load %arg11[%get3A_3888, %get3A_3889] {strides = array<i32>} : memref<16x256xf32, #tpu.memory_space<vmem>>, vector<16xf32>,
      %mul3A_3891 = vector.broadcast %reduce_sum3A_2387 : f32 to vector<16xf32>
      %mul3A_3892 = arith.mulf %get3A_3890, %mul3A_3891 : vector<16xf32>
      %add3A_3893 = arith.addf %add3A_3879, %mul3A_3892 : vector<16xf32>
      %get3A_3894 = arith.constant 3 : i32
      %get3A_3895 = arith.index_cast %get3A_3894 : i32 to index
      %get3A_3896 = arith.constant 192 : index
      %get3A_3897 = tpu.vector_load %arg11[%get3A_3895, %get3A_3896] {strides = array<i32>} : memref<16x256xf32, #tpu.memory_space<vmem>>, vector<16xf32>,
      %mul3A_3898 = vector.broadcast %reduce_sum3A_2317 : f32 to vector<16xf32>
      %mul3A_3899 = arith.mulf %get3A_3897, %mul3A_3898 : vector<16xf32>
      %add3A_3900 = arith.addf %add3A_3886, %mul3A_3899 : vector<16xf32>
      %get3A_3901 = arith.constant 11 : i32
      %get3A_3902 = arith.index_cast %get3A_3901 : i32 to index
      %get3A_3903 = arith.constant 192 : index
      %get3A_3904 = tpu.vector_load %arg11[%get3A_3902, %get3A_3903] {strides = array<i32>} : memref<16x256xf32, #tpu.memory_space<vmem>>, vector<16xf32>,
      %mul3A_3905 = vector.broadcast %reduce_sum3A_2397 : f32 to vector<16xf32>
      %mul3A_3906 = arith.mulf %get3A_3904, %mul3A_3905 : vector<16xf32>
      %add3A_3907 = arith.addf %add3A_3893, %mul3A_3906 : vector<16xf32>
      %get3A_3908 = arith.constant 4 : i32
      %get3A_3909 = arith.index_cast %get3A_3908 : i32 to index
      %get3A_3910 = arith.constant 192 : index
      %get3A_3911 = tpu.vector_load %arg11[%get3A_3909, %get3A_3910] {strides = array<i32>} : memref<16x256xf32, #tpu.memory_space<vmem>>, vector<16xf32>,
      %mul3A_3912 = vector.broadcast %reduce_sum3A_2327 : f32 to vector<16xf32>
      %mul3A_3913 = arith.mulf %get3A_3911, %mul3A_3912 : vector<16xf32>
      %add3A_3914 = arith.addf %add3A_3900, %mul3A_3913 : vector<16xf32>
      %get3A_3915 = arith.constant 12 : i32
      %get3A_3916 = arith.index_cast %get3A_3915 : i32 to index
      %get3A_3917 = arith.constant 192 : index
      %get3A_3918 = tpu.vector_load %arg11[%get3A_3916, %get3A_3917] {strides = array<i32>} : memref<16x256xf32, #tpu.memory_space<vmem>>, vector<16xf32>,
      %mul3A_3919 = vector.broadcast %reduce_sum3A_2407 : f32 to vector<16xf32>
      %mul3A_3920 = arith.mulf %get3A_3918, %mul3A_3919 : vector<16xf32>
      %add3A_3921 = arith.addf %add3A_3907, %mul3A_3920 : vector<16xf32>
      %get3A_3922 = arith.constant 5 : i32
      %get3A_3923 = arith.index_cast %get3A_3922 : i32 to index
      %get3A_3924 = arith.constant 192 : index
      %get3A_3925 = tpu.vector_load %arg11[%get3A_3923, %get3A_3924] {strides = array<i32>} : memref<16x256xf32, #tpu.memory_space<vmem>>, vector<16xf32>,
      %mul3A_3926 = vector.broadcast %reduce_sum3A_2337 : f32 to vector<16xf32>
      %mul3A_3927 = arith.mulf %get3A_3925, %mul3A_3926 : vector<16xf32>
      %add3A_3928 = arith.addf %add3A_3914, %mul3A_3927 : vector<16xf32>
      %get3A_3929 = arith.constant 13 : i32
      %get3A_3930 = arith.index_cast %get3A_3929 : i32 to index
      %get3A_3931 = arith.constant 192 : index
      %get3A_3932 = tpu.vector_load %arg11[%get3A_3930, %get3A_3931] {strides = array<i32>} : memref<16x256xf32, #tpu.memory_space<vmem>>, vector<16xf32>,
      %mul3A_3933 = vector.broadcast %reduce_sum3A_2417 : f32 to vector<16xf32>
      %mul3A_3934 = arith.mulf %get3A_3932, %mul3A_3933 : vector<16xf32>
      %add3A_3935 = arith.addf %add3A_3921, %mul3A_3934 : vector<16xf32>
      %get3A_3936 = arith.constant 6 : i32
      %get3A_3937 = arith.index_cast %get3A_3936 : i32 to index
      %get3A_3938 = arith.constant 192 : index
      %get3A_3939 = tpu.vector_load %arg11[%get3A_3937, %get3A_3938] {strides = array<i32>} : memref<16x256xf32, #tpu.memory_space<vmem>>, vector<16xf32>,
      %mul3A_3940 = vector.broadcast %reduce_sum3A_2347 : f32 to vector<16xf32>
      %mul3A_3941 = arith.mulf %get3A_3939, %mul3A_3940 : vector<16xf32>
      %add3A_3942 = arith.addf %add3A_3928, %mul3A_3941 : vector<16xf32>
      %get3A_3943 = arith.constant 14 : i32
      %get3A_3944 = arith.index_cast %get3A_3943 : i32 to index
      %get3A_3945 = arith.constant 192 : index
      %get3A_3946 = tpu.vector_load %arg11[%get3A_3944, %get3A_3945] {strides = array<i32>} : memref<16x256xf32, #tpu.memory_space<vmem>>, vector<16xf32>,
      %mul3A_3947 = vector.broadcast %reduce_sum3A_2427 : f32 to vector<16xf32>
      %mul3A_3948 = arith.mulf %get3A_3946, %mul3A_3947 : vector<16xf32>
      %add3A_3949 = arith.addf %add3A_3935, %mul3A_3948 : vector<16xf32>
      %get3A_3950 = arith.constant 7 : i32
      %get3A_3951 = arith.index_cast %get3A_3950 : i32 to index
      %get3A_3952 = arith.constant 192 : index
      %get3A_3953 = tpu.vector_load %arg11[%get3A_3951, %get3A_3952] {strides = array<i32>} : memref<16x256xf32, #tpu.memory_space<vmem>>, vector<16xf32>,
      %mul3A_3954 = vector.broadcast %reduce_sum3A_2357 : f32 to vector<16xf32>
      %mul3A_3955 = arith.mulf %get3A_3953, %mul3A_3954 : vector<16xf32>
      %add3A_3956 = arith.addf %add3A_3942, %mul3A_3955 : vector<16xf32>
      %get3A_3957 = arith.constant 15 : i32
      %get3A_3958 = arith.index_cast %get3A_3957 : i32 to index
      %get3A_3959 = arith.constant 192 : index
      %get3A_3960 = tpu.vector_load %arg11[%get3A_3958, %get3A_3959] {strides = array<i32>} : memref<16x256xf32, #tpu.memory_space<vmem>>, vector<16xf32>,
      %mul3A_3961 = vector.broadcast %reduce_sum3A_2437 : f32 to vector<16xf32>
      %mul3A_3962 = arith.mulf %get3A_3960, %mul3A_3961 : vector<16xf32>
      %add3A_3963 = arith.addf %add3A_3949, %mul3A_3962 : vector<16xf32>
      %swap3A_3964 = arith.index_cast %add3A_2212 : i32 to index
      %swap3A_3965 = arith.constant 192 : index
      %swap3A_3966 = tpu.vector_load %arg12[%swap3A_3964, %swap3A_3965] {strides = array<i32>} : memref<32x256xf32, #tpu.memory_space<vmem>>, vector<16xf32>,
      tpu.vector_store %arg12[%swap3A_3964, %swap3A_3965], %add3A_3956 {strides = array<i32>} : memref<32x256xf32, #tpu.memory_space<vmem>>, vector<16xf32>,
      %add3A_3967 = arith.constant 1 : i32
      %add3A_3968 = arith.addi %add3A_2212, %add3A_3967 : i32
      %swap3A_3969 = arith.index_cast %add3A_3968 : i32 to index
      %swap3A_3970 = arith.constant 192 : index
      %swap3A_3971 = tpu.vector_load %arg12[%swap3A_3969, %swap3A_3970] {strides = array<i32>} : memref<32x256xf32, #tpu.memory_space<vmem>>, vector<16xf32>,
      tpu.vector_store %arg12[%swap3A_3969, %swap3A_3970], %add3A_3963 {strides = array<i32>} : memref<32x256xf32, #tpu.memory_space<vmem>>, vector<16xf32>,
      %get3A_3972 = arith.constant 0 : i32
      %get3A_3973 = arith.index_cast %get3A_3972 : i32 to index
      %get3A_3974 = arith.constant 208 : index
      %get3A_3975 = tpu.vector_load %arg11[%get3A_3973, %get3A_3974] {strides = array<i32>} : memref<16x256xf32, #tpu.memory_space<vmem>>, vector<16xf32>,
      %mul3A_3976 = vector.broadcast %reduce_sum3A_2287 : f32 to vector<16xf32>
      %mul3A_3977 = arith.mulf %get3A_3975, %mul3A_3976 : vector<16xf32>
      %get3A_3978 = arith.constant 8 : i32
      %get3A_3979 = arith.index_cast %get3A_3978 : i32 to index
      %get3A_3980 = arith.constant 208 : index
      %get3A_3981 = tpu.vector_load %arg11[%get3A_3979, %get3A_3980] {strides = array<i32>} : memref<16x256xf32, #tpu.memory_space<vmem>>, vector<16xf32>,
      %mul3A_3982 = vector.broadcast %reduce_sum3A_2367 : f32 to vector<16xf32>
      %mul3A_3983 = arith.mulf %get3A_3981, %mul3A_3982 : vector<16xf32>
      %get3A_3984 = arith.constant 1 : i32
      %get3A_3985 = arith.index_cast %get3A_3984 : i32 to index
      %get3A_3986 = arith.constant 208 : index
      %get3A_3987 = tpu.vector_load %arg11[%get3A_3985, %get3A_3986] {strides = array<i32>} : memref<16x256xf32, #tpu.memory_space<vmem>>, vector<16xf32>,
      %mul3A_3988 = vector.broadcast %reduce_sum3A_2297 : f32 to vector<16xf32>
      %mul3A_3989 = arith.mulf %get3A_3987, %mul3A_3988 : vector<16xf32>
      %add3A_3990 = arith.addf %mul3A_3977, %mul3A_3989 : vector<16xf32>
      %get3A_3991 = arith.constant 9 : i32
      %get3A_3992 = arith.index_cast %get3A_3991 : i32 to index
      %get3A_3993 = arith.constant 208 : index
      %get3A_3994 = tpu.vector_load %arg11[%get3A_3992, %get3A_3993] {strides = array<i32>} : memref<16x256xf32, #tpu.memory_space<vmem>>, vector<16xf32>,
      %mul3A_3995 = vector.broadcast %reduce_sum3A_2377 : f32 to vector<16xf32>
      %mul3A_3996 = arith.mulf %get3A_3994, %mul3A_3995 : vector<16xf32>
      %add3A_3997 = arith.addf %mul3A_3983, %mul3A_3996 : vector<16xf32>
      %get3A_3998 = arith.constant 2 : i32
      %get3A_3999 = arith.index_cast %get3A_3998 : i32 to index
      %get3A_4000 = arith.constant 208 : index
      %get3A_4001 = tpu.vector_load %arg11[%get3A_3999, %get3A_4000] {strides = array<i32>} : memref<16x256xf32, #tpu.memory_space<vmem>>, vector<16xf32>,
      %mul3A_4002 = vector.broadcast %reduce_sum3A_2307 : f32 to vector<16xf32>
      %mul3A_4003 = arith.mulf %get3A_4001, %mul3A_4002 : vector<16xf32>
      %add3A_4004 = arith.addf %add3A_3990, %mul3A_4003 : vector<16xf32>
      %get3A_4005 = arith.constant 10 : i32
      %get3A_4006 = arith.index_cast %get3A_4005 : i32 to index
      %get3A_4007 = arith.constant 208 : index
      %get3A_4008 = tpu.vector_load %arg11[%get3A_4006, %get3A_4007] {strides = array<i32>} : memref<16x256xf32, #tpu.memory_space<vmem>>, vector<16xf32>,
      %mul3A_4009 = vector.broadcast %reduce_sum3A_2387 : f32 to vector<16xf32>
      %mul3A_4010 = arith.mulf %get3A_4008, %mul3A_4009 : vector<16xf32>
      %add3A_4011 = arith.addf %add3A_3997, %mul3A_4010 : vector<16xf32>
      %get3A_4012 = arith.constant 3 : i32
      %get3A_4013 = arith.index_cast %get3A_4012 : i32 to index
      %get3A_4014 = arith.constant 208 : index
      %get3A_4015 = tpu.vector_load %arg11[%get3A_4013, %get3A_4014] {strides = array<i32>} : memref<16x256xf32, #tpu.memory_space<vmem>>, vector<16xf32>,
      %mul3A_4016 = vector.broadcast %reduce_sum3A_2317 : f32 to vector<16xf32>
      %mul3A_4017 = arith.mulf %get3A_4015, %mul3A_4016 : vector<16xf32>
      %add3A_4018 = arith.addf %add3A_4004, %mul3A_4017 : vector<16xf32>
      %get3A_4019 = arith.constant 11 : i32
      %get3A_4020 = arith.index_cast %get3A_4019 : i32 to index
      %get3A_4021 = arith.constant 208 : index
      %get3A_4022 = tpu.vector_load %arg11[%get3A_4020, %get3A_4021] {strides = array<i32>} : memref<16x256xf32, #tpu.memory_space<vmem>>, vector<16xf32>,
      %mul3A_4023 = vector.broadcast %reduce_sum3A_2397 : f32 to vector<16xf32>
      %mul3A_4024 = arith.mulf %get3A_4022, %mul3A_4023 : vector<16xf32>
      %add3A_4025 = arith.addf %add3A_4011, %mul3A_4024 : vector<16xf32>
      %get3A_4026 = arith.constant 4 : i32
      %get3A_4027 = arith.index_cast %get3A_4026 : i32 to index
      %get3A_4028 = arith.constant 208 : index
      %get3A_4029 = tpu.vector_load %arg11[%get3A_4027, %get3A_4028] {strides = array<i32>} : memref<16x256xf32, #tpu.memory_space<vmem>>, vector<16xf32>,
      %mul3A_4030 = vector.broadcast %reduce_sum3A_2327 : f32 to vector<16xf32>
      %mul3A_4031 = arith.mulf %get3A_4029, %mul3A_4030 : vector<16xf32>
      %add3A_4032 = arith.addf %add3A_4018, %mul3A_4031 : vector<16xf32>
      %get3A_4033 = arith.constant 12 : i32
      %get3A_4034 = arith.index_cast %get3A_4033 : i32 to index
      %get3A_4035 = arith.constant 208 : index
      %get3A_4036 = tpu.vector_load %arg11[%get3A_4034, %get3A_4035] {strides = array<i32>} : memref<16x256xf32, #tpu.memory_space<vmem>>, vector<16xf32>,
      %mul3A_4037 = vector.broadcast %reduce_sum3A_2407 : f32 to vector<16xf32>
      %mul3A_4038 = arith.mulf %get3A_4036, %mul3A_4037 : vector<16xf32>
      %add3A_4039 = arith.addf %add3A_4025, %mul3A_4038 : vector<16xf32>
      %get3A_4040 = arith.constant 5 : i32
      %get3A_4041 = arith.index_cast %get3A_4040 : i32 to index
      %get3A_4042 = arith.constant 208 : index
      %get3A_4043 = tpu.vector_load %arg11[%get3A_4041, %get3A_4042] {strides = array<i32>} : memref<16x256xf32, #tpu.memory_space<vmem>>, vector<16xf32>,
      %mul3A_4044 = vector.broadcast %reduce_sum3A_2337 : f32 to vector<16xf32>
      %mul3A_4045 = arith.mulf %get3A_4043, %mul3A_4044 : vector<16xf32>
      %add3A_4046 = arith.addf %add3A_4032, %mul3A_4045 : vector<16xf32>
      %get3A_4047 = arith.constant 13 : i32
      %get3A_4048 = arith.index_cast %get3A_4047 : i32 to index
      %get3A_4049 = arith.constant 208 : index
      %get3A_4050 = tpu.vector_load %arg11[%get3A_4048, %get3A_4049] {strides = array<i32>} : memref<16x256xf32, #tpu.memory_space<vmem>>, vector<16xf32>,
      %mul3A_4051 = vector.broadcast %reduce_sum3A_2417 : f32 to vector<16xf32>
      %mul3A_4052 = arith.mulf %get3A_4050, %mul3A_4051 : vector<16xf32>
      %add3A_4053 = arith.addf %add3A_4039, %mul3A_4052 : vector<16xf32>
      %get3A_4054 = arith.constant 6 : i32
      %get3A_4055 = arith.index_cast %get3A_4054 : i32 to index
      %get3A_4056 = arith.constant 208 : index
      %get3A_4057 = tpu.vector_load %arg11[%get3A_4055, %get3A_4056] {strides = array<i32>} : memref<16x256xf32, #tpu.memory_space<vmem>>, vector<16xf32>,
      %mul3A_4058 = vector.broadcast %reduce_sum3A_2347 : f32 to vector<16xf32>
      %mul3A_4059 = arith.mulf %get3A_4057, %mul3A_4058 : vector<16xf32>
      %add3A_4060 = arith.addf %add3A_4046, %mul3A_4059 : vector<16xf32>
      %get3A_4061 = arith.constant 14 : i32
      %get3A_4062 = arith.index_cast %get3A_4061 : i32 to index
      %get3A_4063 = arith.constant 208 : index
      %get3A_4064 = tpu.vector_load %arg11[%get3A_4062, %get3A_4063] {strides = array<i32>} : memref<16x256xf32, #tpu.memory_space<vmem>>, vector<16xf32>,
      %mul3A_4065 = vector.broadcast %reduce_sum3A_2427 : f32 to vector<16xf32>
      %mul3A_4066 = arith.mulf %get3A_4064, %mul3A_4065 : vector<16xf32>
      %add3A_4067 = arith.addf %add3A_4053, %mul3A_4066 : vector<16xf32>
      %get3A_4068 = arith.constant 7 : i32
      %get3A_4069 = arith.index_cast %get3A_4068 : i32 to index
      %get3A_4070 = arith.constant 208 : index
      %get3A_4071 = tpu.vector_load %arg11[%get3A_4069, %get3A_4070] {strides = array<i32>} : memref<16x256xf32, #tpu.memory_space<vmem>>, vector<16xf32>,
      %mul3A_4072 = vector.broadcast %reduce_sum3A_2357 : f32 to vector<16xf32>
      %mul3A_4073 = arith.mulf %get3A_4071, %mul3A_4072 : vector<16xf32>
      %add3A_4074 = arith.addf %add3A_4060, %mul3A_4073 : vector<16xf32>
      %get3A_4075 = arith.constant 15 : i32
      %get3A_4076 = arith.index_cast %get3A_4075 : i32 to index
      %get3A_4077 = arith.constant 208 : index
      %get3A_4078 = tpu.vector_load %arg11[%get3A_4076, %get3A_4077] {strides = array<i32>} : memref<16x256xf32, #tpu.memory_space<vmem>>, vector<16xf32>,
      %mul3A_4079 = vector.broadcast %reduce_sum3A_2437 : f32 to vector<16xf32>
      %mul3A_4080 = arith.mulf %get3A_4078, %mul3A_4079 : vector<16xf32>
      %add3A_4081 = arith.addf %add3A_4067, %mul3A_4080 : vector<16xf32>
      %swap3A_4082 = arith.index_cast %add3A_2212 : i32 to index
      %swap3A_4083 = arith.constant 208 : index
      %swap3A_4084 = tpu.vector_load %arg12[%swap3A_4082, %swap3A_4083] {strides = array<i32>} : memref<32x256xf32, #tpu.memory_space<vmem>>, vector<16xf32>,
      tpu.vector_store %arg12[%swap3A_4082, %swap3A_4083], %add3A_4074 {strides = array<i32>} : memref<32x256xf32, #tpu.memory_space<vmem>>, vector<16xf32>,
      %add3A_4085 = arith.constant 1 : i32
      %add3A_4086 = arith.addi %add3A_2212, %add3A_4085 : i32
      %swap3A_4087 = arith.index_cast %add3A_4086 : i32 to index
      %swap3A_4088 = arith.constant 208 : index
      %swap3A_4089 = tpu.vector_load %arg12[%swap3A_4087, %swap3A_4088] {strides = array<i32>} : memref<32x256xf32, #tpu.memory_space<vmem>>, vector<16xf32>,
      tpu.vector_store %arg12[%swap3A_4087, %swap3A_4088], %add3A_4081 {strides = array<i32>} : memref<32x256xf32, #tpu.memory_space<vmem>>, vector<16xf32>,
      %get3A_4090 = arith.constant 0 : i32
      %get3A_4091 = arith.index_cast %get3A_4090 : i32 to index
      %get3A_4092 = arith.constant 224 : index
      %get3A_4093 = tpu.vector_load %arg11[%get3A_4091, %get3A_4092] {strides = array<i32>} : memref<16x256xf32, #tpu.memory_space<vmem>>, vector<16xf32>,
      %mul3A_4094 = vector.broadcast %reduce_sum3A_2287 : f32 to vector<16xf32>
      %mul3A_4095 = arith.mulf %get3A_4093, %mul3A_4094 : vector<16xf32>
      %get3A_4096 = arith.constant 8 : i32
      %get3A_4097 = arith.index_cast %get3A_4096 : i32 to index
      %get3A_4098 = arith.constant 224 : index
      %get3A_4099 = tpu.vector_load %arg11[%get3A_4097, %get3A_4098] {strides = array<i32>} : memref<16x256xf32, #tpu.memory_space<vmem>>, vector<16xf32>,
      %mul3A_4100 = vector.broadcast %reduce_sum3A_2367 : f32 to vector<16xf32>
      %mul3A_4101 = arith.mulf %get3A_4099, %mul3A_4100 : vector<16xf32>
      %get3A_4102 = arith.constant 1 : i32
      %get3A_4103 = arith.index_cast %get3A_4102 : i32 to index
      %get3A_4104 = arith.constant 224 : index
      %get3A_4105 = tpu.vector_load %arg11[%get3A_4103, %get3A_4104] {strides = array<i32>} : memref<16x256xf32, #tpu.memory_space<vmem>>, vector<16xf32>,
      %mul3A_4106 = vector.broadcast %reduce_sum3A_2297 : f32 to vector<16xf32>
      %mul3A_4107 = arith.mulf %get3A_4105, %mul3A_4106 : vector<16xf32>
      %add3A_4108 = arith.addf %mul3A_4095, %mul3A_4107 : vector<16xf32>
      %get3A_4109 = arith.constant 9 : i32
      %get3A_4110 = arith.index_cast %get3A_4109 : i32 to index
      %get3A_4111 = arith.constant 224 : index
      %get3A_4112 = tpu.vector_load %arg11[%get3A_4110, %get3A_4111] {strides = array<i32>} : memref<16x256xf32, #tpu.memory_space<vmem>>, vector<16xf32>,
      %mul3A_4113 = vector.broadcast %reduce_sum3A_2377 : f32 to vector<16xf32>
      %mul3A_4114 = arith.mulf %get3A_4112, %mul3A_4113 : vector<16xf32>
      %add3A_4115 = arith.addf %mul3A_4101, %mul3A_4114 : vector<16xf32>
      %get3A_4116 = arith.constant 2 : i32
      %get3A_4117 = arith.index_cast %get3A_4116 : i32 to index
      %get3A_4118 = arith.constant 224 : index
      %get3A_4119 = tpu.vector_load %arg11[%get3A_4117, %get3A_4118] {strides = array<i32>} : memref<16x256xf32, #tpu.memory_space<vmem>>, vector<16xf32>,
      %mul3A_4120 = vector.broadcast %reduce_sum3A_2307 : f32 to vector<16xf32>
      %mul3A_4121 = arith.mulf %get3A_4119, %mul3A_4120 : vector<16xf32>
      %add3A_4122 = arith.addf %add3A_4108, %mul3A_4121 : vector<16xf32>
      %get3A_4123 = arith.constant 10 : i32
      %get3A_4124 = arith.index_cast %get3A_4123 : i32 to index
      %get3A_4125 = arith.constant 224 : index
      %get3A_4126 = tpu.vector_load %arg11[%get3A_4124, %get3A_4125] {strides = array<i32>} : memref<16x256xf32, #tpu.memory_space<vmem>>, vector<16xf32>,
      %mul3A_4127 = vector.broadcast %reduce_sum3A_2387 : f32 to vector<16xf32>
      %mul3A_4128 = arith.mulf %get3A_4126, %mul3A_4127 : vector<16xf32>
      %add3A_4129 = arith.addf %add3A_4115, %mul3A_4128 : vector<16xf32>
      %get3A_4130 = arith.constant 3 : i32
      %get3A_4131 = arith.index_cast %get3A_4130 : i32 to index
      %get3A_4132 = arith.constant 224 : index
      %get3A_4133 = tpu.vector_load %arg11[%get3A_4131, %get3A_4132] {strides = array<i32>} : memref<16x256xf32, #tpu.memory_space<vmem>>, vector<16xf32>,
      %mul3A_4134 = vector.broadcast %reduce_sum3A_2317 : f32 to vector<16xf32>
      %mul3A_4135 = arith.mulf %get3A_4133, %mul3A_4134 : vector<16xf32>
      %add3A_4136 = arith.addf %add3A_4122, %mul3A_4135 : vector<16xf32>
      %get3A_4137 = arith.constant 11 : i32
      %get3A_4138 = arith.index_cast %get3A_4137 : i32 to index
      %get3A_4139 = arith.constant 224 : index
      %get3A_4140 = tpu.vector_load %arg11[%get3A_4138, %get3A_4139] {strides = array<i32>} : memref<16x256xf32, #tpu.memory_space<vmem>>, vector<16xf32>,
      %mul3A_4141 = vector.broadcast %reduce_sum3A_2397 : f32 to vector<16xf32>
      %mul3A_4142 = arith.mulf %get3A_4140, %mul3A_4141 : vector<16xf32>
      %add3A_4143 = arith.addf %add3A_4129, %mul3A_4142 : vector<16xf32>
      %get3A_4144 = arith.constant 4 : i32
      %get3A_4145 = arith.index_cast %get3A_4144 : i32 to index
      %get3A_4146 = arith.constant 224 : index
      %get3A_4147 = tpu.vector_load %arg11[%get3A_4145, %get3A_4146] {strides = array<i32>} : memref<16x256xf32, #tpu.memory_space<vmem>>, vector<16xf32>,
      %mul3A_4148 = vector.broadcast %reduce_sum3A_2327 : f32 to vector<16xf32>
      %mul3A_4149 = arith.mulf %get3A_4147, %mul3A_4148 : vector<16xf32>
      %add3A_4150 = arith.addf %add3A_4136, %mul3A_4149 : vector<16xf32>
      %get3A_4151 = arith.constant 12 : i32
      %get3A_4152 = arith.index_cast %get3A_4151 : i32 to index
      %get3A_4153 = arith.constant 224 : index
      %get3A_4154 = tpu.vector_load %arg11[%get3A_4152, %get3A_4153] {strides = array<i32>} : memref<16x256xf32, #tpu.memory_space<vmem>>, vector<16xf32>,
      %mul3A_4155 = vector.broadcast %reduce_sum3A_2407 : f32 to vector<16xf32>
      %mul3A_4156 = arith.mulf %get3A_4154, %mul3A_4155 : vector<16xf32>
      %add3A_4157 = arith.addf %add3A_4143, %mul3A_4156 : vector<16xf32>
      %get3A_4158 = arith.constant 5 : i32
      %get3A_4159 = arith.index_cast %get3A_4158 : i32 to index
      %get3A_4160 = arith.constant 224 : index
      %get3A_4161 = tpu.vector_load %arg11[%get3A_4159, %get3A_4160] {strides = array<i32>} : memref<16x256xf32, #tpu.memory_space<vmem>>, vector<16xf32>,
      %mul3A_4162 = vector.broadcast %reduce_sum3A_2337 : f32 to vector<16xf32>
      %mul3A_4163 = arith.mulf %get3A_4161, %mul3A_4162 : vector<16xf32>
      %add3A_4164 = arith.addf %add3A_4150, %mul3A_4163 : vector<16xf32>
      %get3A_4165 = arith.constant 13 : i32
      %get3A_4166 = arith.index_cast %get3A_4165 : i32 to index
      %get3A_4167 = arith.constant 224 : index
      %get3A_4168 = tpu.vector_load %arg11[%get3A_4166, %get3A_4167] {strides = array<i32>} : memref<16x256xf32, #tpu.memory_space<vmem>>, vector<16xf32>,
      %mul3A_4169 = vector.broadcast %reduce_sum3A_2417 : f32 to vector<16xf32>
      %mul3A_4170 = arith.mulf %get3A_4168, %mul3A_4169 : vector<16xf32>
      %add3A_4171 = arith.addf %add3A_4157, %mul3A_4170 : vector<16xf32>
      %get3A_4172 = arith.constant 6 : i32
      %get3A_4173 = arith.index_cast %get3A_4172 : i32 to index
      %get3A_4174 = arith.constant 224 : index
      %get3A_4175 = tpu.vector_load %arg11[%get3A_4173, %get3A_4174] {strides = array<i32>} : memref<16x256xf32, #tpu.memory_space<vmem>>, vector<16xf32>,
      %mul3A_4176 = vector.broadcast %reduce_sum3A_2347 : f32 to vector<16xf32>
      %mul3A_4177 = arith.mulf %get3A_4175, %mul3A_4176 : vector<16xf32>
      %add3A_4178 = arith.addf %add3A_4164, %mul3A_4177 : vector<16xf32>
      %get3A_4179 = arith.constant 14 : i32
      %get3A_4180 = arith.index_cast %get3A_4179 : i32 to index
      %get3A_4181 = arith.constant 224 : index
      %get3A_4182 = tpu.vector_load %arg11[%get3A_4180, %get3A_4181] {strides = array<i32>} : memref<16x256xf32, #tpu.memory_space<vmem>>, vector<16xf32>,
      %mul3A_4183 = vector.broadcast %reduce_sum3A_2427 : f32 to vector<16xf32>
      %mul3A_4184 = arith.mulf %get3A_4182, %mul3A_4183 : vector<16xf32>
      %add3A_4185 = arith.addf %add3A_4171, %mul3A_4184 : vector<16xf32>
      %get3A_4186 = arith.constant 7 : i32
      %get3A_4187 = arith.index_cast %get3A_4186 : i32 to index
      %get3A_4188 = arith.constant 224 : index
      %get3A_4189 = tpu.vector_load %arg11[%get3A_4187, %get3A_4188] {strides = array<i32>} : memref<16x256xf32, #tpu.memory_space<vmem>>, vector<16xf32>,
      %mul3A_4190 = vector.broadcast %reduce_sum3A_2357 : f32 to vector<16xf32>
      %mul3A_4191 = arith.mulf %get3A_4189, %mul3A_4190 : vector<16xf32>
      %add3A_4192 = arith.addf %add3A_4178, %mul3A_4191 : vector<16xf32>
      %get3A_4193 = arith.constant 15 : i32
      %get3A_4194 = arith.index_cast %get3A_4193 : i32 to index
      %get3A_4195 = arith.constant 224 : index
      %get3A_4196 = tpu.vector_load %arg11[%get3A_4194, %get3A_4195] {strides = array<i32>} : memref<16x256xf32, #tpu.memory_space<vmem>>, vector<16xf32>,
      %mul3A_4197 = vector.broadcast %reduce_sum3A_2437 : f32 to vector<16xf32>
      %mul3A_4198 = arith.mulf %get3A_4196, %mul3A_4197 : vector<16xf32>
      %add3A_4199 = arith.addf %add3A_4185, %mul3A_4198 : vector<16xf32>
      %swap3A_4200 = arith.index_cast %add3A_2212 : i32 to index
      %swap3A_4201 = arith.constant 224 : index
      %swap3A_4202 = tpu.vector_load %arg12[%swap3A_4200, %swap3A_4201] {strides = array<i32>} : memref<32x256xf32, #tpu.memory_space<vmem>>, vector<16xf32>,
      tpu.vector_store %arg12[%swap3A_4200, %swap3A_4201], %add3A_4192 {strides = array<i32>} : memref<32x256xf32, #tpu.memory_space<vmem>>, vector<16xf32>,
      %add3A_4203 = arith.constant 1 : i32
      %add3A_4204 = arith.addi %add3A_2212, %add3A_4203 : i32
      %swap3A_4205 = arith.index_cast %add3A_4204 : i32 to index
      %swap3A_4206 = arith.constant 224 : index
      %swap3A_4207 = tpu.vector_load %arg12[%swap3A_4205, %swap3A_4206] {strides = array<i32>} : memref<32x256xf32, #tpu.memory_space<vmem>>, vector<16xf32>,
      tpu.vector_store %arg12[%swap3A_4205, %swap3A_4206], %add3A_4199 {strides = array<i32>} : memref<32x256xf32, #tpu.memory_space<vmem>>, vector<16xf32>,
      %get3A_4208 = arith.constant 0 : i32
      %get3A_4209 = arith.index_cast %get3A_4208 : i32 to index
      %get3A_4210 = arith.constant 240 : index
      %get3A_4211 = tpu.vector_load %arg11[%get3A_4209, %get3A_4210] {strides = array<i32>} : memref<16x256xf32, #tpu.memory_space<vmem>>, vector<16xf32>,
      %mul3A_4212 = vector.broadcast %reduce_sum3A_2287 : f32 to vector<16xf32>
      %mul3A_4213 = arith.mulf %get3A_4211, %mul3A_4212 : vector<16xf32>
      %get3A_4214 = arith.constant 8 : i32
      %get3A_4215 = arith.index_cast %get3A_4214 : i32 to index
      %get3A_4216 = arith.constant 240 : index
      %get3A_4217 = tpu.vector_load %arg11[%get3A_4215, %get3A_4216] {strides = array<i32>} : memref<16x256xf32, #tpu.memory_space<vmem>>, vector<16xf32>,
      %mul3A_4218 = vector.broadcast %reduce_sum3A_2367 : f32 to vector<16xf32>
      %mul3A_4219 = arith.mulf %get3A_4217, %mul3A_4218 : vector<16xf32>
      %get3A_4220 = arith.constant 1 : i32
      %get3A_4221 = arith.index_cast %get3A_4220 : i32 to index
      %get3A_4222 = arith.constant 240 : index
      %get3A_4223 = tpu.vector_load %arg11[%get3A_4221, %get3A_4222] {strides = array<i32>} : memref<16x256xf32, #tpu.memory_space<vmem>>, vector<16xf32>,
      %mul3A_4224 = vector.broadcast %reduce_sum3A_2297 : f32 to vector<16xf32>
      %mul3A_4225 = arith.mulf %get3A_4223, %mul3A_4224 : vector<16xf32>
      %add3A_4226 = arith.addf %mul3A_4213, %mul3A_4225 : vector<16xf32>
      %get3A_4227 = arith.constant 9 : i32
      %get3A_4228 = arith.index_cast %get3A_4227 : i32 to index
      %get3A_4229 = arith.constant 240 : index
      %get3A_4230 = tpu.vector_load %arg11[%get3A_4228, %get3A_4229] {strides = array<i32>} : memref<16x256xf32, #tpu.memory_space<vmem>>, vector<16xf32>,
      %mul3A_4231 = vector.broadcast %reduce_sum3A_2377 : f32 to vector<16xf32>
      %mul3A_4232 = arith.mulf %get3A_4230, %mul3A_4231 : vector<16xf32>
      %add3A_4233 = arith.addf %mul3A_4219, %mul3A_4232 : vector<16xf32>
      %get3A_4234 = arith.constant 2 : i32
      %get3A_4235 = arith.index_cast %get3A_4234 : i32 to index
      %get3A_4236 = arith.constant 240 : index
      %get3A_4237 = tpu.vector_load %arg11[%get3A_4235, %get3A_4236] {strides = array<i32>} : memref<16x256xf32, #tpu.memory_space<vmem>>, vector<16xf32>,
      %mul3A_4238 = vector.broadcast %reduce_sum3A_2307 : f32 to vector<16xf32>
      %mul3A_4239 = arith.mulf %get3A_4237, %mul3A_4238 : vector<16xf32>
      %add3A_4240 = arith.addf %add3A_4226, %mul3A_4239 : vector<16xf32>
      %get3A_4241 = arith.constant 10 : i32
      %get3A_4242 = arith.index_cast %get3A_4241 : i32 to index
      %get3A_4243 = arith.constant 240 : index
      %get3A_4244 = tpu.vector_load %arg11[%get3A_4242, %get3A_4243] {strides = array<i32>} : memref<16x256xf32, #tpu.memory_space<vmem>>, vector<16xf32>,
      %mul3A_4245 = vector.broadcast %reduce_sum3A_2387 : f32 to vector<16xf32>
      %mul3A_4246 = arith.mulf %get3A_4244, %mul3A_4245 : vector<16xf32>
      %add3A_4247 = arith.addf %add3A_4233, %mul3A_4246 : vector<16xf32>
      %get3A_4248 = arith.constant 3 : i32
      %get3A_4249 = arith.index_cast %get3A_4248 : i32 to index
      %get3A_4250 = arith.constant 240 : index
      %get3A_4251 = tpu.vector_load %arg11[%get3A_4249, %get3A_4250] {strides = array<i32>} : memref<16x256xf32, #tpu.memory_space<vmem>>, vector<16xf32>,
      %mul3A_4252 = vector.broadcast %reduce_sum3A_2317 : f32 to vector<16xf32>
      %mul3A_4253 = arith.mulf %get3A_4251, %mul3A_4252 : vector<16xf32>
      %add3A_4254 = arith.addf %add3A_4240, %mul3A_4253 : vector<16xf32>
      %get3A_4255 = arith.constant 11 : i32
      %get3A_4256 = arith.index_cast %get3A_4255 : i32 to index
      %get3A_4257 = arith.constant 240 : index
      %get3A_4258 = tpu.vector_load %arg11[%get3A_4256, %get3A_4257] {strides = array<i32>} : memref<16x256xf32, #tpu.memory_space<vmem>>, vector<16xf32>,
      %mul3A_4259 = vector.broadcast %reduce_sum3A_2397 : f32 to vector<16xf32>
      %mul3A_4260 = arith.mulf %get3A_4258, %mul3A_4259 : vector<16xf32>
      %add3A_4261 = arith.addf %add3A_4247, %mul3A_4260 : vector<16xf32>
      %get3A_4262 = arith.constant 4 : i32
      %get3A_4263 = arith.index_cast %get3A_4262 : i32 to index
      %get3A_4264 = arith.constant 240 : index
      %get3A_4265 = tpu.vector_load %arg11[%get3A_4263, %get3A_4264] {strides = array<i32>} : memref<16x256xf32, #tpu.memory_space<vmem>>, vector<16xf32>,
      %mul3A_4266 = vector.broadcast %reduce_sum3A_2327 : f32 to vector<16xf32>
      %mul3A_4267 = arith.mulf %get3A_4265, %mul3A_4266 : vector<16xf32>
      %add3A_4268 = arith.addf %add3A_4254, %mul3A_4267 : vector<16xf32>
      %get3A_4269 = arith.constant 12 : i32
      %get3A_4270 = arith.index_cast %get3A_4269 : i32 to index
      %get3A_4271 = arith.constant 240 : index
      %get3A_4272 = tpu.vector_load %arg11[%get3A_4270, %get3A_4271] {strides = array<i32>} : memref<16x256xf32, #tpu.memory_space<vmem>>, vector<16xf32>,
      %mul3A_4273 = vector.broadcast %reduce_sum3A_2407 : f32 to vector<16xf32>
      %mul3A_4274 = arith.mulf %get3A_4272, %mul3A_4273 : vector<16xf32>
      %add3A_4275 = arith.addf %add3A_4261, %mul3A_4274 : vector<16xf32>
      %get3A_4276 = arith.constant 5 : i32
      %get3A_4277 = arith.index_cast %get3A_4276 : i32 to index
      %get3A_4278 = arith.constant 240 : index
      %get3A_4279 = tpu.vector_load %arg11[%get3A_4277, %get3A_4278] {strides = array<i32>} : memref<16x256xf32, #tpu.memory_space<vmem>>, vector<16xf32>,
      %mul3A_4280 = vector.broadcast %reduce_sum3A_2337 : f32 to vector<16xf32>
      %mul3A_4281 = arith.mulf %get3A_4279, %mul3A_4280 : vector<16xf32>
      %add3A_4282 = arith.addf %add3A_4268, %mul3A_4281 : vector<16xf32>
      %get3A_4283 = arith.constant 13 : i32
      %get3A_4284 = arith.index_cast %get3A_4283 : i32 to index
      %get3A_4285 = arith.constant 240 : index
      %get3A_4286 = tpu.vector_load %arg11[%get3A_4284, %get3A_4285] {strides = array<i32>} : memref<16x256xf32, #tpu.memory_space<vmem>>, vector<16xf32>,
      %mul3A_4287 = vector.broadcast %reduce_sum3A_2417 : f32 to vector<16xf32>
      %mul3A_4288 = arith.mulf %get3A_4286, %mul3A_4287 : vector<16xf32>
      %add3A_4289 = arith.addf %add3A_4275, %mul3A_4288 : vector<16xf32>
      %get3A_4290 = arith.constant 6 : i32
      %get3A_4291 = arith.index_cast %get3A_4290 : i32 to index
      %get3A_4292 = arith.constant 240 : index
      %get3A_4293 = tpu.vector_load %arg11[%get3A_4291, %get3A_4292] {strides = array<i32>} : memref<16x256xf32, #tpu.memory_space<vmem>>, vector<16xf32>,
      %mul3A_4294 = vector.broadcast %reduce_sum3A_2347 : f32 to vector<16xf32>
      %mul3A_4295 = arith.mulf %get3A_4293, %mul3A_4294 : vector<16xf32>
      %add3A_4296 = arith.addf %add3A_4282, %mul3A_4295 : vector<16xf32>
      %get3A_4297 = arith.constant 14 : i32
      %get3A_4298 = arith.index_cast %get3A_4297 : i32 to index
      %get3A_4299 = arith.constant 240 : index
      %get3A_4300 = tpu.vector_load %arg11[%get3A_4298, %get3A_4299] {strides = array<i32>} : memref<16x256xf32, #tpu.memory_space<vmem>>, vector<16xf32>,
      %mul3A_4301 = vector.broadcast %reduce_sum3A_2427 : f32 to vector<16xf32>
      %mul3A_4302 = arith.mulf %get3A_4300, %mul3A_4301 : vector<16xf32>
      %add3A_4303 = arith.addf %add3A_4289, %mul3A_4302 : vector<16xf32>
      %get3A_4304 = arith.constant 7 : i32
      %get3A_4305 = arith.index_cast %get3A_4304 : i32 to index
      %get3A_4306 = arith.constant 240 : index
      %get3A_4307 = tpu.vector_load %arg11[%get3A_4305, %get3A_4306] {strides = array<i32>} : memref<16x256xf32, #tpu.memory_space<vmem>>, vector<16xf32>,
      %mul3A_4308 = vector.broadcast %reduce_sum3A_2357 : f32 to vector<16xf32>
      %mul3A_4309 = arith.mulf %get3A_4307, %mul3A_4308 : vector<16xf32>
      %add3A_4310 = arith.addf %add3A_4296, %mul3A_4309 : vector<16xf32>
      %get3A_4311 = arith.constant 15 : i32
      %get3A_4312 = arith.index_cast %get3A_4311 : i32 to index
      %get3A_4313 = arith.constant 240 : index
      %get3A_4314 = tpu.vector_load %arg11[%get3A_4312, %get3A_4313] {strides = array<i32>} : memref<16x256xf32, #tpu.memory_space<vmem>>, vector<16xf32>,
      %mul3A_4315 = vector.broadcast %reduce_sum3A_2437 : f32 to vector<16xf32>
      %mul3A_4316 = arith.mulf %get3A_4314, %mul3A_4315 : vector<16xf32>
      %add3A_4317 = arith.addf %add3A_4303, %mul3A_4316 : vector<16xf32>
      %swap3A_4318 = arith.index_cast %add3A_2212 : i32 to index
      %swap3A_4319 = arith.constant 240 : index
      %swap3A_4320 = tpu.vector_load %arg12[%swap3A_4318, %swap3A_4319] {strides = array<i32>} : memref<32x256xf32, #tpu.memory_space<vmem>>, vector<16xf32>,
      tpu.vector_store %arg12[%swap3A_4318, %swap3A_4319], %add3A_4310 {strides = array<i32>} : memref<32x256xf32, #tpu.memory_space<vmem>>, vector<16xf32>,
      %add3A_4321 = arith.constant 1 : i32
      %add3A_4322 = arith.addi %add3A_2212, %add3A_4321 : i32
      %swap3A_4323 = arith.index_cast %add3A_4322 : i32 to index
      %swap3A_4324 = arith.constant 240 : index
      %swap3A_4325 = tpu.vector_load %arg12[%swap3A_4323, %swap3A_4324] {strides = array<i32>} : memref<32x256xf32, #tpu.memory_space<vmem>>, vector<16xf32>,
      tpu.vector_store %arg12[%swap3A_4323, %swap3A_4324], %add3A_4317 {strides = array<i32>} : memref<32x256xf32, #tpu.memory_space<vmem>>, vector<16xf32>,
      %mul3A_4326 = arith.constant 16 : i32
      %mul3A_4327 = arith.muli %min3A_49, %mul3A_4326 : i32
      %get3A_4328 = arith.index_cast %mul3A_4327 : i32 to index
      %get3A_4329 = tpu.vector_load %arg9[%get3A_4328] {strides = array<i32>} : memref<12544xi32, #tpu.memory_space<vmem>>, vector<16xi32>,
      %dma_start3A_4330 = arith.constant 0 : i32
      %dma_start3A_4331 = arith.constant 0 : i32
      %dma_start3A_4332 = tpu.memref_slice %arg2[%dma_start3A_4330, %dma_start3A_4331] : memref<12512x256xf32, #tpu.memory_space<hbm>> -> memref<12512x256xf32, #tpu.memory_space<hbm>>
      tpu.enqueue_indirect_dma source(%dma_start3A_4332 : memref<12512x256xf32, #tpu.memory_space<hbm>>) target(%arg11 : memref<16x256xf32, #tpu.memory_space<vmem>>) offsets(%get3A_4329 : vector<16xi32>) semaphore(%arg14 : memref<!tpu.dma_semaphore, #tpu.memory_space<semaphore_mem>>)
      %jit3A_4333 = arith.constant 8 : i32
      %eq3A_4334 = arith.constant 0 : i32
      %eq3A_4335 = arith.cmpi eq, %jit3A_4333, %eq3A_4334 : i32
      %jit3A_4336 = arith.constant 1 : i32
      %select_n3A_4337 = arith.select %eq3A_4335, %jit3A_4336, %jit3A_4333 : i32
      %rem3A_4338 = arith.remsi %scan3A_38, %select_n3A_4337 : i32
      %ne3A_4339 = arith.constant 0 : i32
      %ne3A_4340 = arith.cmpi ne, %rem3A_4338, %ne3A_4339 : i32
      %lt3A_4341 = arith.constant 0 : i32
      %lt3A_4342 = arith.cmpi slt, %rem3A_4338, %lt3A_4341 : i32
      %lt3A_4343 = arith.constant 0 : i32
      %lt3A_4344 = arith.cmpi slt, %select_n3A_4337, %lt3A_4343 : i32
      %ne3A_4345 = arith.xori %lt3A_4342, %lt3A_4344 : i1
      %and3A_4346 = arith.andi %ne3A_4345, %ne3A_4340 : i1
      %add3A_4347 = arith.addi %rem3A_4338, %select_n3A_4337 : i32
      %select_n3A_4348 = arith.select %and3A_4346, %add3A_4347, %rem3A_4338 : i32
      %eq3A_4349 = arith.constant 7 : i32
      %eq3A_4350 = arith.cmpi eq, %select_n3A_4348, %eq3A_4349 : i32
      %convert_element_type3A_4351 = arith.extui %eq3A_4350 : i1 to i32
      %cond3A_4352 = arith.constant 0 : i32
      %cond3A_4353 = arith.cmpi ne, %convert_element_type3A_4351, %cond3A_4352 : i32
      scf.if %cond3A_4353 {
        %jit3A_4354 = arith.constant 8 : i32
        %div3A_4355 = arith.divsi %scan3A_38, %jit3A_4354 : i32
        %sign3A = arith.constant 0 : i32
        %sign3A_4356 = arith.cmpi sgt, %scan3A_38, %sign3A : i32
        %sign3A_4357 = arith.extui %sign3A_4356 : i1 to i32
        %sign3A_4358 = arith.constant 0 : i32
        %sign3A_4359 = arith.cmpi slt, %scan3A_38, %sign3A_4358 : i32
        %sign3A_4360 = arith.extui %sign3A_4359 : i1 to i32
        %sign3A_4361 = arith.subi %sign3A_4357, %sign3A_4360 : i32
        %sign3A_4362 = arith.constant 0 : i32
        %sign3A_4363 = arith.cmpi sgt, %jit3A_4354, %sign3A_4362 : i32
        %sign3A_4364 = arith.extui %sign3A_4363 : i1 to i32
        %sign3A_4365 = arith.constant 0 : i32
        %sign3A_4366 = arith.cmpi slt, %jit3A_4354, %sign3A_4365 : i32
        %sign3A_4367 = arith.extui %sign3A_4366 : i1 to i32
        %sign3A_4368 = arith.subi %sign3A_4364, %sign3A_4367 : i32
        %ne3A_4369 = arith.cmpi ne, %sign3A_4361, %sign3A_4368 : i32
        %rem3A_4370 = arith.remsi %scan3A_38, %jit3A_4354 : i32
        %ne3A_4371 = arith.constant 0 : i32
        %ne3A_4372 = arith.cmpi ne, %rem3A_4370, %ne3A_4371 : i32
        %and3A_4373 = arith.andi %ne3A_4369, %ne3A_4372 : i1
        %sub3A_4374 = arith.constant 1 : i32
        %sub3A_4375 = arith.subi %div3A_4355, %sub3A_4374 : i32
        %select_n3A_4376 = arith.select %and3A_4373, %sub3A_4375, %div3A_4355 : i32
        %mul3A_4377 = arith.constant 32 : i32
        %mul3A_4378 = arith.muli %select_n3A_4376, %mul3A_4377 : i32
        %add3A_4379 = arith.addi %mul3A_2, %mul3A_4378 : i32
        %dma_start3A_4380 = arith.constant 0 : i32
        %dma_start3A_4381 = tpu.memref_slice %arg6[%add3A_4379, %dma_start3A_4380] : memref<50176x256xf32, #tpu.memory_space<hbm>> -> memref<32x256xf32, #tpu.memory_space<hbm>>
        %dma_start3A_4382 = arith.constant 0 : i32
        %dma_start3A_4383 = tpu.memref_slice %arg6[%add3A_4379, %dma_start3A_4382] : memref<50176x256xf32, #tpu.memory_space<hbm>> -> memref<32x256xf32, #tpu.memory_space<hbm>>
        tpu.enqueue_dma source(%arg12 : memref<32x256xf32, #tpu.memory_space<vmem>>) target(%dma_start3A_4383 : memref<32x256xf32, #tpu.memory_space<hbm>>) target_semaphore(%arg15 : memref<!tpu.dma_semaphore, #tpu.memory_space<semaphore_mem>>)
      } else {
      }
    }
    %scan3A_22 = arith.constant 392 : i32
    %get3A_23 = arith.constant 12528 : index
    %get3A_24 = tpu.vector_load %arg9[%get3A_23] {strides = array<i32>} : memref<12544xi32, #tpu.memory_space<vmem>>, vector<16xi32>,
    %dma_wait3A = arith.constant 0 : i32
    %dma_wait3A_25 = arith.constant 0 : i32
    %dma_wait3A_26 = tpu.memref_slice %arg2[%dma_wait3A, %dma_wait3A_25] : memref<12512x256xf32, #tpu.memory_space<hbm>> -> memref<12512x256xf32, #tpu.memory_space<hbm>>
    tpu.wait_indirect_dma semaphore(%arg13 : memref<!tpu.dma_semaphore, #tpu.memory_space<semaphore_mem>>) src(%dma_wait3A_26 : memref<12512x256xf32, #tpu.memory_space<hbm>>) dst(%arg10 : memref<16x256xf32, #tpu.memory_space<vmem>>)
    %get3A_27 = arith.constant 12528 : index
    %get3A_28 = tpu.vector_load %arg9[%get3A_27] {strides = array<i32>} : memref<12544xi32, #tpu.memory_space<vmem>>, vector<16xi32>,
    %dma_wait3A_29 = arith.constant 0 : i32
    %dma_wait3A_30 = arith.constant 0 : i32
    %dma_wait3A_31 = tpu.memref_slice %arg2[%dma_wait3A_29, %dma_wait3A_30] : memref<12512x256xf32, #tpu.memory_space<hbm>> -> memref<12512x256xf32, #tpu.memory_space<hbm>>
    tpu.wait_indirect_dma semaphore(%arg14 : memref<!tpu.dma_semaphore, #tpu.memory_space<semaphore_mem>>) src(%dma_wait3A_31 : memref<12512x256xf32, #tpu.memory_space<hbm>>) dst(%arg11 : memref<16x256xf32, #tpu.memory_space<vmem>>)
    %add3A_32 = arith.constant 1536 : i32
    %add3A_33 = arith.addi %mul3A_2, %add3A_32 : i32
    %dma_wait3A_34 = arith.constant 0 : i32
    %dma_wait3A_35 = tpu.memref_slice %arg6[%add3A_33, %dma_wait3A_34] : memref<50176x256xf32, #tpu.memory_space<hbm>> -> memref<32x256xf32, #tpu.memory_space<hbm>>
    %dma_wait3A_36 = arith.constant 0 : i32
    %dma_wait3A_37 = tpu.memref_slice %arg6[%add3A_33, %dma_wait3A_36] : memref<50176x256xf32, #tpu.memory_space<hbm>> -> memref<32x256xf32, #tpu.memory_space<hbm>>
    tpu.wait_dma2 semaphore(%arg15 : memref<!tpu.dma_semaphore, #tpu.memory_space<semaphore_mem>>) src(%arg12 : memref<32x256xf32, #tpu.memory_space<vmem>>) dst(%dma_wait3A_37 : memref<32x256xf32, #tpu.memory_space<hbm>>)
    return
  }
}

</mosaic_0001>

<sc_bundles>
// kernel: kernel.3.cloned.1.call-start
scs
__scs_entry_jumppad:
0x0: {  	(pc) =	sbr.rel $0x88, $3  }
0x1: {  	(tag) =	ssettag $0x0;
	lr =	simm.s32 $0x1  }
0x2: {  	[smem:$0x3F9D] =	sst lr;
	_ =	strace $0xD0000000  }
0x3: {  	_ = 	snop  }
0x4: {  	_ = 	snop  }
0x5: {  	_ = 	snop  }
0x6: {  	_ = 	snop  }
0x7: {  	_ = 	snop  }
__scs_overlays_trampoline_lowered:
0x8: {  	[smem:$0x3FAC] =	sst s0  }
0x9: {  	[smem:$0x3FAD] =	sst s1  }
0xa: {  	[smem:$0x3FAE] =	sst s2  }
0xb: {  	[smem:$0x3FAF] =	sst s3  }
0xc: {  	[smem:$0x3FB0] =	sst s4  }
0xd: {  	[smem:$0x3FB1] =	sst s5  }
0xe: {  	[smem:$0x3FB2] =	sst s6  }
0xf: {  	[smem:$0x3FB3] =	sst s7  }
0x10: {  	[smem:$0x3FB4] =	sst s8  }
0x11: {  	[smem:$0x3FB5] =	sst s9;
	s0 =	simm.s32 @!p0 $0x0  }
0x12: {  	s1 =	sld [smem:$0x3F9B];
	s0 =	simm.s32 @p0 $0x1  }
0x13: {  	[smem:$0x3FB6] =	sst s0;
	s0 =	simm.s32 @!p1 $0x0  }
0x14: {  	s2 =	sld [smem:$0x3F9A];
	s0 =	simm.s32 @p1 $0x1  }
0x15: {  	[smem:$0x3FB7] =	sst s0;
	s0 =	simm.s32 @!p2 $0x0  }
0x16: {  	s3 =	sld [smem:$0x3FDB];
	s0 =	simm.s32 @p2 $0x1  }
0x17: {  	s4 =	simm.s32 $0x1BF5;
	[smem:$0x3FB9] =	sst s0  }
0x18: {  	s0 =	sld [smem:$0x3F9C];
	_ =	swait.ge [sflag:s4], $0x0  }
0x19: {  	s7 =	sld [smem:$0x3F9D]  }
0x1a: {  	s8 =	sadd.s32 $0xFFFFE003, lr  }
0x1b: {  	s9 =	sadd.s32 $0xFFFFFEF7, lr;
	s5 =	simm.s32 $0xFFFFFFFF;
	p2 =	slt.u32 s8, $0xFFFFF086  }
0x1c: {  	p1 =	slt.u32 s9, $0xF7A;
	s5 =	simm.s32 @!p2 $0x0  }
0x1d: {  	s5 =	simm.s32 @p1 $0x1;
	p0 =	seq.s32 s7, s2  }
0x1e: {  	s7 =	smul.u32 @!p0 $0xF7A, s2;
	p2 =	seq.s32 @!p0 s5, $0x0  }
0x1f: {  	s9 =	smul.u32 $0xF7A, s1;
	s8 =	simm.s32 @!p0 $0x1BF5;
	p2 =	por !p2, p0  }
0x20: {  	[sflag:s8] =	ssyncset.s32 @!p0 $0xFFFFF086;
	s6 =	sadd.s32 @!p0 s3, s7;
	s7 =	simm.s32 @!p0 $0x108  }
0x21: {  	s3 =	sadd.s32 s3, s9;
	s6 =	sadd.s32 @!p0 $0x88, s6;
	s7 =	simm.s32 @p2 $0x1082  }
0x22: {  	[simem:s7], [sflag:s8] =	dma.local @!p0 [hbm:s6], $0xF7A  }
0x23: {  	s9 =	sor.u32 $0xD0000000, s2;
	s6 =	simm.s32 $0x108;
	_ =	swait.ge @!p0 [sflag:s8], $0x0  }
0x24: {  	s3 =	sadd.s32 $0x88, s3;
	s6 =	simm.s32 @!p1 $0x1082;
	[sflag:s4] =	ssyncset.s32 $0xFFFFF086  }
0x25: {  	[simem:s6], [sflag:s4] =	dma.local [hbm:s3], $0xF7A  }
0x26: {  	[smem:$0x3F9D] =	sst s1;
	(tag) =	ssettag s2;
	_ =	strace s9  }
0x27: {  	s1 =	sld [smem:$0x3FAD]  }
0x28: {  	s2 =	sld [smem:$0x3FAE]  }
0x29: {  	s4 =	sld [smem:$0x3FB0]  }
0x2a: {  	p0 =	seq.s32 s5, $0x0;
	s5 =	sld [smem:$0x3FB1]  }
0x2b: {  	s6 =	sld [smem:$0x3FB2]  }
0x2c: {  	s7 =	sld [smem:$0x3FB3]  }
0x2d: {  	s3 =	simm.s32 $0x108;
	s8 =	sld [smem:$0x3FB4]  }
0x2e: {  	s3 =	simm.s32 @!p0 $0x1082;
	s9 =	sld [smem:$0x3FB5]  }
0x2f: {  	lr =	sadd.s32 s0, s3;
	s0 =	sld [smem:$0x3FAC]  }
0x30: {  	s3 =	sld [smem:$0x3FAF]  }
0x31: {  	[smem:$0x3FB8] =	sst s10  }
0x32: {  	s10 =	sld [smem:$0x3FB6];
	_ =	sdelay $0x3  }
0x33: {  	p0 =	seq.s32 s10, $0x1;
	s10 =	sld [smem:$0x3FB8];
	_ =	sdelay $0x3  }
0x34: {  	[smem:$0x3FB8] =	sst s10  }
0x35: {  	s10 =	sld [smem:$0x3FB7];
	_ =	sdelay $0x3  }
0x36: {  	p1 =	seq.s32 s10, $0x1;
	s10 =	sld [smem:$0x3FB8];
	_ =	sdelay $0x3  }
0x37: {  	[smem:$0x3FB8] =	sst s10  }
0x38: {  	s10 =	sld [smem:$0x3FB9]  }
0x39: {  	_ = 	snop;
	(pc) =	sbr.ind lr, $3  }
0x3a: {  	_ = 	snop  }
0x3b: {  	_ = 	snop  }
0x3c: {  	p2 =	seq.s32 s10, $0x1;
	s10 =	sld [smem:$0x3FB8]  }
0x3d: {  	_ =	shalt  }
0x3e: {  	_ =	shalt  }
0x3f: {  	_ =	shalt  }
0x40: {  	_ =	shalt  }
0x41: {  	_ =	shalt  }
0x42: {  	_ =	shalt  }
0x43: {  	_ =	shalt  }
0x44: {  	_ =	shalt  }
0x45: {  	_ =	shalt  }
0x46: {  	_ =	shalt  }
0x47: {  	_ =	shalt  }
0x48: {  	_ =	shalt  }
0x49: {  	_ =	shalt  }
0x4a: {  	_ =	shalt  }
0x4b: {  	_ =	shalt  }
0x4c: {  	_ =	shalt  }
0x4d: {  	_ =	shalt  }
0x4e: {  	_ =	shalt  }
0x4f: {  	_ =	shalt  }
0x50: {  	_ =	shalt  }
0x51: {  	_ =	shalt  }
0x52: {  	_ =	shalt  }
0x53: {  	_ =	shalt  }
0x54: {  	_ =	shalt  }
0x55: {  	_ =	shalt  }
0x56: {  	_ =	shalt  }
0x57: {  	_ =	shalt  }
0x58: {  	_ =	shalt  }
0x59: {  	_ =	shalt  }
0x5a: {  	_ =	shalt  }
0x5b: {  	_ =	shalt  }
0x5c: {  	_ =	shalt  }
0x5d: {  	_ =	shalt  }
0x5e: {  	_ =	shalt  }
0x5f: {  	_ =	shalt  }
0x60: {  	_ =	shalt  }
0x61: {  	_ =	shalt  }
0x62: {  	_ =	shalt  }
0x63: {  	_ =	shalt  }
0x64: {  	_ =	shalt  }
0x65: {  	_ =	shalt  }
0x66: {  	_ =	shalt  }
0x67: {  	_ =	shalt  }
0x68: {  	_ =	shalt  }
0x69: {  	_ =	shalt  }
0x6a: {  	_ =	shalt  }
0x6b: {  	_ =	shalt  }
0x6c: {  	_ =	shalt  }
0x6d: {  	_ =	shalt  }
0x6e: {  	_ =	shalt  }
0x6f: {  	_ =	shalt  }
0x70: {  	_ =	shalt  }
0x71: {  	_ =	shalt  }
0x72: {  	_ =	shalt  }
0x73: {  	_ =	shalt  }
0x74: {  	_ =	shalt  }
0x75: {  	_ =	shalt  }
0x76: {  	_ =	shalt  }
0x77: {  	_ =	shalt  }
0x78: {  	_ =	shalt  }
0x79: {  	_ =	shalt  }
0x7a: {  	_ =	shalt  }
0x7b: {  	_ =	shalt  }
0x7c: {  	_ =	shalt  }
0x7d: {  	_ =	shalt  }
0x7e: {  	_ =	shalt  }
0x7f: {  	_ =	shalt  }
0x80: {  	_ =	shalt  }
0x81: {  	_ =	shalt  }
0x82: {  	_ =	shalt  }
0x83: {  	_ =	shalt  }
0x84: {  	_ =	shalt  }
0x85: {  	_ =	shalt  }
0x86: {  	_ =	shalt  }
0x87: {  	_ =	shalt  }
.Lfunc_end0:
.L_simem_size_0:
called_computation_lowered:
.L_overlay_start_0:
0x88: {  	s2 =	sld [smem:$0x3FD9]  }
0x89: {  	s3 =	sld [smem:$0x3FFE];
	_ =	sdelay $0x1  }
0x8a: {  	s1 =	srdreg.scid  }
0x8b: {  	s0 =	sand.u32 $0x1, s1  }
0x8c: {  	s17 =	sshll.u32 s0, $0xA;
	s2 =	sadd.s32 s3, s2  }
0x8d: {  	s2 =	sadd.s32 s2, s17  }
0x8e: {  	[smem:$0x3FC4] =	sst s2  }
0x8f: {  	_ = 	snop  }
0x90: {  	s2 =	sld [smem:$0x3FD0];
	(tm) =	ssettm $0x1  }
0x91: {  	s18 =	sld [smem:$0x3FFB];
	_ =	sdelay $0x3  }
0x92: {  	_ =	strace s18  }
0x93: {  	s3 =	sld [smem:$0x3FFC];
	_ =	sdelay $0x3  }
0x94: {  	_ =	strace s3  }
0x95: {  	s3 =	sld [smem:$0x3FFD];
	_ =	sdelay $0x3  }
0x96: {  	_ =	strace s3  }
0x97: {  	_ =	strace $0x8FFFFFFF  }
0x98: {  	s19 =	sld [smem:$0x3FDB];
	_ =	sdelay $0x1  }
0x99: {  	s4 =	simm.s32 $_scs_section_size  }
0x9a: {  	s5 =	simm.s32 $_size__tile_overlayer_lowered;
	s6 =	simm.s32 $_tile_overlayer_lowered  }
0x9b: {  	s22 =	simm.s32 $0x1BFF;
	s21 =	sshll.u32 s6, $0x1;
	s3 =	sadd.s32 s4, s19  }
0x9c: {  	s7 =	simm.s32 $0x0;
	s20 =	sshll.u32 s5, $0x1;
	s5 =	sadd.s32 s21, s3  }
0x9d: {  	[timem:s7], [sflag:s22] =	dma.local [hbm:s5], s20  }
0x9e: {  	_ =	swait.ge [sflag:s22], s20  }
0x9f: {  	s4 =	ssub.s32 $0x0, s20;
	[sflag:s22] =	ssyncset.done $0x0  }
0xa0: {  	[sflag:s22] =	ssyncadd.s32 s4;
	_ =	sdelay $0x1  }
0xa1: {  	s23 =	simm.s32 $0x1B8B  }
0xa2: {  	_ =	swait.ge [sflag:s23], $0x1  }
0xa3: {  	[sflag:s23] =	ssyncset.done $0x0  }
0xa4: {  	s25 =	simm.s32 $0x1B8E;
	s24 =	sld [smem:$0x3FFE];
	[sflag:s23] =	ssyncadd.s32 $0xFFFFFFFF  }
0xa5: {  	s26 =	simm.s32 $execute0_lowered;
	[smem:$0x3FD2] =	sst s25  }
0xa6: {  	s5 =	sshll.u32 s26, $0x1;
	_ =	strace $0x80000046;
	[dreg:$0x1] =	wrdreg $0xFFFFFFFF  }
0xa7: {  	s28 =	simm.s32 $_size_execute0_lowered;
	s3 =	sadd.s32 s3, s5;
	[dreg:$0x0] =	wrdreg $0x0  }
0xa8: {  	s5 =	sshll.u32 s28, $0x1;
	[dreg:$0x2] =	wrdreg s3  }
0xa9: {  	[dreg:$0x3] =	wrdreg s5  }
0xaa: {  	[dreg:$0x4] =	wrdreg $0xC0  }
0xab: {  	_ =	task [dreg:s7], $0x5FFFF  }
0xac: {  	[dreg:$0x1] =	wrdreg $0xFFFFFFFF  }
0xad: {  	[dreg:$0x0] =	wrdreg $0x60  }
0xae: {  	[dreg:$0x2] =	wrdreg s24  }
0xaf: {  	[dreg:$0x3] =	wrdreg s2  }
0xb0: {  	[dreg:$0x4] =	wrdreg $0x9  }
0xb1: {  	_ =	task.clear_ibuf [dreg:s7], $0x5FFFF;
	_ =	strace $0x90000046  }
0xb2: {  	s29 =	simm.s32 $0x9;
	_ =	strace $0x80000048  }
0xb3: {  	_ =	swait.ge [sflag:s29], $0x1  }
0xb4: {  	[sflag:s29] =	ssyncadd.s32 $0xFFFFFFFF  }
0xb5: {  	_ =	strace $0x90000048  }
0xb6: {  	_ =	sfence  }
0xb7: {  	s30 =	sld [smem:$0x0];
	_ =	sdelay $0x2  }
0xb8: {  	s31 =	sshll.u32 s1, $0xD;
	s1 =	sshrl.u32 s1, $0x2  }
0xb9: {  	s3 =	sand.u32 $0x4000, s31;
	s1 =	sadd.s32 s1, s30  }
0xba: {  	s0 =	sor.u32 s3, s0;
	s1 =	sshll.u32 s1, $0x11  }
0xbb: {  	s0 =	sor.u32 s1, s0  }
0xbc: {  	s0 =	sadd.s32 $0x8F2B, s0  }
0xbd: {  	[sflag:s0] =	ssyncadd.remote.s32 $0x1  }
0xbe: {  	_ =	sfence.sel $0xFFFF  }
0xbf: {  	[dreg:$0x0] =	wrdreg $0xFFFFFFFF;
	(pc) =	sbr.abs _section_cstart, $3  }
0xc0: {  	[dreg:$0x1] =	wrdreg $0xFFFFFFFF  }
0xc1: {  	_ =	task.clear_ibuf [dreg:s7], $0x2FFFF;
	_ =	strace $0x9FFFFFFF  }
0xc2: {  	(tm) =	ssettm $0x7FFFFFFF  }
0xc3: {  	_ =	shalt  }
tec
execute0_lowered:
.L_overlay_start_1:
0x0: {  	(tag) =	ssettag $0x1  }
0x1: {  	s5 =	rddreg [dreg:$0x0];
	s1 =	srdreg.scid  }
0x2: {  	s0 =	stileid.u32;
	s6 =	rddreg [dreg:$0x1]  }
0x3: {  	s2 =	simm.s32 $0x0;
	s12 =	simm.s32 $0x104A0;
	s13 =	simm.s32 $0x1  }
0x4: {  	s14 =	simm.s32 $0x2;
	s15 =	simm.s32 $0x3;
	s16 =	simm.s32 $0x0  }
0x5: {  	s7 =	sand.u32 $0x1, s1;
	s3 =	sshll.u32 s0, $0x1;
	s1 =	rddreg [dreg:$0x2]  }
0x6: {  	vm0 =	vmmov $0xffff;
	vm1 =	vmmov $0xff;
	v0 =	vimm.f32 $1.000000000e+00;
	[smem:$0x7FF] =	sst s2;
	s4 =	sadd.s32 $0x400, s5;
	s8 =	sor.u32 s7, s3  }
0x7: {  	vm2 =	vmmov $0x1;
	vm6 =	vcmask $0x70C;
	vm7 =	vcmask $0xB10;
	_ =	strace $0x80000047;
	s7 =	ssub.s32 $0x2, s7;
	s9 =	smul.u32 $0x620, s8  }
0x8: {  	vm8 =	vcmask $0xF14;
	vm5 =	vmmov $0x7fff;
	v1 =	vimm.s32 $0x0;
	s3 =	sadd.s32 $0x1800, s5;
	s11 =	sshrl.u32 s7, $0x1;
	s8 =	smul.u32 $0x62000, s8  }
0x9: {  	vm9 =	vcmask $0x1318;
	vm10 =	vcmask $0x171C;
	v1 =	vsel vm5, $0xFFFFFFFF, v1;
	s7 =	ssub.s32 s7, s11;
	s11 =	simm.s32 $0xF4A0;
	s10 =	sadd.s32 s9, s5  }
0xa: {  	vm11 =	vcmask $0x1B20;
	vm12 =	vcmask $0x1F24;
	[tilespmem:$0x1FFE0] =	vst v1;
	v1 =	vimm.s32 $0x0;
	s5 =	sadd.s32 $0x6F800, s5;
	s6 =	sadd.s32 s6, s9;
	[dreg:$0x3] =	wrdreg s8  }
0xb: {  	vm13 =	vcmask $0x2328;
	vm14 =	vcmask $0x272C;
	v1 =	vsel vm0, $0xFFFFFFFF, v1;
	s7 =	smax.u32 s7, $0x1;
	s8 =	simm.s32 $0x4;
	s9 =	simm.s32 $0x92A0  }
0xc: {  	vm15 =	vcmask $0x2B30;
	vm3 =	vcmask $0x2F34;
	vm4 =	vcmask $0x3338;
	[tilespmem:$0x1FFF0] =	vst v1;
	[dreg:$0x4] =	wrdreg s5;
	s5 =	sadd.s32 $0x63400, s10;
	s10 =	simm.s32 $0xC3A0  }
.LBB2_1:
0xd: {  	[tilespmem:s2], [sflag:$0x4] =	stream.linear.gather [hbm4b:s4+s2], $0x92A0, $0x38;
	[tilespmem:$0x134A0] =	vst v63  }
0xe: {  	_ =	swait.ge [sflag:s8], $0x92A0  }
0xf: {  	[sflag:s8] =	ssyncset.done $0x0  }
0x10: {  	[sflag:s8] =	ssyncadd.s32 $0xFFFF6D60  }
0x11: {  	[tilespmem:s9], [sflag:$0x4] =	stream.linear.gather [hbm4b:s5+s2], $0x3100, $0x38;
	[tilespmem:$0x134A0] =	vst v63  }
0x12: {  	_ =	swait.ge [sflag:s8], $0x3100  }
0x13: {  	[sflag:s8] =	ssyncset.done $0x0  }
0x14: {  	[sflag:s8] =	ssyncadd.s32 $0xFFFFCF00  }
0x15: {  	[tilespmem:s10], [sflag:$0x4] =	stream.linear.gather [hbm4b:s6+s2], $0x3100, $0x38;
	[tilespmem:$0x134A0] =	vst v63  }
0x16: {  	_ =	swait.ge [sflag:s8], $0x3100  }
0x17: {  	[sflag:s8] =	ssyncset.done $0x0  }
0x18: {  	[sflag:s8] =	ssyncadd.s32 $0xFFFFCF00  }
0x19: {  	v1 =	vld [tilespmem:$0xC3A0];
	_ =	sdelay $0x7  }
0x1a: {  	[tilespmem:s11], [sflag:$0x1] =	stream.indirect_vreg.gather [hbm4b:s3+s2], $0x100, v1, vm0, $0xb8;
	[tilespmem:$0x134A0] =	vst v63  }
0x1b: {  	v1 =	vld [tilespmem:$0xC3B0];
	_ =	sdelay $0x5  }
0x1c: {  	s17 =	simm.s32 $0xC3B0;
	s18 =	simm.s32 $0x0  }
0x1d: {  	s19 =	simm.s32 $0x0;
	s20 =	simm.s32 $0x0;
	s21 =	simm.s32 $0x0  }
0x1e: {  	[tilespmem:s12], [sflag:$0x2] =	stream.indirect_vreg.gather [hbm4b:s3+s2], $0x100, v1, vm0, $0xb8;
	[tilespmem:$0x134A0] =	vst v63  }
.LBB2_2:
0x1f: {  	s22 =	sand.u32 $0x7, s21;
	p0 =	slt.u32 s21, $0x8  }
0x20: {  	p1 =	sne.s32 @!p0 s22, $0x0  }
0x21: {  	p0 =	por p1, p0  }
0x22: {  	s23 =	simm.s32 @!p0 $0x3  }
0x23: {  	_ =	swait.ge @!p0 [sflag:s23], $0x2000  }
0x24: {  	[sflag:s23] =	ssyncset.done @!p0 $0x0  }
0x25: {  	[sflag:s23] =	ssyncadd.s32 @!p0 $0xFFFFE000  }
0x26: {  	_ =	swait.ge [sflag:s13], $0x1000  }
0x27: {  	[sflag:s13] =	ssyncset.done $0x0  }
0x28: {  	s29 =	sadd.s32 $0x1, s19;
	[sflag:s13] =	ssyncadd.s32 $0xFFFFF000  }
0x29: {  	v2 =	vmov s29;
	v1 =	vld [tilespmem:s17+$0xFFFFFFF0]  }
0x2a: {  	v2 =	vsel vm1, s19, v2  }
0x2b: {  	v2 =	vshll.u32 v2, $0x3  }
0x2c: {  	v4 =	vor.u32 $0x1, v2;
	_ =	sdelay $0x1  }
0x2d: {  	v3 =	vadd.s32 $0x30E0, v1  }
0x2e: {  	v7 =	vor.u32 $0x2, v2  }
0x2f: {  	v2 =	vld.idx.msk [tilespmem:v2+s9+$0x0], $0xffff;
	v5 =	vadd.s32 $0x61C0, v1  }
0x30: {  	v4 =	vld.idx.msk [tilespmem:v4+s9+$0x0], $0xffff  }
0x31: {  	v6 =	vld.idx.msk [tilespmem:v1+s2+$0x0], $0xffff  }
0x32: {  	v3 =	vld.idx.msk [tilespmem:v3+s2+$0x0], $0xffff  }
0x33: {  	v7 =	vld.idx.msk [tilespmem:v7+s9+$0x0], $0xffff  }
0x34: {  	v5 =	vld.idx.msk [tilespmem:v5+s2+$0x0], $0xffff;
	_ =	sdelay $0x2  }
0x35: {  	v2 =	vsub.f32 v2, v6;
	v3 =	vsub.f32 v4, v3;
	_ =	sdelay $0x1  }
0x36: {  	v45 =	vsub.f32 v7, v5;
	v2 =	vmul.f32 v2, v2;
	v3 =	vmul.f32 v3, v3;
	_ =	sdelay $0x1  }
0x37: {  	v2 =	vadd.f32 v3, v2;
	v3 =	vmul.f32 v45, v45;
	_ =	sdelay $0x1  }
0x38: {  	v2 =	vadd.f32 v3, v2;
	_ =	sdelay $0x1  }
0x39: {  	v2 =	vadd.f32 $9.999999930e-09, v2;
	_ =	sdelay $0x1  }
0x3a: {  	(erf) = vrcp.f32 v2;
	_ =	sdelay $0x7  }
0x3b: {  	vm5 =	veq.s32 v1, $0x30D4  }
0x3c: {  	v1 =	vsel vm5, $0x0, v0;
	v2 =	vpop (erf)  }
0x3d: {  	v1 =	vmul.f32 v2, v1;
	_ =	sdelay $0x1  }
0x3e: {  	v2 =	vnsel vm1, $0x0, v1  }
0x3f: {  	(xrf2) =	vadd.scan.msk.f32 $0xffff, v2  }
0x40: {  	(xrf2) =	vadd.scan.msk.f32 $0xffff, v1;
	_ =	sdelay $0x8  }
0x41: {  	v2, _, _ =	vpop (xrf2)  }
0x42: {  	(v2sf) =	vpush v2, $0xF;
	v3, _, _ =	vpop (xrf2)  }
0x43: {  	(v2sf) =	vpush v3, $0xF;
	_ =	sdelay $0xd  }
0x44: {  	s30 =	spop (v2sf)  }
0x45: {  	s24 =	spop (v2sf)  }
0x46: {  	v2 =	vbroadcast v2, $0xF;
	s23 =	ssub.f32 s24, s30;
	_ =	sdelay $0x1  }
0x47: {  	v2 =	vnsel vm1, s23, v2  }
0x48: {  	v2 =	vadd.f32 $9.999999930e-09, v2;
	_ =	sdelay $0x1  }
0x49: {  	(erf) = vrcp.f32 v2;
	_ =	sdelay $0x6  }
0x4a: {  	vm0 =	vmmov vm4  }
0x4b: {  	vm4 =	vmmov vm2;
	vm2 =	vmmov vm3;
	vm3 =	vmmov vm15  }
0x4c: {  	vm15 =	vmmov vm14;
	vm14 =	vmmov vm13;
	vm13 =	vmmov vm12;
	v2 =	vpop (erf)  }
0x4d: {  	vm12 =	vmmov vm11;
	vm11 =	vmmov vm10;
	v46 =	vmul.f32 v2, v1  }
0x4e: {  	vm10 =	vmmov vm9;
	vm9 =	vmmov vm8;
	vm8 =	vmmov vm7  }
0x4f: {  	vm7 =	vmmov vm6;
	vm6 =	vcmask $0x308;
	v1 =	vnsel vm4, $0x0, v46  }
0x50: {  	(xrf2) =	vadd.scan.msk.f32 $0xffff, v1;
	v1 =	vsel vm6, $0x0, v46  }
0x51: {  	(xrf2) =	vadd.scan.msk.f32 $0xffff, v1;
	v1 =	vsel vm7, $0x0, v46  }
0x52: {  	(xrf2) =	vadd.scan.msk.f32 $0xffff, v1;
	v1 =	vsel vm8, $0x0, v46  }
0x53: {  	(xrf2) =	vadd.scan.msk.f32 $0xffff, v1;
	v1 =	vsel vm9, $0x0, v46  }
0x54: {  	(xrf2) =	vadd.scan.msk.f32 $0xffff, v1;
	v1 =	vsel vm10, $0x0, v46  }
0x55: {  	(xrf2) =	vadd.scan.msk.f32 $0xffff, v1;
	v1 =	vsel vm11, $0x0, v46  }
0x56: {  	(xrf2) =	vadd.scan.msk.f32 $0xffff, v1;
	v1 =	vsel vm12, $0x0, v46  }
0x57: {  	(xrf2) =	vadd.scan.msk.f32 $0xffff, v1;
	v1 =	vsel vm13, $0x0, v46  }
0x58: {  	(xrf2) =	vadd.scan.msk.f32 $0xffff, v1  }
0x59: {  	v1 =	vsel vm14, $0x0, v46  }
0x5a: {  	v2, _, _ =	vpop (xrf2);
	(xrf2) =	vadd.scan.msk.f32 $0xffff, v1  }
0x5b: {  	v1 =	vsel vm15, $0x0, v46;
	v3, _, _ =	vpop (xrf2)  }
0x5c: {  	v47, _, _ =	vpop (xrf2);
	(xrf2) =	vadd.scan.msk.f32 $0xffff, v1  }
0x5d: {  	v1 =	vsel vm3, $0x0, v46;
	v48, _, _ =	vpop (xrf2)  }
0x5e: {  	v52 =	vld [tilespmem:$0x1FFE0];
	(xrf2) =	vadd.scan.msk.f32 $0xffff, v1;
	v9, _, _ =	vpop (xrf2)  }
0x5f: {  	v49 =	vld [tilespmem:$0xF4A0];
	v1 =	vsel vm2, $0x0, v46;
	v11, _, _ =	vpop (xrf2)  }
0x60: {  	v10 =	vld [tilespmem:$0xF5A0];
	(xrf2) =	vadd.scan.msk.f32 $0xffff, v1;
	v13, _, _ =	vpop (xrf2)  }
0x61: {  	v8 =	vld [tilespmem:$0xFCA0];
	v1 =	vsel vm0, $0x0, v46;
	v15, _, _ =	vpop (xrf2)  }
0x62: {  	v14 =	vld [tilespmem:$0xFDA0];
	vm5 =	vcmask $0x373C;
	v12, _, _ =	vpop (xrf2);
	(xrf2) =	vadd.scan.msk.f32 $0xffff, v1  }
0x63: {  	v50 =	vld [tilespmem:$0xF6A0];
	v16 =	vsel vm5, $0x0, v46;
	v3 =	vbroadcast v3, $0xF;
	v5 =	vbroadcast v47, $0xF  }
0x64: {  	v18 =	vld [tilespmem:$0xFEA0];
	vm5 =	vnez.u8 v52;
	v1 =	vbroadcast v2, $0xF;
	v2 =	vbroadcast v12, $0xF;
	(xrf2) =	vadd.scan.msk.f32 $0xffff, v16;
	v17, _, _ =	vpop (xrf2)  }
0x65: {  	v53 =	vld [tilespmem:$0xF7A0];
	v6 =	vsel vm5, $0x0, v46;
	v10 =	vmul.f32 v3, v10;
	v4 =	vbroadcast v17, $0xF  }
0x66: {  	v20 =	vld [tilespmem:$0xFFA0];
	v51 =	vmul.f32 v1, v49;
	(xrf2) =	vadd.scan.msk.f32 $0xffff, v6;
	v8 =	vmul.f32 v2, v8;
	v19, _, _ =	vpop (xrf2)  }
0x67: {  	v54 =	vld [tilespmem:$0xF8A0];
	v14 =	vmul.f32 v4, v14;
	v6 =	vbroadcast v19, $0xF  }
0x68: {  	v55 =	vld [tilespmem:$0x100A0];
	v7 =	vbroadcast v48, $0xF;
	v12 =	vmul.f32 v5, v50;
	v10 =	vadd.f32 v10, v51;
	v21, _, _ =	vpop (xrf2)  }
0x69: {  	v56 =	vld [tilespmem:$0xF9A0];
	v14 =	vadd.f32 v14, v8;
	v18 =	vmul.f32 v6, v18;
	v8 =	vbroadcast v21, $0xF  }
0x6a: {  	v23 =	vld [tilespmem:$0x101A0];
	v9 =	vbroadcast v9, $0xF;
	v17 =	vmul.f32 v7, v53;
	v22, _, _ =	vpop (xrf2);
	v12 =	vadd.f32 v10, v12  }
0x6b: {  	v58 =	vld [tilespmem:$0xFAA0];
	v10 =	vbroadcast v22, $0xF;
	v14 =	vadd.f32 v14, v18;
	v57 =	vmul.f32 v8, v20  }
0x6c: {  	v24 =	vld [tilespmem:$0x102A0];
	v11 =	vbroadcast v11, $0xF;
	v19 =	vmul.f32 v9, v54;
	v17 =	vadd.f32 v12, v17;
	v59, _, _ =	vpop (xrf2)  }
0x6d: {  	v60 =	vld [tilespmem:$0xFBA0];
	v16 =	vmul.f32 v10, v55;
	v14 =	vadd.f32 v14, v57;
	v12 =	vbroadcast v59, $0xF  }
0x6e: {  	v63 =	vld [tilespmem:$0x103A0];
	v13 =	vbroadcast v13, $0xF;
	v62 =	vmul.f32 v11, v56;
	v17 =	vadd.f32 v17, v19;
	v61, _, _ =	vpop (xrf2)  }
0x6f: {  	v16 =	vadd.f32 v14, v16;
	v23 =	vmul.f32 v12, v23;
	v14 =	vbroadcast v61, $0xF  }
0x70: {  	v15 =	vbroadcast v15, $0xF;
	v26 =	vmul.f32 v13, v58;
	v25, _, _ =	vpop (xrf2);
	v17 =	vadd.f32 v17, v62  }
0x71: {  	v27 =	vadd.f32 v16, v23;
	v28 =	vmul.f32 v14, v24;
	v16 =	vbroadcast v25, $0xF  }
0x72: {  	v18 =	vmul.f32 v15, v60;
	v17 =	vadd.f32 v17, v26  }
0x73: {  	v29 =	vadd.f32 v27, v28;
	v30 =	vmul.f32 v16, v63  }
0x74: {  	v17 =	vadd.f32 v17, v18  }
0x75: {  	s31 =	sshll.u32 s22, $0xA;
	v31 =	vadd.f32 v29, v30  }
0x76: {  	[tilespmem:s31+$0x114A0] =	vst v17  }
0x77: {  	[tilespmem:s31+$0x115A0] =	vst v31  }
0x78: {  	v17 =	vld [tilespmem:$0xF4B0]  }
0x79: {  	v18 =	vld [tilespmem:$0xFCB0]  }
0x7a: {  	v32 =	vld [tilespmem:$0xF5B0]  }
0x7b: {  	v33 =	vld [tilespmem:$0xFDB0]  }
0x7c: {  	v34 =	vld [tilespmem:$0xF6B0]  }
0x7d: {  	v35 =	vld [tilespmem:$0xFEB0]  }
0x7e: {  	v36 =	vld [tilespmem:$0xF7B0]  }
0x7f: {  	v37 =	vld [tilespmem:$0xFFB0];
	v17 =	vmul.f32 v1, v17;
	v19 =	vmul.f32 v3, v32  }
0x80: {  	v25 =	vld [tilespmem:$0xF8B0];
	v18 =	vmul.f32 v2, v18;
	v20 =	vmul.f32 v33, v4  }
0x81: {  	v39 =	vld [tilespmem:$0x100B0];
	v38 =	vmul.f32 v34, v5;
	v17 =	vadd.f32 v19, v17  }
0x82: {  	v41 =	vld [tilespmem:$0xF9B0];
	v40 =	vmul.f32 v35, v6;
	v18 =	vadd.f32 v20, v18  }
0x83: {  	v43 =	vld [tilespmem:$0x101B0];
	v42 =	vmul.f32 v36, v7;
	v17 =	vadd.f32 v38, v17  }
0x84: {  	v45 =	vld [tilespmem:$0xFAB0];
	v44 =	vmul.f32 v37, v8;
	v18 =	vadd.f32 v40, v18  }
0x85: {  	v47 =	vld [tilespmem:$0x102B0];
	v46 =	vmul.f32 v25, v9;
	v17 =	vadd.f32 v42, v17  }
0x86: {  	v49 =	vld [tilespmem:$0xFBB0];
	v48 =	vmul.f32 v39, v10;
	v18 =	vadd.f32 v44, v18  }
0x87: {  	v51 =	vld [tilespmem:$0x103B0];
	v50 =	vmul.f32 v41, v11;
	v17 =	vadd.f32 v46, v17  }
0x88: {  	v52 =	vmul.f32 v43, v12;
	v18 =	vadd.f32 v48, v18  }
0x89: {  	v53 =	vmul.f32 v45, v13;
	v17 =	vadd.f32 v50, v17  }
0x8a: {  	v54 =	vmul.f32 v47, v14;
	v18 =	vadd.f32 v52, v18  }
0x8b: {  	v55 =	vmul.f32 v49, v15;
	v17 =	vadd.f32 v53, v17  }
0x8c: {  	v56 =	vmul.f32 v51, v16;
	v18 =	vadd.f32 v54, v18  }
0x8d: {  	v17 =	vadd.f32 v55, v17  }
0x8e: {  	v18 =	vadd.f32 v56, v18  }
0x8f: {  	[tilespmem:s31+$0x114B0] =	vst v17  }
0x90: {  	[tilespmem:s31+$0x115B0] =	vst v18  }
0x91: {  	v17 =	vld [tilespmem:$0xF4C0]  }
0x92: {  	v18 =	vld [tilespmem:$0xFCC0]  }
0x93: {  	v57 =	vld [tilespmem:$0xF5C0]  }
0x94: {  	v58 =	vld [tilespmem:$0xFDC0]  }
0x95: {  	v59 =	vld [tilespmem:$0xF6C0]  }
0x96: {  	v60 =	vld [tilespmem:$0xFEC0]  }
0x97: {  	v61 =	vld [tilespmem:$0xF7C0]  }
0x98: {  	v62 =	vld [tilespmem:$0xFFC0];
	v17 =	vmul.f32 v17, v1;
	v19 =	vmul.f32 v57, v3  }
0x99: {  	v63 =	vld [tilespmem:$0xF8C0];
	v18 =	vmul.f32 v18, v2;
	v20 =	vmul.f32 v58, v4  }
0x9a: {  	v29 =	vld [tilespmem:$0x100C0];
	v28 =	vmul.f32 v59, v5;
	v17 =	vadd.f32 v19, v17  }
0x9b: {  	v31 =	vld [tilespmem:$0xF9C0];
	v30 =	vmul.f32 v60, v6;
	v18 =	vadd.f32 v20, v18  }
0x9c: {  	v33 =	vld [tilespmem:$0x101C0];
	v32 =	vmul.f32 v61, v7;
	v17 =	vadd.f32 v28, v17  }
0x9d: {  	v35 =	vld [tilespmem:$0xFAC0];
	v34 =	vmul.f32 v62, v8;
	v18 =	vadd.f32 v30, v18  }
0x9e: {  	v37 =	vld [tilespmem:$0x102C0];
	v36 =	vmul.f32 v63, v9;
	v17 =	vadd.f32 v32, v17  }
0x9f: {  	v39 =	vld [tilespmem:$0xFBC0];
	v38 =	vmul.f32 v29, v10;
	v18 =	vadd.f32 v34, v18  }
0xa0: {  	v41 =	vld [tilespmem:$0x103C0];
	v40 =	vmul.f32 v31, v11;
	v17 =	vadd.f32 v36, v17  }
0xa1: {  	v42 =	vmul.f32 v33, v12;
	v18 =	vadd.f32 v38, v18  }
0xa2: {  	v43 =	vmul.f32 v35, v13;
	v17 =	vadd.f32 v40, v17  }
0xa3: {  	v44 =	vmul.f32 v37, v14;
	v18 =	vadd.f32 v42, v18  }
0xa4: {  	v45 =	vmul.f32 v39, v15;
	v17 =	vadd.f32 v43, v17  }
0xa5: {  	v46 =	vmul.f32 v41, v16;
	v18 =	vadd.f32 v44, v18  }
0xa6: {  	v17 =	vadd.f32 v45, v17  }
0xa7: {  	v18 =	vadd.f32 v46, v18  }
0xa8: {  	[tilespmem:s31+$0x114C0] =	vst v17  }
0xa9: {  	[tilespmem:s31+$0x115C0] =	vst v18  }
0xaa: {  	v17 =	vld [tilespmem:$0xF4D0]  }
0xab: {  	v18 =	vld [tilespmem:$0xFCD0]  }
0xac: {  	v47 =	vld [tilespmem:$0xF5D0]  }
0xad: {  	v48 =	vld [tilespmem:$0xFDD0]  }
0xae: {  	v49 =	vld [tilespmem:$0xF6D0]  }
0xaf: {  	v50 =	vld [tilespmem:$0xFED0]  }
0xb0: {  	v51 =	vld [tilespmem:$0xF7D0]  }
0xb1: {  	v52 =	vld [tilespmem:$0xFFD0];
	v17 =	vmul.f32 v17, v1;
	v19 =	vmul.f32 v47, v3  }
0xb2: {  	v53 =	vld [tilespmem:$0xF8D0];
	v18 =	vmul.f32 v18, v2;
	v20 =	vmul.f32 v48, v4  }
0xb3: {  	v55 =	vld [tilespmem:$0x100D0];
	v54 =	vmul.f32 v49, v5;
	v17 =	vadd.f32 v19, v17  }
0xb4: {  	v57 =	vld [tilespmem:$0xF9D0];
	v56 =	vmul.f32 v50, v6;
	v18 =	vadd.f32 v20, v18  }
0xb5: {  	v59 =	vld [tilespmem:$0x101D0];
	v58 =	vmul.f32 v51, v7;
	v17 =	vadd.f32 v54, v17  }
0xb6: {  	v61 =	vld [tilespmem:$0xFAD0];
	v60 =	vmul.f32 v52, v8;
	v18 =	vadd.f32 v56, v18  }
0xb7: {  	v63 =	vld [tilespmem:$0x102D0];
	v62 =	vmul.f32 v53, v9;
	v17 =	vadd.f32 v58, v17  }
0xb8: {  	v28 =	vld [tilespmem:$0xFBD0];
	v27 =	vmul.f32 v55, v10;
	v18 =	vadd.f32 v60, v18  }
0xb9: {  	v30 =	vld [tilespmem:$0x103D0];
	v29 =	vmul.f32 v57, v11;
	v17 =	vadd.f32 v62, v17  }
0xba: {  	v31 =	vmul.f32 v59, v12;
	v18 =	vadd.f32 v27, v18  }
0xbb: {  	v32 =	vmul.f32 v61, v13;
	v17 =	vadd.f32 v29, v17  }
0xbc: {  	v33 =	vmul.f32 v63, v14;
	v18 =	vadd.f32 v31, v18  }
0xbd: {  	v34 =	vmul.f32 v28, v15;
	v17 =	vadd.f32 v32, v17  }
0xbe: {  	v35 =	vmul.f32 v30, v16;
	v18 =	vadd.f32 v33, v18  }
0xbf: {  	v17 =	vadd.f32 v34, v17  }
0xc0: {  	v18 =	vadd.f32 v35, v18  }
0xc1: {  	[tilespmem:s31+$0x114D0] =	vst v17  }
0xc2: {  	[tilespmem:s31+$0x115D0] =	vst v18  }
0xc3: {  	v17 =	vld [tilespmem:$0xF4E0]  }
0xc4: {  	v18 =	vld [tilespmem:$0xFCE0]  }
0xc5: {  	v36 =	vld [tilespmem:$0xF5E0]  }
0xc6: {  	v37 =	vld [tilespmem:$0xFDE0]  }
0xc7: {  	v38 =	vld [tilespmem:$0xF6E0]  }
0xc8: {  	v39 =	vld [tilespmem:$0xFEE0]  }
0xc9: {  	v40 =	vld [tilespmem:$0xF7E0]  }
0xca: {  	v41 =	vld [tilespmem:$0xFFE0];
	v17 =	vmul.f32 v17, v1;
	v19 =	vmul.f32 v36, v3  }
0xcb: {  	v42 =	vld [tilespmem:$0xF8E0];
	v18 =	vmul.f32 v18, v2;
	v20 =	vmul.f32 v37, v4  }
0xcc: {  	v44 =	vld [tilespmem:$0x100E0];
	v43 =	vmul.f32 v38, v5;
	v17 =	vadd.f32 v19, v17  }
0xcd: {  	v46 =	vld [tilespmem:$0xF9E0];
	v45 =	vmul.f32 v39, v6;
	v18 =	vadd.f32 v20, v18  }
0xce: {  	v48 =	vld [tilespmem:$0x101E0];
	v47 =	vmul.f32 v40, v7;
	v17 =	vadd.f32 v43, v17  }
0xcf: {  	v50 =	vld [tilespmem:$0xFAE0];
	v49 =	vmul.f32 v41, v8;
	v18 =	vadd.f32 v45, v18  }
0xd0: {  	v52 =	vld [tilespmem:$0x102E0];
	v51 =	vmul.f32 v42, v9;
	v17 =	vadd.f32 v47, v17  }
0xd1: {  	v54 =	vld [tilespmem:$0xFBE0];
	v53 =	vmul.f32 v44, v10;
	v18 =	vadd.f32 v49, v18  }
0xd2: {  	v56 =	vld [tilespmem:$0x103E0];
	v55 =	vmul.f32 v46, v11;
	v17 =	vadd.f32 v51, v17  }
0xd3: {  	v57 =	vmul.f32 v48, v12;
	v18 =	vadd.f32 v53, v18  }
0xd4: {  	v58 =	vmul.f32 v50, v13;
	v17 =	vadd.f32 v55, v17  }
0xd5: {  	v59 =	vmul.f32 v52, v14;
	v18 =	vadd.f32 v57, v18  }
0xd6: {  	v60 =	vmul.f32 v54, v15;
	v17 =	vadd.f32 v58, v17  }
0xd7: {  	v61 =	vmul.f32 v56, v16;
	v18 =	vadd.f32 v59, v18  }
0xd8: {  	v17 =	vadd.f32 v60, v17  }
0xd9: {  	v18 =	vadd.f32 v61, v18  }
0xda: {  	[tilespmem:s31+$0x114E0] =	vst v17  }
0xdb: {  	[tilespmem:s31+$0x115E0] =	vst v18  }
0xdc: {  	v17 =	vld [tilespmem:$0xF4F0]  }
0xdd: {  	v18 =	vld [tilespmem:$0xFCF0]  }
0xde: {  	v62 =	vld [tilespmem:$0xF5F0]  }
0xdf: {  	v63 =	vld [tilespmem:$0xFDF0]  }
0xe0: {  	v28 =	vld [tilespmem:$0xF6F0]  }
0xe1: {  	v29 =	vld [tilespmem:$0xFEF0]  }
0xe2: {  	v30 =	vld [tilespmem:$0xF7F0]  }
0xe3: {  	v31 =	vld [tilespmem:$0xFFF0];
	v17 =	vmul.f32 v17, v1;
	v19 =	vmul.f32 v62, v3  }
0xe4: {  	v32 =	vld [tilespmem:$0xF8F0];
	v18 =	vmul.f32 v18, v2;
	v20 =	vmul.f32 v63, v4  }
0xe5: {  	v34 =	vld [tilespmem:$0x100F0];
	v33 =	vmul.f32 v28, v5;
	v17 =	vadd.f32 v19, v17  }
0xe6: {  	v36 =	vld [tilespmem:$0xF9F0];
	v35 =	vmul.f32 v29, v6;
	v18 =	vadd.f32 v20, v18  }
0xe7: {  	v38 =	vld [tilespmem:$0x101F0];
	v37 =	vmul.f32 v30, v7;
	v17 =	vadd.f32 v33, v17  }
0xe8: {  	v40 =	vld [tilespmem:$0xFAF0];
	v39 =	vmul.f32 v31, v8;
	v18 =	vadd.f32 v35, v18  }
0xe9: {  	v42 =	vld [tilespmem:$0x102F0];
	v41 =	vmul.f32 v32, v9;
	v17 =	vadd.f32 v37, v17  }
0xea: {  	v44 =	vld [tilespmem:$0xFBF0];
	v43 =	vmul.f32 v34, v10;
	v18 =	vadd.f32 v39, v18  }
0xeb: {  	v46 =	vld [tilespmem:$0x103F0];
	v45 =	vmul.f32 v36, v11;
	v17 =	vadd.f32 v41, v17  }
0xec: {  	v47 =	vmul.f32 v38, v12;
	v18 =	vadd.f32 v43, v18  }
0xed: {  	v48 =	vmul.f32 v40, v13;
	v17 =	vadd.f32 v45, v17  }
0xee: {  	v49 =	vmul.f32 v42, v14;
	v18 =	vadd.f32 v47, v18  }
0xef: {  	v50 =	vmul.f32 v44, v15;
	v17 =	vadd.f32 v48, v17  }
0xf0: {  	v51 =	vmul.f32 v46, v16;
	v18 =	vadd.f32 v49, v18  }
0xf1: {  	v17 =	vadd.f32 v50, v17  }
0xf2: {  	v18 =	vadd.f32 v51, v18  }
0xf3: {  	[tilespmem:s31+$0x114F0] =	vst v17  }
0xf4: {  	[tilespmem:s31+$0x115F0] =	vst v18  }
0xf5: {  	v17 =	vld [tilespmem:$0xF500]  }
0xf6: {  	v18 =	vld [tilespmem:$0xFD00]  }
0xf7: {  	v52 =	vld [tilespmem:$0xF600]  }
0xf8: {  	v53 =	vld [tilespmem:$0xFE00]  }
0xf9: {  	v54 =	vld [tilespmem:$0xF700]  }
0xfa: {  	v55 =	vld [tilespmem:$0xFF00]  }
0xfb: {  	v56 =	vld [tilespmem:$0xF800]  }
0xfc: {  	v57 =	vld [tilespmem:$0x10000];
	v17 =	vmul.f32 v17, v1;
	v19 =	vmul.f32 v52, v3  }
0xfd: {  	v58 =	vld [tilespmem:$0xF900];
	v18 =	vmul.f32 v18, v2;
	v20 =	vmul.f32 v53, v4  }
0xfe: {  	v60 =	vld [tilespmem:$0x10100];
	v59 =	vmul.f32 v54, v5;
	v17 =	vadd.f32 v19, v17  }
0xff: {  	v62 =	vld [tilespmem:$0xFA00];
	v61 =	vmul.f32 v55, v6;
	v18 =	vadd.f32 v20, v18  }
0x100: {  	v28 =	vld [tilespmem:$0x10200];
	v63 =	vmul.f32 v56, v7;
	v17 =	vadd.f32 v59, v17  }
0x101: {  	v30 =	vld [tilespmem:$0xFB00];
	v29 =	vmul.f32 v57, v8;
	v18 =	vadd.f32 v61, v18  }
0x102: {  	v32 =	vld [tilespmem:$0x10300];
	v31 =	vmul.f32 v58, v9;
	v17 =	vadd.f32 v63, v17  }
0x103: {  	v34 =	vld [tilespmem:$0xFC00];
	v33 =	vmul.f32 v60, v10;
	v18 =	vadd.f32 v29, v18  }
0x104: {  	v36 =	vld [tilespmem:$0x10400];
	v35 =	vmul.f32 v62, v11;
	v17 =	vadd.f32 v31, v17  }
0x105: {  	v37 =	vmul.f32 v28, v12;
	v18 =	vadd.f32 v33, v18  }
0x106: {  	v38 =	vmul.f32 v30, v13;
	v17 =	vadd.f32 v35, v17  }
0x107: {  	v39 =	vmul.f32 v32, v14;
	v18 =	vadd.f32 v37, v18  }
0x108: {  	v40 =	vmul.f32 v34, v15;
	v17 =	vadd.f32 v38, v17  }
0x109: {  	v41 =	vmul.f32 v36, v16;
	v18 =	vadd.f32 v39, v18  }
0x10a: {  	v17 =	vadd.f32 v40, v17  }
0x10b: {  	v18 =	vadd.f32 v41, v18  }
0x10c: {  	[tilespmem:s31+$0x11500] =	vst v17  }
0x10d: {  	[tilespmem:s31+$0x11600] =	vst v18  }
0x10e: {  	v17 =	vld [tilespmem:$0xF510]  }
0x10f: {  	v18 =	vld [tilespmem:$0xFD10]  }
0x110: {  	v42 =	vld [tilespmem:$0xF610]  }
0x111: {  	v43 =	vld [tilespmem:$0xFE10]  }
0x112: {  	v44 =	vld [tilespmem:$0xF710]  }
0x113: {  	v45 =	vld [tilespmem:$0xFF10]  }
0x114: {  	v46 =	vld [tilespmem:$0xF810]  }
0x115: {  	v47 =	vld [tilespmem:$0x10010];
	v17 =	vmul.f32 v17, v1;
	v19 =	vmul.f32 v42, v3  }
0x116: {  	v48 =	vld [tilespmem:$0xF910];
	v18 =	vmul.f32 v18, v2;
	v20 =	vmul.f32 v43, v4  }
0x117: {  	v50 =	vld [tilespmem:$0x10110];
	v49 =	vmul.f32 v44, v5;
	v17 =	vadd.f32 v19, v17  }
0x118: {  	v52 =	vld [tilespmem:$0xFA10];
	v51 =	vmul.f32 v45, v6;
	v18 =	vadd.f32 v20, v18  }
0x119: {  	v54 =	vld [tilespmem:$0x10210];
	v53 =	vmul.f32 v46, v7;
	v17 =	vadd.f32 v49, v17  }
0x11a: {  	v56 =	vld [tilespmem:$0xFB10];
	v55 =	vmul.f32 v47, v8;
	v18 =	vadd.f32 v51, v18  }
0x11b: {  	v58 =	vld [tilespmem:$0x10310];
	v57 =	vmul.f32 v48, v9;
	v17 =	vadd.f32 v53, v17  }
0x11c: {  	v60 =	vld [tilespmem:$0xFC10];
	v59 =	vmul.f32 v50, v10;
	v18 =	vadd.f32 v55, v18  }
0x11d: {  	v62 =	vld [tilespmem:$0x10410];
	v61 =	vmul.f32 v52, v11;
	v17 =	vadd.f32 v57, v17  }
0x11e: {  	v63 =	vmul.f32 v54, v12;
	v18 =	vadd.f32 v59, v18  }
0x11f: {  	v24 =	vmul.f32 v56, v13;
	v17 =	vadd.f32 v61, v17  }
0x120: {  	v26 =	vmul.f32 v58, v14;
	v18 =	vadd.f32 v63, v18  }
0x121: {  	v27 =	vmul.f32 v60, v15;
	v17 =	vadd.f32 v24, v17  }
0x122: {  	v28 =	vmul.f32 v62, v16;
	v18 =	vadd.f32 v26, v18  }
0x123: {  	v17 =	vadd.f32 v27, v17  }
0x124: {  	v18 =	vadd.f32 v28, v18  }
0x125: {  	[tilespmem:s31+$0x11510] =	vst v17  }
0x126: {  	[tilespmem:s31+$0x11610] =	vst v18  }
0x127: {  	v17 =	vld [tilespmem:$0xF520]  }
0x128: {  	v18 =	vld [tilespmem:$0xFD20]  }
0x129: {  	v29 =	vld [tilespmem:$0xF620]  }
0x12a: {  	v30 =	vld [tilespmem:$0xFE20]  }
0x12b: {  	v31 =	vld [tilespmem:$0xF720]  }
0x12c: {  	v32 =	vld [tilespmem:$0xFF20]  }
0x12d: {  	v33 =	vld [tilespmem:$0xF820]  }
0x12e: {  	v34 =	vld [tilespmem:$0x10020];
	v17 =	vmul.f32 v17, v1;
	v19 =	vmul.f32 v29, v3  }
0x12f: {  	v35 =	vld [tilespmem:$0xF920];
	v18 =	vmul.f32 v18, v2;
	v20 =	vmul.f32 v30, v4  }
0x130: {  	v37 =	vld [tilespmem:$0x10120];
	v36 =	vmul.f32 v31, v5;
	v17 =	vadd.f32 v19, v17  }
0x131: {  	v39 =	vld [tilespmem:$0xFA20];
	v38 =	vmul.f32 v32, v6;
	v18 =	vadd.f32 v20, v18  }
0x132: {  	v41 =	vld [tilespmem:$0x10220];
	v40 =	vmul.f32 v33, v7;
	v17 =	vadd.f32 v36, v17  }
0x133: {  	v43 =	vld [tilespmem:$0xFB20];
	v42 =	vmul.f32 v34, v8;
	v18 =	vadd.f32 v38, v18  }
0x134: {  	v45 =	vld [tilespmem:$0x10320];
	v44 =	vmul.f32 v35, v9;
	v17 =	vadd.f32 v40, v17  }
0x135: {  	v47 =	vld [tilespmem:$0xFC20];
	v46 =	vmul.f32 v37, v10;
	v18 =	vadd.f32 v42, v18  }
0x136: {  	v49 =	vld [tilespmem:$0x10420];
	v48 =	vmul.f32 v39, v11;
	v17 =	vadd.f32 v44, v17  }
0x137: {  	v50 =	vmul.f32 v41, v12;
	v18 =	vadd.f32 v46, v18  }
0x138: {  	v51 =	vmul.f32 v43, v13;
	v17 =	vadd.f32 v48, v17  }
0x139: {  	v52 =	vmul.f32 v45, v14;
	v18 =	vadd.f32 v50, v18  }
0x13a: {  	v53 =	vmul.f32 v47, v15;
	v17 =	vadd.f32 v51, v17  }
0x13b: {  	v54 =	vmul.f32 v49, v16;
	v18 =	vadd.f32 v52, v18  }
0x13c: {  	v17 =	vadd.f32 v53, v17  }
0x13d: {  	v18 =	vadd.f32 v54, v18  }
0x13e: {  	[tilespmem:s31+$0x11520] =	vst v17  }
0x13f: {  	[tilespmem:s31+$0x11620] =	vst v18  }
0x140: {  	v17 =	vld [tilespmem:$0xF530]  }
0x141: {  	v18 =	vld [tilespmem:$0xFD30]  }
0x142: {  	v55 =	vld [tilespmem:$0xF630]  }
0x143: {  	v56 =	vld [tilespmem:$0xFE30]  }
0x144: {  	v57 =	vld [tilespmem:$0xF730]  }
0x145: {  	v58 =	vld [tilespmem:$0xFF30]  }
0x146: {  	v59 =	vld [tilespmem:$0xF830]  }
0x147: {  	v60 =	vld [tilespmem:$0x10030];
	v17 =	vmul.f32 v17, v1;
	v19 =	vmul.f32 v55, v3  }
0x148: {  	v61 =	vld [tilespmem:$0xF930];
	v18 =	vmul.f32 v18, v2;
	v20 =	vmul.f32 v56, v4  }
0x149: {  	v63 =	vld [tilespmem:$0x10130];
	v62 =	vmul.f32 v57, v5;
	v17 =	vadd.f32 v19, v17  }
0x14a: {  	v29 =	vld [tilespmem:$0xFA30];
	v28 =	vmul.f32 v58, v6;
	v18 =	vadd.f32 v20, v18  }
0x14b: {  	v31 =	vld [tilespmem:$0x10230];
	v30 =	vmul.f32 v59, v7;
	v17 =	vadd.f32 v62, v17  }
0x14c: {  	v33 =	vld [tilespmem:$0xFB30];
	v32 =	vmul.f32 v60, v8;
	v18 =	vadd.f32 v28, v18  }
0x14d: {  	v35 =	vld [tilespmem:$0x10330];
	v34 =	vmul.f32 v61, v9;
	v17 =	vadd.f32 v30, v17  }
0x14e: {  	v37 =	vld [tilespmem:$0xFC30];
	v36 =	vmul.f32 v63, v10;
	v18 =	vadd.f32 v32, v18  }
0x14f: {  	v39 =	vld [tilespmem:$0x10430];
	v38 =	vmul.f32 v29, v11;
	v17 =	vadd.f32 v34, v17  }
0x150: {  	v40 =	vmul.f32 v31, v12;
	v18 =	vadd.f32 v36, v18  }
0x151: {  	v41 =	vmul.f32 v33, v13;
	v17 =	vadd.f32 v38, v17  }
0x152: {  	v42 =	vmul.f32 v35, v14;
	v18 =	vadd.f32 v40, v18  }
0x153: {  	v43 =	vmul.f32 v37, v15;
	v17 =	vadd.f32 v41, v17  }
0x154: {  	v44 =	vmul.f32 v39, v16;
	v18 =	vadd.f32 v42, v18  }
0x155: {  	v17 =	vadd.f32 v43, v17  }
0x156: {  	v18 =	vadd.f32 v44, v18  }
0x157: {  	[tilespmem:s31+$0x11530] =	vst v17  }
0x158: {  	[tilespmem:s31+$0x11630] =	vst v18  }
0x159: {  	v17 =	vld [tilespmem:$0xF540]  }
0x15a: {  	v18 =	vld [tilespmem:$0xFD40]  }
0x15b: {  	v45 =	vld [tilespmem:$0xF640]  }
0x15c: {  	v46 =	vld [tilespmem:$0xFE40]  }
0x15d: {  	v47 =	vld [tilespmem:$0xF740]  }
0x15e: {  	v48 =	vld [tilespmem:$0xFF40]  }
0x15f: {  	v49 =	vld [tilespmem:$0xF840]  }
0x160: {  	v50 =	vld [tilespmem:$0x10040];
	v17 =	vmul.f32 v17, v1;
	v19 =	vmul.f32 v45, v3  }
0x161: {  	v51 =	vld [tilespmem:$0xF940];
	v18 =	vmul.f32 v18, v2;
	v20 =	vmul.f32 v46, v4  }
0x162: {  	v53 =	vld [tilespmem:$0x10140];
	v52 =	vmul.f32 v47, v5;
	v17 =	vadd.f32 v19, v17  }
0x163: {  	v55 =	vld [tilespmem:$0xFA40];
	v54 =	vmul.f32 v48, v6;
	v18 =	vadd.f32 v20, v18  }
0x164: {  	v57 =	vld [tilespmem:$0x10240];
	v56 =	vmul.f32 v49, v7;
	v17 =	vadd.f32 v52, v17  }
0x165: {  	v59 =	vld [tilespmem:$0xFB40];
	v58 =	vmul.f32 v50, v8;
	v18 =	vadd.f32 v54, v18  }
0x166: {  	v61 =	vld [tilespmem:$0x10340];
	v60 =	vmul.f32 v51, v9;
	v17 =	vadd.f32 v56, v17  }
0x167: {  	v63 =	vld [tilespmem:$0xFC40];
	v62 =	vmul.f32 v53, v10;
	v18 =	vadd.f32 v58, v18  }
0x168: {  	v27 =	vld [tilespmem:$0x10440];
	v26 =	vmul.f32 v55, v11;
	v17 =	vadd.f32 v60, v17  }
0x169: {  	v28 =	vmul.f32 v57, v12;
	v18 =	vadd.f32 v62, v18  }
0x16a: {  	v29 =	vmul.f32 v59, v13;
	v17 =	vadd.f32 v26, v17  }
0x16b: {  	v30 =	vmul.f32 v61, v14;
	v18 =	vadd.f32 v28, v18  }
0x16c: {  	v31 =	vmul.f32 v63, v15;
	v17 =	vadd.f32 v29, v17  }
0x16d: {  	v32 =	vmul.f32 v27, v16;
	v18 =	vadd.f32 v30, v18  }
0x16e: {  	v17 =	vadd.f32 v31, v17  }
0x16f: {  	v18 =	vadd.f32 v32, v18  }
0x170: {  	[tilespmem:s31+$0x11540] =	vst v17  }
0x171: {  	[tilespmem:s31+$0x11640] =	vst v18  }
0x172: {  	v17 =	vld [tilespmem:$0xF550]  }
0x173: {  	v18 =	vld [tilespmem:$0xFD50]  }
0x174: {  	v33 =	vld [tilespmem:$0xF650]  }
0x175: {  	v34 =	vld [tilespmem:$0xFE50]  }
0x176: {  	v35 =	vld [tilespmem:$0xF750]  }
0x177: {  	v36 =	vld [tilespmem:$0xFF50]  }
0x178: {  	v37 =	vld [tilespmem:$0xF850]  }
0x179: {  	v38 =	vld [tilespmem:$0x10050];
	v17 =	vmul.f32 v17, v1;
	v19 =	vmul.f32 v33, v3  }
0x17a: {  	v39 =	vld [tilespmem:$0xF950];
	v18 =	vmul.f32 v18, v2;
	v20 =	vmul.f32 v34, v4  }
0x17b: {  	v41 =	vld [tilespmem:$0x10150];
	v40 =	vmul.f32 v35, v5;
	v17 =	vadd.f32 v19, v17  }
0x17c: {  	v43 =	vld [tilespmem:$0xFA50];
	v42 =	vmul.f32 v36, v6;
	v18 =	vadd.f32 v20, v18  }
0x17d: {  	v45 =	vld [tilespmem:$0x10250];
	v44 =	vmul.f32 v37, v7;
	v17 =	vadd.f32 v40, v17  }
0x17e: {  	v47 =	vld [tilespmem:$0xFB50];
	v46 =	vmul.f32 v38, v8;
	v18 =	vadd.f32 v42, v18  }
0x17f: {  	v49 =	vld [tilespmem:$0x10350];
	v48 =	vmul.f32 v39, v9;
	v17 =	vadd.f32 v44, v17  }
0x180: {  	v51 =	vld [tilespmem:$0xFC50];
	v50 =	vmul.f32 v41, v10;
	v18 =	vadd.f32 v46, v18  }
0x181: {  	v53 =	vld [tilespmem:$0x10450];
	v52 =	vmul.f32 v43, v11;
	v17 =	vadd.f32 v48, v17  }
0x182: {  	v54 =	vmul.f32 v45, v12;
	v18 =	vadd.f32 v50, v18  }
0x183: {  	v55 =	vmul.f32 v47, v13;
	v17 =	vadd.f32 v52, v17  }
0x184: {  	v56 =	vmul.f32 v49, v14;
	v18 =	vadd.f32 v54, v18  }
0x185: {  	v57 =	vmul.f32 v51, v15;
	v17 =	vadd.f32 v55, v17  }
0x186: {  	v58 =	vmul.f32 v53, v16;
	v18 =	vadd.f32 v56, v18  }
0x187: {  	v17 =	vadd.f32 v57, v17  }
0x188: {  	v18 =	vadd.f32 v58, v18  }
0x189: {  	[tilespmem:s31+$0x11550] =	vst v17  }
0x18a: {  	[tilespmem:s31+$0x11650] =	vst v18  }
0x18b: {  	v17 =	vld [tilespmem:$0xF560]  }
0x18c: {  	v18 =	vld [tilespmem:$0xFD60]  }
0x18d: {  	v59 =	vld [tilespmem:$0xF660]  }
0x18e: {  	v60 =	vld [tilespmem:$0xFE60]  }
0x18f: {  	v61 =	vld [tilespmem:$0xF760]  }
0x190: {  	v62 =	vld [tilespmem:$0xFF60]  }
0x191: {  	v63 =	vld [tilespmem:$0xF860]  }
0x192: {  	v28 =	vld [tilespmem:$0x10060];
	v17 =	vmul.f32 v17, v1;
	v19 =	vmul.f32 v59, v3  }
0x193: {  	v29 =	vld [tilespmem:$0xF960];
	v18 =	vmul.f32 v18, v2;
	v20 =	vmul.f32 v60, v4  }
0x194: {  	v31 =	vld [tilespmem:$0x10160];
	v30 =	vmul.f32 v61, v5;
	v17 =	vadd.f32 v19, v17  }
0x195: {  	v33 =	vld [tilespmem:$0xFA60];
	v32 =	vmul.f32 v62, v6;
	v18 =	vadd.f32 v20, v18  }
0x196: {  	v35 =	vld [tilespmem:$0x10260];
	v34 =	vmul.f32 v63, v7;
	v17 =	vadd.f32 v30, v17  }
0x197: {  	v37 =	vld [tilespmem:$0xFB60];
	v36 =	vmul.f32 v28, v8;
	v18 =	vadd.f32 v32, v18  }
0x198: {  	v39 =	vld [tilespmem:$0x10360];
	v38 =	vmul.f32 v29, v9;
	v17 =	vadd.f32 v34, v17  }
0x199: {  	v41 =	vld [tilespmem:$0xFC60];
	v40 =	vmul.f32 v31, v10;
	v18 =	vadd.f32 v36, v18  }
0x19a: {  	v43 =	vld [tilespmem:$0x10460];
	v42 =	vmul.f32 v33, v11;
	v17 =	vadd.f32 v38, v17  }
0x19b: {  	v44 =	vmul.f32 v35, v12;
	v18 =	vadd.f32 v40, v18  }
0x19c: {  	v45 =	vmul.f32 v37, v13;
	v17 =	vadd.f32 v42, v17  }
0x19d: {  	v46 =	vmul.f32 v39, v14;
	v18 =	vadd.f32 v44, v18  }
0x19e: {  	v47 =	vmul.f32 v41, v15;
	v17 =	vadd.f32 v45, v17  }
0x19f: {  	v48 =	vmul.f32 v43, v16;
	v18 =	vadd.f32 v46, v18  }
0x1a0: {  	v17 =	vadd.f32 v47, v17  }
0x1a1: {  	v18 =	vadd.f32 v48, v18  }
0x1a2: {  	[tilespmem:s31+$0x11560] =	vst v17  }
0x1a3: {  	[tilespmem:s31+$0x11660] =	vst v18  }
0x1a4: {  	v17 =	vld [tilespmem:$0xF570]  }
0x1a5: {  	v18 =	vld [tilespmem:$0xFD70]  }
0x1a6: {  	v49 =	vld [tilespmem:$0xF670]  }
0x1a7: {  	v50 =	vld [tilespmem:$0xFE70]  }
0x1a8: {  	v51 =	vld [tilespmem:$0xF770]  }
0x1a9: {  	v52 =	vld [tilespmem:$0xFF70]  }
0x1aa: {  	v53 =	vld [tilespmem:$0xF870]  }
0x1ab: {  	v54 =	vld [tilespmem:$0x10070];
	v17 =	vmul.f32 v17, v1;
	v19 =	vmul.f32 v49, v3  }
0x1ac: {  	v55 =	vld [tilespmem:$0xF970];
	v18 =	vmul.f32 v18, v2;
	v20 =	vmul.f32 v50, v4  }
0x1ad: {  	v57 =	vld [tilespmem:$0x10170];
	v56 =	vmul.f32 v51, v5;
	v17 =	vadd.f32 v19, v17  }
0x1ae: {  	v59 =	vld [tilespmem:$0xFA70];
	v58 =	vmul.f32 v52, v6;
	v18 =	vadd.f32 v20, v18  }
0x1af: {  	v61 =	vld [tilespmem:$0x10270];
	v60 =	vmul.f32 v53, v7;
	v17 =	vadd.f32 v56, v17  }
0x1b0: {  	v63 =	vld [tilespmem:$0xFB70];
	v62 =	vmul.f32 v54, v8;
	v18 =	vadd.f32 v58, v18  }
0x1b1: {  	v29 =	vld [tilespmem:$0x10370];
	v28 =	vmul.f32 v55, v9;
	v17 =	vadd.f32 v60, v17  }
0x1b2: {  	v31 =	vld [tilespmem:$0xFC70];
	v30 =	vmul.f32 v57, v10;
	v18 =	vadd.f32 v62, v18  }
0x1b3: {  	v33 =	vld [tilespmem:$0x10470];
	v32 =	vmul.f32 v59, v11;
	v17 =	vadd.f32 v28, v17  }
0x1b4: {  	v34 =	vmul.f32 v61, v12;
	v18 =	vadd.f32 v30, v18  }
0x1b5: {  	v35 =	vmul.f32 v63, v13;
	v17 =	vadd.f32 v32, v17  }
0x1b6: {  	v36 =	vmul.f32 v29, v14;
	v18 =	vadd.f32 v34, v18  }
0x1b7: {  	v37 =	vmul.f32 v31, v15;
	v17 =	vadd.f32 v35, v17  }
0x1b8: {  	v38 =	vmul.f32 v33, v16;
	v18 =	vadd.f32 v36, v18  }
0x1b9: {  	v17 =	vadd.f32 v37, v17  }
0x1ba: {  	v18 =	vadd.f32 v38, v18  }
0x1bb: {  	[tilespmem:s31+$0x11570] =	vst v17  }
0x1bc: {  	[tilespmem:s31+$0x11670] =	vst v18  }
0x1bd: {  	v17 =	vld [tilespmem:$0xF580]  }
0x1be: {  	v18 =	vld [tilespmem:$0xFD80]  }
0x1bf: {  	v39 =	vld [tilespmem:$0xF680]  }
0x1c0: {  	v40 =	vld [tilespmem:$0xFE80]  }
0x1c1: {  	v41 =	vld [tilespmem:$0xF780]  }
0x1c2: {  	v42 =	vld [tilespmem:$0xFF80]  }
0x1c3: {  	v43 =	vld [tilespmem:$0xF880]  }
0x1c4: {  	v44 =	vld [tilespmem:$0x10080];
	v17 =	vmul.f32 v17, v1;
	v19 =	vmul.f32 v39, v3  }
0x1c5: {  	v45 =	vld [tilespmem:$0xF980];
	v18 =	vmul.f32 v18, v2;
	v20 =	vmul.f32 v40, v4  }
0x1c6: {  	v47 =	vld [tilespmem:$0x10180];
	v46 =	vmul.f32 v41, v5;
	v17 =	vadd.f32 v19, v17  }
0x1c7: {  	v49 =	vld [tilespmem:$0xFA80];
	v48 =	vmul.f32 v42, v6;
	v18 =	vadd.f32 v20, v18  }
0x1c8: {  	v51 =	vld [tilespmem:$0x10280];
	v50 =	vmul.f32 v43, v7;
	v17 =	vadd.f32 v46, v17  }
0x1c9: {  	v53 =	vld [tilespmem:$0xFB80];
	v52 =	vmul.f32 v44, v8;
	v18 =	vadd.f32 v48, v18  }
0x1ca: {  	v55 =	vld [tilespmem:$0x10380];
	v54 =	vmul.f32 v45, v9;
	v17 =	vadd.f32 v50, v17  }
0x1cb: {  	v57 =	vld [tilespmem:$0xFC80];
	v56 =	vmul.f32 v47, v10;
	v18 =	vadd.f32 v52, v18  }
0x1cc: {  	v59 =	vld [tilespmem:$0x10480];
	v58 =	vmul.f32 v49, v11;
	v17 =	vadd.f32 v54, v17  }
0x1cd: {  	v60 =	vmul.f32 v51, v12;
	v18 =	vadd.f32 v56, v18  }
0x1ce: {  	v61 =	vmul.f32 v53, v13;
	v17 =	vadd.f32 v58, v17  }
0x1cf: {  	v62 =	vmul.f32 v55, v14;
	v18 =	vadd.f32 v60, v18  }
0x1d0: {  	v63 =	vmul.f32 v57, v15;
	v17 =	vadd.f32 v61, v17  }
0x1d1: {  	v24 =	vmul.f32 v59, v16;
	v18 =	vadd.f32 v62, v18  }
0x1d2: {  	v17 =	vadd.f32 v63, v17  }
0x1d3: {  	v18 =	vadd.f32 v24, v18  }
0x1d4: {  	[tilespmem:s31+$0x11580] =	vst v17  }
0x1d5: {  	[tilespmem:s31+$0x11680] =	vst v18  }
0x1d6: {  	v17 =	vld [tilespmem:$0xF590]  }
0x1d7: {  	v18 =	vld [tilespmem:$0xFD90]  }
0x1d8: {  	v25 =	vld [tilespmem:$0xF690]  }
0x1d9: {  	v26 =	vld [tilespmem:$0xFE90]  }
0x1da: {  	v27 =	vld [tilespmem:$0xF790]  }
0x1db: {  	v28 =	vld [tilespmem:$0xFF90]  }
0x1dc: {  	v29 =	vld [tilespmem:$0xF890]  }
0x1dd: {  	v30 =	vld [tilespmem:$0x10090];
	v1 =	vmul.f32 v17, v1;
	v3 =	vmul.f32 v25, v3  }
0x1de: {  	v31 =	vld [tilespmem:$0xF990];
	v2 =	vmul.f32 v18, v2;
	v4 =	vmul.f32 v26, v4  }
0x1df: {  	v32 =	vld [tilespmem:$0x10190];
	v1 =	vadd.f32 v3, v1;
	v3 =	vmul.f32 v27, v5  }
0x1e0: {  	v34 =	vld [tilespmem:$0xFA90];
	v33 =	vmul.f32 v28, v6;
	v2 =	vadd.f32 v4, v2  }
0x1e1: {  	v35 =	vld [tilespmem:$0x10290];
	v1 =	vadd.f32 v3, v1;
	v3 =	vmul.f32 v29, v7  }
0x1e2: {  	v37 =	vld [tilespmem:$0xFB90];
	v36 =	vmul.f32 v30, v8;
	v2 =	vadd.f32 v33, v2  }
0x1e3: {  	v38 =	vld [tilespmem:$0x10390];
	v1 =	vadd.f32 v3, v1;
	v3 =	vmul.f32 v31, v9  }
0x1e4: {  	v40 =	vld [tilespmem:$0xFC90];
	v39 =	vmul.f32 v32, v10;
	v2 =	vadd.f32 v36, v2  }
0x1e5: {  	v41 =	vld [tilespmem:$0x10490];
	v1 =	vadd.f32 v3, v1;
	v3 =	vmul.f32 v34, v11  }
0x1e6: {  	v42 =	vmul.f32 v35, v12;
	v2 =	vadd.f32 v39, v2  }
0x1e7: {  	v1 =	vadd.f32 v3, v1;
	v3 =	vmul.f32 v37, v13  }
0x1e8: {  	v43 =	vmul.f32 v38, v14;
	v2 =	vadd.f32 v42, v2  }
0x1e9: {  	v1 =	vadd.f32 v3, v1;
	v3 =	vmul.f32 v40, v15  }
0x1ea: {  	v44 =	vmul.f32 v41, v16;
	v2 =	vadd.f32 v43, v2  }
0x1eb: {  	v1 =	vadd.f32 v3, v1  }
0x1ec: {  	v2 =	vadd.f32 v44, v2  }
0x1ed: {  	s25 =	smin.u32 s18, $0x30D;
	[tilespmem:s31+$0x11590] =	vst v1  }
0x1ee: {  	s24 =	sshll.u32 s25, $0x4;
	[tilespmem:s31+$0x11690] =	vst v2  }
0x1ef: {  	v1 =	vld [tilespmem:s24+$0xC3C0];
	_ =	sdelay $0x1  }
0x1f0: {  	v2 =	vld [tilespmem:$0x1FFF0];
	_ =	sdelay $0x4  }
0x1f1: {  	vm5 =	vnez.u8 v2  }
0x1f2: {  	[tilespmem:s11], [sflag:$0x1] =	stream.indirect_vreg.gather [hbm4b:s3+s2], $0x100, v1, vm5, $0xb8;
	[tilespmem:$0x134A0] =	vst v63  }
0x1f3: {  	_ =	swait.ge [sflag:s14], $0x1000  }
0x1f4: {  	[sflag:s14] =	ssyncset.done $0x0  }
0x1f5: {  	s26 =	sadd.s32 $0x3, s19;
	[sflag:s14] =	ssyncadd.s32 $0xFFFFF000  }
0x1f6: {  	s25 =	sadd.s32 $0x2, s19;
	v2 =	vmov s26;
	v1 =	vld [tilespmem:s17+$0x0]  }
0x1f7: {  	v2 =	vsel vm1, s25, v2  }
0x1f8: {  	v2 =	vshll.u32 v2, $0x3  }
0x1f9: {  	v45 =	vor.u32 $0x1, v2;
	_ =	sdelay $0x1  }
0x1fa: {  	v3 =	vadd.s32 $0x30E0, v1  }
0x1fb: {  	v48 =	vor.u32 $0x2, v2  }
0x1fc: {  	v2 =	vld.idx.msk [tilespmem:v2+s9+$0x0], $0xffff;
	v46 =	vadd.s32 $0x61C0, v1  }
0x1fd: {  	v4 =	vld.idx.msk [tilespmem:v45+s9+$0x0], $0xffff  }
0x1fe: {  	v47 =	vld.idx.msk [tilespmem:v1+s2+$0x0], $0xffff  }
0x1ff: {  	v3 =	vld.idx.msk [tilespmem:v3+s2+$0x0], $0xffff  }
0x200: {  	v7 =	vld.idx.msk [tilespmem:v48+s9+$0x0], $0xffff  }
0x201: {  	v5 =	vld.idx.msk [tilespmem:v46+s2+$0x0], $0xffff;
	_ =	sdelay $0x2  }
0x202: {  	v2 =	vsub.f32 v2, v47;
	v3 =	vsub.f32 v4, v3;
	_ =	sdelay $0x1  }
0x203: {  	v49 =	vsub.f32 v7, v5;
	v2 =	vmul.f32 v2, v2;
	v3 =	vmul.f32 v3, v3;
	_ =	sdelay $0x1  }
0x204: {  	v2 =	vadd.f32 v3, v2;
	v3 =	vmul.f32 v49, v49;
	_ =	sdelay $0x1  }
0x205: {  	v2 =	vadd.f32 v3, v2;
	_ =	sdelay $0x1  }
0x206: {  	v2 =	vadd.f32 $9.999999930e-09, v2;
	_ =	sdelay $0x1  }
0x207: {  	(erf) = vrcp.f32 v2;
	_ =	sdelay $0x2  }
0x208: {  	vm5 =	veq.s32 v1, $0x30D4  }
0x209: {  	v1 =	vsel vm5, $0x0, v0;
	v2 =	vld [tilespmem:$0x1FFF0]  }
0x20a: {  	vm5 =	vmmov vm6;
	vm6 =	vmmov vm7;
	vm7 =	vmmov vm8  }
0x20b: {  	vm8 =	vmmov vm9;
	vm9 =	vmmov vm10;
	vm10 =	vmmov vm11  }
0x20c: {  	vm11 =	vmmov vm12;
	vm12 =	vmmov vm13;
	vm13 =	vmmov vm14  }
0x20d: {  	vm14 =	vmmov vm15;
	vm15 =	vmmov vm3;
	vm3 =	vmmov vm2  }
0x20e: {  	vm2 =	vmmov vm4;
	vm4 =	vmmov vm0;
	vm0 =	vnez.u8 v2;
	v2 =	vpop (erf)  }
0x20f: {  	v1 =	vmul.f32 v2, v1;
	_ =	sdelay $0x1  }
0x210: {  	v2 =	vnsel vm1, $0x0, v1  }
0x211: {  	(xrf2) =	vadd.scan.msk.f32 $0xffff, v2  }
0x212: {  	(xrf2) =	vadd.scan.msk.f32 $0xffff, v1;
	_ =	sdelay $0x8  }
0x213: {  	v2, _, _ =	vpop (xrf2)  }
0x214: {  	(v2sf) =	vpush v2, $0xF;
	v3, _, _ =	vpop (xrf2)  }
0x215: {  	(v2sf) =	vpush v3, $0xF;
	_ =	sdelay $0xd  }
0x216: {  	s28 =	spop (v2sf)  }
0x217: {  	s29 =	spop (v2sf)  }
0x218: {  	v2 =	vbroadcast v2, $0xF;
	s24 =	ssub.f32 s29, s28;
	_ =	sdelay $0x1  }
0x219: {  	v2 =	vnsel vm1, s24, v2  }
0x21a: {  	v2 =	vadd.f32 $9.999999930e-09, v2;
	_ =	sdelay $0x1  }
0x21b: {  	(erf) = vrcp.f32 v2;
	_ =	sdelay $0x8  }
0x21c: {  	v2 =	vpop (erf)  }
0x21d: {  	v50 =	vmul.f32 v2, v1;
	_ =	sdelay $0x1  }
0x21e: {  	v1 =	vnsel vm2, $0x0, v50  }
0x21f: {  	(xrf2) =	vadd.scan.msk.f32 $0xffff, v1  }
0x220: {  	v1 =	vsel vm5, $0x0, v50  }
0x221: {  	(xrf2) =	vadd.scan.msk.f32 $0xffff, v1;
	v1 =	vsel vm6, $0x0, v50  }
0x222: {  	(xrf2) =	vadd.scan.msk.f32 $0xffff, v1;
	v1 =	vsel vm7, $0x0, v50  }
0x223: {  	(xrf2) =	vadd.scan.msk.f32 $0xffff, v1;
	v1 =	vsel vm8, $0x0, v50  }
0x224: {  	(xrf2) =	vadd.scan.msk.f32 $0xffff, v1;
	v1 =	vsel vm9, $0x0, v50  }
0x225: {  	(xrf2) =	vadd.scan.msk.f32 $0xffff, v1;
	v1 =	vsel vm10, $0x0, v50  }
0x226: {  	(xrf2) =	vadd.scan.msk.f32 $0xffff, v1;
	v1 =	vsel vm11, $0x0, v50  }
0x227: {  	(xrf2) =	vadd.scan.msk.f32 $0xffff, v1;
	v1 =	vsel vm12, $0x0, v50  }
0x228: {  	(xrf2) =	vadd.scan.msk.f32 $0xffff, v1;
	v1 =	vsel vm13, $0x0, v50  }
0x229: {  	v2, _, _ =	vpop (xrf2);
	(xrf2) =	vadd.scan.msk.f32 $0xffff, v1  }
0x22a: {  	v1 =	vsel vm14, $0x0, v50  }
0x22b: {  	v3, _, _ =	vpop (xrf2);
	(xrf2) =	vadd.scan.msk.f32 $0xffff, v1  }
0x22c: {  	v1 =	vsel vm15, $0x0, v50;
	v51, _, _ =	vpop (xrf2)  }
0x22d: {  	v26 =	vld [tilespmem:$0x1FFE0];
	(xrf2) =	vadd.scan.msk.f32 $0xffff, v1;
	v52, _, _ =	vpop (xrf2)  }
0x22e: {  	v55 =	vld [tilespmem:$0x104A0];
	v1 =	vsel vm3, $0x0, v50;
	v53, _, _ =	vpop (xrf2)  }
0x22f: {  	v59 =	vld [tilespmem:$0x105A0];
	(xrf2) =	vadd.scan.msk.f32 $0xffff, v1;
	v54, _, _ =	vpop (xrf2)  }
0x230: {  	v57 =	vld [tilespmem:$0x10CA0];
	v1 =	vsel vm4, $0x0, v50;
	v56, _, _ =	vpop (xrf2)  }
0x231: {  	v61 =	vld [tilespmem:$0x10DA0];
	vm5 =	vcmask $0x373C;
	(xrf2) =	vadd.scan.msk.f32 $0xffff, v1;
	v58, _, _ =	vpop (xrf2)  }
0x232: {  	v63 =	vld [tilespmem:$0x106A0];
	v62 =	vsel vm5, $0x0, v50;
	v3 =	vbroadcast v3, $0xF;
	v5 =	vbroadcast v51, $0xF;
	v60, _, _ =	vpop (xrf2)  }
0x233: {  	v25 =	vld [tilespmem:$0x10EA0];
	vm5 =	vnez.u8 v26;
	v1 =	vbroadcast v2, $0xF;
	v2 =	vbroadcast v60, $0xF;
	v23, _, _ =	vpop (xrf2);
	(xrf2) =	vadd.scan.msk.f32 $0xffff, v62  }
0x234: {  	v27 =	vld [tilespmem:$0x107A0];
	v6 =	vsel vm5, $0x0, v50;
	v10 =	vmul.f32 v3, v59;
	v4 =	vbroadcast v23, $0xF  }
0x235: {  	v29 =	vld [tilespmem:$0x10FA0];
	v24 =	vmul.f32 v1, v55;
	v8 =	vmul.f32 v2, v57;
	v28, _, _ =	vpop (xrf2);
	(xrf2) =	vadd.scan.msk.f32 $0xffff, v6  }
0x236: {  	v30 =	vld [tilespmem:$0x108A0];
	v6 =	vbroadcast v28, $0xF;
	v14 =	vmul.f32 v4, v61  }
0x237: {  	v32 =	vld [tilespmem:$0x110A0];
	v7 =	vbroadcast v52, $0xF;
	v12 =	vmul.f32 v5, v63;
	v10 =	vadd.f32 v10, v24;
	v31, _, _ =	vpop (xrf2)  }
0x238: {  	v33 =	vld [tilespmem:$0x109A0];
	v18 =	vmul.f32 v6, v25;
	v14 =	vadd.f32 v14, v8;
	v8 =	vbroadcast v31, $0xF  }
0x239: {  	v35 =	vld [tilespmem:$0x111A0];
	v9 =	vbroadcast v53, $0xF;
	v17 =	vmul.f32 v7, v27;
	v12 =	vadd.f32 v10, v12;
	v34, _, _ =	vpop (xrf2)  }
0x23a: {  	v37 =	vld [tilespmem:$0x10AA0];
	v10 =	vbroadcast v34, $0xF;
	v14 =	vadd.f32 v14, v18;
	v36 =	vmul.f32 v8, v29  }
0x23b: {  	v39 =	vld [tilespmem:$0x112A0];
	v11 =	vbroadcast v54, $0xF;
	v19 =	vmul.f32 v9, v30;
	v17 =	vadd.f32 v12, v17;
	v38, _, _ =	vpop (xrf2)  }
0x23c: {  	v40 =	vld [tilespmem:$0x10BA0];
	v12 =	vbroadcast v38, $0xF;
	v16 =	vmul.f32 v10, v32;
	v14 =	vadd.f32 v14, v36  }
0x23d: {  	v43 =	vld [tilespmem:$0x113A0];
	v13 =	vbroadcast v56, $0xF;
	v42 =	vmul.f32 v11, v33;
	v17 =	vadd.f32 v17, v19;
	v41, _, _ =	vpop (xrf2)  }
0x23e: {  	v23 =	vmul.f32 v12, v35;
	v16 =	vadd.f32 v14, v16;
	v14 =	vbroadcast v41, $0xF  }
0x23f: {  	v15 =	vbroadcast v58, $0xF;
	v45 =	vmul.f32 v13, v37;
	v17 =	vadd.f32 v17, v42;
	v44, _, _ =	vpop (xrf2)  }
0x240: {  	v46 =	vadd.f32 v16, v23;
	v47 =	vmul.f32 v14, v39;
	v16 =	vbroadcast v44, $0xF  }
0x241: {  	v18 =	vmul.f32 v15, v40;
	v17 =	vadd.f32 v17, v45  }
0x242: {  	v48 =	vadd.f32 v46, v47;
	v49 =	vmul.f32 v16, v43  }
0x243: {  	v17 =	vadd.f32 v17, v18  }
0x244: {  	v50 =	vadd.f32 v48, v49  }
0x245: {  	[tilespmem:s31+$0x116A0] =	vst v17  }
0x246: {  	[tilespmem:s31+$0x117A0] =	vst v50  }
0x247: {  	v17 =	vld [tilespmem:$0x104B0]  }
0x248: {  	v18 =	vld [tilespmem:$0x10CB0]  }
0x249: {  	v51 =	vld [tilespmem:$0x105B0]  }
0x24a: {  	v52 =	vld [tilespmem:$0x10DB0]  }
0x24b: {  	v53 =	vld [tilespmem:$0x106B0]  }
0x24c: {  	v54 =	vld [tilespmem:$0x10EB0]  }
0x24d: {  	v55 =	vld [tilespmem:$0x107B0]  }
0x24e: {  	v56 =	vld [tilespmem:$0x10FB0];
	v17 =	vmul.f32 v1, v17;
	v19 =	vmul.f32 v3, v51  }
0x24f: {  	v57 =	vld [tilespmem:$0x108B0];
	v18 =	vmul.f32 v2, v18;
	v20 =	vmul.f32 v52, v4  }
0x250: {  	v59 =	vld [tilespmem:$0x110B0];
	v58 =	vmul.f32 v53, v5;
	v17 =	vadd.f32 v19, v17  }
0x251: {  	v61 =	vld [tilespmem:$0x109B0];
	v60 =	vmul.f32 v54, v6;
	v18 =	vadd.f32 v20, v18  }
0x252: {  	v63 =	vld [tilespmem:$0x111B0];
	v62 =	vmul.f32 v55, v7;
	v17 =	vadd.f32 v58, v17  }
0x253: {  	v29 =	vld [tilespmem:$0x10AB0];
	v28 =	vmul.f32 v56, v8;
	v18 =	vadd.f32 v60, v18  }
0x254: {  	v31 =	vld [tilespmem:$0x112B0];
	v30 =	vmul.f32 v57, v9;
	v17 =	vadd.f32 v62, v17  }
0x255: {  	v33 =	vld [tilespmem:$0x10BB0];
	v32 =	vmul.f32 v59, v10;
	v18 =	vadd.f32 v28, v18  }
0x256: {  	v35 =	vld [tilespmem:$0x113B0];
	v34 =	vmul.f32 v61, v11;
	v17 =	vadd.f32 v30, v17  }
0x257: {  	v36 =	vmul.f32 v63, v12;
	v18 =	vadd.f32 v32, v18  }
0x258: {  	v37 =	vmul.f32 v29, v13;
	v17 =	vadd.f32 v34, v17  }
0x259: {  	v38 =	vmul.f32 v31, v14;
	v18 =	vadd.f32 v36, v18  }
0x25a: {  	v39 =	vmul.f32 v33, v15;
	v17 =	vadd.f32 v37, v17  }
0x25b: {  	v40 =	vmul.f32 v35, v16;
	v18 =	vadd.f32 v38, v18  }
0x25c: {  	v17 =	vadd.f32 v39, v17  }
0x25d: {  	v18 =	vadd.f32 v40, v18  }
0x25e: {  	[tilespmem:s31+$0x116B0] =	vst v17  }
0x25f: {  	[tilespmem:s31+$0x117B0] =	vst v18  }
0x260: {  	v17 =	vld [tilespmem:$0x104C0]  }
0x261: {  	v18 =	vld [tilespmem:$0x10CC0]  }
0x262: {  	v41 =	vld [tilespmem:$0x105C0]  }
0x263: {  	v42 =	vld [tilespmem:$0x10DC0]  }
0x264: {  	v43 =	vld [tilespmem:$0x106C0]  }
0x265: {  	v44 =	vld [tilespmem:$0x10EC0]  }
0x266: {  	v45 =	vld [tilespmem:$0x107C0]  }
0x267: {  	v46 =	vld [tilespmem:$0x10FC0];
	v17 =	vmul.f32 v17, v1;
	v19 =	vmul.f32 v41, v3  }
0x268: {  	v47 =	vld [tilespmem:$0x108C0];
	v18 =	vmul.f32 v18, v2;
	v20 =	vmul.f32 v42, v4  }
0x269: {  	v49 =	vld [tilespmem:$0x110C0];
	v48 =	vmul.f32 v43, v5;
	v17 =	vadd.f32 v19, v17  }
0x26a: {  	v51 =	vld [tilespmem:$0x109C0];
	v50 =	vmul.f32 v44, v6;
	v18 =	vadd.f32 v20, v18  }
0x26b: {  	v53 =	vld [tilespmem:$0x111C0];
	v52 =	vmul.f32 v45, v7;
	v17 =	vadd.f32 v48, v17  }
0x26c: {  	v55 =	vld [tilespmem:$0x10AC0];
	v54 =	vmul.f32 v46, v8;
	v18 =	vadd.f32 v50, v18  }
0x26d: {  	v57 =	vld [tilespmem:$0x112C0];
	v56 =	vmul.f32 v47, v9;
	v17 =	vadd.f32 v52, v17  }
0x26e: {  	v59 =	vld [tilespmem:$0x10BC0];
	v58 =	vmul.f32 v49, v10;
	v18 =	vadd.f32 v54, v18  }
0x26f: {  	v61 =	vld [tilespmem:$0x113C0];
	v60 =	vmul.f32 v51, v11;
	v17 =	vadd.f32 v56, v17  }
0x270: {  	v62 =	vmul.f32 v53, v12;
	v18 =	vadd.f32 v58, v18  }
0x271: {  	v63 =	vmul.f32 v55, v13;
	v17 =	vadd.f32 v60, v17  }
0x272: {  	v24 =	vmul.f32 v57, v14;
	v18 =	vadd.f32 v62, v18  }
0x273: {  	v25 =	vmul.f32 v59, v15;
	v17 =	vadd.f32 v63, v17  }
0x274: {  	v26 =	vmul.f32 v61, v16;
	v18 =	vadd.f32 v24, v18  }
0x275: {  	v17 =	vadd.f32 v25, v17  }
0x276: {  	v18 =	vadd.f32 v26, v18  }
0x277: {  	[tilespmem:s31+$0x116C0] =	vst v17  }
0x278: {  	[tilespmem:s31+$0x117C0] =	vst v18  }
0x279: {  	v17 =	vld [tilespmem:$0x104D0]  }
0x27a: {  	v18 =	vld [tilespmem:$0x10CD0]  }
0x27b: {  	v27 =	vld [tilespmem:$0x105D0]  }
0x27c: {  	v28 =	vld [tilespmem:$0x10DD0]  }
0x27d: {  	v29 =	vld [tilespmem:$0x106D0]  }
0x27e: {  	v30 =	vld [tilespmem:$0x10ED0]  }
0x27f: {  	v31 =	vld [tilespmem:$0x107D0]  }
0x280: {  	v32 =	vld [tilespmem:$0x10FD0];
	v17 =	vmul.f32 v17, v1;
	v19 =	vmul.f32 v27, v3  }
0x281: {  	v33 =	vld [tilespmem:$0x108D0];
	v18 =	vmul.f32 v18, v2;
	v20 =	vmul.f32 v28, v4  }
0x282: {  	v35 =	vld [tilespmem:$0x110D0];
	v34 =	vmul.f32 v29, v5;
	v17 =	vadd.f32 v19, v17  }
0x283: {  	v37 =	vld [tilespmem:$0x109D0];
	v36 =	vmul.f32 v30, v6;
	v18 =	vadd.f32 v20, v18  }
0x284: {  	v39 =	vld [tilespmem:$0x111D0];
	v38 =	vmul.f32 v31, v7;
	v17 =	vadd.f32 v34, v17  }
0x285: {  	v41 =	vld [tilespmem:$0x10AD0];
	v40 =	vmul.f32 v32, v8;
	v18 =	vadd.f32 v36, v18  }
0x286: {  	v43 =	vld [tilespmem:$0x112D0];
	v42 =	vmul.f32 v33, v9;
	v17 =	vadd.f32 v38, v17  }
0x287: {  	v45 =	vld [tilespmem:$0x10BD0];
	v44 =	vmul.f32 v35, v10;
	v18 =	vadd.f32 v40, v18  }
0x288: {  	v47 =	vld [tilespmem:$0x113D0];
	v46 =	vmul.f32 v37, v11;
	v17 =	vadd.f32 v42, v17  }
0x289: {  	v48 =	vmul.f32 v39, v12;
	v18 =	vadd.f32 v44, v18  }
0x28a: {  	v49 =	vmul.f32 v41, v13;
	v17 =	vadd.f32 v46, v17  }
0x28b: {  	v50 =	vmul.f32 v43, v14;
	v18 =	vadd.f32 v48, v18  }
0x28c: {  	v51 =	vmul.f32 v45, v15;
	v17 =	vadd.f32 v49, v17  }
0x28d: {  	v52 =	vmul.f32 v47, v16;
	v18 =	vadd.f32 v50, v18  }
0x28e: {  	v17 =	vadd.f32 v51, v17  }
0x28f: {  	v18 =	vadd.f32 v52, v18  }
0x290: {  	[tilespmem:s31+$0x116D0] =	vst v17  }
0x291: {  	[tilespmem:s31+$0x117D0] =	vst v18  }
0x292: {  	v17 =	vld [tilespmem:$0x104E0]  }
0x293: {  	v18 =	vld [tilespmem:$0x10CE0]  }
0x294: {  	v53 =	vld [tilespmem:$0x105E0]  }
0x295: {  	v54 =	vld [tilespmem:$0x10DE0]  }
0x296: {  	v55 =	vld [tilespmem:$0x106E0]  }
0x297: {  	v56 =	vld [tilespmem:$0x10EE0]  }
0x298: {  	v57 =	vld [tilespmem:$0x107E0]  }
0x299: {  	v58 =	vld [tilespmem:$0x10FE0];
	v17 =	vmul.f32 v17, v1;
	v19 =	vmul.f32 v53, v3  }
0x29a: {  	v59 =	vld [tilespmem:$0x108E0];
	v18 =	vmul.f32 v18, v2;
	v20 =	vmul.f32 v54, v4  }
0x29b: {  	v61 =	vld [tilespmem:$0x110E0];
	v60 =	vmul.f32 v55, v5;
	v17 =	vadd.f32 v19, v17  }
0x29c: {  	v63 =	vld [tilespmem:$0x109E0];
	v62 =	vmul.f32 v56, v6;
	v18 =	vadd.f32 v20, v18  }
0x29d: {  	v29 =	vld [tilespmem:$0x111E0];
	v28 =	vmul.f32 v57, v7;
	v17 =	vadd.f32 v60, v17  }
0x29e: {  	v31 =	vld [tilespmem:$0x10AE0];
	v30 =	vmul.f32 v58, v8;
	v18 =	vadd.f32 v62, v18  }
0x29f: {  	v33 =	vld [tilespmem:$0x112E0];
	v32 =	vmul.f32 v59, v9;
	v17 =	vadd.f32 v28, v17  }
0x2a0: {  	v35 =	vld [tilespmem:$0x10BE0];
	v34 =	vmul.f32 v61, v10;
	v18 =	vadd.f32 v30, v18  }
0x2a1: {  	v37 =	vld [tilespmem:$0x113E0];
	v36 =	vmul.f32 v63, v11;
	v17 =	vadd.f32 v32, v17  }
0x2a2: {  	v38 =	vmul.f32 v29, v12;
	v18 =	vadd.f32 v34, v18  }
0x2a3: {  	v39 =	vmul.f32 v31, v13;
	v17 =	vadd.f32 v36, v17  }
0x2a4: {  	v40 =	vmul.f32 v33, v14;
	v18 =	vadd.f32 v38, v18  }
0x2a5: {  	v41 =	vmul.f32 v35, v15;
	v17 =	vadd.f32 v39, v17  }
0x2a6: {  	v42 =	vmul.f32 v37, v16;
	v18 =	vadd.f32 v40, v18  }
0x2a7: {  	v17 =	vadd.f32 v41, v17  }
0x2a8: {  	v18 =	vadd.f32 v42, v18  }
0x2a9: {  	[tilespmem:s31+$0x116E0] =	vst v17  }
0x2aa: {  	[tilespmem:s31+$0x117E0] =	vst v18  }
0x2ab: {  	v17 =	vld [tilespmem:$0x104F0]  }
0x2ac: {  	v18 =	vld [tilespmem:$0x10CF0]  }
0x2ad: {  	v43 =	vld [tilespmem:$0x105F0]  }
0x2ae: {  	v44 =	vld [tilespmem:$0x10DF0]  }
0x2af: {  	v45 =	vld [tilespmem:$0x106F0]  }
0x2b0: {  	v46 =	vld [tilespmem:$0x10EF0]  }
0x2b1: {  	v47 =	vld [tilespmem:$0x107F0]  }
0x2b2: {  	v48 =	vld [tilespmem:$0x10FF0];
	v17 =	vmul.f32 v17, v1;
	v19 =	vmul.f32 v43, v3  }
0x2b3: {  	v49 =	vld [tilespmem:$0x108F0];
	v18 =	vmul.f32 v18, v2;
	v20 =	vmul.f32 v44, v4  }
0x2b4: {  	v51 =	vld [tilespmem:$0x110F0];
	v50 =	vmul.f32 v45, v5;
	v17 =	vadd.f32 v19, v17  }
0x2b5: {  	v53 =	vld [tilespmem:$0x109F0];
	v52 =	vmul.f32 v46, v6;
	v18 =	vadd.f32 v20, v18  }
0x2b6: {  	v55 =	vld [tilespmem:$0x111F0];
	v54 =	vmul.f32 v47, v7;
	v17 =	vadd.f32 v50, v17  }
0x2b7: {  	v57 =	vld [tilespmem:$0x10AF0];
	v56 =	vmul.f32 v48, v8;
	v18 =	vadd.f32 v52, v18  }
0x2b8: {  	v59 =	vld [tilespmem:$0x112F0];
	v58 =	vmul.f32 v49, v9;
	v17 =	vadd.f32 v54, v17  }
0x2b9: {  	v61 =	vld [tilespmem:$0x10BF0];
	v60 =	vmul.f32 v51, v10;
	v18 =	vadd.f32 v56, v18  }
0x2ba: {  	v63 =	vld [tilespmem:$0x113F0];
	v62 =	vmul.f32 v53, v11;
	v17 =	vadd.f32 v58, v17  }
0x2bb: {  	v26 =	vmul.f32 v55, v12;
	v18 =	vadd.f32 v60, v18  }
0x2bc: {  	v27 =	vmul.f32 v57, v13;
	v17 =	vadd.f32 v62, v17  }
0x2bd: {  	v28 =	vmul.f32 v59, v14;
	v18 =	vadd.f32 v26, v18  }
0x2be: {  	v29 =	vmul.f32 v61, v15;
	v17 =	vadd.f32 v27, v17  }
0x2bf: {  	v30 =	vmul.f32 v63, v16;
	v18 =	vadd.f32 v28, v18  }
0x2c0: {  	v17 =	vadd.f32 v29, v17  }
0x2c1: {  	v18 =	vadd.f32 v30, v18  }
0x2c2: {  	[tilespmem:s31+$0x116F0] =	vst v17  }
0x2c3: {  	[tilespmem:s31+$0x117F0] =	vst v18  }
0x2c4: {  	v17 =	vld [tilespmem:$0x10500]  }
0x2c5: {  	v18 =	vld [tilespmem:$0x10D00]  }
0x2c6: {  	v31 =	vld [tilespmem:$0x10600]  }
0x2c7: {  	v32 =	vld [tilespmem:$0x10E00]  }
0x2c8: {  	v33 =	vld [tilespmem:$0x10700]  }
0x2c9: {  	v34 =	vld [tilespmem:$0x10F00]  }
0x2ca: {  	v35 =	vld [tilespmem:$0x10800]  }
0x2cb: {  	v36 =	vld [tilespmem:$0x11000];
	v17 =	vmul.f32 v17, v1;
	v19 =	vmul.f32 v31, v3  }
0x2cc: {  	v37 =	vld [tilespmem:$0x10900];
	v18 =	vmul.f32 v18, v2;
	v20 =	vmul.f32 v32, v4  }
0x2cd: {  	v39 =	vld [tilespmem:$0x11100];
	v38 =	vmul.f32 v33, v5;
	v17 =	vadd.f32 v19, v17  }
0x2ce: {  	v41 =	vld [tilespmem:$0x10A00];
	v40 =	vmul.f32 v34, v6;
	v18 =	vadd.f32 v20, v18  }
0x2cf: {  	v43 =	vld [tilespmem:$0x11200];
	v42 =	vmul.f32 v35, v7;
	v17 =	vadd.f32 v38, v17  }
0x2d0: {  	v45 =	vld [tilespmem:$0x10B00];
	v44 =	vmul.f32 v36, v8;
	v18 =	vadd.f32 v40, v18  }
0x2d1: {  	v47 =	vld [tilespmem:$0x11300];
	v46 =	vmul.f32 v37, v9;
	v17 =	vadd.f32 v42, v17  }
0x2d2: {  	v49 =	vld [tilespmem:$0x10C00];
	v48 =	vmul.f32 v39, v10;
	v18 =	vadd.f32 v44, v18  }
0x2d3: {  	v51 =	vld [tilespmem:$0x11400];
	v50 =	vmul.f32 v41, v11;
	v17 =	vadd.f32 v46, v17  }
0x2d4: {  	v52 =	vmul.f32 v43, v12;
	v18 =	vadd.f32 v48, v18  }
0x2d5: {  	v53 =	vmul.f32 v45, v13;
	v17 =	vadd.f32 v50, v17  }
0x2d6: {  	v54 =	vmul.f32 v47, v14;
	v18 =	vadd.f32 v52, v18  }
0x2d7: {  	v55 =	vmul.f32 v49, v15;
	v17 =	vadd.f32 v53, v17  }
0x2d8: {  	v56 =	vmul.f32 v51, v16;
	v18 =	vadd.f32 v54, v18  }
0x2d9: {  	v17 =	vadd.f32 v55, v17  }
0x2da: {  	v18 =	vadd.f32 v56, v18  }
0x2db: {  	[tilespmem:s31+$0x11700] =	vst v17  }
0x2dc: {  	[tilespmem:s31+$0x11800] =	vst v18  }
0x2dd: {  	v17 =	vld [tilespmem:$0x10510]  }
0x2de: {  	v18 =	vld [tilespmem:$0x10D10]  }
0x2df: {  	v57 =	vld [tilespmem:$0x10610]  }
0x2e0: {  	v58 =	vld [tilespmem:$0x10E10]  }
0x2e1: {  	v59 =	vld [tilespmem:$0x10710]  }
0x2e2: {  	v60 =	vld [tilespmem:$0x10F10]  }
0x2e3: {  	v61 =	vld [tilespmem:$0x10810]  }
0x2e4: {  	v62 =	vld [tilespmem:$0x11010];
	v17 =	vmul.f32 v17, v1;
	v19 =	vmul.f32 v57, v3  }
0x2e5: {  	v63 =	vld [tilespmem:$0x10910];
	v18 =	vmul.f32 v18, v2;
	v20 =	vmul.f32 v58, v4  }
0x2e6: {  	v29 =	vld [tilespmem:$0x11110];
	v28 =	vmul.f32 v59, v5;
	v17 =	vadd.f32 v19, v17  }
0x2e7: {  	v31 =	vld [tilespmem:$0x10A10];
	v30 =	vmul.f32 v60, v6;
	v18 =	vadd.f32 v20, v18  }
0x2e8: {  	v33 =	vld [tilespmem:$0x11210];
	v32 =	vmul.f32 v61, v7;
	v17 =	vadd.f32 v28, v17  }
0x2e9: {  	v35 =	vld [tilespmem:$0x10B10];
	v34 =	vmul.f32 v62, v8;
	v18 =	vadd.f32 v30, v18  }
0x2ea: {  	v37 =	vld [tilespmem:$0x11310];
	v36 =	vmul.f32 v63, v9;
	v17 =	vadd.f32 v32, v17  }
0x2eb: {  	v39 =	vld [tilespmem:$0x10C10];
	v38 =	vmul.f32 v29, v10;
	v18 =	vadd.f32 v34, v18  }
0x2ec: {  	v41 =	vld [tilespmem:$0x11410];
	v40 =	vmul.f32 v31, v11;
	v17 =	vadd.f32 v36, v17  }
0x2ed: {  	v42 =	vmul.f32 v33, v12;
	v18 =	vadd.f32 v38, v18  }
0x2ee: {  	v43 =	vmul.f32 v35, v13;
	v17 =	vadd.f32 v40, v17  }
0x2ef: {  	v44 =	vmul.f32 v37, v14;
	v18 =	vadd.f32 v42, v18  }
0x2f0: {  	v45 =	vmul.f32 v39, v15;
	v17 =	vadd.f32 v43, v17  }
0x2f1: {  	v46 =	vmul.f32 v41, v16;
	v18 =	vadd.f32 v44, v18  }
0x2f2: {  	v17 =	vadd.f32 v45, v17  }
0x2f3: {  	v18 =	vadd.f32 v46, v18  }
0x2f4: {  	[tilespmem:s31+$0x11710] =	vst v17  }
0x2f5: {  	[tilespmem:s31+$0x11810] =	vst v18  }
0x2f6: {  	v17 =	vld [tilespmem:$0x10520]  }
0x2f7: {  	v18 =	vld [tilespmem:$0x10D20]  }
0x2f8: {  	v47 =	vld [tilespmem:$0x10620]  }
0x2f9: {  	v48 =	vld [tilespmem:$0x10E20]  }
0x2fa: {  	v49 =	vld [tilespmem:$0x10720]  }
0x2fb: {  	v50 =	vld [tilespmem:$0x10F20]  }
0x2fc: {  	v51 =	vld [tilespmem:$0x10820]  }
0x2fd: {  	v52 =	vld [tilespmem:$0x11020];
	v17 =	vmul.f32 v17, v1;
	v19 =	vmul.f32 v47, v3  }
0x2fe: {  	v53 =	vld [tilespmem:$0x10920];
	v18 =	vmul.f32 v18, v2;
	v20 =	vmul.f32 v48, v4  }
0x2ff: {  	v55 =	vld [tilespmem:$0x11120];
	v54 =	vmul.f32 v49, v5;
	v17 =	vadd.f32 v19, v17  }
0x300: {  	v57 =	vld [tilespmem:$0x10A20];
	v56 =	vmul.f32 v50, v6;
	v18 =	vadd.f32 v20, v18  }
0x301: {  	v59 =	vld [tilespmem:$0x11220];
	v58 =	vmul.f32 v51, v7;
	v17 =	vadd.f32 v54, v17  }
0x302: {  	v61 =	vld [tilespmem:$0x10B20];
	v60 =	vmul.f32 v52, v8;
	v18 =	vadd.f32 v56, v18  }
0x303: {  	v63 =	vld [tilespmem:$0x11320];
	v62 =	vmul.f32 v53, v9;
	v17 =	vadd.f32 v58, v17  }
0x304: {  	v28 =	vld [tilespmem:$0x10C20];
	v27 =	vmul.f32 v55, v10;
	v18 =	vadd.f32 v60, v18  }
0x305: {  	v30 =	vld [tilespmem:$0x11420];
	v29 =	vmul.f32 v57, v11;
	v17 =	vadd.f32 v62, v17  }
0x306: {  	v31 =	vmul.f32 v59, v12;
	v18 =	vadd.f32 v27, v18  }
0x307: {  	v32 =	vmul.f32 v61, v13;
	v17 =	vadd.f32 v29, v17  }
0x308: {  	v33 =	vmul.f32 v63, v14;
	v18 =	vadd.f32 v31, v18  }
0x309: {  	v34 =	vmul.f32 v28, v15;
	v17 =	vadd.f32 v32, v17  }
0x30a: {  	v35 =	vmul.f32 v30, v16;
	v18 =	vadd.f32 v33, v18  }
0x30b: {  	v17 =	vadd.f32 v34, v17  }
0x30c: {  	v18 =	vadd.f32 v35, v18  }
0x30d: {  	[tilespmem:s31+$0x11720] =	vst v17  }
0x30e: {  	[tilespmem:s31+$0x11820] =	vst v18  }
0x30f: {  	v17 =	vld [tilespmem:$0x10530]  }
0x310: {  	v18 =	vld [tilespmem:$0x10D30]  }
0x311: {  	v36 =	vld [tilespmem:$0x10630]  }
0x312: {  	v37 =	vld [tilespmem:$0x10E30]  }
0x313: {  	v38 =	vld [tilespmem:$0x10730]  }
0x314: {  	v39 =	vld [tilespmem:$0x10F30]  }
0x315: {  	v40 =	vld [tilespmem:$0x10830]  }
0x316: {  	v41 =	vld [tilespmem:$0x11030];
	v17 =	vmul.f32 v17, v1;
	v19 =	vmul.f32 v36, v3  }
0x317: {  	v42 =	vld [tilespmem:$0x10930];
	v18 =	vmul.f32 v18, v2;
	v20 =	vmul.f32 v37, v4  }
0x318: {  	v44 =	vld [tilespmem:$0x11130];
	v43 =	vmul.f32 v38, v5;
	v17 =	vadd.f32 v19, v17  }
0x319: {  	v46 =	vld [tilespmem:$0x10A30];
	v45 =	vmul.f32 v39, v6;
	v18 =	vadd.f32 v20, v18  }
0x31a: {  	v48 =	vld [tilespmem:$0x11230];
	v47 =	vmul.f32 v40, v7;
	v17 =	vadd.f32 v43, v17  }
0x31b: {  	v50 =	vld [tilespmem:$0x10B30];
	v49 =	vmul.f32 v41, v8;
	v18 =	vadd.f32 v45, v18  }
0x31c: {  	v52 =	vld [tilespmem:$0x11330];
	v51 =	vmul.f32 v42, v9;
	v17 =	vadd.f32 v47, v17  }
0x31d: {  	v54 =	vld [tilespmem:$0x10C30];
	v53 =	vmul.f32 v44, v10;
	v18 =	vadd.f32 v49, v18  }
0x31e: {  	v56 =	vld [tilespmem:$0x11430];
	v55 =	vmul.f32 v46, v11;
	v17 =	vadd.f32 v51, v17  }
0x31f: {  	v57 =	vmul.f32 v48, v12;
	v18 =	vadd.f32 v53, v18  }
0x320: {  	v58 =	vmul.f32 v50, v13;
	v17 =	vadd.f32 v55, v17  }
0x321: {  	v59 =	vmul.f32 v52, v14;
	v18 =	vadd.f32 v57, v18  }
0x322: {  	v60 =	vmul.f32 v54, v15;
	v17 =	vadd.f32 v58, v17  }
0x323: {  	v61 =	vmul.f32 v56, v16;
	v18 =	vadd.f32 v59, v18  }
0x324: {  	v17 =	vadd.f32 v60, v17  }
0x325: {  	v18 =	vadd.f32 v61, v18  }
0x326: {  	[tilespmem:s31+$0x11730] =	vst v17  }
0x327: {  	[tilespmem:s31+$0x11830] =	vst v18  }
0x328: {  	v17 =	vld [tilespmem:$0x10540]  }
0x329: {  	v18 =	vld [tilespmem:$0x10D40]  }
0x32a: {  	v62 =	vld [tilespmem:$0x10640]  }
0x32b: {  	v63 =	vld [tilespmem:$0x10E40]  }
0x32c: {  	v28 =	vld [tilespmem:$0x10740]  }
0x32d: {  	v29 =	vld [tilespmem:$0x10F40]  }
0x32e: {  	v30 =	vld [tilespmem:$0x10840]  }
0x32f: {  	v31 =	vld [tilespmem:$0x11040];
	v17 =	vmul.f32 v17, v1;
	v19 =	vmul.f32 v62, v3  }
0x330: {  	v32 =	vld [tilespmem:$0x10940];
	v18 =	vmul.f32 v18, v2;
	v20 =	vmul.f32 v63, v4  }
0x331: {  	v34 =	vld [tilespmem:$0x11140];
	v33 =	vmul.f32 v28, v5;
	v17 =	vadd.f32 v19, v17  }
0x332: {  	v36 =	vld [tilespmem:$0x10A40];
	v35 =	vmul.f32 v29, v6;
	v18 =	vadd.f32 v20, v18  }
0x333: {  	v38 =	vld [tilespmem:$0x11240];
	v37 =	vmul.f32 v30, v7;
	v17 =	vadd.f32 v33, v17  }
0x334: {  	v40 =	vld [tilespmem:$0x10B40];
	v39 =	vmul.f32 v31, v8;
	v18 =	vadd.f32 v35, v18  }
0x335: {  	v42 =	vld [tilespmem:$0x11340];
	v41 =	vmul.f32 v32, v9;
	v17 =	vadd.f32 v37, v17  }
0x336: {  	v44 =	vld [tilespmem:$0x10C40];
	v43 =	vmul.f32 v34, v10;
	v18 =	vadd.f32 v39, v18  }
0x337: {  	v46 =	vld [tilespmem:$0x11440];
	v45 =	vmul.f32 v36, v11;
	v17 =	vadd.f32 v41, v17  }
0x338: {  	v47 =	vmul.f32 v38, v12;
	v18 =	vadd.f32 v43, v18  }
0x339: {  	v48 =	vmul.f32 v40, v13;
	v17 =	vadd.f32 v45, v17  }
0x33a: {  	v49 =	vmul.f32 v42, v14;
	v18 =	vadd.f32 v47, v18  }
0x33b: {  	v50 =	vmul.f32 v44, v15;
	v17 =	vadd.f32 v48, v17  }
0x33c: {  	v51 =	vmul.f32 v46, v16;
	v18 =	vadd.f32 v49, v18  }
0x33d: {  	v17 =	vadd.f32 v50, v17  }
0x33e: {  	v18 =	vadd.f32 v51, v18  }
0x33f: {  	[tilespmem:s31+$0x11740] =	vst v17  }
0x340: {  	[tilespmem:s31+$0x11840] =	vst v18  }
0x341: {  	v17 =	vld [tilespmem:$0x10550]  }
0x342: {  	v18 =	vld [tilespmem:$0x10D50]  }
0x343: {  	v52 =	vld [tilespmem:$0x10650]  }
0x344: {  	v53 =	vld [tilespmem:$0x10E50]  }
0x345: {  	v54 =	vld [tilespmem:$0x10750]  }
0x346: {  	v55 =	vld [tilespmem:$0x10F50]  }
0x347: {  	v56 =	vld [tilespmem:$0x10850]  }
0x348: {  	v57 =	vld [tilespmem:$0x11050];
	v17 =	vmul.f32 v17, v1;
	v19 =	vmul.f32 v52, v3  }
0x349: {  	v58 =	vld [tilespmem:$0x10950];
	v18 =	vmul.f32 v18, v2;
	v20 =	vmul.f32 v53, v4  }
0x34a: {  	v60 =	vld [tilespmem:$0x11150];
	v59 =	vmul.f32 v54, v5;
	v17 =	vadd.f32 v19, v17  }
0x34b: {  	v62 =	vld [tilespmem:$0x10A50];
	v61 =	vmul.f32 v55, v6;
	v18 =	vadd.f32 v20, v18  }
0x34c: {  	v28 =	vld [tilespmem:$0x11250];
	v63 =	vmul.f32 v56, v7;
	v17 =	vadd.f32 v59, v17  }
0x34d: {  	v30 =	vld [tilespmem:$0x10B50];
	v29 =	vmul.f32 v57, v8;
	v18 =	vadd.f32 v61, v18  }
0x34e: {  	v32 =	vld [tilespmem:$0x11350];
	v31 =	vmul.f32 v58, v9;
	v17 =	vadd.f32 v63, v17  }
0x34f: {  	v34 =	vld [tilespmem:$0x10C50];
	v33 =	vmul.f32 v60, v10;
	v18 =	vadd.f32 v29, v18  }
0x350: {  	v36 =	vld [tilespmem:$0x11450];
	v35 =	vmul.f32 v62, v11;
	v17 =	vadd.f32 v31, v17  }
0x351: {  	v37 =	vmul.f32 v28, v12;
	v18 =	vadd.f32 v33, v18  }
0x352: {  	v38 =	vmul.f32 v30, v13;
	v17 =	vadd.f32 v35, v17  }
0x353: {  	v39 =	vmul.f32 v32, v14;
	v18 =	vadd.f32 v37, v18  }
0x354: {  	v40 =	vmul.f32 v34, v15;
	v17 =	vadd.f32 v38, v17  }
0x355: {  	v41 =	vmul.f32 v36, v16;
	v18 =	vadd.f32 v39, v18  }
0x356: {  	v17 =	vadd.f32 v40, v17  }
0x357: {  	v18 =	vadd.f32 v41, v18  }
0x358: {  	[tilespmem:s31+$0x11750] =	vst v17  }
0x359: {  	[tilespmem:s31+$0x11850] =	vst v18  }
0x35a: {  	v17 =	vld [tilespmem:$0x10560]  }
0x35b: {  	v18 =	vld [tilespmem:$0x10D60]  }
0x35c: {  	v42 =	vld [tilespmem:$0x10660]  }
0x35d: {  	v43 =	vld [tilespmem:$0x10E60]  }
0x35e: {  	v44 =	vld [tilespmem:$0x10760]  }
0x35f: {  	v45 =	vld [tilespmem:$0x10F60]  }
0x360: {  	v46 =	vld [tilespmem:$0x10860]  }
0x361: {  	v47 =	vld [tilespmem:$0x11060];
	v17 =	vmul.f32 v17, v1;
	v19 =	vmul.f32 v42, v3  }
0x362: {  	v48 =	vld [tilespmem:$0x10960];
	v18 =	vmul.f32 v18, v2;
	v20 =	vmul.f32 v43, v4  }
0x363: {  	v50 =	vld [tilespmem:$0x11160];
	v49 =	vmul.f32 v44, v5;
	v17 =	vadd.f32 v19, v17  }
0x364: {  	v52 =	vld [tilespmem:$0x10A60];
	v51 =	vmul.f32 v45, v6;
	v18 =	vadd.f32 v20, v18  }
0x365: {  	v54 =	vld [tilespmem:$0x11260];
	v53 =	vmul.f32 v46, v7;
	v17 =	vadd.f32 v49, v17  }
0x366: {  	v56 =	vld [tilespmem:$0x10B60];
	v55 =	vmul.f32 v47, v8;
	v18 =	vadd.f32 v51, v18  }
0x367: {  	v58 =	vld [tilespmem:$0x11360];
	v57 =	vmul.f32 v48, v9;
	v17 =	vadd.f32 v53, v17  }
0x368: {  	v60 =	vld [tilespmem:$0x10C60];
	v59 =	vmul.f32 v50, v10;
	v18 =	vadd.f32 v55, v18  }
0x369: {  	v62 =	vld [tilespmem:$0x11460];
	v61 =	vmul.f32 v52, v11;
	v17 =	vadd.f32 v57, v17  }
0x36a: {  	v63 =	vmul.f32 v54, v12;
	v18 =	vadd.f32 v59, v18  }
0x36b: {  	v24 =	vmul.f32 v56, v13;
	v17 =	vadd.f32 v61, v17  }
0x36c: {  	v26 =	vmul.f32 v58, v14;
	v18 =	vadd.f32 v63, v18  }
0x36d: {  	v27 =	vmul.f32 v60, v15;
	v17 =	vadd.f32 v24, v17  }
0x36e: {  	v28 =	vmul.f32 v62, v16;
	v18 =	vadd.f32 v26, v18  }
0x36f: {  	v17 =	vadd.f32 v27, v17  }
0x370: {  	v18 =	vadd.f32 v28, v18  }
0x371: {  	[tilespmem:s31+$0x11760] =	vst v17  }
0x372: {  	[tilespmem:s31+$0x11860] =	vst v18  }
0x373: {  	v17 =	vld [tilespmem:$0x10570]  }
0x374: {  	v18 =	vld [tilespmem:$0x10D70]  }
0x375: {  	v29 =	vld [tilespmem:$0x10670]  }
0x376: {  	v30 =	vld [tilespmem:$0x10E70]  }
0x377: {  	v31 =	vld [tilespmem:$0x10770]  }
0x378: {  	v32 =	vld [tilespmem:$0x10F70]  }
0x379: {  	v33 =	vld [tilespmem:$0x10870]  }
0x37a: {  	v34 =	vld [tilespmem:$0x11070];
	v17 =	vmul.f32 v17, v1;
	v19 =	vmul.f32 v29, v3  }
0x37b: {  	v35 =	vld [tilespmem:$0x10970];
	v18 =	vmul.f32 v18, v2;
	v20 =	vmul.f32 v30, v4  }
0x37c: {  	v37 =	vld [tilespmem:$0x11170];
	v36 =	vmul.f32 v31, v5;
	v17 =	vadd.f32 v19, v17  }
0x37d: {  	v39 =	vld [tilespmem:$0x10A70];
	v38 =	vmul.f32 v32, v6;
	v18 =	vadd.f32 v20, v18  }
0x37e: {  	v41 =	vld [tilespmem:$0x11270];
	v40 =	vmul.f32 v33, v7;
	v17 =	vadd.f32 v36, v17  }
0x37f: {  	v43 =	vld [tilespmem:$0x10B70];
	v42 =	vmul.f32 v34, v8;
	v18 =	vadd.f32 v38, v18  }
0x380: {  	v45 =	vld [tilespmem:$0x11370];
	v44 =	vmul.f32 v35, v9;
	v17 =	vadd.f32 v40, v17  }
0x381: {  	v47 =	vld [tilespmem:$0x10C70];
	v46 =	vmul.f32 v37, v10;
	v18 =	vadd.f32 v42, v18  }
0x382: {  	v49 =	vld [tilespmem:$0x11470];
	v48 =	vmul.f32 v39, v11;
	v17 =	vadd.f32 v44, v17  }
0x383: {  	v50 =	vmul.f32 v41, v12;
	v18 =	vadd.f32 v46, v18  }
0x384: {  	v51 =	vmul.f32 v43, v13;
	v17 =	vadd.f32 v48, v17  }
0x385: {  	v52 =	vmul.f32 v45, v14;
	v18 =	vadd.f32 v50, v18  }
0x386: {  	v53 =	vmul.f32 v47, v15;
	v17 =	vadd.f32 v51, v17  }
0x387: {  	v54 =	vmul.f32 v49, v16;
	v18 =	vadd.f32 v52, v18  }
0x388: {  	v17 =	vadd.f32 v53, v17  }
0x389: {  	v18 =	vadd.f32 v54, v18  }
0x38a: {  	[tilespmem:s31+$0x11770] =	vst v17  }
0x38b: {  	[tilespmem:s31+$0x11870] =	vst v18  }
0x38c: {  	v17 =	vld [tilespmem:$0x10580]  }
0x38d: {  	v18 =	vld [tilespmem:$0x10D80]  }
0x38e: {  	v55 =	vld [tilespmem:$0x10680]  }
0x38f: {  	v56 =	vld [tilespmem:$0x10E80]  }
0x390: {  	v57 =	vld [tilespmem:$0x10780]  }
0x391: {  	v58 =	vld [tilespmem:$0x10F80]  }
0x392: {  	v59 =	vld [tilespmem:$0x10880]  }
0x393: {  	v60 =	vld [tilespmem:$0x11080];
	v17 =	vmul.f32 v17, v1;
	v19 =	vmul.f32 v55, v3  }
0x394: {  	v61 =	vld [tilespmem:$0x10980];
	v18 =	vmul.f32 v18, v2;
	v20 =	vmul.f32 v56, v4  }
0x395: {  	v63 =	vld [tilespmem:$0x11180];
	v62 =	vmul.f32 v57, v5;
	v17 =	vadd.f32 v19, v17  }
0x396: {  	v28 =	vld [tilespmem:$0x10A80];
	v27 =	vmul.f32 v58, v6;
	v18 =	vadd.f32 v20, v18  }
0x397: {  	v30 =	vld [tilespmem:$0x11280];
	v29 =	vmul.f32 v59, v7;
	v17 =	vadd.f32 v62, v17  }
0x398: {  	v32 =	vld [tilespmem:$0x10B80];
	v31 =	vmul.f32 v60, v8;
	v18 =	vadd.f32 v27, v18  }
0x399: {  	v34 =	vld [tilespmem:$0x11380];
	v33 =	vmul.f32 v61, v9;
	v17 =	vadd.f32 v29, v17  }
0x39a: {  	v36 =	vld [tilespmem:$0x10C80];
	v35 =	vmul.f32 v63, v10;
	v18 =	vadd.f32 v31, v18  }
0x39b: {  	v38 =	vld [tilespmem:$0x11480];
	v37 =	vmul.f32 v28, v11;
	v17 =	vadd.f32 v33, v17  }
0x39c: {  	v39 =	vmul.f32 v30, v12;
	v18 =	vadd.f32 v35, v18  }
0x39d: {  	v40 =	vmul.f32 v32, v13;
	v17 =	vadd.f32 v37, v17  }
0x39e: {  	v41 =	vmul.f32 v34, v14;
	v18 =	vadd.f32 v39, v18  }
0x39f: {  	v42 =	vmul.f32 v36, v15;
	v17 =	vadd.f32 v40, v17  }
0x3a0: {  	v43 =	vmul.f32 v38, v16;
	v18 =	vadd.f32 v41, v18  }
0x3a1: {  	v17 =	vadd.f32 v42, v17  }
0x3a2: {  	v18 =	vadd.f32 v43, v18  }
0x3a3: {  	[tilespmem:s31+$0x11780] =	vst v17  }
0x3a4: {  	[tilespmem:s31+$0x11880] =	vst v18  }
0x3a5: {  	v17 =	vld [tilespmem:$0x10590]  }
0x3a6: {  	v18 =	vld [tilespmem:$0x10D90]  }
0x3a7: {  	v44 =	vld [tilespmem:$0x10690]  }
0x3a8: {  	v45 =	vld [tilespmem:$0x10E90]  }
0x3a9: {  	v46 =	vld [tilespmem:$0x10790]  }
0x3aa: {  	v47 =	vld [tilespmem:$0x10F90]  }
0x3ab: {  	v48 =	vld [tilespmem:$0x10890]  }
0x3ac: {  	v49 =	vld [tilespmem:$0x11090];
	v1 =	vmul.f32 v17, v1;
	v3 =	vmul.f32 v44, v3  }
0x3ad: {  	v50 =	vld [tilespmem:$0x10990];
	v2 =	vmul.f32 v18, v2;
	v4 =	vmul.f32 v45, v4  }
0x3ae: {  	v51 =	vld [tilespmem:$0x11190];
	v1 =	vadd.f32 v3, v1;
	v3 =	vmul.f32 v46, v5  }
0x3af: {  	v53 =	vld [tilespmem:$0x10A90];
	v52 =	vmul.f32 v47, v6;
	v2 =	vadd.f32 v4, v2  }
0x3b0: {  	v54 =	vld [tilespmem:$0x11290];
	v1 =	vadd.f32 v3, v1;
	v3 =	vmul.f32 v48, v7  }
0x3b1: {  	v56 =	vld [tilespmem:$0x10B90];
	v55 =	vmul.f32 v49, v8;
	v2 =	vadd.f32 v52, v2  }
0x3b2: {  	v57 =	vld [tilespmem:$0x11390];
	v1 =	vadd.f32 v3, v1;
	v3 =	vmul.f32 v50, v9  }
0x3b3: {  	v59 =	vld [tilespmem:$0x10C90];
	v58 =	vmul.f32 v51, v10;
	v2 =	vadd.f32 v55, v2  }
0x3b4: {  	v60 =	vld [tilespmem:$0x11490];
	v1 =	vadd.f32 v3, v1;
	v3 =	vmul.f32 v53, v11  }
0x3b5: {  	v61 =	vmul.f32 v54, v12;
	v2 =	vadd.f32 v58, v2  }
0x3b6: {  	v1 =	vadd.f32 v3, v1;
	v3 =	vmul.f32 v56, v13  }
0x3b7: {  	v62 =	vmul.f32 v57, v14;
	v2 =	vadd.f32 v61, v2  }
0x3b8: {  	v1 =	vadd.f32 v3, v1;
	v3 =	vmul.f32 v59, v15  }
0x3b9: {  	v63 =	vmul.f32 v60, v16;
	v2 =	vadd.f32 v62, v2  }
0x3ba: {  	v1 =	vadd.f32 v3, v1  }
0x3bb: {  	v2 =	vadd.f32 v63, v2  }
0x3bc: {  	s30 =	smin.u32 s18, $0x30C;
	[tilespmem:s31+$0x11790] =	vst v1  }
0x3bd: {  	[tilespmem:s31+$0x11890] =	vst v2;
	s31 =	sshll.u32 s30, $0x4  }
0x3be: {  	v1 =	vld [tilespmem:s31+$0xC3D0];
	_ =	sdelay $0x3  }
0x3bf: {  	p0 =	sne.s32 s22, $0x7  }
0x3c0: {  	s22 =	sand.u32 @!p0 $0x7E000, s20;
	s23 =	rddreg [dreg:$0x3]  }
0x3c1: {  	s22 =	sadd.s32 @!p0 s23, s22  }
0x3c2: {  	s21 =	sadd.s32 $0x1, s21;
	s22 =	sshrl.u32 @!p0 s22, $0x3;
	s24 =	rddreg [dreg:$0x4]  }
0x3c3: {  	[tilespmem:s12], [sflag:$0x2] =	stream.indirect_vreg.gather [hbm4b:s3+s2], $0x100, v1, vm0, $0xb8;
	[tilespmem:$0x134A0] =	vst v63  }
0x3c4: {  	s23 =	simm.s32 @!p0 $0x0;
	s22 =	sadd.s32 @!p0 s24, s22;
	s24 =	simm.s32 @!p0 $0x114A0  }
0x3c5: {  	[hbm4b:s22+s23] =	stream.linear.scatter @!p0 [tilespmem:s24], [sflag:$0x3], $0x2000, $0x38;
	[tilespmem:$0x134A0] =	vst v63  }
0x3c6: {  	p0 =	sne.s32 s21, $0x188  }
.Ltmp0:
0x3c7: {  	_ = 	snop;
	(pc) =	sbr.rel @p0 .LBB2_2-.Ltmp0, $3  }
0x3c8: {  	_ =	sdelay $0x1  }
0x3c9: {  	s20 =	sadd.s32 $0x400, s20  }
0x3ca: {  	s19 =	sadd.s32 $0x4, s19;
	s18 =	sadd.s32 $0x2, s18;
	s17 =	sadd.s32 $0x20, s17  }
0x3cb: {  	_ =	swait.ge [sflag:s13], $0x1000  }
0x3cc: {  	[sflag:s13] =	ssyncset.done $0x0  }
0x3cd: {  	s16 =	sadd.s32 $0x1, s16;
	[sflag:s13] =	ssyncadd.s32 $0xFFFFF000  }
0x3ce: {  	p0 =	sne.s32 s16, s7;
	_ =	swait.ge [sflag:s14], $0x1000  }
.Ltmp1:
0x3cf: {  	[sflag:s14] =	ssyncset.done $0x0;
	(pc) =	sbr.rel @p0 .LBB2_1-.Ltmp1, $4  }
0x3d0: {  	[sflag:s14] =	ssyncadd.s32 $0xFFFFF000  }
0x3d1: {  	_ =	swait.ge [sflag:s15], $0x2000  }
0x3d2: {  	[sflag:s15] =	ssyncset.done $0x0  }
0x3d3: {  	[sflag:s15] =	ssyncadd.s32 $0xFFFFE000  }
0x3d4: {  	_ =	sfence.sel $0x180000  }
0x3d5: {  	[bflag:$0x0] =	sbarrier.arrive $0xFFFF  }
0x3d6: {  	p0 =	sne.s32 s0, $0x0;
	_ =	strace $0x90000047  }
0x3d7: {  	s0 =	sadd.s32 @!p0 $0x100000, s1;
	[bflag:$0x2] =	sbarrier.arrive $0xFFFF  }
0x3d8: {  	[sflag:s0] =	ssyncadd.tile.s32 @!p0 $0x1;
	_ =	shalt  }
.Lfunc_end2:
_tile_overlayer_lowered:
.L_overlay_start_2:
0x3d9: {  	(tag) =	ssettag $0x2  }
0x3da: {  	s0 =	rddreg [dreg:$0x0];
	s2 =	stileid.u32  }
0x3db: {  	s1 =	rddreg [dreg:$0x1];
	p0 =	sne.s32 s2, $0x0  }
0x3dc: {  	s3 =	rddreg [dreg:$0x2];
	[bflag:$0x3] =	sbarrier.arrive $0xFFFF;
	s2 =	simm.s32 @!p0 $0x1C04  }
0x3dd: {  	[timem:s3], [sflag:s2] =	dma.local @!p0 [hbm:s0], s1  }
0x3de: {  	s0 =	simm.s32 @!p0 $0x4  }
0x3df: {  	_ =	swait.ge @!p0 [sflag:s0], s1  }
0x3e0: {  	s1 =	ssub.s32 @!p0 $0x0, s1;
	[sflag:s0] =	ssyncset.done @!p0 $0x0  }
0x3e1: {  	[sflag:s0] =	ssyncadd.s32 @!p0 s1  }
0x3e2: {  	[bflag:$0x3] =	sbarrier.arrive $0xFFFF  }
0x3e3: {  	_ =	shalt  }

</sc_bundles>
